<compile_context>
chip_gen: v7x
topology: tpu7x:2x2x1
jax: 0.10.2.dev20260603
libtpu: 0.0.44.dev20260713+nightly
codegen_flags: <defaults>
</compile_context>

<pallas_src>
import functools

import numpy as np
import jax
import jax.numpy as jnp
from jax import lax
from jax.experimental import pallas as pl
from jax.experimental.pallas import tpu as pltpu
from jax.experimental.pallas import tpu_sc as plsc

MAX_LEN = 2048
MODEL_DIM = 768
BATCH = 4


def _build_pe(max_len, model_dim):
    pos = np.arange(max_len)[:, None]
    pe = pos / np.power(10000, 2.0 * np.arange(model_dim)[None, :] / model_dim)
    pe[:, 0::2] = np.sin(pe[:, 0::2])
    pe[:, 1::2] = np.cos(pe[:, 1::2])
    return pe.astype(np.float32).reshape(-1)


_PE = _build_pe(MAX_LEN, MODEL_DIM)

_info = plsc.get_sparse_core_info()
_NC, _NS, _L = _info.num_cores, _info.num_subcores, _info.num_lanes
_NW = _NC * _NS
_TPW = MAX_LEN // _NW
_VPR = MODEL_DIM // _L
_C = 32
_HPW = _TPW // _C
_NCHUNK = BATCH * _HPW
_NBUF = 3

_mesh = plsc.VectorSubcoreMesh(core_axis_name="c", subcore_axis_name="s")


@functools.partial(
    pl.kernel,
    mesh=_mesh,
    out_type=jax.ShapeDtypeStruct((BATCH * MAX_LEN, MODEL_DIM), jnp.float32),
    scratch_types=[
        pltpu.VMEM((BATCH, _TPW), jnp.int32),
        pltpu.VMEM((_TPW * MODEL_DIM,), jnp.float32),
        pltpu.VMEM((_NBUF, _C, MODEL_DIM), jnp.float32),
        pltpu.SemaphoreType.DMA,
        pltpu.SemaphoreType.DMA,
        pltpu.SemaphoreType.DMA,
        pltpu.SemaphoreType.DMA,
    ],
)
def _embed(x_hbm, table_hbm, pe_hbm, out_hbm, idx_v, pe_v, rows,
           gsem, wsem, isem, pesem):
    wid = lax.axis_index("s") * _NC + lax.axis_index("c")
    t0 = wid * _TPW

    ih = pltpu.async_copy(x_hbm.at[pl.ds(t0, _TPW)], idx_v.at[0], isem)
    peh = pltpu.async_copy(
        pe_hbm.at[pl.ds(t0 * MODEL_DIM, _TPW * MODEL_DIM)], pe_v, pesem)

    def start_gather(b, h, k):
        pltpu.async_copy(
            table_hbm.at[idx_v.at[b, pl.ds(h * _C, _C)]],
            rows.at[k], gsem)

    def wait_gather(k):
        pltpu.make_async_copy(
            table_hbm.at[pl.ds(0, _C)], rows.at[k], gsem).wait()

    def start_write(b, h, k):
        pltpu.async_copy(
            rows.at[k],
            out_hbm.at[pl.ds(b * MAX_LEN + t0 + h * _C, _C)], wsem)

    def wait_write():
        pltpu.make_async_copy(
            rows.at[0], out_hbm.at[pl.ds(0, _C)], wsem).wait()

    def add_pe(h, k):
        @plsc.parallel_loop(0, _C, unroll=4)
        def row_body(r):
            pe_base = (h * _C + r) * MODEL_DIM
            for j in range(_VPR):
                plsc.addupdate(rows.at[k, r, pl.ds(j * _L, _L)],
                               pe_v[pl.ds(pe_base + j * _L, _L)])

    ih.wait()
    start_gather(0, 0, 0)
    start_gather(0, 1, 1)
    for b in range(1, BATCH):
        pltpu.sync_copy(x_hbm.at[pl.ds(b * MAX_LEN + t0, _TPW)], idx_v.at[b])
    peh.wait()

    wait_gather(0)
    add_pe(0, 0)
    start_write(0, 0, 0)
    start_gather(1, 0, 2)

    def chunk_body(q, carry):
        b = q // _HPW
        h = lax.rem(q, _HPW)
        k = lax.rem(q, _NBUF)
        wait_gather(k)
        add_pe(h, k)
        start_write(b, h, k)
        wait_write()

        @pl.when(q + _NBUF - 1 < _NCHUNK)
        def _():
            q2 = q + _NBUF - 1
            start_gather(q2 // _HPW, lax.rem(q2, _HPW), lax.rem(q2, _NBUF))

        return carry

    lax.fori_loop(1, _NCHUNK, chunk_body, 0)
    wait_write()


def kernel(x, table):
    xf = x.reshape(-1).astype(jnp.int32)
    out = _embed(xf, table, jnp.asarray(_PE))
    return out.reshape(BATCH, MAX_LEN, MODEL_DIM)

# --- scband reference (transcript-rebuilt; emitter-appended) ---
"""Pipeline reference for scband-position-embedding-19971597926918 (READ-ONLY COPY).

The authoritative reference and input builder live on the scoring server;
editing this copy changes nothing except your own understanding.
"""

import jax, jax.numpy as jnp
import numpy as np

MAX_LEN = 2048
MODEL_DIM = 768
N_VOCAB = 100000
BATCH = 4

def _build_pe(max_len, model_dim):
    pos = np.arange(max_len)[:, None]
    pe = pos / np.power(10000, 2.0 * np.arange(model_dim)[None, :] / model_dim)
    pe[:, 0::2] = np.sin(pe[:, 0::2])
    pe[:, 1::2] = np.cos(pe[:, 1::2])
    pe = pe[None, :, :]
    return jnp.asarray(pe, dtype=jnp.float32)

PE = _build_pe(MAX_LEN, MODEL_DIM)

def setup_inputs(seed: int = 0) -> dict:
    key = jax.random.key(seed)
    k1, k2 = jax.random.split(key)
    x = jax.random.randint(k1, (BATCH, MAX_LEN), 0, N_VOCAB, dtype=jnp.int64 if jax.config.jax_enable_x64 else jnp.int32)
    table = 0.01 * jax.random.normal(k2, (N_VOCAB, MODEL_DIM), dtype=jnp.float32)
    return {"x": x, "table": table}

def reference(x, table):
    # embedding lookup (gather) + broadcast-add of fixed sinusoidal positional encoding
    x_embed = jnp.take(table, x, axis=0) + PE
    return x_embed

if __name__ == "__main__":
    import jax
    _d = setup_inputs()
    print(jax.jit(kernel)(*tuple(_d.values())))

</pallas_src>

<mosaic_0001>
#map = affine_map<(d0, d1) -> (0)>
#map1 = affine_map<(d0, d1) -> (0, 0)>
module attributes {stable_mosaic.version = 14 : i64} {
  func.func @_embed(%arg0: i32, %arg1: i32, %arg2: memref<8192xi32, #tpu.memory_space<hbm>>, %arg3: memref<100000x768xf32, #tpu.memory_space<hbm>>, %arg4: memref<1572864xf32, #tpu.memory_space<hbm>>, %arg5: memref<8192x768xf32, #tpu.memory_space<hbm>>, %arg6: memref<4x64xi32, #tpu.memory_space<vmem>>, %arg7: memref<49152xf32, #tpu.memory_space<vmem>>, %arg8: memref<3x32x768xf32, #tpu.memory_space<vmem>>, %arg9: memref<!tpu.dma_semaphore, #tpu.memory_space<semaphore_mem>>, %arg10: memref<!tpu.dma_semaphore, #tpu.memory_space<semaphore_mem>>, %arg11: memref<!tpu.dma_semaphore, #tpu.memory_space<semaphore_mem>>, %arg12: memref<!tpu.dma_semaphore, #tpu.memory_space<semaphore_mem>>) attributes {dimension_semantics = [#tpu.dimension_semantics<core_parallel>, #tpu.dimension_semantics<subcore_parallel>], iteration_bounds = array<i64: 2, 16>, scalar_prefetch = 0 : i64, scratch_operands = 7 : i64, tpu.core_type = #tpu.core_type<sc_vector_subcore>, window_params = [{transform_indices = #map}, {transform_indices = #map1}, {transform_indices = #map}, {transform_indices = #map1}]} {
    %mul3A = arith.constant 2 : i32
    %mul3A_0 = arith.muli %arg1, %mul3A : i32
    %add3A = arith.addi %mul3A_0, %arg0 : i32
    %mul3A_1 = arith.constant 64 : i32
    %mul3A_2 = arith.muli %add3A, %mul3A_1 : i32
    %dma_start3A = arith.constant 0 : i32
    %dma_start3A_3 = arith.constant 0 : i32
    %dma_start3A_4 = tpu.memref_slice %arg6[%dma_start3A, %dma_start3A_3] : memref<4x64xi32, #tpu.memory_space<vmem>> -> memref<1x64xi32, #tpu.memory_space<vmem>>
    %dma_start3A_5 = tpu.memref_squeeze %dma_start3A_4 : memref<1x64xi32, #tpu.memory_space<vmem>> -> memref<64xi32, #tpu.memory_space<vmem>>
    %dma_start3A_6 = tpu.memref_slice %arg2[%mul3A_2] : memref<8192xi32, #tpu.memory_space<hbm>> -> memref<64xi32, #tpu.memory_space<hbm>>
    %dma_start3A_7 = arith.constant 0 : i32
    %dma_start3A_8 = tpu.memref_slice %arg6[%dma_start3A, %dma_start3A_7] : memref<4x64xi32, #tpu.memory_space<vmem>> -> memref<1x64xi32, #tpu.memory_space<vmem>>
    %dma_start3A_9 = tpu.memref_squeeze %dma_start3A_8 : memref<1x64xi32, #tpu.memory_space<vmem>> -> memref<64xi32, #tpu.memory_space<vmem>>
    %dma_start3A_10 = tpu.memref_slice %arg2[%mul3A_2] : memref<8192xi32, #tpu.memory_space<hbm>> -> memref<64xi32, #tpu.memory_space<hbm>>
    tpu.enqueue_dma source(%dma_start3A_10 : memref<64xi32, #tpu.memory_space<hbm>>) target(%dma_start3A_9 : memref<64xi32, #tpu.memory_space<vmem>>) target_semaphore(%arg11 : memref<!tpu.dma_semaphore, #tpu.memory_space<semaphore_mem>>)
    %mul3A_11 = arith.constant 768 : i32
    %mul3A_12 = arith.muli %mul3A_2, %mul3A_11 : i32
    %dma_start3A_13 = tpu.memref_slice %arg4[%mul3A_12] : memref<1572864xf32, #tpu.memory_space<hbm>> -> memref<49152xf32, #tpu.memory_space<hbm>>
    %dma_start3A_14 = tpu.memref_slice %arg4[%mul3A_12] : memref<1572864xf32, #tpu.memory_space<hbm>> -> memref<49152xf32, #tpu.memory_space<hbm>>
    tpu.enqueue_dma source(%dma_start3A_14 : memref<49152xf32, #tpu.memory_space<hbm>>) target(%arg7 : memref<49152xf32, #tpu.memory_space<vmem>>) target_semaphore(%arg12 : memref<!tpu.dma_semaphore, #tpu.memory_space<semaphore_mem>>)
    %dma_wait3A = arith.constant 0 : i32
    %dma_wait3A_15 = arith.constant 0 : i32
    %dma_wait3A_16 = tpu.memref_slice %arg6[%dma_wait3A, %dma_wait3A_15] : memref<4x64xi32, #tpu.memory_space<vmem>> -> memref<1x64xi32, #tpu.memory_space<vmem>>
    %dma_wait3A_17 = tpu.memref_squeeze %dma_wait3A_16 : memref<1x64xi32, #tpu.memory_space<vmem>> -> memref<64xi32, #tpu.memory_space<vmem>>
    %dma_wait3A_18 = tpu.memref_slice %arg2[%mul3A_2] : memref<8192xi32, #tpu.memory_space<hbm>> -> memref<64xi32, #tpu.memory_space<hbm>>
    %dma_wait3A_19 = arith.constant 0 : i32
    %dma_wait3A_20 = tpu.memref_slice %arg6[%dma_wait3A, %dma_wait3A_19] : memref<4x64xi32, #tpu.memory_space<vmem>> -> memref<1x64xi32, #tpu.memory_space<vmem>>
    %dma_wait3A_21 = tpu.memref_squeeze %dma_wait3A_20 : memref<1x64xi32, #tpu.memory_space<vmem>> -> memref<64xi32, #tpu.memory_space<vmem>>
    %dma_wait3A_22 = tpu.memref_slice %arg2[%mul3A_2] : memref<8192xi32, #tpu.memory_space<hbm>> -> memref<64xi32, #tpu.memory_space<hbm>>
    tpu.wait_dma2 semaphore(%arg11 : memref<!tpu.dma_semaphore, #tpu.memory_space<semaphore_mem>>) src(%dma_wait3A_22 : memref<64xi32, #tpu.memory_space<hbm>>) dst(%dma_wait3A_21 : memref<64xi32, #tpu.memory_space<vmem>>)
    %dma_start3A_23 = arith.constant 0 : i32
    %dma_start3A_24 = arith.constant 0 : i32
    %dma_start3A_25 = arith.constant 0 : i32
    %dma_start3A_26 = arith.constant 0 : i32
    %dma_start3A_27 = tpu.memref_slice %arg8[%dma_start3A_24, %dma_start3A_25, %dma_start3A_26] : memref<3x32x768xf32, #tpu.memory_space<vmem>> -> memref<1x32x768xf32, #tpu.memory_space<vmem>>
    %dma_start3A_28 = tpu.memref_squeeze %dma_start3A_27 : memref<1x32x768xf32, #tpu.memory_space<vmem>> -> memref<32x768xf32, #tpu.memory_space<vmem>>
    %dma_start3A_29 = arith.constant 0 : i32
    %dma_start3A_30 = tpu.memref_slice %arg6[%dma_start3A_23, %dma_start3A_29] : memref<4x64xi32, #tpu.memory_space<vmem>> -> memref<1x32xi32, #tpu.memory_space<vmem>>
    %dma_start3A_31 = tpu.memref_squeeze %dma_start3A_30 : memref<1x32xi32, #tpu.memory_space<vmem>> -> memref<32xi32, #tpu.memory_space<vmem>>
    %dma_start3A_32 = arith.constant 0 : i32
    %dma_start3A_33 = arith.constant 0 : i32
    %dma_start3A_34 = tpu.memref_slice %arg3[%dma_start3A_32, %dma_start3A_33] : memref<100000x768xf32, #tpu.memory_space<hbm>> -> memref<100000x768xf32, #tpu.memory_space<hbm>>
    tpu.enqueue_indirect_dma source(%dma_start3A_34 : memref<100000x768xf32, #tpu.memory_space<hbm>>) target(%dma_start3A_28 : memref<32x768xf32, #tpu.memory_space<vmem>>) offsets(%dma_start3A_31 : memref<32xi32, #tpu.memory_space<vmem>>) semaphore(%arg9 : memref<!tpu.dma_semaphore, #tpu.memory_space<semaphore_mem>>)
    %dma_start3A_35 = arith.constant 0 : i32
    %dma_start3A_36 = arith.constant 1 : i32
    %dma_start3A_37 = arith.constant 0 : i32
    %dma_start3A_38 = arith.constant 0 : i32
    %dma_start3A_39 = tpu.memref_slice %arg8[%dma_start3A_36, %dma_start3A_37, %dma_start3A_38] : memref<3x32x768xf32, #tpu.memory_space<vmem>> -> memref<1x32x768xf32, #tpu.memory_space<vmem>>
    %dma_start3A_40 = tpu.memref_squeeze %dma_start3A_39 : memref<1x32x768xf32, #tpu.memory_space<vmem>> -> memref<32x768xf32, #tpu.memory_space<vmem>>
    %dma_start3A_41 = arith.constant 32 : i32
    %dma_start3A_42 = tpu.memref_slice %arg6[%dma_start3A_35, %dma_start3A_41] : memref<4x64xi32, #tpu.memory_space<vmem>> -> memref<1x32xi32, #tpu.memory_space<vmem>>
    %dma_start3A_43 = tpu.memref_squeeze %dma_start3A_42 : memref<1x32xi32, #tpu.memory_space<vmem>> -> memref<32xi32, #tpu.memory_space<vmem>>
    %dma_start3A_44 = arith.constant 0 : i32
    %dma_start3A_45 = arith.constant 0 : i32
    %dma_start3A_46 = tpu.memref_slice %arg3[%dma_start3A_44, %dma_start3A_45] : memref<100000x768xf32, #tpu.memory_space<hbm>> -> memref<100000x768xf32, #tpu.memory_space<hbm>>
    tpu.enqueue_indirect_dma source(%dma_start3A_46 : memref<100000x768xf32, #tpu.memory_space<hbm>>) target(%dma_start3A_40 : memref<32x768xf32, #tpu.memory_space<vmem>>) offsets(%dma_start3A_43 : memref<32xi32, #tpu.memory_space<vmem>>) semaphore(%arg9 : memref<!tpu.dma_semaphore, #tpu.memory_space<semaphore_mem>>)
    %add3A_47 = arith.constant 2048 : i32
    %add3A_48 = arith.addi %add3A_47, %mul3A_2 : i32
    %run_scoped3A = arith.constant 1 : i32
    "tpu.region"() ({
      %run_scoped3A_123 = tpu.sem_alloc : memref<!tpu.dma_semaphore, #tpu.memory_space<semaphore_mem>>
      %dma_start3A_124 = arith.constant 0 : i32
      %dma_start3A_125 = tpu.memref_slice %arg6[%run_scoped3A, %dma_start3A_124] : memref<4x64xi32, #tpu.memory_space<vmem>> -> memref<1x64xi32, #tpu.memory_space<vmem>>
      %dma_start3A_126 = tpu.memref_squeeze %dma_start3A_125 : memref<1x64xi32, #tpu.memory_space<vmem>> -> memref<64xi32, #tpu.memory_space<vmem>>
      %dma_start3A_127 = tpu.memref_slice %arg2[%add3A_48] : memref<8192xi32, #tpu.memory_space<hbm>> -> memref<64xi32, #tpu.memory_space<hbm>>
      %dma_start3A_128 = arith.constant 0 : i32
      %dma_start3A_129 = tpu.memref_slice %arg6[%run_scoped3A, %dma_start3A_128] : memref<4x64xi32, #tpu.memory_space<vmem>> -> memref<1x64xi32, #tpu.memory_space<vmem>>
      %dma_start3A_130 = tpu.memref_squeeze %dma_start3A_129 : memref<1x64xi32, #tpu.memory_space<vmem>> -> memref<64xi32, #tpu.memory_space<vmem>>
      %dma_start3A_131 = tpu.memref_slice %arg2[%add3A_48] : memref<8192xi32, #tpu.memory_space<hbm>> -> memref<64xi32, #tpu.memory_space<hbm>>
      tpu.enqueue_dma source(%dma_start3A_131 : memref<64xi32, #tpu.memory_space<hbm>>) target(%dma_start3A_130 : memref<64xi32, #tpu.memory_space<vmem>>) target_semaphore(%run_scoped3A_123 : memref<!tpu.dma_semaphore, #tpu.memory_space<semaphore_mem>>)
      %dma_wait3A_132 = arith.constant 0 : i32
      %dma_wait3A_133 = tpu.memref_slice %arg6[%run_scoped3A, %dma_wait3A_132] : memref<4x64xi32, #tpu.memory_space<vmem>> -> memref<1x64xi32, #tpu.memory_space<vmem>>
      %dma_wait3A_134 = tpu.memref_squeeze %dma_wait3A_133 : memref<1x64xi32, #tpu.memory_space<vmem>> -> memref<64xi32, #tpu.memory_space<vmem>>
      %dma_wait3A_135 = tpu.memref_slice %arg2[%add3A_48] : memref<8192xi32, #tpu.memory_space<hbm>> -> memref<64xi32, #tpu.memory_space<hbm>>
      %dma_wait3A_136 = arith.constant 0 : i32
      %dma_wait3A_137 = tpu.memref_slice %arg6[%run_scoped3A, %dma_wait3A_136] : memref<4x64xi32, #tpu.memory_space<vmem>> -> memref<1x64xi32, #tpu.memory_space<vmem>>
      %dma_wait3A_138 = tpu.memref_squeeze %dma_wait3A_137 : memref<1x64xi32, #tpu.memory_space<vmem>> -> memref<64xi32, #tpu.memory_space<vmem>>
      %dma_wait3A_139 = tpu.memref_slice %arg2[%add3A_48] : memref<8192xi32, #tpu.memory_space<hbm>> -> memref<64xi32, #tpu.memory_space<hbm>>
      tpu.wait_dma2 semaphore(%run_scoped3A_123 : memref<!tpu.dma_semaphore, #tpu.memory_space<semaphore_mem>>) src(%dma_wait3A_139 : memref<64xi32, #tpu.memory_space<hbm>>) dst(%dma_wait3A_138 : memref<64xi32, #tpu.memory_space<vmem>>)
      tpu.yield
    }) : () -> ()
    %add3A_49 = arith.constant 4096 : i32
    %add3A_50 = arith.addi %add3A_49, %mul3A_2 : i32
    %run_scoped3A_51 = arith.constant 2 : i32
    "tpu.region"() ({
      %run_scoped3A_123 = tpu.sem_alloc : memref<!tpu.dma_semaphore, #tpu.memory_space<semaphore_mem>>
      %dma_start3A_124 = arith.constant 0 : i32
      %dma_start3A_125 = tpu.memref_slice %arg6[%run_scoped3A_51, %dma_start3A_124] : memref<4x64xi32, #tpu.memory_space<vmem>> -> memref<1x64xi32, #tpu.memory_space<vmem>>
      %dma_start3A_126 = tpu.memref_squeeze %dma_start3A_125 : memref<1x64xi32, #tpu.memory_space<vmem>> -> memref<64xi32, #tpu.memory_space<vmem>>
      %dma_start3A_127 = tpu.memref_slice %arg2[%add3A_50] : memref<8192xi32, #tpu.memory_space<hbm>> -> memref<64xi32, #tpu.memory_space<hbm>>
      %dma_start3A_128 = arith.constant 0 : i32
      %dma_start3A_129 = tpu.memref_slice %arg6[%run_scoped3A_51, %dma_start3A_128] : memref<4x64xi32, #tpu.memory_space<vmem>> -> memref<1x64xi32, #tpu.memory_space<vmem>>
      %dma_start3A_130 = tpu.memref_squeeze %dma_start3A_129 : memref<1x64xi32, #tpu.memory_space<vmem>> -> memref<64xi32, #tpu.memory_space<vmem>>
      %dma_start3A_131 = tpu.memref_slice %arg2[%add3A_50] : memref<8192xi32, #tpu.memory_space<hbm>> -> memref<64xi32, #tpu.memory_space<hbm>>
      tpu.enqueue_dma source(%dma_start3A_131 : memref<64xi32, #tpu.memory_space<hbm>>) target(%dma_start3A_130 : memref<64xi32, #tpu.memory_space<vmem>>) target_semaphore(%run_scoped3A_123 : memref<!tpu.dma_semaphore, #tpu.memory_space<semaphore_mem>>)
      %dma_wait3A_132 = arith.constant 0 : i32
      %dma_wait3A_133 = tpu.memref_slice %arg6[%run_scoped3A_51, %dma_wait3A_132] : memref<4x64xi32, #tpu.memory_space<vmem>> -> memref<1x64xi32, #tpu.memory_space<vmem>>
      %dma_wait3A_134 = tpu.memref_squeeze %dma_wait3A_133 : memref<1x64xi32, #tpu.memory_space<vmem>> -> memref<64xi32, #tpu.memory_space<vmem>>
      %dma_wait3A_135 = tpu.memref_slice %arg2[%add3A_50] : memref<8192xi32, #tpu.memory_space<hbm>> -> memref<64xi32, #tpu.memory_space<hbm>>
      %dma_wait3A_136 = arith.constant 0 : i32
      %dma_wait3A_137 = tpu.memref_slice %arg6[%run_scoped3A_51, %dma_wait3A_136] : memref<4x64xi32, #tpu.memory_space<vmem>> -> memref<1x64xi32, #tpu.memory_space<vmem>>
      %dma_wait3A_138 = tpu.memref_squeeze %dma_wait3A_137 : memref<1x64xi32, #tpu.memory_space<vmem>> -> memref<64xi32, #tpu.memory_space<vmem>>
      %dma_wait3A_139 = tpu.memref_slice %arg2[%add3A_50] : memref<8192xi32, #tpu.memory_space<hbm>> -> memref<64xi32, #tpu.memory_space<hbm>>
      tpu.wait_dma2 semaphore(%run_scoped3A_123 : memref<!tpu.dma_semaphore, #tpu.memory_space<semaphore_mem>>) src(%dma_wait3A_139 : memref<64xi32, #tpu.memory_space<hbm>>) dst(%dma_wait3A_138 : memref<64xi32, #tpu.memory_space<vmem>>)
      tpu.yield
    }) : () -> ()
    %add3A_52 = arith.constant 6144 : i32
    %add3A_53 = arith.addi %add3A_52, %mul3A_2 : i32
    %run_scoped3A_54 = arith.constant 3 : i32
    "tpu.region"() ({
      %run_scoped3A_123 = tpu.sem_alloc : memref<!tpu.dma_semaphore, #tpu.memory_space<semaphore_mem>>
      %dma_start3A_124 = arith.constant 0 : i32
      %dma_start3A_125 = tpu.memref_slice %arg6[%run_scoped3A_54, %dma_start3A_124] : memref<4x64xi32, #tpu.memory_space<vmem>> -> memref<1x64xi32, #tpu.memory_space<vmem>>
      %dma_start3A_126 = tpu.memref_squeeze %dma_start3A_125 : memref<1x64xi32, #tpu.memory_space<vmem>> -> memref<64xi32, #tpu.memory_space<vmem>>
      %dma_start3A_127 = tpu.memref_slice %arg2[%add3A_53] : memref<8192xi32, #tpu.memory_space<hbm>> -> memref<64xi32, #tpu.memory_space<hbm>>
      %dma_start3A_128 = arith.constant 0 : i32
      %dma_start3A_129 = tpu.memref_slice %arg6[%run_scoped3A_54, %dma_start3A_128] : memref<4x64xi32, #tpu.memory_space<vmem>> -> memref<1x64xi32, #tpu.memory_space<vmem>>
      %dma_start3A_130 = tpu.memref_squeeze %dma_start3A_129 : memref<1x64xi32, #tpu.memory_space<vmem>> -> memref<64xi32, #tpu.memory_space<vmem>>
      %dma_start3A_131 = tpu.memref_slice %arg2[%add3A_53] : memref<8192xi32, #tpu.memory_space<hbm>> -> memref<64xi32, #tpu.memory_space<hbm>>
      tpu.enqueue_dma source(%dma_start3A_131 : memref<64xi32, #tpu.memory_space<hbm>>) target(%dma_start3A_130 : memref<64xi32, #tpu.memory_space<vmem>>) target_semaphore(%run_scoped3A_123 : memref<!tpu.dma_semaphore, #tpu.memory_space<semaphore_mem>>)
      %dma_wait3A_132 = arith.constant 0 : i32
      %dma_wait3A_133 = tpu.memref_slice %arg6[%run_scoped3A_54, %dma_wait3A_132] : memref<4x64xi32, #tpu.memory_space<vmem>> -> memref<1x64xi32, #tpu.memory_space<vmem>>
      %dma_wait3A_134 = tpu.memref_squeeze %dma_wait3A_133 : memref<1x64xi32, #tpu.memory_space<vmem>> -> memref<64xi32, #tpu.memory_space<vmem>>
      %dma_wait3A_135 = tpu.memref_slice %arg2[%add3A_53] : memref<8192xi32, #tpu.memory_space<hbm>> -> memref<64xi32, #tpu.memory_space<hbm>>
      %dma_wait3A_136 = arith.constant 0 : i32
      %dma_wait3A_137 = tpu.memref_slice %arg6[%run_scoped3A_54, %dma_wait3A_136] : memref<4x64xi32, #tpu.memory_space<vmem>> -> memref<1x64xi32, #tpu.memory_space<vmem>>
      %dma_wait3A_138 = tpu.memref_squeeze %dma_wait3A_137 : memref<1x64xi32, #tpu.memory_space<vmem>> -> memref<64xi32, #tpu.memory_space<vmem>>
      %dma_wait3A_139 = tpu.memref_slice %arg2[%add3A_53] : memref<8192xi32, #tpu.memory_space<hbm>> -> memref<64xi32, #tpu.memory_space<hbm>>
      tpu.wait_dma2 semaphore(%run_scoped3A_123 : memref<!tpu.dma_semaphore, #tpu.memory_space<semaphore_mem>>) src(%dma_wait3A_139 : memref<64xi32, #tpu.memory_space<hbm>>) dst(%dma_wait3A_138 : memref<64xi32, #tpu.memory_space<vmem>>)
      tpu.yield
    }) : () -> ()
    %dma_wait3A_55 = tpu.memref_slice %arg4[%mul3A_12] : memref<1572864xf32, #tpu.memory_space<hbm>> -> memref<49152xf32, #tpu.memory_space<hbm>>
    %dma_wait3A_56 = tpu.memref_slice %arg4[%mul3A_12] : memref<1572864xf32, #tpu.memory_space<hbm>> -> memref<49152xf32, #tpu.memory_space<hbm>>
    tpu.wait_dma2 semaphore(%arg12 : memref<!tpu.dma_semaphore, #tpu.memory_space<semaphore_mem>>) src(%dma_wait3A_56 : memref<49152xf32, #tpu.memory_space<hbm>>) dst(%arg7 : memref<49152xf32, #tpu.memory_space<vmem>>)
    %dma_wait3A_57 = arith.constant 0 : i32
    %dma_wait3A_58 = arith.constant 0 : i32
    %dma_wait3A_59 = arith.constant 0 : i32
    %dma_wait3A_60 = tpu.memref_slice %arg8[%dma_wait3A_57, %dma_wait3A_58, %dma_wait3A_59] : memref<3x32x768xf32, #tpu.memory_space<vmem>> -> memref<1x32x768xf32, #tpu.memory_space<vmem>>
    %dma_wait3A_61 = tpu.memref_squeeze %dma_wait3A_60 : memref<1x32x768xf32, #tpu.memory_space<vmem>> -> memref<32x768xf32, #tpu.memory_space<vmem>>
    %dma_wait3A_62 = arith.constant 0 : i32
    %dma_wait3A_63 = arith.constant 0 : i32
    %dma_wait3A_64 = tpu.memref_slice %arg3[%dma_wait3A_62, %dma_wait3A_63] : memref<100000x768xf32, #tpu.memory_space<hbm>> -> memref<32x768xf32, #tpu.memory_space<hbm>>
    %dma_wait3A_65 = arith.constant 0 : i32
    %dma_wait3A_66 = arith.constant 0 : i32
    %dma_wait3A_67 = tpu.memref_slice %arg8[%dma_wait3A_57, %dma_wait3A_65, %dma_wait3A_66] : memref<3x32x768xf32, #tpu.memory_space<vmem>> -> memref<1x32x768xf32, #tpu.memory_space<vmem>>
    %dma_wait3A_68 = tpu.memref_squeeze %dma_wait3A_67 : memref<1x32x768xf32, #tpu.memory_space<vmem>> -> memref<32x768xf32, #tpu.memory_space<vmem>>
    %dma_wait3A_69 = arith.constant 0 : i32
    %dma_wait3A_70 = arith.constant 0 : i32
    %dma_wait3A_71 = tpu.memref_slice %arg3[%dma_wait3A_69, %dma_wait3A_70] : memref<100000x768xf32, #tpu.memory_space<hbm>> -> memref<32x768xf32, #tpu.memory_space<hbm>>
    tpu.wait_dma2 semaphore(%arg9 : memref<!tpu.dma_semaphore, #tpu.memory_space<semaphore_mem>>) src(%dma_wait3A_71 : memref<32x768xf32, #tpu.memory_space<hbm>>) dst(%dma_wait3A_68 : memref<32x768xf32, #tpu.memory_space<vmem>>)
    %parallel_loop3A = arith.constant 0 : i32
    %parallel_loop3A_72 = arith.constant 32 : i32
    %parallel_loop3A_73 = arith.constant 1 : i32
    scf.for %parallel_loop3A_123 = %parallel_loop3A to %parallel_loop3A_72 step %parallel_loop3A_73  : i32 {
      %parallel_loop3A_124 = arith.constant 0 : i32
      %parallel_loop3A_125 = arith.addi %parallel_loop3A_124, %parallel_loop3A_123 : i32
      %parallel_loop3A_126 = arith.constant 768 : i32
      %parallel_loop3A_127 = arith.muli %parallel_loop3A_125, %parallel_loop3A_126 : i32
      %parallel_loop3A_128 = arith.constant 0 : i32
      %parallel_loop3A_129 = arith.addi %parallel_loop3A_127, %parallel_loop3A_128 : i32
      %parallel_loop3A_130 = arith.index_cast %parallel_loop3A_129 : i32 to index
      %parallel_loop3A_131 = tpu.vector_load %arg7[%parallel_loop3A_130] {strides = array<i32>} : memref<49152xf32, #tpu.memory_space<vmem>>, vector<16xf32>,
      %parallel_loop3A_132 = vector.shape_cast %parallel_loop3A_131 : vector<16xf32> to vector<16xf32>
      %parallel_loop3A_133 = arith.constant 0 : i32
      %parallel_loop3A_134 = arith.index_cast %parallel_loop3A_133 : i32 to index
      %parallel_loop3A_135 = arith.index_cast %parallel_loop3A_123 : i32 to index
      %parallel_loop3A_136 = arith.constant 0 : index
      %parallel_loop3A_137 = tpu.vector_load %arg8[%parallel_loop3A_134, %parallel_loop3A_135, %parallel_loop3A_136] {strides = array<i32>} : memref<3x32x768xf32, #tpu.memory_space<vmem>>, vector<1x1x16xf32>,
      %parallel_loop3A_138 = vector.shape_cast %parallel_loop3A_137 : vector<1x1x16xf32> to vector<16xf32>
      %parallel_loop3A_139 = vector.shape_cast %parallel_loop3A_132 : vector<16xf32> to vector<1x1x16xf32>
      tpu.vector_store %arg8[%parallel_loop3A_134, %parallel_loop3A_135, %parallel_loop3A_136], %parallel_loop3A_139 {add = true, strides = array<i32>} : memref<3x32x768xf32, #tpu.memory_space<vmem>>, vector<1x1x16xf32>,
      %parallel_loop3A_140 = arith.constant 16 : i32
      %parallel_loop3A_141 = arith.addi %parallel_loop3A_127, %parallel_loop3A_140 : i32
      %parallel_loop3A_142 = arith.index_cast %parallel_loop3A_141 : i32 to index
      %parallel_loop3A_143 = tpu.vector_load %arg7[%parallel_loop3A_142] {strides = array<i32>} : memref<49152xf32, #tpu.memory_space<vmem>>, vector<16xf32>,
      %parallel_loop3A_144 = vector.shape_cast %parallel_loop3A_143 : vector<16xf32> to vector<16xf32>
      %parallel_loop3A_145 = arith.constant 0 : i32
      %parallel_loop3A_146 = arith.index_cast %parallel_loop3A_145 : i32 to index
      %parallel_loop3A_147 = arith.index_cast %parallel_loop3A_123 : i32 to index
      %parallel_loop3A_148 = arith.constant 16 : index
      %parallel_loop3A_149 = tpu.vector_load %arg8[%parallel_loop3A_146, %parallel_loop3A_147, %parallel_loop3A_148] {strides = array<i32>} : memref<3x32x768xf32, #tpu.memory_space<vmem>>, vector<1x1x16xf32>,
      %parallel_loop3A_150 = vector.shape_cast %parallel_loop3A_149 : vector<1x1x16xf32> to vector<16xf32>
      %parallel_loop3A_151 = vector.shape_cast %parallel_loop3A_144 : vector<16xf32> to vector<1x1x16xf32>
      tpu.vector_store %arg8[%parallel_loop3A_146, %parallel_loop3A_147, %parallel_loop3A_148], %parallel_loop3A_151 {add = true, strides = array<i32>} : memref<3x32x768xf32, #tpu.memory_space<vmem>>, vector<1x1x16xf32>,
      %parallel_loop3A_152 = arith.constant 32 : i32
      %parallel_loop3A_153 = arith.addi %parallel_loop3A_127, %parallel_loop3A_152 : i32
      %parallel_loop3A_154 = arith.index_cast %parallel_loop3A_153 : i32 to index
      %parallel_loop3A_155 = tpu.vector_load %arg7[%parallel_loop3A_154] {strides = array<i32>} : memref<49152xf32, #tpu.memory_space<vmem>>, vector<16xf32>,
      %parallel_loop3A_156 = vector.shape_cast %parallel_loop3A_155 : vector<16xf32> to vector<16xf32>
      %parallel_loop3A_157 = arith.constant 0 : i32
      %parallel_loop3A_158 = arith.index_cast %parallel_loop3A_157 : i32 to index
      %parallel_loop3A_159 = arith.index_cast %parallel_loop3A_123 : i32 to index
      %parallel_loop3A_160 = arith.constant 32 : index
      %parallel_loop3A_161 = tpu.vector_load %arg8[%parallel_loop3A_158, %parallel_loop3A_159, %parallel_loop3A_160] {strides = array<i32>} : memref<3x32x768xf32, #tpu.memory_space<vmem>>, vector<1x1x16xf32>,
      %parallel_loop3A_162 = vector.shape_cast %parallel_loop3A_161 : vector<1x1x16xf32> to vector<16xf32>
      %parallel_loop3A_163 = vector.shape_cast %parallel_loop3A_156 : vector<16xf32> to vector<1x1x16xf32>
      tpu.vector_store %arg8[%parallel_loop3A_158, %parallel_loop3A_159, %parallel_loop3A_160], %parallel_loop3A_163 {add = true, strides = array<i32>} : memref<3x32x768xf32, #tpu.memory_space<vmem>>, vector<1x1x16xf32>,
      %parallel_loop3A_164 = arith.constant 48 : i32
      %parallel_loop3A_165 = arith.addi %parallel_loop3A_127, %parallel_loop3A_164 : i32
      %parallel_loop3A_166 = arith.index_cast %parallel_loop3A_165 : i32 to index
      %parallel_loop3A_167 = tpu.vector_load %arg7[%parallel_loop3A_166] {strides = array<i32>} : memref<49152xf32, #tpu.memory_space<vmem>>, vector<16xf32>,
      %parallel_loop3A_168 = vector.shape_cast %parallel_loop3A_167 : vector<16xf32> to vector<16xf32>
      %parallel_loop3A_169 = arith.constant 0 : i32
      %parallel_loop3A_170 = arith.index_cast %parallel_loop3A_169 : i32 to index
      %parallel_loop3A_171 = arith.index_cast %parallel_loop3A_123 : i32 to index
      %parallel_loop3A_172 = arith.constant 48 : index
      %parallel_loop3A_173 = tpu.vector_load %arg8[%parallel_loop3A_170, %parallel_loop3A_171, %parallel_loop3A_172] {strides = array<i32>} : memref<3x32x768xf32, #tpu.memory_space<vmem>>, vector<1x1x16xf32>,
      %parallel_loop3A_174 = vector.shape_cast %parallel_loop3A_173 : vector<1x1x16xf32> to vector<16xf32>
      %parallel_loop3A_175 = vector.shape_cast %parallel_loop3A_168 : vector<16xf32> to vector<1x1x16xf32>
      tpu.vector_store %arg8[%parallel_loop3A_170, %parallel_loop3A_171, %parallel_loop3A_172], %parallel_loop3A_175 {add = true, strides = array<i32>} : memref<3x32x768xf32, #tpu.memory_space<vmem>>, vector<1x1x16xf32>,
      %parallel_loop3A_176 = arith.constant 64 : i32
      %parallel_loop3A_177 = arith.addi %parallel_loop3A_127, %parallel_loop3A_176 : i32
      %parallel_loop3A_178 = arith.index_cast %parallel_loop3A_177 : i32 to index
      %parallel_loop3A_179 = tpu.vector_load %arg7[%parallel_loop3A_178] {strides = array<i32>} : memref<49152xf32, #tpu.memory_space<vmem>>, vector<16xf32>,
      %parallel_loop3A_180 = vector.shape_cast %parallel_loop3A_179 : vector<16xf32> to vector<16xf32>
      %parallel_loop3A_181 = arith.constant 0 : i32
      %parallel_loop3A_182 = arith.index_cast %parallel_loop3A_181 : i32 to index
      %parallel_loop3A_183 = arith.index_cast %parallel_loop3A_123 : i32 to index
      %parallel_loop3A_184 = arith.constant 64 : index
      %parallel_loop3A_185 = tpu.vector_load %arg8[%parallel_loop3A_182, %parallel_loop3A_183, %parallel_loop3A_184] {strides = array<i32>} : memref<3x32x768xf32, #tpu.memory_space<vmem>>, vector<1x1x16xf32>,
      %parallel_loop3A_186 = vector.shape_cast %parallel_loop3A_185 : vector<1x1x16xf32> to vector<16xf32>
      %parallel_loop3A_187 = vector.shape_cast %parallel_loop3A_180 : vector<16xf32> to vector<1x1x16xf32>
      tpu.vector_store %arg8[%parallel_loop3A_182, %parallel_loop3A_183, %parallel_loop3A_184], %parallel_loop3A_187 {add = true, strides = array<i32>} : memref<3x32x768xf32, #tpu.memory_space<vmem>>, vector<1x1x16xf32>,
      %parallel_loop3A_188 = arith.constant 80 : i32
      %parallel_loop3A_189 = arith.addi %parallel_loop3A_127, %parallel_loop3A_188 : i32
      %parallel_loop3A_190 = arith.index_cast %parallel_loop3A_189 : i32 to index
      %parallel_loop3A_191 = tpu.vector_load %arg7[%parallel_loop3A_190] {strides = array<i32>} : memref<49152xf32, #tpu.memory_space<vmem>>, vector<16xf32>,
      %parallel_loop3A_192 = vector.shape_cast %parallel_loop3A_191 : vector<16xf32> to vector<16xf32>
      %parallel_loop3A_193 = arith.constant 0 : i32
      %parallel_loop3A_194 = arith.index_cast %parallel_loop3A_193 : i32 to index
      %parallel_loop3A_195 = arith.index_cast %parallel_loop3A_123 : i32 to index
      %parallel_loop3A_196 = arith.constant 80 : index
      %parallel_loop3A_197 = tpu.vector_load %arg8[%parallel_loop3A_194, %parallel_loop3A_195, %parallel_loop3A_196] {strides = array<i32>} : memref<3x32x768xf32, #tpu.memory_space<vmem>>, vector<1x1x16xf32>,
      %parallel_loop3A_198 = vector.shape_cast %parallel_loop3A_197 : vector<1x1x16xf32> to vector<16xf32>
      %parallel_loop3A_199 = vector.shape_cast %parallel_loop3A_192 : vector<16xf32> to vector<1x1x16xf32>
      tpu.vector_store %arg8[%parallel_loop3A_194, %parallel_loop3A_195, %parallel_loop3A_196], %parallel_loop3A_199 {add = true, strides = array<i32>} : memref<3x32x768xf32, #tpu.memory_space<vmem>>, vector<1x1x16xf32>,
      %parallel_loop3A_200 = arith.constant 96 : i32
      %parallel_loop3A_201 = arith.addi %parallel_loop3A_127, %parallel_loop3A_200 : i32
      %parallel_loop3A_202 = arith.index_cast %parallel_loop3A_201 : i32 to index
      %parallel_loop3A_203 = tpu.vector_load %arg7[%parallel_loop3A_202] {strides = array<i32>} : memref<49152xf32, #tpu.memory_space<vmem>>, vector<16xf32>,
      %parallel_loop3A_204 = vector.shape_cast %parallel_loop3A_203 : vector<16xf32> to vector<16xf32>
      %parallel_loop3A_205 = arith.constant 0 : i32
      %parallel_loop3A_206 = arith.index_cast %parallel_loop3A_205 : i32 to index
      %parallel_loop3A_207 = arith.index_cast %parallel_loop3A_123 : i32 to index
      %parallel_loop3A_208 = arith.constant 96 : index
      %parallel_loop3A_209 = tpu.vector_load %arg8[%parallel_loop3A_206, %parallel_loop3A_207, %parallel_loop3A_208] {strides = array<i32>} : memref<3x32x768xf32, #tpu.memory_space<vmem>>, vector<1x1x16xf32>,
      %parallel_loop3A_210 = vector.shape_cast %parallel_loop3A_209 : vector<1x1x16xf32> to vector<16xf32>
      %parallel_loop3A_211 = vector.shape_cast %parallel_loop3A_204 : vector<16xf32> to vector<1x1x16xf32>
      tpu.vector_store %arg8[%parallel_loop3A_206, %parallel_loop3A_207, %parallel_loop3A_208], %parallel_loop3A_211 {add = true, strides = array<i32>} : memref<3x32x768xf32, #tpu.memory_space<vmem>>, vector<1x1x16xf32>,
      %parallel_loop3A_212 = arith.constant 112 : i32
      %parallel_loop3A_213 = arith.addi %parallel_loop3A_127, %parallel_loop3A_212 : i32
      %parallel_loop3A_214 = arith.index_cast %parallel_loop3A_213 : i32 to index
      %parallel_loop3A_215 = tpu.vector_load %arg7[%parallel_loop3A_214] {strides = array<i32>} : memref<49152xf32, #tpu.memory_space<vmem>>, vector<16xf32>,
      %parallel_loop3A_216 = vector.shape_cast %parallel_loop3A_215 : vector<16xf32> to vector<16xf32>
      %parallel_loop3A_217 = arith.constant 0 : i32
      %parallel_loop3A_218 = arith.index_cast %parallel_loop3A_217 : i32 to index
      %parallel_loop3A_219 = arith.index_cast %parallel_loop3A_123 : i32 to index
      %parallel_loop3A_220 = arith.constant 112 : index
      %parallel_loop3A_221 = tpu.vector_load %arg8[%parallel_loop3A_218, %parallel_loop3A_219, %parallel_loop3A_220] {strides = array<i32>} : memref<3x32x768xf32, #tpu.memory_space<vmem>>, vector<1x1x16xf32>,
      %parallel_loop3A_222 = vector.shape_cast %parallel_loop3A_221 : vector<1x1x16xf32> to vector<16xf32>
      %parallel_loop3A_223 = vector.shape_cast %parallel_loop3A_216 : vector<16xf32> to vector<1x1x16xf32>
      tpu.vector_store %arg8[%parallel_loop3A_218, %parallel_loop3A_219, %parallel_loop3A_220], %parallel_loop3A_223 {add = true, strides = array<i32>} : memref<3x32x768xf32, #tpu.memory_space<vmem>>, vector<1x1x16xf32>,
      %parallel_loop3A_224 = arith.constant 128 : i32
      %parallel_loop3A_225 = arith.addi %parallel_loop3A_127, %parallel_loop3A_224 : i32
      %parallel_loop3A_226 = arith.index_cast %parallel_loop3A_225 : i32 to index
      %parallel_loop3A_227 = tpu.vector_load %arg7[%parallel_loop3A_226] {strides = array<i32>} : memref<49152xf32, #tpu.memory_space<vmem>>, vector<16xf32>,
      %parallel_loop3A_228 = vector.shape_cast %parallel_loop3A_227 : vector<16xf32> to vector<16xf32>
      %parallel_loop3A_229 = arith.constant 0 : i32
      %parallel_loop3A_230 = arith.index_cast %parallel_loop3A_229 : i32 to index
      %parallel_loop3A_231 = arith.index_cast %parallel_loop3A_123 : i32 to index
      %parallel_loop3A_232 = arith.constant 128 : index
      %parallel_loop3A_233 = tpu.vector_load %arg8[%parallel_loop3A_230, %parallel_loop3A_231, %parallel_loop3A_232] {strides = array<i32>} : memref<3x32x768xf32, #tpu.memory_space<vmem>>, vector<1x1x16xf32>,
      %parallel_loop3A_234 = vector.shape_cast %parallel_loop3A_233 : vector<1x1x16xf32> to vector<16xf32>
      %parallel_loop3A_235 = vector.shape_cast %parallel_loop3A_228 : vector<16xf32> to vector<1x1x16xf32>
      tpu.vector_store %arg8[%parallel_loop3A_230, %parallel_loop3A_231, %parallel_loop3A_232], %parallel_loop3A_235 {add = true, strides = array<i32>} : memref<3x32x768xf32, #tpu.memory_space<vmem>>, vector<1x1x16xf32>,
      %parallel_loop3A_236 = arith.constant 144 : i32
      %parallel_loop3A_237 = arith.addi %parallel_loop3A_127, %parallel_loop3A_236 : i32
      %parallel_loop3A_238 = arith.index_cast %parallel_loop3A_237 : i32 to index
      %parallel_loop3A_239 = tpu.vector_load %arg7[%parallel_loop3A_238] {strides = array<i32>} : memref<49152xf32, #tpu.memory_space<vmem>>, vector<16xf32>,
      %parallel_loop3A_240 = vector.shape_cast %parallel_loop3A_239 : vector<16xf32> to vector<16xf32>
      %parallel_loop3A_241 = arith.constant 0 : i32
      %parallel_loop3A_242 = arith.index_cast %parallel_loop3A_241 : i32 to index
      %parallel_loop3A_243 = arith.index_cast %parallel_loop3A_123 : i32 to index
      %parallel_loop3A_244 = arith.constant 144 : index
      %parallel_loop3A_245 = tpu.vector_load %arg8[%parallel_loop3A_242, %parallel_loop3A_243, %parallel_loop3A_244] {strides = array<i32>} : memref<3x32x768xf32, #tpu.memory_space<vmem>>, vector<1x1x16xf32>,
      %parallel_loop3A_246 = vector.shape_cast %parallel_loop3A_245 : vector<1x1x16xf32> to vector<16xf32>
      %parallel_loop3A_247 = vector.shape_cast %parallel_loop3A_240 : vector<16xf32> to vector<1x1x16xf32>
      tpu.vector_store %arg8[%parallel_loop3A_242, %parallel_loop3A_243, %parallel_loop3A_244], %parallel_loop3A_247 {add = true, strides = array<i32>} : memref<3x32x768xf32, #tpu.memory_space<vmem>>, vector<1x1x16xf32>,
      %parallel_loop3A_248 = arith.constant 160 : i32
      %parallel_loop3A_249 = arith.addi %parallel_loop3A_127, %parallel_loop3A_248 : i32
      %parallel_loop3A_250 = arith.index_cast %parallel_loop3A_249 : i32 to index
      %parallel_loop3A_251 = tpu.vector_load %arg7[%parallel_loop3A_250] {strides = array<i32>} : memref<49152xf32, #tpu.memory_space<vmem>>, vector<16xf32>,
      %parallel_loop3A_252 = vector.shape_cast %parallel_loop3A_251 : vector<16xf32> to vector<16xf32>
      %parallel_loop3A_253 = arith.constant 0 : i32
      %parallel_loop3A_254 = arith.index_cast %parallel_loop3A_253 : i32 to index
      %parallel_loop3A_255 = arith.index_cast %parallel_loop3A_123 : i32 to index
      %parallel_loop3A_256 = arith.constant 160 : index
      %parallel_loop3A_257 = tpu.vector_load %arg8[%parallel_loop3A_254, %parallel_loop3A_255, %parallel_loop3A_256] {strides = array<i32>} : memref<3x32x768xf32, #tpu.memory_space<vmem>>, vector<1x1x16xf32>,
      %parallel_loop3A_258 = vector.shape_cast %parallel_loop3A_257 : vector<1x1x16xf32> to vector<16xf32>
      %parallel_loop3A_259 = vector.shape_cast %parallel_loop3A_252 : vector<16xf32> to vector<1x1x16xf32>
      tpu.vector_store %arg8[%parallel_loop3A_254, %parallel_loop3A_255, %parallel_loop3A_256], %parallel_loop3A_259 {add = true, strides = array<i32>} : memref<3x32x768xf32, #tpu.memory_space<vmem>>, vector<1x1x16xf32>,
      %parallel_loop3A_260 = arith.constant 176 : i32
      %parallel_loop3A_261 = arith.addi %parallel_loop3A_127, %parallel_loop3A_260 : i32
      %parallel_loop3A_262 = arith.index_cast %parallel_loop3A_261 : i32 to index
      %parallel_loop3A_263 = tpu.vector_load %arg7[%parallel_loop3A_262] {strides = array<i32>} : memref<49152xf32, #tpu.memory_space<vmem>>, vector<16xf32>,
      %parallel_loop3A_264 = vector.shape_cast %parallel_loop3A_263 : vector<16xf32> to vector<16xf32>
      %parallel_loop3A_265 = arith.constant 0 : i32
      %parallel_loop3A_266 = arith.index_cast %parallel_loop3A_265 : i32 to index
      %parallel_loop3A_267 = arith.index_cast %parallel_loop3A_123 : i32 to index
      %parallel_loop3A_268 = arith.constant 176 : index
      %parallel_loop3A_269 = tpu.vector_load %arg8[%parallel_loop3A_266, %parallel_loop3A_267, %parallel_loop3A_268] {strides = array<i32>} : memref<3x32x768xf32, #tpu.memory_space<vmem>>, vector<1x1x16xf32>,
      %parallel_loop3A_270 = vector.shape_cast %parallel_loop3A_269 : vector<1x1x16xf32> to vector<16xf32>
      %parallel_loop3A_271 = vector.shape_cast %parallel_loop3A_264 : vector<16xf32> to vector<1x1x16xf32>
      tpu.vector_store %arg8[%parallel_loop3A_266, %parallel_loop3A_267, %parallel_loop3A_268], %parallel_loop3A_271 {add = true, strides = array<i32>} : memref<3x32x768xf32, #tpu.memory_space<vmem>>, vector<1x1x16xf32>,
      %parallel_loop3A_272 = arith.constant 192 : i32
      %parallel_loop3A_273 = arith.addi %parallel_loop3A_127, %parallel_loop3A_272 : i32
      %parallel_loop3A_274 = arith.index_cast %parallel_loop3A_273 : i32 to index
      %parallel_loop3A_275 = tpu.vector_load %arg7[%parallel_loop3A_274] {strides = array<i32>} : memref<49152xf32, #tpu.memory_space<vmem>>, vector<16xf32>,
      %parallel_loop3A_276 = vector.shape_cast %parallel_loop3A_275 : vector<16xf32> to vector<16xf32>
      %parallel_loop3A_277 = arith.constant 0 : i32
      %parallel_loop3A_278 = arith.index_cast %parallel_loop3A_277 : i32 to index
      %parallel_loop3A_279 = arith.index_cast %parallel_loop3A_123 : i32 to index
      %parallel_loop3A_280 = arith.constant 192 : index
      %parallel_loop3A_281 = tpu.vector_load %arg8[%parallel_loop3A_278, %parallel_loop3A_279, %parallel_loop3A_280] {strides = array<i32>} : memref<3x32x768xf32, #tpu.memory_space<vmem>>, vector<1x1x16xf32>,
      %parallel_loop3A_282 = vector.shape_cast %parallel_loop3A_281 : vector<1x1x16xf32> to vector<16xf32>
      %parallel_loop3A_283 = vector.shape_cast %parallel_loop3A_276 : vector<16xf32> to vector<1x1x16xf32>
      tpu.vector_store %arg8[%parallel_loop3A_278, %parallel_loop3A_279, %parallel_loop3A_280], %parallel_loop3A_283 {add = true, strides = array<i32>} : memref<3x32x768xf32, #tpu.memory_space<vmem>>, vector<1x1x16xf32>,
      %parallel_loop3A_284 = arith.constant 208 : i32
      %parallel_loop3A_285 = arith.addi %parallel_loop3A_127, %parallel_loop3A_284 : i32
      %parallel_loop3A_286 = arith.index_cast %parallel_loop3A_285 : i32 to index
      %parallel_loop3A_287 = tpu.vector_load %arg7[%parallel_loop3A_286] {strides = array<i32>} : memref<49152xf32, #tpu.memory_space<vmem>>, vector<16xf32>,
      %parallel_loop3A_288 = vector.shape_cast %parallel_loop3A_287 : vector<16xf32> to vector<16xf32>
      %parallel_loop3A_289 = arith.constant 0 : i32
      %parallel_loop3A_290 = arith.index_cast %parallel_loop3A_289 : i32 to index
      %parallel_loop3A_291 = arith.index_cast %parallel_loop3A_123 : i32 to index
      %parallel_loop3A_292 = arith.constant 208 : index
      %parallel_loop3A_293 = tpu.vector_load %arg8[%parallel_loop3A_290, %parallel_loop3A_291, %parallel_loop3A_292] {strides = array<i32>} : memref<3x32x768xf32, #tpu.memory_space<vmem>>, vector<1x1x16xf32>,
      %parallel_loop3A_294 = vector.shape_cast %parallel_loop3A_293 : vector<1x1x16xf32> to vector<16xf32>
      %parallel_loop3A_295 = vector.shape_cast %parallel_loop3A_288 : vector<16xf32> to vector<1x1x16xf32>
      tpu.vector_store %arg8[%parallel_loop3A_290, %parallel_loop3A_291, %parallel_loop3A_292], %parallel_loop3A_295 {add = true, strides = array<i32>} : memref<3x32x768xf32, #tpu.memory_space<vmem>>, vector<1x1x16xf32>,
      %parallel_loop3A_296 = arith.constant 224 : i32
      %parallel_loop3A_297 = arith.addi %parallel_loop3A_127, %parallel_loop3A_296 : i32
      %parallel_loop3A_298 = arith.index_cast %parallel_loop3A_297 : i32 to index
      %parallel_loop3A_299 = tpu.vector_load %arg7[%parallel_loop3A_298] {strides = array<i32>} : memref<49152xf32, #tpu.memory_space<vmem>>, vector<16xf32>,
      %parallel_loop3A_300 = vector.shape_cast %parallel_loop3A_299 : vector<16xf32> to vector<16xf32>
      %parallel_loop3A_301 = arith.constant 0 : i32
      %parallel_loop3A_302 = arith.index_cast %parallel_loop3A_301 : i32 to index
      %parallel_loop3A_303 = arith.index_cast %parallel_loop3A_123 : i32 to index
      %parallel_loop3A_304 = arith.constant 224 : index
      %parallel_loop3A_305 = tpu.vector_load %arg8[%parallel_loop3A_302, %parallel_loop3A_303, %parallel_loop3A_304] {strides = array<i32>} : memref<3x32x768xf32, #tpu.memory_space<vmem>>, vector<1x1x16xf32>,
      %parallel_loop3A_306 = vector.shape_cast %parallel_loop3A_305 : vector<1x1x16xf32> to vector<16xf32>
      %parallel_loop3A_307 = vector.shape_cast %parallel_loop3A_300 : vector<16xf32> to vector<1x1x16xf32>
      tpu.vector_store %arg8[%parallel_loop3A_302, %parallel_loop3A_303, %parallel_loop3A_304], %parallel_loop3A_307 {add = true, strides = array<i32>} : memref<3x32x768xf32, #tpu.memory_space<vmem>>, vector<1x1x16xf32>,
      %parallel_loop3A_308 = arith.constant 240 : i32
      %parallel_loop3A_309 = arith.addi %parallel_loop3A_127, %parallel_loop3A_308 : i32
      %parallel_loop3A_310 = arith.index_cast %parallel_loop3A_309 : i32 to index
      %parallel_loop3A_311 = tpu.vector_load %arg7[%parallel_loop3A_310] {strides = array<i32>} : memref<49152xf32, #tpu.memory_space<vmem>>, vector<16xf32>,
      %parallel_loop3A_312 = vector.shape_cast %parallel_loop3A_311 : vector<16xf32> to vector<16xf32>
      %parallel_loop3A_313 = arith.constant 0 : i32
      %parallel_loop3A_314 = arith.index_cast %parallel_loop3A_313 : i32 to index
      %parallel_loop3A_315 = arith.index_cast %parallel_loop3A_123 : i32 to index
      %parallel_loop3A_316 = arith.constant 240 : index
      %parallel_loop3A_317 = tpu.vector_load %arg8[%parallel_loop3A_314, %parallel_loop3A_315, %parallel_loop3A_316] {strides = array<i32>} : memref<3x32x768xf32, #tpu.memory_space<vmem>>, vector<1x1x16xf32>,
      %parallel_loop3A_318 = vector.shape_cast %parallel_loop3A_317 : vector<1x1x16xf32> to vector<16xf32>
      %parallel_loop3A_319 = vector.shape_cast %parallel_loop3A_312 : vector<16xf32> to vector<1x1x16xf32>
      tpu.vector_store %arg8[%parallel_loop3A_314, %parallel_loop3A_315, %parallel_loop3A_316], %parallel_loop3A_319 {add = true, strides = array<i32>} : memref<3x32x768xf32, #tpu.memory_space<vmem>>, vector<1x1x16xf32>,
      %parallel_loop3A_320 = arith.constant 256 : i32
      %parallel_loop3A_321 = arith.addi %parallel_loop3A_127, %parallel_loop3A_320 : i32
      %parallel_loop3A_322 = arith.index_cast %parallel_loop3A_321 : i32 to index
      %parallel_loop3A_323 = tpu.vector_load %arg7[%parallel_loop3A_322] {strides = array<i32>} : memref<49152xf32, #tpu.memory_space<vmem>>, vector<16xf32>,
      %parallel_loop3A_324 = vector.shape_cast %parallel_loop3A_323 : vector<16xf32> to vector<16xf32>
      %parallel_loop3A_325 = arith.constant 0 : i32
      %parallel_loop3A_326 = arith.index_cast %parallel_loop3A_325 : i32 to index
      %parallel_loop3A_327 = arith.index_cast %parallel_loop3A_123 : i32 to index
      %parallel_loop3A_328 = arith.constant 256 : index
      %parallel_loop3A_329 = tpu.vector_load %arg8[%parallel_loop3A_326, %parallel_loop3A_327, %parallel_loop3A_328] {strides = array<i32>} : memref<3x32x768xf32, #tpu.memory_space<vmem>>, vector<1x1x16xf32>,
      %parallel_loop3A_330 = vector.shape_cast %parallel_loop3A_329 : vector<1x1x16xf32> to vector<16xf32>
      %parallel_loop3A_331 = vector.shape_cast %parallel_loop3A_324 : vector<16xf32> to vector<1x1x16xf32>
      tpu.vector_store %arg8[%parallel_loop3A_326, %parallel_loop3A_327, %parallel_loop3A_328], %parallel_loop3A_331 {add = true, strides = array<i32>} : memref<3x32x768xf32, #tpu.memory_space<vmem>>, vector<1x1x16xf32>,
      %parallel_loop3A_332 = arith.constant 272 : i32
      %parallel_loop3A_333 = arith.addi %parallel_loop3A_127, %parallel_loop3A_332 : i32
      %parallel_loop3A_334 = arith.index_cast %parallel_loop3A_333 : i32 to index
      %parallel_loop3A_335 = tpu.vector_load %arg7[%parallel_loop3A_334] {strides = array<i32>} : memref<49152xf32, #tpu.memory_space<vmem>>, vector<16xf32>,
      %parallel_loop3A_336 = vector.shape_cast %parallel_loop3A_335 : vector<16xf32> to vector<16xf32>
      %parallel_loop3A_337 = arith.constant 0 : i32
      %parallel_loop3A_338 = arith.index_cast %parallel_loop3A_337 : i32 to index
      %parallel_loop3A_339 = arith.index_cast %parallel_loop3A_123 : i32 to index
      %parallel_loop3A_340 = arith.constant 272 : index
      %parallel_loop3A_341 = tpu.vector_load %arg8[%parallel_loop3A_338, %parallel_loop3A_339, %parallel_loop3A_340] {strides = array<i32>} : memref<3x32x768xf32, #tpu.memory_space<vmem>>, vector<1x1x16xf32>,
      %parallel_loop3A_342 = vector.shape_cast %parallel_loop3A_341 : vector<1x1x16xf32> to vector<16xf32>
      %parallel_loop3A_343 = vector.shape_cast %parallel_loop3A_336 : vector<16xf32> to vector<1x1x16xf32>
      tpu.vector_store %arg8[%parallel_loop3A_338, %parallel_loop3A_339, %parallel_loop3A_340], %parallel_loop3A_343 {add = true, strides = array<i32>} : memref<3x32x768xf32, #tpu.memory_space<vmem>>, vector<1x1x16xf32>,
      %parallel_loop3A_344 = arith.constant 288 : i32
      %parallel_loop3A_345 = arith.addi %parallel_loop3A_127, %parallel_loop3A_344 : i32
      %parallel_loop3A_346 = arith.index_cast %parallel_loop3A_345 : i32 to index
      %parallel_loop3A_347 = tpu.vector_load %arg7[%parallel_loop3A_346] {strides = array<i32>} : memref<49152xf32, #tpu.memory_space<vmem>>, vector<16xf32>,
      %parallel_loop3A_348 = vector.shape_cast %parallel_loop3A_347 : vector<16xf32> to vector<16xf32>
      %parallel_loop3A_349 = arith.constant 0 : i32
      %parallel_loop3A_350 = arith.index_cast %parallel_loop3A_349 : i32 to index
      %parallel_loop3A_351 = arith.index_cast %parallel_loop3A_123 : i32 to index
      %parallel_loop3A_352 = arith.constant 288 : index
      %parallel_loop3A_353 = tpu.vector_load %arg8[%parallel_loop3A_350, %parallel_loop3A_351, %parallel_loop3A_352] {strides = array<i32>} : memref<3x32x768xf32, #tpu.memory_space<vmem>>, vector<1x1x16xf32>,
      %parallel_loop3A_354 = vector.shape_cast %parallel_loop3A_353 : vector<1x1x16xf32> to vector<16xf32>
      %parallel_loop3A_355 = vector.shape_cast %parallel_loop3A_348 : vector<16xf32> to vector<1x1x16xf32>
      tpu.vector_store %arg8[%parallel_loop3A_350, %parallel_loop3A_351, %parallel_loop3A_352], %parallel_loop3A_355 {add = true, strides = array<i32>} : memref<3x32x768xf32, #tpu.memory_space<vmem>>, vector<1x1x16xf32>,
      %parallel_loop3A_356 = arith.constant 304 : i32
      %parallel_loop3A_357 = arith.addi %parallel_loop3A_127, %parallel_loop3A_356 : i32
      %parallel_loop3A_358 = arith.index_cast %parallel_loop3A_357 : i32 to index
      %parallel_loop3A_359 = tpu.vector_load %arg7[%parallel_loop3A_358] {strides = array<i32>} : memref<49152xf32, #tpu.memory_space<vmem>>, vector<16xf32>,
      %parallel_loop3A_360 = vector.shape_cast %parallel_loop3A_359 : vector<16xf32> to vector<16xf32>
      %parallel_loop3A_361 = arith.constant 0 : i32
      %parallel_loop3A_362 = arith.index_cast %parallel_loop3A_361 : i32 to index
      %parallel_loop3A_363 = arith.index_cast %parallel_loop3A_123 : i32 to index
      %parallel_loop3A_364 = arith.constant 304 : index
      %parallel_loop3A_365 = tpu.vector_load %arg8[%parallel_loop3A_362, %parallel_loop3A_363, %parallel_loop3A_364] {strides = array<i32>} : memref<3x32x768xf32, #tpu.memory_space<vmem>>, vector<1x1x16xf32>,
      %parallel_loop3A_366 = vector.shape_cast %parallel_loop3A_365 : vector<1x1x16xf32> to vector<16xf32>
      %parallel_loop3A_367 = vector.shape_cast %parallel_loop3A_360 : vector<16xf32> to vector<1x1x16xf32>
      tpu.vector_store %arg8[%parallel_loop3A_362, %parallel_loop3A_363, %parallel_loop3A_364], %parallel_loop3A_367 {add = true, strides = array<i32>} : memref<3x32x768xf32, #tpu.memory_space<vmem>>, vector<1x1x16xf32>,
      %parallel_loop3A_368 = arith.constant 320 : i32
      %parallel_loop3A_369 = arith.addi %parallel_loop3A_127, %parallel_loop3A_368 : i32
      %parallel_loop3A_370 = arith.index_cast %parallel_loop3A_369 : i32 to index
      %parallel_loop3A_371 = tpu.vector_load %arg7[%parallel_loop3A_370] {strides = array<i32>} : memref<49152xf32, #tpu.memory_space<vmem>>, vector<16xf32>,
      %parallel_loop3A_372 = vector.shape_cast %parallel_loop3A_371 : vector<16xf32> to vector<16xf32>
      %parallel_loop3A_373 = arith.constant 0 : i32
      %parallel_loop3A_374 = arith.index_cast %parallel_loop3A_373 : i32 to index
      %parallel_loop3A_375 = arith.index_cast %parallel_loop3A_123 : i32 to index
      %parallel_loop3A_376 = arith.constant 320 : index
      %parallel_loop3A_377 = tpu.vector_load %arg8[%parallel_loop3A_374, %parallel_loop3A_375, %parallel_loop3A_376] {strides = array<i32>} : memref<3x32x768xf32, #tpu.memory_space<vmem>>, vector<1x1x16xf32>,
      %parallel_loop3A_378 = vector.shape_cast %parallel_loop3A_377 : vector<1x1x16xf32> to vector<16xf32>
      %parallel_loop3A_379 = vector.shape_cast %parallel_loop3A_372 : vector<16xf32> to vector<1x1x16xf32>
      tpu.vector_store %arg8[%parallel_loop3A_374, %parallel_loop3A_375, %parallel_loop3A_376], %parallel_loop3A_379 {add = true, strides = array<i32>} : memref<3x32x768xf32, #tpu.memory_space<vmem>>, vector<1x1x16xf32>,
      %parallel_loop3A_380 = arith.constant 336 : i32
      %parallel_loop3A_381 = arith.addi %parallel_loop3A_127, %parallel_loop3A_380 : i32
      %parallel_loop3A_382 = arith.index_cast %parallel_loop3A_381 : i32 to index
      %parallel_loop3A_383 = tpu.vector_load %arg7[%parallel_loop3A_382] {strides = array<i32>} : memref<49152xf32, #tpu.memory_space<vmem>>, vector<16xf32>,
      %parallel_loop3A_384 = vector.shape_cast %parallel_loop3A_383 : vector<16xf32> to vector<16xf32>
      %parallel_loop3A_385 = arith.constant 0 : i32
      %parallel_loop3A_386 = arith.index_cast %parallel_loop3A_385 : i32 to index
      %parallel_loop3A_387 = arith.index_cast %parallel_loop3A_123 : i32 to index
      %parallel_loop3A_388 = arith.constant 336 : index
      %parallel_loop3A_389 = tpu.vector_load %arg8[%parallel_loop3A_386, %parallel_loop3A_387, %parallel_loop3A_388] {strides = array<i32>} : memref<3x32x768xf32, #tpu.memory_space<vmem>>, vector<1x1x16xf32>,
      %parallel_loop3A_390 = vector.shape_cast %parallel_loop3A_389 : vector<1x1x16xf32> to vector<16xf32>
      %parallel_loop3A_391 = vector.shape_cast %parallel_loop3A_384 : vector<16xf32> to vector<1x1x16xf32>
      tpu.vector_store %arg8[%parallel_loop3A_386, %parallel_loop3A_387, %parallel_loop3A_388], %parallel_loop3A_391 {add = true, strides = array<i32>} : memref<3x32x768xf32, #tpu.memory_space<vmem>>, vector<1x1x16xf32>,
      %parallel_loop3A_392 = arith.constant 352 : i32
      %parallel_loop3A_393 = arith.addi %parallel_loop3A_127, %parallel_loop3A_392 : i32
      %parallel_loop3A_394 = arith.index_cast %parallel_loop3A_393 : i32 to index
      %parallel_loop3A_395 = tpu.vector_load %arg7[%parallel_loop3A_394] {strides = array<i32>} : memref<49152xf32, #tpu.memory_space<vmem>>, vector<16xf32>,
      %parallel_loop3A_396 = vector.shape_cast %parallel_loop3A_395 : vector<16xf32> to vector<16xf32>
      %parallel_loop3A_397 = arith.constant 0 : i32
      %parallel_loop3A_398 = arith.index_cast %parallel_loop3A_397 : i32 to index
      %parallel_loop3A_399 = arith.index_cast %parallel_loop3A_123 : i32 to index
      %parallel_loop3A_400 = arith.constant 352 : index
      %parallel_loop3A_401 = tpu.vector_load %arg8[%parallel_loop3A_398, %parallel_loop3A_399, %parallel_loop3A_400] {strides = array<i32>} : memref<3x32x768xf32, #tpu.memory_space<vmem>>, vector<1x1x16xf32>,
      %parallel_loop3A_402 = vector.shape_cast %parallel_loop3A_401 : vector<1x1x16xf32> to vector<16xf32>
      %parallel_loop3A_403 = vector.shape_cast %parallel_loop3A_396 : vector<16xf32> to vector<1x1x16xf32>
      tpu.vector_store %arg8[%parallel_loop3A_398, %parallel_loop3A_399, %parallel_loop3A_400], %parallel_loop3A_403 {add = true, strides = array<i32>} : memref<3x32x768xf32, #tpu.memory_space<vmem>>, vector<1x1x16xf32>,
      %parallel_loop3A_404 = arith.constant 368 : i32
      %parallel_loop3A_405 = arith.addi %parallel_loop3A_127, %parallel_loop3A_404 : i32
      %parallel_loop3A_406 = arith.index_cast %parallel_loop3A_405 : i32 to index
      %parallel_loop3A_407 = tpu.vector_load %arg7[%parallel_loop3A_406] {strides = array<i32>} : memref<49152xf32, #tpu.memory_space<vmem>>, vector<16xf32>,
      %parallel_loop3A_408 = vector.shape_cast %parallel_loop3A_407 : vector<16xf32> to vector<16xf32>
      %parallel_loop3A_409 = arith.constant 0 : i32
      %parallel_loop3A_410 = arith.index_cast %parallel_loop3A_409 : i32 to index
      %parallel_loop3A_411 = arith.index_cast %parallel_loop3A_123 : i32 to index
      %parallel_loop3A_412 = arith.constant 368 : index
      %parallel_loop3A_413 = tpu.vector_load %arg8[%parallel_loop3A_410, %parallel_loop3A_411, %parallel_loop3A_412] {strides = array<i32>} : memref<3x32x768xf32, #tpu.memory_space<vmem>>, vector<1x1x16xf32>,
      %parallel_loop3A_414 = vector.shape_cast %parallel_loop3A_413 : vector<1x1x16xf32> to vector<16xf32>
      %parallel_loop3A_415 = vector.shape_cast %parallel_loop3A_408 : vector<16xf32> to vector<1x1x16xf32>
      tpu.vector_store %arg8[%parallel_loop3A_410, %parallel_loop3A_411, %parallel_loop3A_412], %parallel_loop3A_415 {add = true, strides = array<i32>} : memref<3x32x768xf32, #tpu.memory_space<vmem>>, vector<1x1x16xf32>,
      %parallel_loop3A_416 = arith.constant 384 : i32
      %parallel_loop3A_417 = arith.addi %parallel_loop3A_127, %parallel_loop3A_416 : i32
      %parallel_loop3A_418 = arith.index_cast %parallel_loop3A_417 : i32 to index
      %parallel_loop3A_419 = tpu.vector_load %arg7[%parallel_loop3A_418] {strides = array<i32>} : memref<49152xf32, #tpu.memory_space<vmem>>, vector<16xf32>,
      %parallel_loop3A_420 = vector.shape_cast %parallel_loop3A_419 : vector<16xf32> to vector<16xf32>
      %parallel_loop3A_421 = arith.constant 0 : i32
      %parallel_loop3A_422 = arith.index_cast %parallel_loop3A_421 : i32 to index
      %parallel_loop3A_423 = arith.index_cast %parallel_loop3A_123 : i32 to index
      %parallel_loop3A_424 = arith.constant 384 : index
      %parallel_loop3A_425 = tpu.vector_load %arg8[%parallel_loop3A_422, %parallel_loop3A_423, %parallel_loop3A_424] {strides = array<i32>} : memref<3x32x768xf32, #tpu.memory_space<vmem>>, vector<1x1x16xf32>,
      %parallel_loop3A_426 = vector.shape_cast %parallel_loop3A_425 : vector<1x1x16xf32> to vector<16xf32>
      %parallel_loop3A_427 = vector.shape_cast %parallel_loop3A_420 : vector<16xf32> to vector<1x1x16xf32>
      tpu.vector_store %arg8[%parallel_loop3A_422, %parallel_loop3A_423, %parallel_loop3A_424], %parallel_loop3A_427 {add = true, strides = array<i32>} : memref<3x32x768xf32, #tpu.memory_space<vmem>>, vector<1x1x16xf32>,
      %parallel_loop3A_428 = arith.constant 400 : i32
      %parallel_loop3A_429 = arith.addi %parallel_loop3A_127, %parallel_loop3A_428 : i32
      %parallel_loop3A_430 = arith.index_cast %parallel_loop3A_429 : i32 to index
      %parallel_loop3A_431 = tpu.vector_load %arg7[%parallel_loop3A_430] {strides = array<i32>} : memref<49152xf32, #tpu.memory_space<vmem>>, vector<16xf32>,
      %parallel_loop3A_432 = vector.shape_cast %parallel_loop3A_431 : vector<16xf32> to vector<16xf32>
      %parallel_loop3A_433 = arith.constant 0 : i32
      %parallel_loop3A_434 = arith.index_cast %parallel_loop3A_433 : i32 to index
      %parallel_loop3A_435 = arith.index_cast %parallel_loop3A_123 : i32 to index
      %parallel_loop3A_436 = arith.constant 400 : index
      %parallel_loop3A_437 = tpu.vector_load %arg8[%parallel_loop3A_434, %parallel_loop3A_435, %parallel_loop3A_436] {strides = array<i32>} : memref<3x32x768xf32, #tpu.memory_space<vmem>>, vector<1x1x16xf32>,
      %parallel_loop3A_438 = vector.shape_cast %parallel_loop3A_437 : vector<1x1x16xf32> to vector<16xf32>
      %parallel_loop3A_439 = vector.shape_cast %parallel_loop3A_432 : vector<16xf32> to vector<1x1x16xf32>
      tpu.vector_store %arg8[%parallel_loop3A_434, %parallel_loop3A_435, %parallel_loop3A_436], %parallel_loop3A_439 {add = true, strides = array<i32>} : memref<3x32x768xf32, #tpu.memory_space<vmem>>, vector<1x1x16xf32>,
      %parallel_loop3A_440 = arith.constant 416 : i32
      %parallel_loop3A_441 = arith.addi %parallel_loop3A_127, %parallel_loop3A_440 : i32
      %parallel_loop3A_442 = arith.index_cast %parallel_loop3A_441 : i32 to index
      %parallel_loop3A_443 = tpu.vector_load %arg7[%parallel_loop3A_442] {strides = array<i32>} : memref<49152xf32, #tpu.memory_space<vmem>>, vector<16xf32>,
      %parallel_loop3A_444 = vector.shape_cast %parallel_loop3A_443 : vector<16xf32> to vector<16xf32>
      %parallel_loop3A_445 = arith.constant 0 : i32
      %parallel_loop3A_446 = arith.index_cast %parallel_loop3A_445 : i32 to index
      %parallel_loop3A_447 = arith.index_cast %parallel_loop3A_123 : i32 to index
      %parallel_loop3A_448 = arith.constant 416 : index
      %parallel_loop3A_449 = tpu.vector_load %arg8[%parallel_loop3A_446, %parallel_loop3A_447, %parallel_loop3A_448] {strides = array<i32>} : memref<3x32x768xf32, #tpu.memory_space<vmem>>, vector<1x1x16xf32>,
      %parallel_loop3A_450 = vector.shape_cast %parallel_loop3A_449 : vector<1x1x16xf32> to vector<16xf32>
      %parallel_loop3A_451 = vector.shape_cast %parallel_loop3A_444 : vector<16xf32> to vector<1x1x16xf32>
      tpu.vector_store %arg8[%parallel_loop3A_446, %parallel_loop3A_447, %parallel_loop3A_448], %parallel_loop3A_451 {add = true, strides = array<i32>} : memref<3x32x768xf32, #tpu.memory_space<vmem>>, vector<1x1x16xf32>,
      %parallel_loop3A_452 = arith.constant 432 : i32
      %parallel_loop3A_453 = arith.addi %parallel_loop3A_127, %parallel_loop3A_452 : i32
      %parallel_loop3A_454 = arith.index_cast %parallel_loop3A_453 : i32 to index
      %parallel_loop3A_455 = tpu.vector_load %arg7[%parallel_loop3A_454] {strides = array<i32>} : memref<49152xf32, #tpu.memory_space<vmem>>, vector<16xf32>,
      %parallel_loop3A_456 = vector.shape_cast %parallel_loop3A_455 : vector<16xf32> to vector<16xf32>
      %parallel_loop3A_457 = arith.constant 0 : i32
      %parallel_loop3A_458 = arith.index_cast %parallel_loop3A_457 : i32 to index
      %parallel_loop3A_459 = arith.index_cast %parallel_loop3A_123 : i32 to index
      %parallel_loop3A_460 = arith.constant 432 : index
      %parallel_loop3A_461 = tpu.vector_load %arg8[%parallel_loop3A_458, %parallel_loop3A_459, %parallel_loop3A_460] {strides = array<i32>} : memref<3x32x768xf32, #tpu.memory_space<vmem>>, vector<1x1x16xf32>,
      %parallel_loop3A_462 = vector.shape_cast %parallel_loop3A_461 : vector<1x1x16xf32> to vector<16xf32>
      %parallel_loop3A_463 = vector.shape_cast %parallel_loop3A_456 : vector<16xf32> to vector<1x1x16xf32>
      tpu.vector_store %arg8[%parallel_loop3A_458, %parallel_loop3A_459, %parallel_loop3A_460], %parallel_loop3A_463 {add = true, strides = array<i32>} : memref<3x32x768xf32, #tpu.memory_space<vmem>>, vector<1x1x16xf32>,
      %parallel_loop3A_464 = arith.constant 448 : i32
      %parallel_loop3A_465 = arith.addi %parallel_loop3A_127, %parallel_loop3A_464 : i32
      %parallel_loop3A_466 = arith.index_cast %parallel_loop3A_465 : i32 to index
      %parallel_loop3A_467 = tpu.vector_load %arg7[%parallel_loop3A_466] {strides = array<i32>} : memref<49152xf32, #tpu.memory_space<vmem>>, vector<16xf32>,
      %parallel_loop3A_468 = vector.shape_cast %parallel_loop3A_467 : vector<16xf32> to vector<16xf32>
      %parallel_loop3A_469 = arith.constant 0 : i32
      %parallel_loop3A_470 = arith.index_cast %parallel_loop3A_469 : i32 to index
      %parallel_loop3A_471 = arith.index_cast %parallel_loop3A_123 : i32 to index
      %parallel_loop3A_472 = arith.constant 448 : index
      %parallel_loop3A_473 = tpu.vector_load %arg8[%parallel_loop3A_470, %parallel_loop3A_471, %parallel_loop3A_472] {strides = array<i32>} : memref<3x32x768xf32, #tpu.memory_space<vmem>>, vector<1x1x16xf32>,
      %parallel_loop3A_474 = vector.shape_cast %parallel_loop3A_473 : vector<1x1x16xf32> to vector<16xf32>
      %parallel_loop3A_475 = vector.shape_cast %parallel_loop3A_468 : vector<16xf32> to vector<1x1x16xf32>
      tpu.vector_store %arg8[%parallel_loop3A_470, %parallel_loop3A_471, %parallel_loop3A_472], %parallel_loop3A_475 {add = true, strides = array<i32>} : memref<3x32x768xf32, #tpu.memory_space<vmem>>, vector<1x1x16xf32>,
      %parallel_loop3A_476 = arith.constant 464 : i32
      %parallel_loop3A_477 = arith.addi %parallel_loop3A_127, %parallel_loop3A_476 : i32
      %parallel_loop3A_478 = arith.index_cast %parallel_loop3A_477 : i32 to index
      %parallel_loop3A_479 = tpu.vector_load %arg7[%parallel_loop3A_478] {strides = array<i32>} : memref<49152xf32, #tpu.memory_space<vmem>>, vector<16xf32>,
      %parallel_loop3A_480 = vector.shape_cast %parallel_loop3A_479 : vector<16xf32> to vector<16xf32>
      %parallel_loop3A_481 = arith.constant 0 : i32
      %parallel_loop3A_482 = arith.index_cast %parallel_loop3A_481 : i32 to index
      %parallel_loop3A_483 = arith.index_cast %parallel_loop3A_123 : i32 to index
      %parallel_loop3A_484 = arith.constant 464 : index
      %parallel_loop3A_485 = tpu.vector_load %arg8[%parallel_loop3A_482, %parallel_loop3A_483, %parallel_loop3A_484] {strides = array<i32>} : memref<3x32x768xf32, #tpu.memory_space<vmem>>, vector<1x1x16xf32>,
      %parallel_loop3A_486 = vector.shape_cast %parallel_loop3A_485 : vector<1x1x16xf32> to vector<16xf32>
      %parallel_loop3A_487 = vector.shape_cast %parallel_loop3A_480 : vector<16xf32> to vector<1x1x16xf32>
      tpu.vector_store %arg8[%parallel_loop3A_482, %parallel_loop3A_483, %parallel_loop3A_484], %parallel_loop3A_487 {add = true, strides = array<i32>} : memref<3x32x768xf32, #tpu.memory_space<vmem>>, vector<1x1x16xf32>,
      %parallel_loop3A_488 = arith.constant 480 : i32
      %parallel_loop3A_489 = arith.addi %parallel_loop3A_127, %parallel_loop3A_488 : i32
      %parallel_loop3A_490 = arith.index_cast %parallel_loop3A_489 : i32 to index
      %parallel_loop3A_491 = tpu.vector_load %arg7[%parallel_loop3A_490] {strides = array<i32>} : memref<49152xf32, #tpu.memory_space<vmem>>, vector<16xf32>,
      %parallel_loop3A_492 = vector.shape_cast %parallel_loop3A_491 : vector<16xf32> to vector<16xf32>
      %parallel_loop3A_493 = arith.constant 0 : i32
      %parallel_loop3A_494 = arith.index_cast %parallel_loop3A_493 : i32 to index
      %parallel_loop3A_495 = arith.index_cast %parallel_loop3A_123 : i32 to index
      %parallel_loop3A_496 = arith.constant 480 : index
      %parallel_loop3A_497 = tpu.vector_load %arg8[%parallel_loop3A_494, %parallel_loop3A_495, %parallel_loop3A_496] {strides = array<i32>} : memref<3x32x768xf32, #tpu.memory_space<vmem>>, vector<1x1x16xf32>,
      %parallel_loop3A_498 = vector.shape_cast %parallel_loop3A_497 : vector<1x1x16xf32> to vector<16xf32>
      %parallel_loop3A_499 = vector.shape_cast %parallel_loop3A_492 : vector<16xf32> to vector<1x1x16xf32>
      tpu.vector_store %arg8[%parallel_loop3A_494, %parallel_loop3A_495, %parallel_loop3A_496], %parallel_loop3A_499 {add = true, strides = array<i32>} : memref<3x32x768xf32, #tpu.memory_space<vmem>>, vector<1x1x16xf32>,
      %parallel_loop3A_500 = arith.constant 496 : i32
      %parallel_loop3A_501 = arith.addi %parallel_loop3A_127, %parallel_loop3A_500 : i32
      %parallel_loop3A_502 = arith.index_cast %parallel_loop3A_501 : i32 to index
      %parallel_loop3A_503 = tpu.vector_load %arg7[%parallel_loop3A_502] {strides = array<i32>} : memref<49152xf32, #tpu.memory_space<vmem>>, vector<16xf32>,
      %parallel_loop3A_504 = vector.shape_cast %parallel_loop3A_503 : vector<16xf32> to vector<16xf32>
      %parallel_loop3A_505 = arith.constant 0 : i32
      %parallel_loop3A_506 = arith.index_cast %parallel_loop3A_505 : i32 to index
      %parallel_loop3A_507 = arith.index_cast %parallel_loop3A_123 : i32 to index
      %parallel_loop3A_508 = arith.constant 496 : index
      %parallel_loop3A_509 = tpu.vector_load %arg8[%parallel_loop3A_506, %parallel_loop3A_507, %parallel_loop3A_508] {strides = array<i32>} : memref<3x32x768xf32, #tpu.memory_space<vmem>>, vector<1x1x16xf32>,
      %parallel_loop3A_510 = vector.shape_cast %parallel_loop3A_509 : vector<1x1x16xf32> to vector<16xf32>
      %parallel_loop3A_511 = vector.shape_cast %parallel_loop3A_504 : vector<16xf32> to vector<1x1x16xf32>
      tpu.vector_store %arg8[%parallel_loop3A_506, %parallel_loop3A_507, %parallel_loop3A_508], %parallel_loop3A_511 {add = true, strides = array<i32>} : memref<3x32x768xf32, #tpu.memory_space<vmem>>, vector<1x1x16xf32>,
      %parallel_loop3A_512 = arith.constant 512 : i32
      %parallel_loop3A_513 = arith.addi %parallel_loop3A_127, %parallel_loop3A_512 : i32
      %parallel_loop3A_514 = arith.index_cast %parallel_loop3A_513 : i32 to index
      %parallel_loop3A_515 = tpu.vector_load %arg7[%parallel_loop3A_514] {strides = array<i32>} : memref<49152xf32, #tpu.memory_space<vmem>>, vector<16xf32>,
      %parallel_loop3A_516 = vector.shape_cast %parallel_loop3A_515 : vector<16xf32> to vector<16xf32>
      %parallel_loop3A_517 = arith.constant 0 : i32
      %parallel_loop3A_518 = arith.index_cast %parallel_loop3A_517 : i32 to index
      %parallel_loop3A_519 = arith.index_cast %parallel_loop3A_123 : i32 to index
      %parallel_loop3A_520 = arith.constant 512 : index
      %parallel_loop3A_521 = tpu.vector_load %arg8[%parallel_loop3A_518, %parallel_loop3A_519, %parallel_loop3A_520] {strides = array<i32>} : memref<3x32x768xf32, #tpu.memory_space<vmem>>, vector<1x1x16xf32>,
      %parallel_loop3A_522 = vector.shape_cast %parallel_loop3A_521 : vector<1x1x16xf32> to vector<16xf32>
      %parallel_loop3A_523 = vector.shape_cast %parallel_loop3A_516 : vector<16xf32> to vector<1x1x16xf32>
      tpu.vector_store %arg8[%parallel_loop3A_518, %parallel_loop3A_519, %parallel_loop3A_520], %parallel_loop3A_523 {add = true, strides = array<i32>} : memref<3x32x768xf32, #tpu.memory_space<vmem>>, vector<1x1x16xf32>,
      %parallel_loop3A_524 = arith.constant 528 : i32
      %parallel_loop3A_525 = arith.addi %parallel_loop3A_127, %parallel_loop3A_524 : i32
      %parallel_loop3A_526 = arith.index_cast %parallel_loop3A_525 : i32 to index
      %parallel_loop3A_527 = tpu.vector_load %arg7[%parallel_loop3A_526] {strides = array<i32>} : memref<49152xf32, #tpu.memory_space<vmem>>, vector<16xf32>,
      %parallel_loop3A_528 = vector.shape_cast %parallel_loop3A_527 : vector<16xf32> to vector<16xf32>
      %parallel_loop3A_529 = arith.constant 0 : i32
      %parallel_loop3A_530 = arith.index_cast %parallel_loop3A_529 : i32 to index
      %parallel_loop3A_531 = arith.index_cast %parallel_loop3A_123 : i32 to index
      %parallel_loop3A_532 = arith.constant 528 : index
      %parallel_loop3A_533 = tpu.vector_load %arg8[%parallel_loop3A_530, %parallel_loop3A_531, %parallel_loop3A_532] {strides = array<i32>} : memref<3x32x768xf32, #tpu.memory_space<vmem>>, vector<1x1x16xf32>,
      %parallel_loop3A_534 = vector.shape_cast %parallel_loop3A_533 : vector<1x1x16xf32> to vector<16xf32>
      %parallel_loop3A_535 = vector.shape_cast %parallel_loop3A_528 : vector<16xf32> to vector<1x1x16xf32>
      tpu.vector_store %arg8[%parallel_loop3A_530, %parallel_loop3A_531, %parallel_loop3A_532], %parallel_loop3A_535 {add = true, strides = array<i32>} : memref<3x32x768xf32, #tpu.memory_space<vmem>>, vector<1x1x16xf32>,
      %parallel_loop3A_536 = arith.constant 544 : i32
      %parallel_loop3A_537 = arith.addi %parallel_loop3A_127, %parallel_loop3A_536 : i32
      %parallel_loop3A_538 = arith.index_cast %parallel_loop3A_537 : i32 to index
      %parallel_loop3A_539 = tpu.vector_load %arg7[%parallel_loop3A_538] {strides = array<i32>} : memref<49152xf32, #tpu.memory_space<vmem>>, vector<16xf32>,
      %parallel_loop3A_540 = vector.shape_cast %parallel_loop3A_539 : vector<16xf32> to vector<16xf32>
      %parallel_loop3A_541 = arith.constant 0 : i32
      %parallel_loop3A_542 = arith.index_cast %parallel_loop3A_541 : i32 to index
      %parallel_loop3A_543 = arith.index_cast %parallel_loop3A_123 : i32 to index
      %parallel_loop3A_544 = arith.constant 544 : index
      %parallel_loop3A_545 = tpu.vector_load %arg8[%parallel_loop3A_542, %parallel_loop3A_543, %parallel_loop3A_544] {strides = array<i32>} : memref<3x32x768xf32, #tpu.memory_space<vmem>>, vector<1x1x16xf32>,
      %parallel_loop3A_546 = vector.shape_cast %parallel_loop3A_545 : vector<1x1x16xf32> to vector<16xf32>
      %parallel_loop3A_547 = vector.shape_cast %parallel_loop3A_540 : vector<16xf32> to vector<1x1x16xf32>
      tpu.vector_store %arg8[%parallel_loop3A_542, %parallel_loop3A_543, %parallel_loop3A_544], %parallel_loop3A_547 {add = true, strides = array<i32>} : memref<3x32x768xf32, #tpu.memory_space<vmem>>, vector<1x1x16xf32>,
      %parallel_loop3A_548 = arith.constant 560 : i32
      %parallel_loop3A_549 = arith.addi %parallel_loop3A_127, %parallel_loop3A_548 : i32
      %parallel_loop3A_550 = arith.index_cast %parallel_loop3A_549 : i32 to index
      %parallel_loop3A_551 = tpu.vector_load %arg7[%parallel_loop3A_550] {strides = array<i32>} : memref<49152xf32, #tpu.memory_space<vmem>>, vector<16xf32>,
      %parallel_loop3A_552 = vector.shape_cast %parallel_loop3A_551 : vector<16xf32> to vector<16xf32>
      %parallel_loop3A_553 = arith.constant 0 : i32
      %parallel_loop3A_554 = arith.index_cast %parallel_loop3A_553 : i32 to index
      %parallel_loop3A_555 = arith.index_cast %parallel_loop3A_123 : i32 to index
      %parallel_loop3A_556 = arith.constant 560 : index
      %parallel_loop3A_557 = tpu.vector_load %arg8[%parallel_loop3A_554, %parallel_loop3A_555, %parallel_loop3A_556] {strides = array<i32>} : memref<3x32x768xf32, #tpu.memory_space<vmem>>, vector<1x1x16xf32>,
      %parallel_loop3A_558 = vector.shape_cast %parallel_loop3A_557 : vector<1x1x16xf32> to vector<16xf32>
      %parallel_loop3A_559 = vector.shape_cast %parallel_loop3A_552 : vector<16xf32> to vector<1x1x16xf32>
      tpu.vector_store %arg8[%parallel_loop3A_554, %parallel_loop3A_555, %parallel_loop3A_556], %parallel_loop3A_559 {add = true, strides = array<i32>} : memref<3x32x768xf32, #tpu.memory_space<vmem>>, vector<1x1x16xf32>,
      %parallel_loop3A_560 = arith.constant 576 : i32
      %parallel_loop3A_561 = arith.addi %parallel_loop3A_127, %parallel_loop3A_560 : i32
      %parallel_loop3A_562 = arith.index_cast %parallel_loop3A_561 : i32 to index
      %parallel_loop3A_563 = tpu.vector_load %arg7[%parallel_loop3A_562] {strides = array<i32>} : memref<49152xf32, #tpu.memory_space<vmem>>, vector<16xf32>,
      %parallel_loop3A_564 = vector.shape_cast %parallel_loop3A_563 : vector<16xf32> to vector<16xf32>
      %parallel_loop3A_565 = arith.constant 0 : i32
      %parallel_loop3A_566 = arith.index_cast %parallel_loop3A_565 : i32 to index
      %parallel_loop3A_567 = arith.index_cast %parallel_loop3A_123 : i32 to index
      %parallel_loop3A_568 = arith.constant 576 : index
      %parallel_loop3A_569 = tpu.vector_load %arg8[%parallel_loop3A_566, %parallel_loop3A_567, %parallel_loop3A_568] {strides = array<i32>} : memref<3x32x768xf32, #tpu.memory_space<vmem>>, vector<1x1x16xf32>,
      %parallel_loop3A_570 = vector.shape_cast %parallel_loop3A_569 : vector<1x1x16xf32> to vector<16xf32>
      %parallel_loop3A_571 = vector.shape_cast %parallel_loop3A_564 : vector<16xf32> to vector<1x1x16xf32>
      tpu.vector_store %arg8[%parallel_loop3A_566, %parallel_loop3A_567, %parallel_loop3A_568], %parallel_loop3A_571 {add = true, strides = array<i32>} : memref<3x32x768xf32, #tpu.memory_space<vmem>>, vector<1x1x16xf32>,
      %parallel_loop3A_572 = arith.constant 592 : i32
      %parallel_loop3A_573 = arith.addi %parallel_loop3A_127, %parallel_loop3A_572 : i32
      %parallel_loop3A_574 = arith.index_cast %parallel_loop3A_573 : i32 to index
      %parallel_loop3A_575 = tpu.vector_load %arg7[%parallel_loop3A_574] {strides = array<i32>} : memref<49152xf32, #tpu.memory_space<vmem>>, vector<16xf32>,
      %parallel_loop3A_576 = vector.shape_cast %parallel_loop3A_575 : vector<16xf32> to vector<16xf32>
      %parallel_loop3A_577 = arith.constant 0 : i32
      %parallel_loop3A_578 = arith.index_cast %parallel_loop3A_577 : i32 to index
      %parallel_loop3A_579 = arith.index_cast %parallel_loop3A_123 : i32 to index
      %parallel_loop3A_580 = arith.constant 592 : index
      %parallel_loop3A_581 = tpu.vector_load %arg8[%parallel_loop3A_578, %parallel_loop3A_579, %parallel_loop3A_580] {strides = array<i32>} : memref<3x32x768xf32, #tpu.memory_space<vmem>>, vector<1x1x16xf32>,
      %parallel_loop3A_582 = vector.shape_cast %parallel_loop3A_581 : vector<1x1x16xf32> to vector<16xf32>
      %parallel_loop3A_583 = vector.shape_cast %parallel_loop3A_576 : vector<16xf32> to vector<1x1x16xf32>
      tpu.vector_store %arg8[%parallel_loop3A_578, %parallel_loop3A_579, %parallel_loop3A_580], %parallel_loop3A_583 {add = true, strides = array<i32>} : memref<3x32x768xf32, #tpu.memory_space<vmem>>, vector<1x1x16xf32>,
      %parallel_loop3A_584 = arith.constant 608 : i32
      %parallel_loop3A_585 = arith.addi %parallel_loop3A_127, %parallel_loop3A_584 : i32
      %parallel_loop3A_586 = arith.index_cast %parallel_loop3A_585 : i32 to index
      %parallel_loop3A_587 = tpu.vector_load %arg7[%parallel_loop3A_586] {strides = array<i32>} : memref<49152xf32, #tpu.memory_space<vmem>>, vector<16xf32>,
      %parallel_loop3A_588 = vector.shape_cast %parallel_loop3A_587 : vector<16xf32> to vector<16xf32>
      %parallel_loop3A_589 = arith.constant 0 : i32
      %parallel_loop3A_590 = arith.index_cast %parallel_loop3A_589 : i32 to index
      %parallel_loop3A_591 = arith.index_cast %parallel_loop3A_123 : i32 to index
      %parallel_loop3A_592 = arith.constant 608 : index
      %parallel_loop3A_593 = tpu.vector_load %arg8[%parallel_loop3A_590, %parallel_loop3A_591, %parallel_loop3A_592] {strides = array<i32>} : memref<3x32x768xf32, #tpu.memory_space<vmem>>, vector<1x1x16xf32>,
      %parallel_loop3A_594 = vector.shape_cast %parallel_loop3A_593 : vector<1x1x16xf32> to vector<16xf32>
      %parallel_loop3A_595 = vector.shape_cast %parallel_loop3A_588 : vector<16xf32> to vector<1x1x16xf32>
      tpu.vector_store %arg8[%parallel_loop3A_590, %parallel_loop3A_591, %parallel_loop3A_592], %parallel_loop3A_595 {add = true, strides = array<i32>} : memref<3x32x768xf32, #tpu.memory_space<vmem>>, vector<1x1x16xf32>,
      %parallel_loop3A_596 = arith.constant 624 : i32
      %parallel_loop3A_597 = arith.addi %parallel_loop3A_127, %parallel_loop3A_596 : i32
      %parallel_loop3A_598 = arith.index_cast %parallel_loop3A_597 : i32 to index
      %parallel_loop3A_599 = tpu.vector_load %arg7[%parallel_loop3A_598] {strides = array<i32>} : memref<49152xf32, #tpu.memory_space<vmem>>, vector<16xf32>,
      %parallel_loop3A_600 = vector.shape_cast %parallel_loop3A_599 : vector<16xf32> to vector<16xf32>
      %parallel_loop3A_601 = arith.constant 0 : i32
      %parallel_loop3A_602 = arith.index_cast %parallel_loop3A_601 : i32 to index
      %parallel_loop3A_603 = arith.index_cast %parallel_loop3A_123 : i32 to index
      %parallel_loop3A_604 = arith.constant 624 : index
      %parallel_loop3A_605 = tpu.vector_load %arg8[%parallel_loop3A_602, %parallel_loop3A_603, %parallel_loop3A_604] {strides = array<i32>} : memref<3x32x768xf32, #tpu.memory_space<vmem>>, vector<1x1x16xf32>,
      %parallel_loop3A_606 = vector.shape_cast %parallel_loop3A_605 : vector<1x1x16xf32> to vector<16xf32>
      %parallel_loop3A_607 = vector.shape_cast %parallel_loop3A_600 : vector<16xf32> to vector<1x1x16xf32>
      tpu.vector_store %arg8[%parallel_loop3A_602, %parallel_loop3A_603, %parallel_loop3A_604], %parallel_loop3A_607 {add = true, strides = array<i32>} : memref<3x32x768xf32, #tpu.memory_space<vmem>>, vector<1x1x16xf32>,
      %parallel_loop3A_608 = arith.constant 640 : i32
      %parallel_loop3A_609 = arith.addi %parallel_loop3A_127, %parallel_loop3A_608 : i32
      %parallel_loop3A_610 = arith.index_cast %parallel_loop3A_609 : i32 to index
      %parallel_loop3A_611 = tpu.vector_load %arg7[%parallel_loop3A_610] {strides = array<i32>} : memref<49152xf32, #tpu.memory_space<vmem>>, vector<16xf32>,
      %parallel_loop3A_612 = vector.shape_cast %parallel_loop3A_611 : vector<16xf32> to vector<16xf32>
      %parallel_loop3A_613 = arith.constant 0 : i32
      %parallel_loop3A_614 = arith.index_cast %parallel_loop3A_613 : i32 to index
      %parallel_loop3A_615 = arith.index_cast %parallel_loop3A_123 : i32 to index
      %parallel_loop3A_616 = arith.constant 640 : index
      %parallel_loop3A_617 = tpu.vector_load %arg8[%parallel_loop3A_614, %parallel_loop3A_615, %parallel_loop3A_616] {strides = array<i32>} : memref<3x32x768xf32, #tpu.memory_space<vmem>>, vector<1x1x16xf32>,
      %parallel_loop3A_618 = vector.shape_cast %parallel_loop3A_617 : vector<1x1x16xf32> to vector<16xf32>
      %parallel_loop3A_619 = vector.shape_cast %parallel_loop3A_612 : vector<16xf32> to vector<1x1x16xf32>
      tpu.vector_store %arg8[%parallel_loop3A_614, %parallel_loop3A_615, %parallel_loop3A_616], %parallel_loop3A_619 {add = true, strides = array<i32>} : memref<3x32x768xf32, #tpu.memory_space<vmem>>, vector<1x1x16xf32>,
      %parallel_loop3A_620 = arith.constant 656 : i32
      %parallel_loop3A_621 = arith.addi %parallel_loop3A_127, %parallel_loop3A_620 : i32
      %parallel_loop3A_622 = arith.index_cast %parallel_loop3A_621 : i32 to index
      %parallel_loop3A_623 = tpu.vector_load %arg7[%parallel_loop3A_622] {strides = array<i32>} : memref<49152xf32, #tpu.memory_space<vmem>>, vector<16xf32>,
      %parallel_loop3A_624 = vector.shape_cast %parallel_loop3A_623 : vector<16xf32> to vector<16xf32>
      %parallel_loop3A_625 = arith.constant 0 : i32
      %parallel_loop3A_626 = arith.index_cast %parallel_loop3A_625 : i32 to index
      %parallel_loop3A_627 = arith.index_cast %parallel_loop3A_123 : i32 to index
      %parallel_loop3A_628 = arith.constant 656 : index
      %parallel_loop3A_629 = tpu.vector_load %arg8[%parallel_loop3A_626, %parallel_loop3A_627, %parallel_loop3A_628] {strides = array<i32>} : memref<3x32x768xf32, #tpu.memory_space<vmem>>, vector<1x1x16xf32>,
      %parallel_loop3A_630 = vector.shape_cast %parallel_loop3A_629 : vector<1x1x16xf32> to vector<16xf32>
      %parallel_loop3A_631 = vector.shape_cast %parallel_loop3A_624 : vector<16xf32> to vector<1x1x16xf32>
      tpu.vector_store %arg8[%parallel_loop3A_626, %parallel_loop3A_627, %parallel_loop3A_628], %parallel_loop3A_631 {add = true, strides = array<i32>} : memref<3x32x768xf32, #tpu.memory_space<vmem>>, vector<1x1x16xf32>,
      %parallel_loop3A_632 = arith.constant 672 : i32
      %parallel_loop3A_633 = arith.addi %parallel_loop3A_127, %parallel_loop3A_632 : i32
      %parallel_loop3A_634 = arith.index_cast %parallel_loop3A_633 : i32 to index
      %parallel_loop3A_635 = tpu.vector_load %arg7[%parallel_loop3A_634] {strides = array<i32>} : memref<49152xf32, #tpu.memory_space<vmem>>, vector<16xf32>,
      %parallel_loop3A_636 = vector.shape_cast %parallel_loop3A_635 : vector<16xf32> to vector<16xf32>
      %parallel_loop3A_637 = arith.constant 0 : i32
      %parallel_loop3A_638 = arith.index_cast %parallel_loop3A_637 : i32 to index
      %parallel_loop3A_639 = arith.index_cast %parallel_loop3A_123 : i32 to index
      %parallel_loop3A_640 = arith.constant 672 : index
      %parallel_loop3A_641 = tpu.vector_load %arg8[%parallel_loop3A_638, %parallel_loop3A_639, %parallel_loop3A_640] {strides = array<i32>} : memref<3x32x768xf32, #tpu.memory_space<vmem>>, vector<1x1x16xf32>,
      %parallel_loop3A_642 = vector.shape_cast %parallel_loop3A_641 : vector<1x1x16xf32> to vector<16xf32>
      %parallel_loop3A_643 = vector.shape_cast %parallel_loop3A_636 : vector<16xf32> to vector<1x1x16xf32>
      tpu.vector_store %arg8[%parallel_loop3A_638, %parallel_loop3A_639, %parallel_loop3A_640], %parallel_loop3A_643 {add = true, strides = array<i32>} : memref<3x32x768xf32, #tpu.memory_space<vmem>>, vector<1x1x16xf32>,
      %parallel_loop3A_644 = arith.constant 688 : i32
      %parallel_loop3A_645 = arith.addi %parallel_loop3A_127, %parallel_loop3A_644 : i32
      %parallel_loop3A_646 = arith.index_cast %parallel_loop3A_645 : i32 to index
      %parallel_loop3A_647 = tpu.vector_load %arg7[%parallel_loop3A_646] {strides = array<i32>} : memref<49152xf32, #tpu.memory_space<vmem>>, vector<16xf32>,
      %parallel_loop3A_648 = vector.shape_cast %parallel_loop3A_647 : vector<16xf32> to vector<16xf32>
      %parallel_loop3A_649 = arith.constant 0 : i32
      %parallel_loop3A_650 = arith.index_cast %parallel_loop3A_649 : i32 to index
      %parallel_loop3A_651 = arith.index_cast %parallel_loop3A_123 : i32 to index
      %parallel_loop3A_652 = arith.constant 688 : index
      %parallel_loop3A_653 = tpu.vector_load %arg8[%parallel_loop3A_650, %parallel_loop3A_651, %parallel_loop3A_652] {strides = array<i32>} : memref<3x32x768xf32, #tpu.memory_space<vmem>>, vector<1x1x16xf32>,
      %parallel_loop3A_654 = vector.shape_cast %parallel_loop3A_653 : vector<1x1x16xf32> to vector<16xf32>
      %parallel_loop3A_655 = vector.shape_cast %parallel_loop3A_648 : vector<16xf32> to vector<1x1x16xf32>
      tpu.vector_store %arg8[%parallel_loop3A_650, %parallel_loop3A_651, %parallel_loop3A_652], %parallel_loop3A_655 {add = true, strides = array<i32>} : memref<3x32x768xf32, #tpu.memory_space<vmem>>, vector<1x1x16xf32>,
      %parallel_loop3A_656 = arith.constant 704 : i32
      %parallel_loop3A_657 = arith.addi %parallel_loop3A_127, %parallel_loop3A_656 : i32
      %parallel_loop3A_658 = arith.index_cast %parallel_loop3A_657 : i32 to index
      %parallel_loop3A_659 = tpu.vector_load %arg7[%parallel_loop3A_658] {strides = array<i32>} : memref<49152xf32, #tpu.memory_space<vmem>>, vector<16xf32>,
      %parallel_loop3A_660 = vector.shape_cast %parallel_loop3A_659 : vector<16xf32> to vector<16xf32>
      %parallel_loop3A_661 = arith.constant 0 : i32
      %parallel_loop3A_662 = arith.index_cast %parallel_loop3A_661 : i32 to index
      %parallel_loop3A_663 = arith.index_cast %parallel_loop3A_123 : i32 to index
      %parallel_loop3A_664 = arith.constant 704 : index
      %parallel_loop3A_665 = tpu.vector_load %arg8[%parallel_loop3A_662, %parallel_loop3A_663, %parallel_loop3A_664] {strides = array<i32>} : memref<3x32x768xf32, #tpu.memory_space<vmem>>, vector<1x1x16xf32>,
      %parallel_loop3A_666 = vector.shape_cast %parallel_loop3A_665 : vector<1x1x16xf32> to vector<16xf32>
      %parallel_loop3A_667 = vector.shape_cast %parallel_loop3A_660 : vector<16xf32> to vector<1x1x16xf32>
      tpu.vector_store %arg8[%parallel_loop3A_662, %parallel_loop3A_663, %parallel_loop3A_664], %parallel_loop3A_667 {add = true, strides = array<i32>} : memref<3x32x768xf32, #tpu.memory_space<vmem>>, vector<1x1x16xf32>,
      %parallel_loop3A_668 = arith.constant 720 : i32
      %parallel_loop3A_669 = arith.addi %parallel_loop3A_127, %parallel_loop3A_668 : i32
      %parallel_loop3A_670 = arith.index_cast %parallel_loop3A_669 : i32 to index
      %parallel_loop3A_671 = tpu.vector_load %arg7[%parallel_loop3A_670] {strides = array<i32>} : memref<49152xf32, #tpu.memory_space<vmem>>, vector<16xf32>,
      %parallel_loop3A_672 = vector.shape_cast %parallel_loop3A_671 : vector<16xf32> to vector<16xf32>
      %parallel_loop3A_673 = arith.constant 0 : i32
      %parallel_loop3A_674 = arith.index_cast %parallel_loop3A_673 : i32 to index
      %parallel_loop3A_675 = arith.index_cast %parallel_loop3A_123 : i32 to index
      %parallel_loop3A_676 = arith.constant 720 : index
      %parallel_loop3A_677 = tpu.vector_load %arg8[%parallel_loop3A_674, %parallel_loop3A_675, %parallel_loop3A_676] {strides = array<i32>} : memref<3x32x768xf32, #tpu.memory_space<vmem>>, vector<1x1x16xf32>,
      %parallel_loop3A_678 = vector.shape_cast %parallel_loop3A_677 : vector<1x1x16xf32> to vector<16xf32>
      %parallel_loop3A_679 = vector.shape_cast %parallel_loop3A_672 : vector<16xf32> to vector<1x1x16xf32>
      tpu.vector_store %arg8[%parallel_loop3A_674, %parallel_loop3A_675, %parallel_loop3A_676], %parallel_loop3A_679 {add = true, strides = array<i32>} : memref<3x32x768xf32, #tpu.memory_space<vmem>>, vector<1x1x16xf32>,
      %parallel_loop3A_680 = arith.constant 736 : i32
      %parallel_loop3A_681 = arith.addi %parallel_loop3A_127, %parallel_loop3A_680 : i32
      %parallel_loop3A_682 = arith.index_cast %parallel_loop3A_681 : i32 to index
      %parallel_loop3A_683 = tpu.vector_load %arg7[%parallel_loop3A_682] {strides = array<i32>} : memref<49152xf32, #tpu.memory_space<vmem>>, vector<16xf32>,
      %parallel_loop3A_684 = vector.shape_cast %parallel_loop3A_683 : vector<16xf32> to vector<16xf32>
      %parallel_loop3A_685 = arith.constant 0 : i32
      %parallel_loop3A_686 = arith.index_cast %parallel_loop3A_685 : i32 to index
      %parallel_loop3A_687 = arith.index_cast %parallel_loop3A_123 : i32 to index
      %parallel_loop3A_688 = arith.constant 736 : index
      %parallel_loop3A_689 = tpu.vector_load %arg8[%parallel_loop3A_686, %parallel_loop3A_687, %parallel_loop3A_688] {strides = array<i32>} : memref<3x32x768xf32, #tpu.memory_space<vmem>>, vector<1x1x16xf32>,
      %parallel_loop3A_690 = vector.shape_cast %parallel_loop3A_689 : vector<1x1x16xf32> to vector<16xf32>
      %parallel_loop3A_691 = vector.shape_cast %parallel_loop3A_684 : vector<16xf32> to vector<1x1x16xf32>
      tpu.vector_store %arg8[%parallel_loop3A_686, %parallel_loop3A_687, %parallel_loop3A_688], %parallel_loop3A_691 {add = true, strides = array<i32>} : memref<3x32x768xf32, #tpu.memory_space<vmem>>, vector<1x1x16xf32>,
      %parallel_loop3A_692 = arith.constant 752 : i32
      %parallel_loop3A_693 = arith.addi %parallel_loop3A_127, %parallel_loop3A_692 : i32
      %parallel_loop3A_694 = arith.index_cast %parallel_loop3A_693 : i32 to index
      %parallel_loop3A_695 = tpu.vector_load %arg7[%parallel_loop3A_694] {strides = array<i32>} : memref<49152xf32, #tpu.memory_space<vmem>>, vector<16xf32>,
      %parallel_loop3A_696 = vector.shape_cast %parallel_loop3A_695 : vector<16xf32> to vector<16xf32>
      %parallel_loop3A_697 = arith.constant 0 : i32
      %parallel_loop3A_698 = arith.index_cast %parallel_loop3A_697 : i32 to index
      %parallel_loop3A_699 = arith.index_cast %parallel_loop3A_123 : i32 to index
      %parallel_loop3A_700 = arith.constant 752 : index
      %parallel_loop3A_701 = tpu.vector_load %arg8[%parallel_loop3A_698, %parallel_loop3A_699, %parallel_loop3A_700] {strides = array<i32>} : memref<3x32x768xf32, #tpu.memory_space<vmem>>, vector<1x1x16xf32>,
      %parallel_loop3A_702 = vector.shape_cast %parallel_loop3A_701 : vector<1x1x16xf32> to vector<16xf32>
      %parallel_loop3A_703 = vector.shape_cast %parallel_loop3A_696 : vector<16xf32> to vector<1x1x16xf32>
      tpu.vector_store %arg8[%parallel_loop3A_698, %parallel_loop3A_699, %parallel_loop3A_700], %parallel_loop3A_703 {add = true, strides = array<i32>} : memref<3x32x768xf32, #tpu.memory_space<vmem>>, vector<1x1x16xf32>,
    } {sc.loop_unroll_factor = 4 : i64, sc.parallel_access}
    %add3A_74 = arith.constant 0 : i32
    %add3A_75 = arith.addi %add3A_74, %mul3A_2 : i32
    %add3A_76 = arith.constant 0 : i32
    %add3A_77 = arith.addi %add3A_75, %add3A_76 : i32
    %dma_start3A_78 = arith.constant 0 : i32
    %dma_start3A_79 = arith.constant 0 : i32
    %dma_start3A_80 = arith.constant 0 : i32
    %dma_start3A_81 = tpu.memref_slice %arg8[%dma_start3A_78, %dma_start3A_79, %dma_start3A_80] : memref<3x32x768xf32, #tpu.memory_space<vmem>> -> memref<1x32x768xf32, #tpu.memory_space<vmem>>
    %dma_start3A_82 = tpu.memref_squeeze %dma_start3A_81 : memref<1x32x768xf32, #tpu.memory_space<vmem>> -> memref<32x768xf32, #tpu.memory_space<vmem>>
    %dma_start3A_83 = arith.constant 0 : i32
    %dma_start3A_84 = tpu.memref_slice %arg5[%add3A_77, %dma_start3A_83] : memref<8192x768xf32, #tpu.memory_space<hbm>> -> memref<32x768xf32, #tpu.memory_space<hbm>>
    %dma_start3A_85 = arith.constant 0 : i32
    %dma_start3A_86 = tpu.memref_slice %arg5[%add3A_77, %dma_start3A_85] : memref<8192x768xf32, #tpu.memory_space<hbm>> -> memref<32x768xf32, #tpu.memory_space<hbm>>
    %dma_start3A_87 = arith.constant 0 : i32
    %dma_start3A_88 = arith.constant 0 : i32
    %dma_start3A_89 = tpu.memref_slice %arg8[%dma_start3A_78, %dma_start3A_87, %dma_start3A_88] : memref<3x32x768xf32, #tpu.memory_space<vmem>> -> memref<1x32x768xf32, #tpu.memory_space<vmem>>
    %dma_start3A_90 = tpu.memref_squeeze %dma_start3A_89 : memref<1x32x768xf32, #tpu.memory_space<vmem>> -> memref<32x768xf32, #tpu.memory_space<vmem>>
    tpu.enqueue_dma source(%dma_start3A_90 : memref<32x768xf32, #tpu.memory_space<vmem>>) target(%dma_start3A_86 : memref<32x768xf32, #tpu.memory_space<hbm>>) target_semaphore(%arg10 : memref<!tpu.dma_semaphore, #tpu.memory_space<semaphore_mem>>)
    %dma_start3A_91 = arith.constant 1 : i32
    %dma_start3A_92 = arith.constant 2 : i32
    %dma_start3A_93 = arith.constant 0 : i32
    %dma_start3A_94 = arith.constant 0 : i32
    %dma_start3A_95 = tpu.memref_slice %arg8[%dma_start3A_92, %dma_start3A_93, %dma_start3A_94] : memref<3x32x768xf32, #tpu.memory_space<vmem>> -> memref<1x32x768xf32, #tpu.memory_space<vmem>>
    %dma_start3A_96 = tpu.memref_squeeze %dma_start3A_95 : memref<1x32x768xf32, #tpu.memory_space<vmem>> -> memref<32x768xf32, #tpu.memory_space<vmem>>
    %dma_start3A_97 = arith.constant 0 : i32
    %dma_start3A_98 = tpu.memref_slice %arg6[%dma_start3A_91, %dma_start3A_97] : memref<4x64xi32, #tpu.memory_space<vmem>> -> memref<1x32xi32, #tpu.memory_space<vmem>>
    %dma_start3A_99 = tpu.memref_squeeze %dma_start3A_98 : memref<1x32xi32, #tpu.memory_space<vmem>> -> memref<32xi32, #tpu.memory_space<vmem>>
    %dma_start3A_100 = arith.constant 0 : i32
    %dma_start3A_101 = arith.constant 0 : i32
    %dma_start3A_102 = tpu.memref_slice %arg3[%dma_start3A_100, %dma_start3A_101] : memref<100000x768xf32, #tpu.memory_space<hbm>> -> memref<100000x768xf32, #tpu.memory_space<hbm>>
    tpu.enqueue_indirect_dma source(%dma_start3A_102 : memref<100000x768xf32, #tpu.memory_space<hbm>>) target(%dma_start3A_96 : memref<32x768xf32, #tpu.memory_space<vmem>>) offsets(%dma_start3A_99 : memref<32xi32, #tpu.memory_space<vmem>>) semaphore(%arg9 : memref<!tpu.dma_semaphore, #tpu.memory_space<semaphore_mem>>)
    %scan3A = arith.constant 0 : i32
    %scan3A_103 = arith.constant 1 : i32
    %scan3A_104 = arith.constant 7 : i32
    %scan3A_105 = arith.addi %scan3A_103, %scan3A_104 : i32
    %scan3A_106 = arith.constant 1 : i32
    scf.for %scan3A_123 = %scan3A_103 to %scan3A_105 step %scan3A_106  : i32 {
      %jit3A = arith.constant 2 : i32
      %div3A = arith.divsi %scan3A_123, %jit3A : i32
      %sign3A = arith.constant 0 : i32
      %sign3A_124 = arith.cmpi sgt, %scan3A_123, %sign3A : i32
      %sign3A_125 = arith.extui %sign3A_124 : i1 to i32
      %sign3A_126 = arith.constant 0 : i32
      %sign3A_127 = arith.cmpi slt, %scan3A_123, %sign3A_126 : i32
      %sign3A_128 = arith.extui %sign3A_127 : i1 to i32
      %sign3A_129 = arith.subi %sign3A_125, %sign3A_128 : i32
      %sign3A_130 = arith.constant 0 : i32
      %sign3A_131 = arith.cmpi sgt, %jit3A, %sign3A_130 : i32
      %sign3A_132 = arith.extui %sign3A_131 : i1 to i32
      %sign3A_133 = arith.constant 0 : i32
      %sign3A_134 = arith.cmpi slt, %jit3A, %sign3A_133 : i32
      %sign3A_135 = arith.extui %sign3A_134 : i1 to i32
      %sign3A_136 = arith.subi %sign3A_132, %sign3A_135 : i32
      %ne3A = arith.cmpi ne, %sign3A_129, %sign3A_136 : i32
      %rem3A = arith.remsi %scan3A_123, %jit3A : i32
      %ne3A_137 = arith.constant 0 : i32
      %ne3A_138 = arith.cmpi ne, %rem3A, %ne3A_137 : i32
      %and3A = arith.andi %ne3A, %ne3A_138 : i1
      %sub3A = arith.constant 1 : i32
      %sub3A_139 = arith.subi %div3A, %sub3A : i32
      %select_n3A = arith.select %and3A, %sub3A_139, %div3A : i32
      %rem3A_140 = arith.constant 2 : i32
      %rem3A_141 = arith.remsi %scan3A_123, %rem3A_140 : i32
      %rem3A_142 = arith.constant 3 : i32
      %rem3A_143 = arith.remsi %scan3A_123, %rem3A_142 : i32
      %dma_wait3A_144 = arith.constant 0 : i32
      %dma_wait3A_145 = arith.constant 0 : i32
      %dma_wait3A_146 = tpu.memref_slice %arg8[%rem3A_143, %dma_wait3A_144, %dma_wait3A_145] : memref<3x32x768xf32, #tpu.memory_space<vmem>> -> memref<1x32x768xf32, #tpu.memory_space<vmem>>
      %dma_wait3A_147 = tpu.memref_squeeze %dma_wait3A_146 : memref<1x32x768xf32, #tpu.memory_space<vmem>> -> memref<32x768xf32, #tpu.memory_space<vmem>>
      %dma_wait3A_148 = arith.constant 0 : i32
      %dma_wait3A_149 = arith.constant 0 : i32
      %dma_wait3A_150 = tpu.memref_slice %arg3[%dma_wait3A_148, %dma_wait3A_149] : memref<100000x768xf32, #tpu.memory_space<hbm>> -> memref<32x768xf32, #tpu.memory_space<hbm>>
      %dma_wait3A_151 = arith.constant 0 : i32
      %dma_wait3A_152 = arith.constant 0 : i32
      %dma_wait3A_153 = tpu.memref_slice %arg8[%rem3A_143, %dma_wait3A_151, %dma_wait3A_152] : memref<3x32x768xf32, #tpu.memory_space<vmem>> -> memref<1x32x768xf32, #tpu.memory_space<vmem>>
      %dma_wait3A_154 = tpu.memref_squeeze %dma_wait3A_153 : memref<1x32x768xf32, #tpu.memory_space<vmem>> -> memref<32x768xf32, #tpu.memory_space<vmem>>
      %dma_wait3A_155 = arith.constant 0 : i32
      %dma_wait3A_156 = arith.constant 0 : i32
      %dma_wait3A_157 = tpu.memref_slice %arg3[%dma_wait3A_155, %dma_wait3A_156] : memref<100000x768xf32, #tpu.memory_space<hbm>> -> memref<32x768xf32, #tpu.memory_space<hbm>>
      tpu.wait_dma2 semaphore(%arg9 : memref<!tpu.dma_semaphore, #tpu.memory_space<semaphore_mem>>) src(%dma_wait3A_157 : memref<32x768xf32, #tpu.memory_space<hbm>>) dst(%dma_wait3A_154 : memref<32x768xf32, #tpu.memory_space<vmem>>)
      %parallel_loop3A_158 = arith.constant 0 : i32
      %parallel_loop3A_159 = arith.constant 32 : i32
      %parallel_loop3A_160 = arith.constant 1 : i32
      scf.for %parallel_loop3A_200 = %parallel_loop3A_158 to %parallel_loop3A_159 step %parallel_loop3A_160  : i32 {
        %parallel_loop3A_201 = arith.constant 32 : i32
        %parallel_loop3A_202 = arith.muli %rem3A_141, %parallel_loop3A_201 : i32
        %parallel_loop3A_203 = arith.addi %parallel_loop3A_202, %parallel_loop3A_200 : i32
        %parallel_loop3A_204 = arith.constant 768 : i32
        %parallel_loop3A_205 = arith.muli %parallel_loop3A_203, %parallel_loop3A_204 : i32
        %parallel_loop3A_206 = arith.constant 0 : i32
        %parallel_loop3A_207 = arith.addi %parallel_loop3A_205, %parallel_loop3A_206 : i32
        %parallel_loop3A_208 = arith.index_cast %parallel_loop3A_207 : i32 to index
        %parallel_loop3A_209 = tpu.vector_load %arg7[%parallel_loop3A_208] {strides = array<i32>} : memref<49152xf32, #tpu.memory_space<vmem>>, vector<16xf32>,
        %parallel_loop3A_210 = vector.shape_cast %parallel_loop3A_209 : vector<16xf32> to vector<16xf32>
        %parallel_loop3A_211 = arith.index_cast %rem3A_143 : i32 to index
        %parallel_loop3A_212 = arith.index_cast %parallel_loop3A_200 : i32 to index
        %parallel_loop3A_213 = arith.constant 0 : index
        %parallel_loop3A_214 = tpu.vector_load %arg8[%parallel_loop3A_211, %parallel_loop3A_212, %parallel_loop3A_213] {strides = array<i32>} : memref<3x32x768xf32, #tpu.memory_space<vmem>>, vector<1x1x16xf32>,
        %parallel_loop3A_215 = vector.shape_cast %parallel_loop3A_214 : vector<1x1x16xf32> to vector<16xf32>
        %parallel_loop3A_216 = vector.shape_cast %parallel_loop3A_210 : vector<16xf32> to vector<1x1x16xf32>
        tpu.vector_store %arg8[%parallel_loop3A_211, %parallel_loop3A_212, %parallel_loop3A_213], %parallel_loop3A_216 {add = true, strides = array<i32>} : memref<3x32x768xf32, #tpu.memory_space<vmem>>, vector<1x1x16xf32>,
        %parallel_loop3A_217 = arith.constant 16 : i32
        %parallel_loop3A_218 = arith.addi %parallel_loop3A_205, %parallel_loop3A_217 : i32
        %parallel_loop3A_219 = arith.index_cast %parallel_loop3A_218 : i32 to index
        %parallel_loop3A_220 = tpu.vector_load %arg7[%parallel_loop3A_219] {strides = array<i32>} : memref<49152xf32, #tpu.memory_space<vmem>>, vector<16xf32>,
        %parallel_loop3A_221 = vector.shape_cast %parallel_loop3A_220 : vector<16xf32> to vector<16xf32>
        %parallel_loop3A_222 = arith.index_cast %rem3A_143 : i32 to index
        %parallel_loop3A_223 = arith.index_cast %parallel_loop3A_200 : i32 to index
        %parallel_loop3A_224 = arith.constant 16 : index
        %parallel_loop3A_225 = tpu.vector_load %arg8[%parallel_loop3A_222, %parallel_loop3A_223, %parallel_loop3A_224] {strides = array<i32>} : memref<3x32x768xf32, #tpu.memory_space<vmem>>, vector<1x1x16xf32>,
        %parallel_loop3A_226 = vector.shape_cast %parallel_loop3A_225 : vector<1x1x16xf32> to vector<16xf32>
        %parallel_loop3A_227 = vector.shape_cast %parallel_loop3A_221 : vector<16xf32> to vector<1x1x16xf32>
        tpu.vector_store %arg8[%parallel_loop3A_222, %parallel_loop3A_223, %parallel_loop3A_224], %parallel_loop3A_227 {add = true, strides = array<i32>} : memref<3x32x768xf32, #tpu.memory_space<vmem>>, vector<1x1x16xf32>,
        %parallel_loop3A_228 = arith.constant 32 : i32
        %parallel_loop3A_229 = arith.addi %parallel_loop3A_205, %parallel_loop3A_228 : i32
        %parallel_loop3A_230 = arith.index_cast %parallel_loop3A_229 : i32 to index
        %parallel_loop3A_231 = tpu.vector_load %arg7[%parallel_loop3A_230] {strides = array<i32>} : memref<49152xf32, #tpu.memory_space<vmem>>, vector<16xf32>,
        %parallel_loop3A_232 = vector.shape_cast %parallel_loop3A_231 : vector<16xf32> to vector<16xf32>
        %parallel_loop3A_233 = arith.index_cast %rem3A_143 : i32 to index
        %parallel_loop3A_234 = arith.index_cast %parallel_loop3A_200 : i32 to index
        %parallel_loop3A_235 = arith.constant 32 : index
        %parallel_loop3A_236 = tpu.vector_load %arg8[%parallel_loop3A_233, %parallel_loop3A_234, %parallel_loop3A_235] {strides = array<i32>} : memref<3x32x768xf32, #tpu.memory_space<vmem>>, vector<1x1x16xf32>,
        %parallel_loop3A_237 = vector.shape_cast %parallel_loop3A_236 : vector<1x1x16xf32> to vector<16xf32>
        %parallel_loop3A_238 = vector.shape_cast %parallel_loop3A_232 : vector<16xf32> to vector<1x1x16xf32>
        tpu.vector_store %arg8[%parallel_loop3A_233, %parallel_loop3A_234, %parallel_loop3A_235], %parallel_loop3A_238 {add = true, strides = array<i32>} : memref<3x32x768xf32, #tpu.memory_space<vmem>>, vector<1x1x16xf32>,
        %parallel_loop3A_239 = arith.constant 48 : i32
        %parallel_loop3A_240 = arith.addi %parallel_loop3A_205, %parallel_loop3A_239 : i32
        %parallel_loop3A_241 = arith.index_cast %parallel_loop3A_240 : i32 to index
        %parallel_loop3A_242 = tpu.vector_load %arg7[%parallel_loop3A_241] {strides = array<i32>} : memref<49152xf32, #tpu.memory_space<vmem>>, vector<16xf32>,
        %parallel_loop3A_243 = vector.shape_cast %parallel_loop3A_242 : vector<16xf32> to vector<16xf32>
        %parallel_loop3A_244 = arith.index_cast %rem3A_143 : i32 to index
        %parallel_loop3A_245 = arith.index_cast %parallel_loop3A_200 : i32 to index
        %parallel_loop3A_246 = arith.constant 48 : index
        %parallel_loop3A_247 = tpu.vector_load %arg8[%parallel_loop3A_244, %parallel_loop3A_245, %parallel_loop3A_246] {strides = array<i32>} : memref<3x32x768xf32, #tpu.memory_space<vmem>>, vector<1x1x16xf32>,
        %parallel_loop3A_248 = vector.shape_cast %parallel_loop3A_247 : vector<1x1x16xf32> to vector<16xf32>
        %parallel_loop3A_249 = vector.shape_cast %parallel_loop3A_243 : vector<16xf32> to vector<1x1x16xf32>
        tpu.vector_store %arg8[%parallel_loop3A_244, %parallel_loop3A_245, %parallel_loop3A_246], %parallel_loop3A_249 {add = true, strides = array<i32>} : memref<3x32x768xf32, #tpu.memory_space<vmem>>, vector<1x1x16xf32>,
        %parallel_loop3A_250 = arith.constant 64 : i32
        %parallel_loop3A_251 = arith.addi %parallel_loop3A_205, %parallel_loop3A_250 : i32
        %parallel_loop3A_252 = arith.index_cast %parallel_loop3A_251 : i32 to index
        %parallel_loop3A_253 = tpu.vector_load %arg7[%parallel_loop3A_252] {strides = array<i32>} : memref<49152xf32, #tpu.memory_space<vmem>>, vector<16xf32>,
        %parallel_loop3A_254 = vector.shape_cast %parallel_loop3A_253 : vector<16xf32> to vector<16xf32>
        %parallel_loop3A_255 = arith.index_cast %rem3A_143 : i32 to index
        %parallel_loop3A_256 = arith.index_cast %parallel_loop3A_200 : i32 to index
        %parallel_loop3A_257 = arith.constant 64 : index
        %parallel_loop3A_258 = tpu.vector_load %arg8[%parallel_loop3A_255, %parallel_loop3A_256, %parallel_loop3A_257] {strides = array<i32>} : memref<3x32x768xf32, #tpu.memory_space<vmem>>, vector<1x1x16xf32>,
        %parallel_loop3A_259 = vector.shape_cast %parallel_loop3A_258 : vector<1x1x16xf32> to vector<16xf32>
        %parallel_loop3A_260 = vector.shape_cast %parallel_loop3A_254 : vector<16xf32> to vector<1x1x16xf32>
        tpu.vector_store %arg8[%parallel_loop3A_255, %parallel_loop3A_256, %parallel_loop3A_257], %parallel_loop3A_260 {add = true, strides = array<i32>} : memref<3x32x768xf32, #tpu.memory_space<vmem>>, vector<1x1x16xf32>,
        %parallel_loop3A_261 = arith.constant 80 : i32
        %parallel_loop3A_262 = arith.addi %parallel_loop3A_205, %parallel_loop3A_261 : i32
        %parallel_loop3A_263 = arith.index_cast %parallel_loop3A_262 : i32 to index
        %parallel_loop3A_264 = tpu.vector_load %arg7[%parallel_loop3A_263] {strides = array<i32>} : memref<49152xf32, #tpu.memory_space<vmem>>, vector<16xf32>,
        %parallel_loop3A_265 = vector.shape_cast %parallel_loop3A_264 : vector<16xf32> to vector<16xf32>
        %parallel_loop3A_266 = arith.index_cast %rem3A_143 : i32 to index
        %parallel_loop3A_267 = arith.index_cast %parallel_loop3A_200 : i32 to index
        %parallel_loop3A_268 = arith.constant 80 : index
        %parallel_loop3A_269 = tpu.vector_load %arg8[%parallel_loop3A_266, %parallel_loop3A_267, %parallel_loop3A_268] {strides = array<i32>} : memref<3x32x768xf32, #tpu.memory_space<vmem>>, vector<1x1x16xf32>,
        %parallel_loop3A_270 = vector.shape_cast %parallel_loop3A_269 : vector<1x1x16xf32> to vector<16xf32>
        %parallel_loop3A_271 = vector.shape_cast %parallel_loop3A_265 : vector<16xf32> to vector<1x1x16xf32>
        tpu.vector_store %arg8[%parallel_loop3A_266, %parallel_loop3A_267, %parallel_loop3A_268], %parallel_loop3A_271 {add = true, strides = array<i32>} : memref<3x32x768xf32, #tpu.memory_space<vmem>>, vector<1x1x16xf32>,
        %parallel_loop3A_272 = arith.constant 96 : i32
        %parallel_loop3A_273 = arith.addi %parallel_loop3A_205, %parallel_loop3A_272 : i32
        %parallel_loop3A_274 = arith.index_cast %parallel_loop3A_273 : i32 to index
        %parallel_loop3A_275 = tpu.vector_load %arg7[%parallel_loop3A_274] {strides = array<i32>} : memref<49152xf32, #tpu.memory_space<vmem>>, vector<16xf32>,
        %parallel_loop3A_276 = vector.shape_cast %parallel_loop3A_275 : vector<16xf32> to vector<16xf32>
        %parallel_loop3A_277 = arith.index_cast %rem3A_143 : i32 to index
        %parallel_loop3A_278 = arith.index_cast %parallel_loop3A_200 : i32 to index
        %parallel_loop3A_279 = arith.constant 96 : index
        %parallel_loop3A_280 = tpu.vector_load %arg8[%parallel_loop3A_277, %parallel_loop3A_278, %parallel_loop3A_279] {strides = array<i32>} : memref<3x32x768xf32, #tpu.memory_space<vmem>>, vector<1x1x16xf32>,
        %parallel_loop3A_281 = vector.shape_cast %parallel_loop3A_280 : vector<1x1x16xf32> to vector<16xf32>
        %parallel_loop3A_282 = vector.shape_cast %parallel_loop3A_276 : vector<16xf32> to vector<1x1x16xf32>
        tpu.vector_store %arg8[%parallel_loop3A_277, %parallel_loop3A_278, %parallel_loop3A_279], %parallel_loop3A_282 {add = true, strides = array<i32>} : memref<3x32x768xf32, #tpu.memory_space<vmem>>, vector<1x1x16xf32>,
        %parallel_loop3A_283 = arith.constant 112 : i32
        %parallel_loop3A_284 = arith.addi %parallel_loop3A_205, %parallel_loop3A_283 : i32
        %parallel_loop3A_285 = arith.index_cast %parallel_loop3A_284 : i32 to index
        %parallel_loop3A_286 = tpu.vector_load %arg7[%parallel_loop3A_285] {strides = array<i32>} : memref<49152xf32, #tpu.memory_space<vmem>>, vector<16xf32>,
        %parallel_loop3A_287 = vector.shape_cast %parallel_loop3A_286 : vector<16xf32> to vector<16xf32>
        %parallel_loop3A_288 = arith.index_cast %rem3A_143 : i32 to index
        %parallel_loop3A_289 = arith.index_cast %parallel_loop3A_200 : i32 to index
        %parallel_loop3A_290 = arith.constant 112 : index
        %parallel_loop3A_291 = tpu.vector_load %arg8[%parallel_loop3A_288, %parallel_loop3A_289, %parallel_loop3A_290] {strides = array<i32>} : memref<3x32x768xf32, #tpu.memory_space<vmem>>, vector<1x1x16xf32>,
        %parallel_loop3A_292 = vector.shape_cast %parallel_loop3A_291 : vector<1x1x16xf32> to vector<16xf32>
        %parallel_loop3A_293 = vector.shape_cast %parallel_loop3A_287 : vector<16xf32> to vector<1x1x16xf32>
        tpu.vector_store %arg8[%parallel_loop3A_288, %parallel_loop3A_289, %parallel_loop3A_290], %parallel_loop3A_293 {add = true, strides = array<i32>} : memref<3x32x768xf32, #tpu.memory_space<vmem>>, vector<1x1x16xf32>,
        %parallel_loop3A_294 = arith.constant 128 : i32
        %parallel_loop3A_295 = arith.addi %parallel_loop3A_205, %parallel_loop3A_294 : i32
        %parallel_loop3A_296 = arith.index_cast %parallel_loop3A_295 : i32 to index
        %parallel_loop3A_297 = tpu.vector_load %arg7[%parallel_loop3A_296] {strides = array<i32>} : memref<49152xf32, #tpu.memory_space<vmem>>, vector<16xf32>,
        %parallel_loop3A_298 = vector.shape_cast %parallel_loop3A_297 : vector<16xf32> to vector<16xf32>
        %parallel_loop3A_299 = arith.index_cast %rem3A_143 : i32 to index
        %parallel_loop3A_300 = arith.index_cast %parallel_loop3A_200 : i32 to index
        %parallel_loop3A_301 = arith.constant 128 : index
        %parallel_loop3A_302 = tpu.vector_load %arg8[%parallel_loop3A_299, %parallel_loop3A_300, %parallel_loop3A_301] {strides = array<i32>} : memref<3x32x768xf32, #tpu.memory_space<vmem>>, vector<1x1x16xf32>,
        %parallel_loop3A_303 = vector.shape_cast %parallel_loop3A_302 : vector<1x1x16xf32> to vector<16xf32>
        %parallel_loop3A_304 = vector.shape_cast %parallel_loop3A_298 : vector<16xf32> to vector<1x1x16xf32>
        tpu.vector_store %arg8[%parallel_loop3A_299, %parallel_loop3A_300, %parallel_loop3A_301], %parallel_loop3A_304 {add = true, strides = array<i32>} : memref<3x32x768xf32, #tpu.memory_space<vmem>>, vector<1x1x16xf32>,
        %parallel_loop3A_305 = arith.constant 144 : i32
        %parallel_loop3A_306 = arith.addi %parallel_loop3A_205, %parallel_loop3A_305 : i32
        %parallel_loop3A_307 = arith.index_cast %parallel_loop3A_306 : i32 to index
        %parallel_loop3A_308 = tpu.vector_load %arg7[%parallel_loop3A_307] {strides = array<i32>} : memref<49152xf32, #tpu.memory_space<vmem>>, vector<16xf32>,
        %parallel_loop3A_309 = vector.shape_cast %parallel_loop3A_308 : vector<16xf32> to vector<16xf32>
        %parallel_loop3A_310 = arith.index_cast %rem3A_143 : i32 to index
        %parallel_loop3A_311 = arith.index_cast %parallel_loop3A_200 : i32 to index
        %parallel_loop3A_312 = arith.constant 144 : index
        %parallel_loop3A_313 = tpu.vector_load %arg8[%parallel_loop3A_310, %parallel_loop3A_311, %parallel_loop3A_312] {strides = array<i32>} : memref<3x32x768xf32, #tpu.memory_space<vmem>>, vector<1x1x16xf32>,
        %parallel_loop3A_314 = vector.shape_cast %parallel_loop3A_313 : vector<1x1x16xf32> to vector<16xf32>
        %parallel_loop3A_315 = vector.shape_cast %parallel_loop3A_309 : vector<16xf32> to vector<1x1x16xf32>
        tpu.vector_store %arg8[%parallel_loop3A_310, %parallel_loop3A_311, %parallel_loop3A_312], %parallel_loop3A_315 {add = true, strides = array<i32>} : memref<3x32x768xf32, #tpu.memory_space<vmem>>, vector<1x1x16xf32>,
        %parallel_loop3A_316 = arith.constant 160 : i32
        %parallel_loop3A_317 = arith.addi %parallel_loop3A_205, %parallel_loop3A_316 : i32
        %parallel_loop3A_318 = arith.index_cast %parallel_loop3A_317 : i32 to index
        %parallel_loop3A_319 = tpu.vector_load %arg7[%parallel_loop3A_318] {strides = array<i32>} : memref<49152xf32, #tpu.memory_space<vmem>>, vector<16xf32>,
        %parallel_loop3A_320 = vector.shape_cast %parallel_loop3A_319 : vector<16xf32> to vector<16xf32>
        %parallel_loop3A_321 = arith.index_cast %rem3A_143 : i32 to index
        %parallel_loop3A_322 = arith.index_cast %parallel_loop3A_200 : i32 to index
        %parallel_loop3A_323 = arith.constant 160 : index
        %parallel_loop3A_324 = tpu.vector_load %arg8[%parallel_loop3A_321, %parallel_loop3A_322, %parallel_loop3A_323] {strides = array<i32>} : memref<3x32x768xf32, #tpu.memory_space<vmem>>, vector<1x1x16xf32>,
        %parallel_loop3A_325 = vector.shape_cast %parallel_loop3A_324 : vector<1x1x16xf32> to vector<16xf32>
        %parallel_loop3A_326 = vector.shape_cast %parallel_loop3A_320 : vector<16xf32> to vector<1x1x16xf32>
        tpu.vector_store %arg8[%parallel_loop3A_321, %parallel_loop3A_322, %parallel_loop3A_323], %parallel_loop3A_326 {add = true, strides = array<i32>} : memref<3x32x768xf32, #tpu.memory_space<vmem>>, vector<1x1x16xf32>,
        %parallel_loop3A_327 = arith.constant 176 : i32
        %parallel_loop3A_328 = arith.addi %parallel_loop3A_205, %parallel_loop3A_327 : i32
        %parallel_loop3A_329 = arith.index_cast %parallel_loop3A_328 : i32 to index
        %parallel_loop3A_330 = tpu.vector_load %arg7[%parallel_loop3A_329] {strides = array<i32>} : memref<49152xf32, #tpu.memory_space<vmem>>, vector<16xf32>,
        %parallel_loop3A_331 = vector.shape_cast %parallel_loop3A_330 : vector<16xf32> to vector<16xf32>
        %parallel_loop3A_332 = arith.index_cast %rem3A_143 : i32 to index
        %parallel_loop3A_333 = arith.index_cast %parallel_loop3A_200 : i32 to index
        %parallel_loop3A_334 = arith.constant 176 : index
        %parallel_loop3A_335 = tpu.vector_load %arg8[%parallel_loop3A_332, %parallel_loop3A_333, %parallel_loop3A_334] {strides = array<i32>} : memref<3x32x768xf32, #tpu.memory_space<vmem>>, vector<1x1x16xf32>,
        %parallel_loop3A_336 = vector.shape_cast %parallel_loop3A_335 : vector<1x1x16xf32> to vector<16xf32>
        %parallel_loop3A_337 = vector.shape_cast %parallel_loop3A_331 : vector<16xf32> to vector<1x1x16xf32>
        tpu.vector_store %arg8[%parallel_loop3A_332, %parallel_loop3A_333, %parallel_loop3A_334], %parallel_loop3A_337 {add = true, strides = array<i32>} : memref<3x32x768xf32, #tpu.memory_space<vmem>>, vector<1x1x16xf32>,
        %parallel_loop3A_338 = arith.constant 192 : i32
        %parallel_loop3A_339 = arith.addi %parallel_loop3A_205, %parallel_loop3A_338 : i32
        %parallel_loop3A_340 = arith.index_cast %parallel_loop3A_339 : i32 to index
        %parallel_loop3A_341 = tpu.vector_load %arg7[%parallel_loop3A_340] {strides = array<i32>} : memref<49152xf32, #tpu.memory_space<vmem>>, vector<16xf32>,
        %parallel_loop3A_342 = vector.shape_cast %parallel_loop3A_341 : vector<16xf32> to vector<16xf32>
        %parallel_loop3A_343 = arith.index_cast %rem3A_143 : i32 to index
        %parallel_loop3A_344 = arith.index_cast %parallel_loop3A_200 : i32 to index
        %parallel_loop3A_345 = arith.constant 192 : index
        %parallel_loop3A_346 = tpu.vector_load %arg8[%parallel_loop3A_343, %parallel_loop3A_344, %parallel_loop3A_345] {strides = array<i32>} : memref<3x32x768xf32, #tpu.memory_space<vmem>>, vector<1x1x16xf32>,
        %parallel_loop3A_347 = vector.shape_cast %parallel_loop3A_346 : vector<1x1x16xf32> to vector<16xf32>
        %parallel_loop3A_348 = vector.shape_cast %parallel_loop3A_342 : vector<16xf32> to vector<1x1x16xf32>
        tpu.vector_store %arg8[%parallel_loop3A_343, %parallel_loop3A_344, %parallel_loop3A_345], %parallel_loop3A_348 {add = true, strides = array<i32>} : memref<3x32x768xf32, #tpu.memory_space<vmem>>, vector<1x1x16xf32>,
        %parallel_loop3A_349 = arith.constant 208 : i32
        %parallel_loop3A_350 = arith.addi %parallel_loop3A_205, %parallel_loop3A_349 : i32
        %parallel_loop3A_351 = arith.index_cast %parallel_loop3A_350 : i32 to index
        %parallel_loop3A_352 = tpu.vector_load %arg7[%parallel_loop3A_351] {strides = array<i32>} : memref<49152xf32, #tpu.memory_space<vmem>>, vector<16xf32>,
        %parallel_loop3A_353 = vector.shape_cast %parallel_loop3A_352 : vector<16xf32> to vector<16xf32>
        %parallel_loop3A_354 = arith.index_cast %rem3A_143 : i32 to index
        %parallel_loop3A_355 = arith.index_cast %parallel_loop3A_200 : i32 to index
        %parallel_loop3A_356 = arith.constant 208 : index
        %parallel_loop3A_357 = tpu.vector_load %arg8[%parallel_loop3A_354, %parallel_loop3A_355, %parallel_loop3A_356] {strides = array<i32>} : memref<3x32x768xf32, #tpu.memory_space<vmem>>, vector<1x1x16xf32>,
        %parallel_loop3A_358 = vector.shape_cast %parallel_loop3A_357 : vector<1x1x16xf32> to vector<16xf32>
        %parallel_loop3A_359 = vector.shape_cast %parallel_loop3A_353 : vector<16xf32> to vector<1x1x16xf32>
        tpu.vector_store %arg8[%parallel_loop3A_354, %parallel_loop3A_355, %parallel_loop3A_356], %parallel_loop3A_359 {add = true, strides = array<i32>} : memref<3x32x768xf32, #tpu.memory_space<vmem>>, vector<1x1x16xf32>,
        %parallel_loop3A_360 = arith.constant 224 : i32
        %parallel_loop3A_361 = arith.addi %parallel_loop3A_205, %parallel_loop3A_360 : i32
        %parallel_loop3A_362 = arith.index_cast %parallel_loop3A_361 : i32 to index
        %parallel_loop3A_363 = tpu.vector_load %arg7[%parallel_loop3A_362] {strides = array<i32>} : memref<49152xf32, #tpu.memory_space<vmem>>, vector<16xf32>,
        %parallel_loop3A_364 = vector.shape_cast %parallel_loop3A_363 : vector<16xf32> to vector<16xf32>
        %parallel_loop3A_365 = arith.index_cast %rem3A_143 : i32 to index
        %parallel_loop3A_366 = arith.index_cast %parallel_loop3A_200 : i32 to index
        %parallel_loop3A_367 = arith.constant 224 : index
        %parallel_loop3A_368 = tpu.vector_load %arg8[%parallel_loop3A_365, %parallel_loop3A_366, %parallel_loop3A_367] {strides = array<i32>} : memref<3x32x768xf32, #tpu.memory_space<vmem>>, vector<1x1x16xf32>,
        %parallel_loop3A_369 = vector.shape_cast %parallel_loop3A_368 : vector<1x1x16xf32> to vector<16xf32>
        %parallel_loop3A_370 = vector.shape_cast %parallel_loop3A_364 : vector<16xf32> to vector<1x1x16xf32>
        tpu.vector_store %arg8[%parallel_loop3A_365, %parallel_loop3A_366, %parallel_loop3A_367], %parallel_loop3A_370 {add = true, strides = array<i32>} : memref<3x32x768xf32, #tpu.memory_space<vmem>>, vector<1x1x16xf32>,
        %parallel_loop3A_371 = arith.constant 240 : i32
        %parallel_loop3A_372 = arith.addi %parallel_loop3A_205, %parallel_loop3A_371 : i32
        %parallel_loop3A_373 = arith.index_cast %parallel_loop3A_372 : i32 to index
        %parallel_loop3A_374 = tpu.vector_load %arg7[%parallel_loop3A_373] {strides = array<i32>} : memref<49152xf32, #tpu.memory_space<vmem>>, vector<16xf32>,
        %parallel_loop3A_375 = vector.shape_cast %parallel_loop3A_374 : vector<16xf32> to vector<16xf32>
        %parallel_loop3A_376 = arith.index_cast %rem3A_143 : i32 to index
        %parallel_loop3A_377 = arith.index_cast %parallel_loop3A_200 : i32 to index
        %parallel_loop3A_378 = arith.constant 240 : index
        %parallel_loop3A_379 = tpu.vector_load %arg8[%parallel_loop3A_376, %parallel_loop3A_377, %parallel_loop3A_378] {strides = array<i32>} : memref<3x32x768xf32, #tpu.memory_space<vmem>>, vector<1x1x16xf32>,
        %parallel_loop3A_380 = vector.shape_cast %parallel_loop3A_379 : vector<1x1x16xf32> to vector<16xf32>
        %parallel_loop3A_381 = vector.shape_cast %parallel_loop3A_375 : vector<16xf32> to vector<1x1x16xf32>
        tpu.vector_store %arg8[%parallel_loop3A_376, %parallel_loop3A_377, %parallel_loop3A_378], %parallel_loop3A_381 {add = true, strides = array<i32>} : memref<3x32x768xf32, #tpu.memory_space<vmem>>, vector<1x1x16xf32>,
        %parallel_loop3A_382 = arith.constant 256 : i32
        %parallel_loop3A_383 = arith.addi %parallel_loop3A_205, %parallel_loop3A_382 : i32
        %parallel_loop3A_384 = arith.index_cast %parallel_loop3A_383 : i32 to index
        %parallel_loop3A_385 = tpu.vector_load %arg7[%parallel_loop3A_384] {strides = array<i32>} : memref<49152xf32, #tpu.memory_space<vmem>>, vector<16xf32>,
        %parallel_loop3A_386 = vector.shape_cast %parallel_loop3A_385 : vector<16xf32> to vector<16xf32>
        %parallel_loop3A_387 = arith.index_cast %rem3A_143 : i32 to index
        %parallel_loop3A_388 = arith.index_cast %parallel_loop3A_200 : i32 to index
        %parallel_loop3A_389 = arith.constant 256 : index
        %parallel_loop3A_390 = tpu.vector_load %arg8[%parallel_loop3A_387, %parallel_loop3A_388, %parallel_loop3A_389] {strides = array<i32>} : memref<3x32x768xf32, #tpu.memory_space<vmem>>, vector<1x1x16xf32>,
        %parallel_loop3A_391 = vector.shape_cast %parallel_loop3A_390 : vector<1x1x16xf32> to vector<16xf32>
        %parallel_loop3A_392 = vector.shape_cast %parallel_loop3A_386 : vector<16xf32> to vector<1x1x16xf32>
        tpu.vector_store %arg8[%parallel_loop3A_387, %parallel_loop3A_388, %parallel_loop3A_389], %parallel_loop3A_392 {add = true, strides = array<i32>} : memref<3x32x768xf32, #tpu.memory_space<vmem>>, vector<1x1x16xf32>,
        %parallel_loop3A_393 = arith.constant 272 : i32
        %parallel_loop3A_394 = arith.addi %parallel_loop3A_205, %parallel_loop3A_393 : i32
        %parallel_loop3A_395 = arith.index_cast %parallel_loop3A_394 : i32 to index
        %parallel_loop3A_396 = tpu.vector_load %arg7[%parallel_loop3A_395] {strides = array<i32>} : memref<49152xf32, #tpu.memory_space<vmem>>, vector<16xf32>,
        %parallel_loop3A_397 = vector.shape_cast %parallel_loop3A_396 : vector<16xf32> to vector<16xf32>
        %parallel_loop3A_398 = arith.index_cast %rem3A_143 : i32 to index
        %parallel_loop3A_399 = arith.index_cast %parallel_loop3A_200 : i32 to index
        %parallel_loop3A_400 = arith.constant 272 : index
        %parallel_loop3A_401 = tpu.vector_load %arg8[%parallel_loop3A_398, %parallel_loop3A_399, %parallel_loop3A_400] {strides = array<i32>} : memref<3x32x768xf32, #tpu.memory_space<vmem>>, vector<1x1x16xf32>,
        %parallel_loop3A_402 = vector.shape_cast %parallel_loop3A_401 : vector<1x1x16xf32> to vector<16xf32>
        %parallel_loop3A_403 = vector.shape_cast %parallel_loop3A_397 : vector<16xf32> to vector<1x1x16xf32>
        tpu.vector_store %arg8[%parallel_loop3A_398, %parallel_loop3A_399, %parallel_loop3A_400], %parallel_loop3A_403 {add = true, strides = array<i32>} : memref<3x32x768xf32, #tpu.memory_space<vmem>>, vector<1x1x16xf32>,
        %parallel_loop3A_404 = arith.constant 288 : i32
        %parallel_loop3A_405 = arith.addi %parallel_loop3A_205, %parallel_loop3A_404 : i32
        %parallel_loop3A_406 = arith.index_cast %parallel_loop3A_405 : i32 to index
        %parallel_loop3A_407 = tpu.vector_load %arg7[%parallel_loop3A_406] {strides = array<i32>} : memref<49152xf32, #tpu.memory_space<vmem>>, vector<16xf32>,
        %parallel_loop3A_408 = vector.shape_cast %parallel_loop3A_407 : vector<16xf32> to vector<16xf32>
        %parallel_loop3A_409 = arith.index_cast %rem3A_143 : i32 to index
        %parallel_loop3A_410 = arith.index_cast %parallel_loop3A_200 : i32 to index
        %parallel_loop3A_411 = arith.constant 288 : index
        %parallel_loop3A_412 = tpu.vector_load %arg8[%parallel_loop3A_409, %parallel_loop3A_410, %parallel_loop3A_411] {strides = array<i32>} : memref<3x32x768xf32, #tpu.memory_space<vmem>>, vector<1x1x16xf32>,
        %parallel_loop3A_413 = vector.shape_cast %parallel_loop3A_412 : vector<1x1x16xf32> to vector<16xf32>
        %parallel_loop3A_414 = vector.shape_cast %parallel_loop3A_408 : vector<16xf32> to vector<1x1x16xf32>
        tpu.vector_store %arg8[%parallel_loop3A_409, %parallel_loop3A_410, %parallel_loop3A_411], %parallel_loop3A_414 {add = true, strides = array<i32>} : memref<3x32x768xf32, #tpu.memory_space<vmem>>, vector<1x1x16xf32>,
        %parallel_loop3A_415 = arith.constant 304 : i32
        %parallel_loop3A_416 = arith.addi %parallel_loop3A_205, %parallel_loop3A_415 : i32
        %parallel_loop3A_417 = arith.index_cast %parallel_loop3A_416 : i32 to index
        %parallel_loop3A_418 = tpu.vector_load %arg7[%parallel_loop3A_417] {strides = array<i32>} : memref<49152xf32, #tpu.memory_space<vmem>>, vector<16xf32>,
        %parallel_loop3A_419 = vector.shape_cast %parallel_loop3A_418 : vector<16xf32> to vector<16xf32>
        %parallel_loop3A_420 = arith.index_cast %rem3A_143 : i32 to index
        %parallel_loop3A_421 = arith.index_cast %parallel_loop3A_200 : i32 to index
        %parallel_loop3A_422 = arith.constant 304 : index
        %parallel_loop3A_423 = tpu.vector_load %arg8[%parallel_loop3A_420, %parallel_loop3A_421, %parallel_loop3A_422] {strides = array<i32>} : memref<3x32x768xf32, #tpu.memory_space<vmem>>, vector<1x1x16xf32>,
        %parallel_loop3A_424 = vector.shape_cast %parallel_loop3A_423 : vector<1x1x16xf32> to vector<16xf32>
        %parallel_loop3A_425 = vector.shape_cast %parallel_loop3A_419 : vector<16xf32> to vector<1x1x16xf32>
        tpu.vector_store %arg8[%parallel_loop3A_420, %parallel_loop3A_421, %parallel_loop3A_422], %parallel_loop3A_425 {add = true, strides = array<i32>} : memref<3x32x768xf32, #tpu.memory_space<vmem>>, vector<1x1x16xf32>,
        %parallel_loop3A_426 = arith.constant 320 : i32
        %parallel_loop3A_427 = arith.addi %parallel_loop3A_205, %parallel_loop3A_426 : i32
        %parallel_loop3A_428 = arith.index_cast %parallel_loop3A_427 : i32 to index
        %parallel_loop3A_429 = tpu.vector_load %arg7[%parallel_loop3A_428] {strides = array<i32>} : memref<49152xf32, #tpu.memory_space<vmem>>, vector<16xf32>,
        %parallel_loop3A_430 = vector.shape_cast %parallel_loop3A_429 : vector<16xf32> to vector<16xf32>
        %parallel_loop3A_431 = arith.index_cast %rem3A_143 : i32 to index
        %parallel_loop3A_432 = arith.index_cast %parallel_loop3A_200 : i32 to index
        %parallel_loop3A_433 = arith.constant 320 : index
        %parallel_loop3A_434 = tpu.vector_load %arg8[%parallel_loop3A_431, %parallel_loop3A_432, %parallel_loop3A_433] {strides = array<i32>} : memref<3x32x768xf32, #tpu.memory_space<vmem>>, vector<1x1x16xf32>,
        %parallel_loop3A_435 = vector.shape_cast %parallel_loop3A_434 : vector<1x1x16xf32> to vector<16xf32>
        %parallel_loop3A_436 = vector.shape_cast %parallel_loop3A_430 : vector<16xf32> to vector<1x1x16xf32>
        tpu.vector_store %arg8[%parallel_loop3A_431, %parallel_loop3A_432, %parallel_loop3A_433], %parallel_loop3A_436 {add = true, strides = array<i32>} : memref<3x32x768xf32, #tpu.memory_space<vmem>>, vector<1x1x16xf32>,
        %parallel_loop3A_437 = arith.constant 336 : i32
        %parallel_loop3A_438 = arith.addi %parallel_loop3A_205, %parallel_loop3A_437 : i32
        %parallel_loop3A_439 = arith.index_cast %parallel_loop3A_438 : i32 to index
        %parallel_loop3A_440 = tpu.vector_load %arg7[%parallel_loop3A_439] {strides = array<i32>} : memref<49152xf32, #tpu.memory_space<vmem>>, vector<16xf32>,
        %parallel_loop3A_441 = vector.shape_cast %parallel_loop3A_440 : vector<16xf32> to vector<16xf32>
        %parallel_loop3A_442 = arith.index_cast %rem3A_143 : i32 to index
        %parallel_loop3A_443 = arith.index_cast %parallel_loop3A_200 : i32 to index
        %parallel_loop3A_444 = arith.constant 336 : index
        %parallel_loop3A_445 = tpu.vector_load %arg8[%parallel_loop3A_442, %parallel_loop3A_443, %parallel_loop3A_444] {strides = array<i32>} : memref<3x32x768xf32, #tpu.memory_space<vmem>>, vector<1x1x16xf32>,
        %parallel_loop3A_446 = vector.shape_cast %parallel_loop3A_445 : vector<1x1x16xf32> to vector<16xf32>
        %parallel_loop3A_447 = vector.shape_cast %parallel_loop3A_441 : vector<16xf32> to vector<1x1x16xf32>
        tpu.vector_store %arg8[%parallel_loop3A_442, %parallel_loop3A_443, %parallel_loop3A_444], %parallel_loop3A_447 {add = true, strides = array<i32>} : memref<3x32x768xf32, #tpu.memory_space<vmem>>, vector<1x1x16xf32>,
        %parallel_loop3A_448 = arith.constant 352 : i32
        %parallel_loop3A_449 = arith.addi %parallel_loop3A_205, %parallel_loop3A_448 : i32
        %parallel_loop3A_450 = arith.index_cast %parallel_loop3A_449 : i32 to index
        %parallel_loop3A_451 = tpu.vector_load %arg7[%parallel_loop3A_450] {strides = array<i32>} : memref<49152xf32, #tpu.memory_space<vmem>>, vector<16xf32>,
        %parallel_loop3A_452 = vector.shape_cast %parallel_loop3A_451 : vector<16xf32> to vector<16xf32>
        %parallel_loop3A_453 = arith.index_cast %rem3A_143 : i32 to index
        %parallel_loop3A_454 = arith.index_cast %parallel_loop3A_200 : i32 to index
        %parallel_loop3A_455 = arith.constant 352 : index
        %parallel_loop3A_456 = tpu.vector_load %arg8[%parallel_loop3A_453, %parallel_loop3A_454, %parallel_loop3A_455] {strides = array<i32>} : memref<3x32x768xf32, #tpu.memory_space<vmem>>, vector<1x1x16xf32>,
        %parallel_loop3A_457 = vector.shape_cast %parallel_loop3A_456 : vector<1x1x16xf32> to vector<16xf32>
        %parallel_loop3A_458 = vector.shape_cast %parallel_loop3A_452 : vector<16xf32> to vector<1x1x16xf32>
        tpu.vector_store %arg8[%parallel_loop3A_453, %parallel_loop3A_454, %parallel_loop3A_455], %parallel_loop3A_458 {add = true, strides = array<i32>} : memref<3x32x768xf32, #tpu.memory_space<vmem>>, vector<1x1x16xf32>,
        %parallel_loop3A_459 = arith.constant 368 : i32
        %parallel_loop3A_460 = arith.addi %parallel_loop3A_205, %parallel_loop3A_459 : i32
        %parallel_loop3A_461 = arith.index_cast %parallel_loop3A_460 : i32 to index
        %parallel_loop3A_462 = tpu.vector_load %arg7[%parallel_loop3A_461] {strides = array<i32>} : memref<49152xf32, #tpu.memory_space<vmem>>, vector<16xf32>,
        %parallel_loop3A_463 = vector.shape_cast %parallel_loop3A_462 : vector<16xf32> to vector<16xf32>
        %parallel_loop3A_464 = arith.index_cast %rem3A_143 : i32 to index
        %parallel_loop3A_465 = arith.index_cast %parallel_loop3A_200 : i32 to index
        %parallel_loop3A_466 = arith.constant 368 : index
        %parallel_loop3A_467 = tpu.vector_load %arg8[%parallel_loop3A_464, %parallel_loop3A_465, %parallel_loop3A_466] {strides = array<i32>} : memref<3x32x768xf32, #tpu.memory_space<vmem>>, vector<1x1x16xf32>,
        %parallel_loop3A_468 = vector.shape_cast %parallel_loop3A_467 : vector<1x1x16xf32> to vector<16xf32>
        %parallel_loop3A_469 = vector.shape_cast %parallel_loop3A_463 : vector<16xf32> to vector<1x1x16xf32>
        tpu.vector_store %arg8[%parallel_loop3A_464, %parallel_loop3A_465, %parallel_loop3A_466], %parallel_loop3A_469 {add = true, strides = array<i32>} : memref<3x32x768xf32, #tpu.memory_space<vmem>>, vector<1x1x16xf32>,
        %parallel_loop3A_470 = arith.constant 384 : i32
        %parallel_loop3A_471 = arith.addi %parallel_loop3A_205, %parallel_loop3A_470 : i32
        %parallel_loop3A_472 = arith.index_cast %parallel_loop3A_471 : i32 to index
        %parallel_loop3A_473 = tpu.vector_load %arg7[%parallel_loop3A_472] {strides = array<i32>} : memref<49152xf32, #tpu.memory_space<vmem>>, vector<16xf32>,
        %parallel_loop3A_474 = vector.shape_cast %parallel_loop3A_473 : vector<16xf32> to vector<16xf32>
        %parallel_loop3A_475 = arith.index_cast %rem3A_143 : i32 to index
        %parallel_loop3A_476 = arith.index_cast %parallel_loop3A_200 : i32 to index
        %parallel_loop3A_477 = arith.constant 384 : index
        %parallel_loop3A_478 = tpu.vector_load %arg8[%parallel_loop3A_475, %parallel_loop3A_476, %parallel_loop3A_477] {strides = array<i32>} : memref<3x32x768xf32, #tpu.memory_space<vmem>>, vector<1x1x16xf32>,
        %parallel_loop3A_479 = vector.shape_cast %parallel_loop3A_478 : vector<1x1x16xf32> to vector<16xf32>
        %parallel_loop3A_480 = vector.shape_cast %parallel_loop3A_474 : vector<16xf32> to vector<1x1x16xf32>
        tpu.vector_store %arg8[%parallel_loop3A_475, %parallel_loop3A_476, %parallel_loop3A_477], %parallel_loop3A_480 {add = true, strides = array<i32>} : memref<3x32x768xf32, #tpu.memory_space<vmem>>, vector<1x1x16xf32>,
        %parallel_loop3A_481 = arith.constant 400 : i32
        %parallel_loop3A_482 = arith.addi %parallel_loop3A_205, %parallel_loop3A_481 : i32
        %parallel_loop3A_483 = arith.index_cast %parallel_loop3A_482 : i32 to index
        %parallel_loop3A_484 = tpu.vector_load %arg7[%parallel_loop3A_483] {strides = array<i32>} : memref<49152xf32, #tpu.memory_space<vmem>>, vector<16xf32>,
        %parallel_loop3A_485 = vector.shape_cast %parallel_loop3A_484 : vector<16xf32> to vector<16xf32>
        %parallel_loop3A_486 = arith.index_cast %rem3A_143 : i32 to index
        %parallel_loop3A_487 = arith.index_cast %parallel_loop3A_200 : i32 to index
        %parallel_loop3A_488 = arith.constant 400 : index
        %parallel_loop3A_489 = tpu.vector_load %arg8[%parallel_loop3A_486, %parallel_loop3A_487, %parallel_loop3A_488] {strides = array<i32>} : memref<3x32x768xf32, #tpu.memory_space<vmem>>, vector<1x1x16xf32>,
        %parallel_loop3A_490 = vector.shape_cast %parallel_loop3A_489 : vector<1x1x16xf32> to vector<16xf32>
        %parallel_loop3A_491 = vector.shape_cast %parallel_loop3A_485 : vector<16xf32> to vector<1x1x16xf32>
        tpu.vector_store %arg8[%parallel_loop3A_486, %parallel_loop3A_487, %parallel_loop3A_488], %parallel_loop3A_491 {add = true, strides = array<i32>} : memref<3x32x768xf32, #tpu.memory_space<vmem>>, vector<1x1x16xf32>,
        %parallel_loop3A_492 = arith.constant 416 : i32
        %parallel_loop3A_493 = arith.addi %parallel_loop3A_205, %parallel_loop3A_492 : i32
        %parallel_loop3A_494 = arith.index_cast %parallel_loop3A_493 : i32 to index
        %parallel_loop3A_495 = tpu.vector_load %arg7[%parallel_loop3A_494] {strides = array<i32>} : memref<49152xf32, #tpu.memory_space<vmem>>, vector<16xf32>,
        %parallel_loop3A_496 = vector.shape_cast %parallel_loop3A_495 : vector<16xf32> to vector<16xf32>
        %parallel_loop3A_497 = arith.index_cast %rem3A_143 : i32 to index
        %parallel_loop3A_498 = arith.index_cast %parallel_loop3A_200 : i32 to index
        %parallel_loop3A_499 = arith.constant 416 : index
        %parallel_loop3A_500 = tpu.vector_load %arg8[%parallel_loop3A_497, %parallel_loop3A_498, %parallel_loop3A_499] {strides = array<i32>} : memref<3x32x768xf32, #tpu.memory_space<vmem>>, vector<1x1x16xf32>,
        %parallel_loop3A_501 = vector.shape_cast %parallel_loop3A_500 : vector<1x1x16xf32> to vector<16xf32>
        %parallel_loop3A_502 = vector.shape_cast %parallel_loop3A_496 : vector<16xf32> to vector<1x1x16xf32>
        tpu.vector_store %arg8[%parallel_loop3A_497, %parallel_loop3A_498, %parallel_loop3A_499], %parallel_loop3A_502 {add = true, strides = array<i32>} : memref<3x32x768xf32, #tpu.memory_space<vmem>>, vector<1x1x16xf32>,
        %parallel_loop3A_503 = arith.constant 432 : i32
        %parallel_loop3A_504 = arith.addi %parallel_loop3A_205, %parallel_loop3A_503 : i32
        %parallel_loop3A_505 = arith.index_cast %parallel_loop3A_504 : i32 to index
        %parallel_loop3A_506 = tpu.vector_load %arg7[%parallel_loop3A_505] {strides = array<i32>} : memref<49152xf32, #tpu.memory_space<vmem>>, vector<16xf32>,
        %parallel_loop3A_507 = vector.shape_cast %parallel_loop3A_506 : vector<16xf32> to vector<16xf32>
        %parallel_loop3A_508 = arith.index_cast %rem3A_143 : i32 to index
        %parallel_loop3A_509 = arith.index_cast %parallel_loop3A_200 : i32 to index
        %parallel_loop3A_510 = arith.constant 432 : index
        %parallel_loop3A_511 = tpu.vector_load %arg8[%parallel_loop3A_508, %parallel_loop3A_509, %parallel_loop3A_510] {strides = array<i32>} : memref<3x32x768xf32, #tpu.memory_space<vmem>>, vector<1x1x16xf32>,
        %parallel_loop3A_512 = vector.shape_cast %parallel_loop3A_511 : vector<1x1x16xf32> to vector<16xf32>
        %parallel_loop3A_513 = vector.shape_cast %parallel_loop3A_507 : vector<16xf32> to vector<1x1x16xf32>
        tpu.vector_store %arg8[%parallel_loop3A_508, %parallel_loop3A_509, %parallel_loop3A_510], %parallel_loop3A_513 {add = true, strides = array<i32>} : memref<3x32x768xf32, #tpu.memory_space<vmem>>, vector<1x1x16xf32>,
        %parallel_loop3A_514 = arith.constant 448 : i32
        %parallel_loop3A_515 = arith.addi %parallel_loop3A_205, %parallel_loop3A_514 : i32
        %parallel_loop3A_516 = arith.index_cast %parallel_loop3A_515 : i32 to index
        %parallel_loop3A_517 = tpu.vector_load %arg7[%parallel_loop3A_516] {strides = array<i32>} : memref<49152xf32, #tpu.memory_space<vmem>>, vector<16xf32>,
        %parallel_loop3A_518 = vector.shape_cast %parallel_loop3A_517 : vector<16xf32> to vector<16xf32>
        %parallel_loop3A_519 = arith.index_cast %rem3A_143 : i32 to index
        %parallel_loop3A_520 = arith.index_cast %parallel_loop3A_200 : i32 to index
        %parallel_loop3A_521 = arith.constant 448 : index
        %parallel_loop3A_522 = tpu.vector_load %arg8[%parallel_loop3A_519, %parallel_loop3A_520, %parallel_loop3A_521] {strides = array<i32>} : memref<3x32x768xf32, #tpu.memory_space<vmem>>, vector<1x1x16xf32>,
        %parallel_loop3A_523 = vector.shape_cast %parallel_loop3A_522 : vector<1x1x16xf32> to vector<16xf32>
        %parallel_loop3A_524 = vector.shape_cast %parallel_loop3A_518 : vector<16xf32> to vector<1x1x16xf32>
        tpu.vector_store %arg8[%parallel_loop3A_519, %parallel_loop3A_520, %parallel_loop3A_521], %parallel_loop3A_524 {add = true, strides = array<i32>} : memref<3x32x768xf32, #tpu.memory_space<vmem>>, vector<1x1x16xf32>,
        %parallel_loop3A_525 = arith.constant 464 : i32
        %parallel_loop3A_526 = arith.addi %parallel_loop3A_205, %parallel_loop3A_525 : i32
        %parallel_loop3A_527 = arith.index_cast %parallel_loop3A_526 : i32 to index
        %parallel_loop3A_528 = tpu.vector_load %arg7[%parallel_loop3A_527] {strides = array<i32>} : memref<49152xf32, #tpu.memory_space<vmem>>, vector<16xf32>,
        %parallel_loop3A_529 = vector.shape_cast %parallel_loop3A_528 : vector<16xf32> to vector<16xf32>
        %parallel_loop3A_530 = arith.index_cast %rem3A_143 : i32 to index
        %parallel_loop3A_531 = arith.index_cast %parallel_loop3A_200 : i32 to index
        %parallel_loop3A_532 = arith.constant 464 : index
        %parallel_loop3A_533 = tpu.vector_load %arg8[%parallel_loop3A_530, %parallel_loop3A_531, %parallel_loop3A_532] {strides = array<i32>} : memref<3x32x768xf32, #tpu.memory_space<vmem>>, vector<1x1x16xf32>,
        %parallel_loop3A_534 = vector.shape_cast %parallel_loop3A_533 : vector<1x1x16xf32> to vector<16xf32>
        %parallel_loop3A_535 = vector.shape_cast %parallel_loop3A_529 : vector<16xf32> to vector<1x1x16xf32>
        tpu.vector_store %arg8[%parallel_loop3A_530, %parallel_loop3A_531, %parallel_loop3A_532], %parallel_loop3A_535 {add = true, strides = array<i32>} : memref<3x32x768xf32, #tpu.memory_space<vmem>>, vector<1x1x16xf32>,
        %parallel_loop3A_536 = arith.constant 480 : i32
        %parallel_loop3A_537 = arith.addi %parallel_loop3A_205, %parallel_loop3A_536 : i32
        %parallel_loop3A_538 = arith.index_cast %parallel_loop3A_537 : i32 to index
        %parallel_loop3A_539 = tpu.vector_load %arg7[%parallel_loop3A_538] {strides = array<i32>} : memref<49152xf32, #tpu.memory_space<vmem>>, vector<16xf32>,
        %parallel_loop3A_540 = vector.shape_cast %parallel_loop3A_539 : vector<16xf32> to vector<16xf32>
        %parallel_loop3A_541 = arith.index_cast %rem3A_143 : i32 to index
        %parallel_loop3A_542 = arith.index_cast %parallel_loop3A_200 : i32 to index
        %parallel_loop3A_543 = arith.constant 480 : index
        %parallel_loop3A_544 = tpu.vector_load %arg8[%parallel_loop3A_541, %parallel_loop3A_542, %parallel_loop3A_543] {strides = array<i32>} : memref<3x32x768xf32, #tpu.memory_space<vmem>>, vector<1x1x16xf32>,
        %parallel_loop3A_545 = vector.shape_cast %parallel_loop3A_544 : vector<1x1x16xf32> to vector<16xf32>
        %parallel_loop3A_546 = vector.shape_cast %parallel_loop3A_540 : vector<16xf32> to vector<1x1x16xf32>
        tpu.vector_store %arg8[%parallel_loop3A_541, %parallel_loop3A_542, %parallel_loop3A_543], %parallel_loop3A_546 {add = true, strides = array<i32>} : memref<3x32x768xf32, #tpu.memory_space<vmem>>, vector<1x1x16xf32>,
        %parallel_loop3A_547 = arith.constant 496 : i32
        %parallel_loop3A_548 = arith.addi %parallel_loop3A_205, %parallel_loop3A_547 : i32
        %parallel_loop3A_549 = arith.index_cast %parallel_loop3A_548 : i32 to index
        %parallel_loop3A_550 = tpu.vector_load %arg7[%parallel_loop3A_549] {strides = array<i32>} : memref<49152xf32, #tpu.memory_space<vmem>>, vector<16xf32>,
        %parallel_loop3A_551 = vector.shape_cast %parallel_loop3A_550 : vector<16xf32> to vector<16xf32>
        %parallel_loop3A_552 = arith.index_cast %rem3A_143 : i32 to index
        %parallel_loop3A_553 = arith.index_cast %parallel_loop3A_200 : i32 to index
        %parallel_loop3A_554 = arith.constant 496 : index
        %parallel_loop3A_555 = tpu.vector_load %arg8[%parallel_loop3A_552, %parallel_loop3A_553, %parallel_loop3A_554] {strides = array<i32>} : memref<3x32x768xf32, #tpu.memory_space<vmem>>, vector<1x1x16xf32>,
        %parallel_loop3A_556 = vector.shape_cast %parallel_loop3A_555 : vector<1x1x16xf32> to vector<16xf32>
        %parallel_loop3A_557 = vector.shape_cast %parallel_loop3A_551 : vector<16xf32> to vector<1x1x16xf32>
        tpu.vector_store %arg8[%parallel_loop3A_552, %parallel_loop3A_553, %parallel_loop3A_554], %parallel_loop3A_557 {add = true, strides = array<i32>} : memref<3x32x768xf32, #tpu.memory_space<vmem>>, vector<1x1x16xf32>,
        %parallel_loop3A_558 = arith.constant 512 : i32
        %parallel_loop3A_559 = arith.addi %parallel_loop3A_205, %parallel_loop3A_558 : i32
        %parallel_loop3A_560 = arith.index_cast %parallel_loop3A_559 : i32 to index
        %parallel_loop3A_561 = tpu.vector_load %arg7[%parallel_loop3A_560] {strides = array<i32>} : memref<49152xf32, #tpu.memory_space<vmem>>, vector<16xf32>,
        %parallel_loop3A_562 = vector.shape_cast %parallel_loop3A_561 : vector<16xf32> to vector<16xf32>
        %parallel_loop3A_563 = arith.index_cast %rem3A_143 : i32 to index
        %parallel_loop3A_564 = arith.index_cast %parallel_loop3A_200 : i32 to index
        %parallel_loop3A_565 = arith.constant 512 : index
        %parallel_loop3A_566 = tpu.vector_load %arg8[%parallel_loop3A_563, %parallel_loop3A_564, %parallel_loop3A_565] {strides = array<i32>} : memref<3x32x768xf32, #tpu.memory_space<vmem>>, vector<1x1x16xf32>,
        %parallel_loop3A_567 = vector.shape_cast %parallel_loop3A_566 : vector<1x1x16xf32> to vector<16xf32>
        %parallel_loop3A_568 = vector.shape_cast %parallel_loop3A_562 : vector<16xf32> to vector<1x1x16xf32>
        tpu.vector_store %arg8[%parallel_loop3A_563, %parallel_loop3A_564, %parallel_loop3A_565], %parallel_loop3A_568 {add = true, strides = array<i32>} : memref<3x32x768xf32, #tpu.memory_space<vmem>>, vector<1x1x16xf32>,
        %parallel_loop3A_569 = arith.constant 528 : i32
        %parallel_loop3A_570 = arith.addi %parallel_loop3A_205, %parallel_loop3A_569 : i32
        %parallel_loop3A_571 = arith.index_cast %parallel_loop3A_570 : i32 to index
        %parallel_loop3A_572 = tpu.vector_load %arg7[%parallel_loop3A_571] {strides = array<i32>} : memref<49152xf32, #tpu.memory_space<vmem>>, vector<16xf32>,
        %parallel_loop3A_573 = vector.shape_cast %parallel_loop3A_572 : vector<16xf32> to vector<16xf32>
        %parallel_loop3A_574 = arith.index_cast %rem3A_143 : i32 to index
        %parallel_loop3A_575 = arith.index_cast %parallel_loop3A_200 : i32 to index
        %parallel_loop3A_576 = arith.constant 528 : index
        %parallel_loop3A_577 = tpu.vector_load %arg8[%parallel_loop3A_574, %parallel_loop3A_575, %parallel_loop3A_576] {strides = array<i32>} : memref<3x32x768xf32, #tpu.memory_space<vmem>>, vector<1x1x16xf32>,
        %parallel_loop3A_578 = vector.shape_cast %parallel_loop3A_577 : vector<1x1x16xf32> to vector<16xf32>
        %parallel_loop3A_579 = vector.shape_cast %parallel_loop3A_573 : vector<16xf32> to vector<1x1x16xf32>
        tpu.vector_store %arg8[%parallel_loop3A_574, %parallel_loop3A_575, %parallel_loop3A_576], %parallel_loop3A_579 {add = true, strides = array<i32>} : memref<3x32x768xf32, #tpu.memory_space<vmem>>, vector<1x1x16xf32>,
        %parallel_loop3A_580 = arith.constant 544 : i32
        %parallel_loop3A_581 = arith.addi %parallel_loop3A_205, %parallel_loop3A_580 : i32
        %parallel_loop3A_582 = arith.index_cast %parallel_loop3A_581 : i32 to index
        %parallel_loop3A_583 = tpu.vector_load %arg7[%parallel_loop3A_582] {strides = array<i32>} : memref<49152xf32, #tpu.memory_space<vmem>>, vector<16xf32>,
        %parallel_loop3A_584 = vector.shape_cast %parallel_loop3A_583 : vector<16xf32> to vector<16xf32>
        %parallel_loop3A_585 = arith.index_cast %rem3A_143 : i32 to index
        %parallel_loop3A_586 = arith.index_cast %parallel_loop3A_200 : i32 to index
        %parallel_loop3A_587 = arith.constant 544 : index
        %parallel_loop3A_588 = tpu.vector_load %arg8[%parallel_loop3A_585, %parallel_loop3A_586, %parallel_loop3A_587] {strides = array<i32>} : memref<3x32x768xf32, #tpu.memory_space<vmem>>, vector<1x1x16xf32>,
        %parallel_loop3A_589 = vector.shape_cast %parallel_loop3A_588 : vector<1x1x16xf32> to vector<16xf32>
        %parallel_loop3A_590 = vector.shape_cast %parallel_loop3A_584 : vector<16xf32> to vector<1x1x16xf32>
        tpu.vector_store %arg8[%parallel_loop3A_585, %parallel_loop3A_586, %parallel_loop3A_587], %parallel_loop3A_590 {add = true, strides = array<i32>} : memref<3x32x768xf32, #tpu.memory_space<vmem>>, vector<1x1x16xf32>,
        %parallel_loop3A_591 = arith.constant 560 : i32
        %parallel_loop3A_592 = arith.addi %parallel_loop3A_205, %parallel_loop3A_591 : i32
        %parallel_loop3A_593 = arith.index_cast %parallel_loop3A_592 : i32 to index
        %parallel_loop3A_594 = tpu.vector_load %arg7[%parallel_loop3A_593] {strides = array<i32>} : memref<49152xf32, #tpu.memory_space<vmem>>, vector<16xf32>,
        %parallel_loop3A_595 = vector.shape_cast %parallel_loop3A_594 : vector<16xf32> to vector<16xf32>
        %parallel_loop3A_596 = arith.index_cast %rem3A_143 : i32 to index
        %parallel_loop3A_597 = arith.index_cast %parallel_loop3A_200 : i32 to index
        %parallel_loop3A_598 = arith.constant 560 : index
        %parallel_loop3A_599 = tpu.vector_load %arg8[%parallel_loop3A_596, %parallel_loop3A_597, %parallel_loop3A_598] {strides = array<i32>} : memref<3x32x768xf32, #tpu.memory_space<vmem>>, vector<1x1x16xf32>,
        %parallel_loop3A_600 = vector.shape_cast %parallel_loop3A_599 : vector<1x1x16xf32> to vector<16xf32>
        %parallel_loop3A_601 = vector.shape_cast %parallel_loop3A_595 : vector<16xf32> to vector<1x1x16xf32>
        tpu.vector_store %arg8[%parallel_loop3A_596, %parallel_loop3A_597, %parallel_loop3A_598], %parallel_loop3A_601 {add = true, strides = array<i32>} : memref<3x32x768xf32, #tpu.memory_space<vmem>>, vector<1x1x16xf32>,
        %parallel_loop3A_602 = arith.constant 576 : i32
        %parallel_loop3A_603 = arith.addi %parallel_loop3A_205, %parallel_loop3A_602 : i32
        %parallel_loop3A_604 = arith.index_cast %parallel_loop3A_603 : i32 to index
        %parallel_loop3A_605 = tpu.vector_load %arg7[%parallel_loop3A_604] {strides = array<i32>} : memref<49152xf32, #tpu.memory_space<vmem>>, vector<16xf32>,
        %parallel_loop3A_606 = vector.shape_cast %parallel_loop3A_605 : vector<16xf32> to vector<16xf32>
        %parallel_loop3A_607 = arith.index_cast %rem3A_143 : i32 to index
        %parallel_loop3A_608 = arith.index_cast %parallel_loop3A_200 : i32 to index
        %parallel_loop3A_609 = arith.constant 576 : index
        %parallel_loop3A_610 = tpu.vector_load %arg8[%parallel_loop3A_607, %parallel_loop3A_608, %parallel_loop3A_609] {strides = array<i32>} : memref<3x32x768xf32, #tpu.memory_space<vmem>>, vector<1x1x16xf32>,
        %parallel_loop3A_611 = vector.shape_cast %parallel_loop3A_610 : vector<1x1x16xf32> to vector<16xf32>
        %parallel_loop3A_612 = vector.shape_cast %parallel_loop3A_606 : vector<16xf32> to vector<1x1x16xf32>
        tpu.vector_store %arg8[%parallel_loop3A_607, %parallel_loop3A_608, %parallel_loop3A_609], %parallel_loop3A_612 {add = true, strides = array<i32>} : memref<3x32x768xf32, #tpu.memory_space<vmem>>, vector<1x1x16xf32>,
        %parallel_loop3A_613 = arith.constant 592 : i32
        %parallel_loop3A_614 = arith.addi %parallel_loop3A_205, %parallel_loop3A_613 : i32
        %parallel_loop3A_615 = arith.index_cast %parallel_loop3A_614 : i32 to index
        %parallel_loop3A_616 = tpu.vector_load %arg7[%parallel_loop3A_615] {strides = array<i32>} : memref<49152xf32, #tpu.memory_space<vmem>>, vector<16xf32>,
        %parallel_loop3A_617 = vector.shape_cast %parallel_loop3A_616 : vector<16xf32> to vector<16xf32>
        %parallel_loop3A_618 = arith.index_cast %rem3A_143 : i32 to index
        %parallel_loop3A_619 = arith.index_cast %parallel_loop3A_200 : i32 to index
        %parallel_loop3A_620 = arith.constant 592 : index
        %parallel_loop3A_621 = tpu.vector_load %arg8[%parallel_loop3A_618, %parallel_loop3A_619, %parallel_loop3A_620] {strides = array<i32>} : memref<3x32x768xf32, #tpu.memory_space<vmem>>, vector<1x1x16xf32>,
        %parallel_loop3A_622 = vector.shape_cast %parallel_loop3A_621 : vector<1x1x16xf32> to vector<16xf32>
        %parallel_loop3A_623 = vector.shape_cast %parallel_loop3A_617 : vector<16xf32> to vector<1x1x16xf32>
        tpu.vector_store %arg8[%parallel_loop3A_618, %parallel_loop3A_619, %parallel_loop3A_620], %parallel_loop3A_623 {add = true, strides = array<i32>} : memref<3x32x768xf32, #tpu.memory_space<vmem>>, vector<1x1x16xf32>,
        %parallel_loop3A_624 = arith.constant 608 : i32
        %parallel_loop3A_625 = arith.addi %parallel_loop3A_205, %parallel_loop3A_624 : i32
        %parallel_loop3A_626 = arith.index_cast %parallel_loop3A_625 : i32 to index
        %parallel_loop3A_627 = tpu.vector_load %arg7[%parallel_loop3A_626] {strides = array<i32>} : memref<49152xf32, #tpu.memory_space<vmem>>, vector<16xf32>,
        %parallel_loop3A_628 = vector.shape_cast %parallel_loop3A_627 : vector<16xf32> to vector<16xf32>
        %parallel_loop3A_629 = arith.index_cast %rem3A_143 : i32 to index
        %parallel_loop3A_630 = arith.index_cast %parallel_loop3A_200 : i32 to index
        %parallel_loop3A_631 = arith.constant 608 : index
        %parallel_loop3A_632 = tpu.vector_load %arg8[%parallel_loop3A_629, %parallel_loop3A_630, %parallel_loop3A_631] {strides = array<i32>} : memref<3x32x768xf32, #tpu.memory_space<vmem>>, vector<1x1x16xf32>,
        %parallel_loop3A_633 = vector.shape_cast %parallel_loop3A_632 : vector<1x1x16xf32> to vector<16xf32>
        %parallel_loop3A_634 = vector.shape_cast %parallel_loop3A_628 : vector<16xf32> to vector<1x1x16xf32>
        tpu.vector_store %arg8[%parallel_loop3A_629, %parallel_loop3A_630, %parallel_loop3A_631], %parallel_loop3A_634 {add = true, strides = array<i32>} : memref<3x32x768xf32, #tpu.memory_space<vmem>>, vector<1x1x16xf32>,
        %parallel_loop3A_635 = arith.constant 624 : i32
        %parallel_loop3A_636 = arith.addi %parallel_loop3A_205, %parallel_loop3A_635 : i32
        %parallel_loop3A_637 = arith.index_cast %parallel_loop3A_636 : i32 to index
        %parallel_loop3A_638 = tpu.vector_load %arg7[%parallel_loop3A_637] {strides = array<i32>} : memref<49152xf32, #tpu.memory_space<vmem>>, vector<16xf32>,
        %parallel_loop3A_639 = vector.shape_cast %parallel_loop3A_638 : vector<16xf32> to vector<16xf32>
        %parallel_loop3A_640 = arith.index_cast %rem3A_143 : i32 to index
        %parallel_loop3A_641 = arith.index_cast %parallel_loop3A_200 : i32 to index
        %parallel_loop3A_642 = arith.constant 624 : index
        %parallel_loop3A_643 = tpu.vector_load %arg8[%parallel_loop3A_640, %parallel_loop3A_641, %parallel_loop3A_642] {strides = array<i32>} : memref<3x32x768xf32, #tpu.memory_space<vmem>>, vector<1x1x16xf32>,
        %parallel_loop3A_644 = vector.shape_cast %parallel_loop3A_643 : vector<1x1x16xf32> to vector<16xf32>
        %parallel_loop3A_645 = vector.shape_cast %parallel_loop3A_639 : vector<16xf32> to vector<1x1x16xf32>
        tpu.vector_store %arg8[%parallel_loop3A_640, %parallel_loop3A_641, %parallel_loop3A_642], %parallel_loop3A_645 {add = true, strides = array<i32>} : memref<3x32x768xf32, #tpu.memory_space<vmem>>, vector<1x1x16xf32>,
        %parallel_loop3A_646 = arith.constant 640 : i32
        %parallel_loop3A_647 = arith.addi %parallel_loop3A_205, %parallel_loop3A_646 : i32
        %parallel_loop3A_648 = arith.index_cast %parallel_loop3A_647 : i32 to index
        %parallel_loop3A_649 = tpu.vector_load %arg7[%parallel_loop3A_648] {strides = array<i32>} : memref<49152xf32, #tpu.memory_space<vmem>>, vector<16xf32>,
        %parallel_loop3A_650 = vector.shape_cast %parallel_loop3A_649 : vector<16xf32> to vector<16xf32>
        %parallel_loop3A_651 = arith.index_cast %rem3A_143 : i32 to index
        %parallel_loop3A_652 = arith.index_cast %parallel_loop3A_200 : i32 to index
        %parallel_loop3A_653 = arith.constant 640 : index
        %parallel_loop3A_654 = tpu.vector_load %arg8[%parallel_loop3A_651, %parallel_loop3A_652, %parallel_loop3A_653] {strides = array<i32>} : memref<3x32x768xf32, #tpu.memory_space<vmem>>, vector<1x1x16xf32>,
        %parallel_loop3A_655 = vector.shape_cast %parallel_loop3A_654 : vector<1x1x16xf32> to vector<16xf32>
        %parallel_loop3A_656 = vector.shape_cast %parallel_loop3A_650 : vector<16xf32> to vector<1x1x16xf32>
        tpu.vector_store %arg8[%parallel_loop3A_651, %parallel_loop3A_652, %parallel_loop3A_653], %parallel_loop3A_656 {add = true, strides = array<i32>} : memref<3x32x768xf32, #tpu.memory_space<vmem>>, vector<1x1x16xf32>,
        %parallel_loop3A_657 = arith.constant 656 : i32
        %parallel_loop3A_658 = arith.addi %parallel_loop3A_205, %parallel_loop3A_657 : i32
        %parallel_loop3A_659 = arith.index_cast %parallel_loop3A_658 : i32 to index
        %parallel_loop3A_660 = tpu.vector_load %arg7[%parallel_loop3A_659] {strides = array<i32>} : memref<49152xf32, #tpu.memory_space<vmem>>, vector<16xf32>,
        %parallel_loop3A_661 = vector.shape_cast %parallel_loop3A_660 : vector<16xf32> to vector<16xf32>
        %parallel_loop3A_662 = arith.index_cast %rem3A_143 : i32 to index
        %parallel_loop3A_663 = arith.index_cast %parallel_loop3A_200 : i32 to index
        %parallel_loop3A_664 = arith.constant 656 : index
        %parallel_loop3A_665 = tpu.vector_load %arg8[%parallel_loop3A_662, %parallel_loop3A_663, %parallel_loop3A_664] {strides = array<i32>} : memref<3x32x768xf32, #tpu.memory_space<vmem>>, vector<1x1x16xf32>,
        %parallel_loop3A_666 = vector.shape_cast %parallel_loop3A_665 : vector<1x1x16xf32> to vector<16xf32>
        %parallel_loop3A_667 = vector.shape_cast %parallel_loop3A_661 : vector<16xf32> to vector<1x1x16xf32>
        tpu.vector_store %arg8[%parallel_loop3A_662, %parallel_loop3A_663, %parallel_loop3A_664], %parallel_loop3A_667 {add = true, strides = array<i32>} : memref<3x32x768xf32, #tpu.memory_space<vmem>>, vector<1x1x16xf32>,
        %parallel_loop3A_668 = arith.constant 672 : i32
        %parallel_loop3A_669 = arith.addi %parallel_loop3A_205, %parallel_loop3A_668 : i32
        %parallel_loop3A_670 = arith.index_cast %parallel_loop3A_669 : i32 to index
        %parallel_loop3A_671 = tpu.vector_load %arg7[%parallel_loop3A_670] {strides = array<i32>} : memref<49152xf32, #tpu.memory_space<vmem>>, vector<16xf32>,
        %parallel_loop3A_672 = vector.shape_cast %parallel_loop3A_671 : vector<16xf32> to vector<16xf32>
        %parallel_loop3A_673 = arith.index_cast %rem3A_143 : i32 to index
        %parallel_loop3A_674 = arith.index_cast %parallel_loop3A_200 : i32 to index
        %parallel_loop3A_675 = arith.constant 672 : index
        %parallel_loop3A_676 = tpu.vector_load %arg8[%parallel_loop3A_673, %parallel_loop3A_674, %parallel_loop3A_675] {strides = array<i32>} : memref<3x32x768xf32, #tpu.memory_space<vmem>>, vector<1x1x16xf32>,
        %parallel_loop3A_677 = vector.shape_cast %parallel_loop3A_676 : vector<1x1x16xf32> to vector<16xf32>
        %parallel_loop3A_678 = vector.shape_cast %parallel_loop3A_672 : vector<16xf32> to vector<1x1x16xf32>
        tpu.vector_store %arg8[%parallel_loop3A_673, %parallel_loop3A_674, %parallel_loop3A_675], %parallel_loop3A_678 {add = true, strides = array<i32>} : memref<3x32x768xf32, #tpu.memory_space<vmem>>, vector<1x1x16xf32>,
        %parallel_loop3A_679 = arith.constant 688 : i32
        %parallel_loop3A_680 = arith.addi %parallel_loop3A_205, %parallel_loop3A_679 : i32
        %parallel_loop3A_681 = arith.index_cast %parallel_loop3A_680 : i32 to index
        %parallel_loop3A_682 = tpu.vector_load %arg7[%parallel_loop3A_681] {strides = array<i32>} : memref<49152xf32, #tpu.memory_space<vmem>>, vector<16xf32>,
        %parallel_loop3A_683 = vector.shape_cast %parallel_loop3A_682 : vector<16xf32> to vector<16xf32>
        %parallel_loop3A_684 = arith.index_cast %rem3A_143 : i32 to index
        %parallel_loop3A_685 = arith.index_cast %parallel_loop3A_200 : i32 to index
        %parallel_loop3A_686 = arith.constant 688 : index
        %parallel_loop3A_687 = tpu.vector_load %arg8[%parallel_loop3A_684, %parallel_loop3A_685, %parallel_loop3A_686] {strides = array<i32>} : memref<3x32x768xf32, #tpu.memory_space<vmem>>, vector<1x1x16xf32>,
        %parallel_loop3A_688 = vector.shape_cast %parallel_loop3A_687 : vector<1x1x16xf32> to vector<16xf32>
        %parallel_loop3A_689 = vector.shape_cast %parallel_loop3A_683 : vector<16xf32> to vector<1x1x16xf32>
        tpu.vector_store %arg8[%parallel_loop3A_684, %parallel_loop3A_685, %parallel_loop3A_686], %parallel_loop3A_689 {add = true, strides = array<i32>} : memref<3x32x768xf32, #tpu.memory_space<vmem>>, vector<1x1x16xf32>,
        %parallel_loop3A_690 = arith.constant 704 : i32
        %parallel_loop3A_691 = arith.addi %parallel_loop3A_205, %parallel_loop3A_690 : i32
        %parallel_loop3A_692 = arith.index_cast %parallel_loop3A_691 : i32 to index
        %parallel_loop3A_693 = tpu.vector_load %arg7[%parallel_loop3A_692] {strides = array<i32>} : memref<49152xf32, #tpu.memory_space<vmem>>, vector<16xf32>,
        %parallel_loop3A_694 = vector.shape_cast %parallel_loop3A_693 : vector<16xf32> to vector<16xf32>
        %parallel_loop3A_695 = arith.index_cast %rem3A_143 : i32 to index
        %parallel_loop3A_696 = arith.index_cast %parallel_loop3A_200 : i32 to index
        %parallel_loop3A_697 = arith.constant 704 : index
        %parallel_loop3A_698 = tpu.vector_load %arg8[%parallel_loop3A_695, %parallel_loop3A_696, %parallel_loop3A_697] {strides = array<i32>} : memref<3x32x768xf32, #tpu.memory_space<vmem>>, vector<1x1x16xf32>,
        %parallel_loop3A_699 = vector.shape_cast %parallel_loop3A_698 : vector<1x1x16xf32> to vector<16xf32>
        %parallel_loop3A_700 = vector.shape_cast %parallel_loop3A_694 : vector<16xf32> to vector<1x1x16xf32>
        tpu.vector_store %arg8[%parallel_loop3A_695, %parallel_loop3A_696, %parallel_loop3A_697], %parallel_loop3A_700 {add = true, strides = array<i32>} : memref<3x32x768xf32, #tpu.memory_space<vmem>>, vector<1x1x16xf32>,
        %parallel_loop3A_701 = arith.constant 720 : i32
        %parallel_loop3A_702 = arith.addi %parallel_loop3A_205, %parallel_loop3A_701 : i32
        %parallel_loop3A_703 = arith.index_cast %parallel_loop3A_702 : i32 to index
        %parallel_loop3A_704 = tpu.vector_load %arg7[%parallel_loop3A_703] {strides = array<i32>} : memref<49152xf32, #tpu.memory_space<vmem>>, vector<16xf32>,
        %parallel_loop3A_705 = vector.shape_cast %parallel_loop3A_704 : vector<16xf32> to vector<16xf32>
        %parallel_loop3A_706 = arith.index_cast %rem3A_143 : i32 to index
        %parallel_loop3A_707 = arith.index_cast %parallel_loop3A_200 : i32 to index
        %parallel_loop3A_708 = arith.constant 720 : index
        %parallel_loop3A_709 = tpu.vector_load %arg8[%parallel_loop3A_706, %parallel_loop3A_707, %parallel_loop3A_708] {strides = array<i32>} : memref<3x32x768xf32, #tpu.memory_space<vmem>>, vector<1x1x16xf32>,
        %parallel_loop3A_710 = vector.shape_cast %parallel_loop3A_709 : vector<1x1x16xf32> to vector<16xf32>
        %parallel_loop3A_711 = vector.shape_cast %parallel_loop3A_705 : vector<16xf32> to vector<1x1x16xf32>
        tpu.vector_store %arg8[%parallel_loop3A_706, %parallel_loop3A_707, %parallel_loop3A_708], %parallel_loop3A_711 {add = true, strides = array<i32>} : memref<3x32x768xf32, #tpu.memory_space<vmem>>, vector<1x1x16xf32>,
        %parallel_loop3A_712 = arith.constant 736 : i32
        %parallel_loop3A_713 = arith.addi %parallel_loop3A_205, %parallel_loop3A_712 : i32
        %parallel_loop3A_714 = arith.index_cast %parallel_loop3A_713 : i32 to index
        %parallel_loop3A_715 = tpu.vector_load %arg7[%parallel_loop3A_714] {strides = array<i32>} : memref<49152xf32, #tpu.memory_space<vmem>>, vector<16xf32>,
        %parallel_loop3A_716 = vector.shape_cast %parallel_loop3A_715 : vector<16xf32> to vector<16xf32>
        %parallel_loop3A_717 = arith.index_cast %rem3A_143 : i32 to index
        %parallel_loop3A_718 = arith.index_cast %parallel_loop3A_200 : i32 to index
        %parallel_loop3A_719 = arith.constant 736 : index
        %parallel_loop3A_720 = tpu.vector_load %arg8[%parallel_loop3A_717, %parallel_loop3A_718, %parallel_loop3A_719] {strides = array<i32>} : memref<3x32x768xf32, #tpu.memory_space<vmem>>, vector<1x1x16xf32>,
        %parallel_loop3A_721 = vector.shape_cast %parallel_loop3A_720 : vector<1x1x16xf32> to vector<16xf32>
        %parallel_loop3A_722 = vector.shape_cast %parallel_loop3A_716 : vector<16xf32> to vector<1x1x16xf32>
        tpu.vector_store %arg8[%parallel_loop3A_717, %parallel_loop3A_718, %parallel_loop3A_719], %parallel_loop3A_722 {add = true, strides = array<i32>} : memref<3x32x768xf32, #tpu.memory_space<vmem>>, vector<1x1x16xf32>,
        %parallel_loop3A_723 = arith.constant 752 : i32
        %parallel_loop3A_724 = arith.addi %parallel_loop3A_205, %parallel_loop3A_723 : i32
        %parallel_loop3A_725 = arith.index_cast %parallel_loop3A_724 : i32 to index
        %parallel_loop3A_726 = tpu.vector_load %arg7[%parallel_loop3A_725] {strides = array<i32>} : memref<49152xf32, #tpu.memory_space<vmem>>, vector<16xf32>,
        %parallel_loop3A_727 = vector.shape_cast %parallel_loop3A_726 : vector<16xf32> to vector<16xf32>
        %parallel_loop3A_728 = arith.index_cast %rem3A_143 : i32 to index
        %parallel_loop3A_729 = arith.index_cast %parallel_loop3A_200 : i32 to index
        %parallel_loop3A_730 = arith.constant 752 : index
        %parallel_loop3A_731 = tpu.vector_load %arg8[%parallel_loop3A_728, %parallel_loop3A_729, %parallel_loop3A_730] {strides = array<i32>} : memref<3x32x768xf32, #tpu.memory_space<vmem>>, vector<1x1x16xf32>,
        %parallel_loop3A_732 = vector.shape_cast %parallel_loop3A_731 : vector<1x1x16xf32> to vector<16xf32>
        %parallel_loop3A_733 = vector.shape_cast %parallel_loop3A_727 : vector<16xf32> to vector<1x1x16xf32>
        tpu.vector_store %arg8[%parallel_loop3A_728, %parallel_loop3A_729, %parallel_loop3A_730], %parallel_loop3A_733 {add = true, strides = array<i32>} : memref<3x32x768xf32, #tpu.memory_space<vmem>>, vector<1x1x16xf32>,
      } {sc.loop_unroll_factor = 4 : i64, sc.parallel_access}
      %mul3A_161 = arith.constant 2048 : i32
      %mul3A_162 = arith.muli %select_n3A, %mul3A_161 : i32
      %add3A_163 = arith.addi %mul3A_162, %mul3A_2 : i32
      %mul3A_164 = arith.constant 32 : i32
      %mul3A_165 = arith.muli %rem3A_141, %mul3A_164 : i32
      %add3A_166 = arith.addi %add3A_163, %mul3A_165 : i32
      %dma_start3A_167 = arith.constant 0 : i32
      %dma_start3A_168 = arith.constant 0 : i32
      %dma_start3A_169 = tpu.memref_slice %arg8[%rem3A_143, %dma_start3A_167, %dma_start3A_168] : memref<3x32x768xf32, #tpu.memory_space<vmem>> -> memref<1x32x768xf32, #tpu.memory_space<vmem>>
      %dma_start3A_170 = tpu.memref_squeeze %dma_start3A_169 : memref<1x32x768xf32, #tpu.memory_space<vmem>> -> memref<32x768xf32, #tpu.memory_space<vmem>>
      %dma_start3A_171 = arith.constant 0 : i32
      %dma_start3A_172 = tpu.memref_slice %arg5[%add3A_166, %dma_start3A_171] : memref<8192x768xf32, #tpu.memory_space<hbm>> -> memref<32x768xf32, #tpu.memory_space<hbm>>
      %dma_start3A_173 = arith.constant 0 : i32
      %dma_start3A_174 = tpu.memref_slice %arg5[%add3A_166, %dma_start3A_173] : memref<8192x768xf32, #tpu.memory_space<hbm>> -> memref<32x768xf32, #tpu.memory_space<hbm>>
      %dma_start3A_175 = arith.constant 0 : i32
      %dma_start3A_176 = arith.constant 0 : i32
      %dma_start3A_177 = tpu.memref_slice %arg8[%rem3A_143, %dma_start3A_175, %dma_start3A_176] : memref<3x32x768xf32, #tpu.memory_space<vmem>> -> memref<1x32x768xf32, #tpu.memory_space<vmem>>
      %dma_start3A_178 = tpu.memref_squeeze %dma_start3A_177 : memref<1x32x768xf32, #tpu.memory_space<vmem>> -> memref<32x768xf32, #tpu.memory_space<vmem>>
      tpu.enqueue_dma source(%dma_start3A_178 : memref<32x768xf32, #tpu.memory_space<vmem>>) target(%dma_start3A_174 : memref<32x768xf32, #tpu.memory_space<hbm>>) target_semaphore(%arg10 : memref<!tpu.dma_semaphore, #tpu.memory_space<semaphore_mem>>)
      %dma_wait3A_179 = arith.constant 0 : i32
      %dma_wait3A_180 = arith.constant 0 : i32
      %dma_wait3A_181 = arith.constant 0 : i32
      %dma_wait3A_182 = tpu.memref_slice %arg8[%dma_wait3A_179, %dma_wait3A_180, %dma_wait3A_181] : memref<3x32x768xf32, #tpu.memory_space<vmem>> -> memref<1x32x768xf32, #tpu.memory_space<vmem>>
      %dma_wait3A_183 = tpu.memref_squeeze %dma_wait3A_182 : memref<1x32x768xf32, #tpu.memory_space<vmem>> -> memref<32x768xf32, #tpu.memory_space<vmem>>
      %dma_wait3A_184 = arith.constant 0 : i32
      %dma_wait3A_185 = arith.constant 0 : i32
      %dma_wait3A_186 = tpu.memref_slice %arg5[%dma_wait3A_184, %dma_wait3A_185] : memref<8192x768xf32, #tpu.memory_space<hbm>> -> memref<32x768xf32, #tpu.memory_space<hbm>>
      %dma_wait3A_187 = arith.constant 0 : i32
      %dma_wait3A_188 = arith.constant 0 : i32
      %dma_wait3A_189 = tpu.memref_slice %arg5[%dma_wait3A_187, %dma_wait3A_188] : memref<8192x768xf32, #tpu.memory_space<hbm>> -> memref<32x768xf32, #tpu.memory_space<hbm>>
      %dma_wait3A_190 = arith.constant 0 : i32
      %dma_wait3A_191 = arith.constant 0 : i32
      %dma_wait3A_192 = tpu.memref_slice %arg8[%dma_wait3A_179, %dma_wait3A_190, %dma_wait3A_191] : memref<3x32x768xf32, #tpu.memory_space<vmem>> -> memref<1x32x768xf32, #tpu.memory_space<vmem>>
      %dma_wait3A_193 = tpu.memref_squeeze %dma_wait3A_192 : memref<1x32x768xf32, #tpu.memory_space<vmem>> -> memref<32x768xf32, #tpu.memory_space<vmem>>
      tpu.wait_dma2 semaphore(%arg10 : memref<!tpu.dma_semaphore, #tpu.memory_space<semaphore_mem>>) src(%dma_wait3A_193 : memref<32x768xf32, #tpu.memory_space<vmem>>) dst(%dma_wait3A_189 : memref<32x768xf32, #tpu.memory_space<hbm>>)
      %add3A_194 = arith.constant 3 : i32
      %add3A_195 = arith.addi %scan3A_123, %add3A_194 : i32
      %sub3A_196 = arith.constant 1 : i32
      %sub3A_197 = arith.subi %add3A_195, %sub3A_196 : i32
      %lt3A = arith.constant 8 : i32
      %lt3A_198 = arith.cmpi slt, %sub3A_197, %lt3A : i32
      %convert_element_type3A = arith.extui %lt3A_198 : i1 to i32
      %cond3A = arith.constant 0 : i32
      %cond3A_199 = arith.cmpi ne, %convert_element_type3A, %cond3A : i32
      scf.if %cond3A_199 {
        %add3A_200 = arith.constant 3 : i32
        %add3A_201 = arith.addi %scan3A_123, %add3A_200 : i32
        %sub3A_202 = arith.constant 1 : i32
        %sub3A_203 = arith.subi %add3A_201, %sub3A_202 : i32
        %jit3A_204 = arith.constant 2 : i32
        %div3A_205 = arith.divsi %sub3A_203, %jit3A_204 : i32
        %sign3A_206 = arith.constant 0 : i32
        %sign3A_207 = arith.cmpi sgt, %sub3A_203, %sign3A_206 : i32
        %sign3A_208 = arith.extui %sign3A_207 : i1 to i32
        %sign3A_209 = arith.constant 0 : i32
        %sign3A_210 = arith.cmpi slt, %sub3A_203, %sign3A_209 : i32
        %sign3A_211 = arith.extui %sign3A_210 : i1 to i32
        %sign3A_212 = arith.subi %sign3A_208, %sign3A_211 : i32
        %sign3A_213 = arith.constant 0 : i32
        %sign3A_214 = arith.cmpi sgt, %jit3A_204, %sign3A_213 : i32
        %sign3A_215 = arith.extui %sign3A_214 : i1 to i32
        %sign3A_216 = arith.constant 0 : i32
        %sign3A_217 = arith.cmpi slt, %jit3A_204, %sign3A_216 : i32
        %sign3A_218 = arith.extui %sign3A_217 : i1 to i32
        %sign3A_219 = arith.subi %sign3A_215, %sign3A_218 : i32
        %ne3A_220 = arith.cmpi ne, %sign3A_212, %sign3A_219 : i32
        %rem3A_221 = arith.remsi %sub3A_203, %jit3A_204 : i32
        %ne3A_222 = arith.constant 0 : i32
        %ne3A_223 = arith.cmpi ne, %rem3A_221, %ne3A_222 : i32
        %and3A_224 = arith.andi %ne3A_220, %ne3A_223 : i1
        %sub3A_225 = arith.constant 1 : i32
        %sub3A_226 = arith.subi %div3A_205, %sub3A_225 : i32
        %select_n3A_227 = arith.select %and3A_224, %sub3A_226, %div3A_205 : i32
        %rem3A_228 = arith.constant 2 : i32
        %rem3A_229 = arith.remsi %sub3A_203, %rem3A_228 : i32
        %rem3A_230 = arith.constant 3 : i32
        %rem3A_231 = arith.remsi %sub3A_203, %rem3A_230 : i32
        %mul3A_232 = arith.constant 32 : i32
        %mul3A_233 = arith.muli %rem3A_229, %mul3A_232 : i32
        %dma_start3A_234 = arith.constant 0 : i32
        %dma_start3A_235 = arith.constant 0 : i32
        %dma_start3A_236 = tpu.memref_slice %arg8[%rem3A_231, %dma_start3A_234, %dma_start3A_235] : memref<3x32x768xf32, #tpu.memory_space<vmem>> -> memref<1x32x768xf32, #tpu.memory_space<vmem>>
        %dma_start3A_237 = tpu.memref_squeeze %dma_start3A_236 : memref<1x32x768xf32, #tpu.memory_space<vmem>> -> memref<32x768xf32, #tpu.memory_space<vmem>>
        %dma_start3A_238 = tpu.memref_slice %arg6[%select_n3A_227, %mul3A_233] : memref<4x64xi32, #tpu.memory_space<vmem>> -> memref<1x32xi32, #tpu.memory_space<vmem>>
        %dma_start3A_239 = tpu.memref_squeeze %dma_start3A_238 : memref<1x32xi32, #tpu.memory_space<vmem>> -> memref<32xi32, #tpu.memory_space<vmem>>
        %dma_start3A_240 = arith.constant 0 : i32
        %dma_start3A_241 = arith.constant 0 : i32
        %dma_start3A_242 = tpu.memref_slice %arg3[%dma_start3A_240, %dma_start3A_241] : memref<100000x768xf32, #tpu.memory_space<hbm>> -> memref<100000x768xf32, #tpu.memory_space<hbm>>
        tpu.enqueue_indirect_dma source(%dma_start3A_242 : memref<100000x768xf32, #tpu.memory_space<hbm>>) target(%dma_start3A_237 : memref<32x768xf32, #tpu.memory_space<vmem>>) offsets(%dma_start3A_239 : memref<32xi32, #tpu.memory_space<vmem>>) semaphore(%arg9 : memref<!tpu.dma_semaphore, #tpu.memory_space<semaphore_mem>>)
      } else {
      }
    }
    %scan3A_107 = arith.constant 7 : i32
    %dma_wait3A_108 = arith.constant 0 : i32
    %dma_wait3A_109 = arith.constant 0 : i32
    %dma_wait3A_110 = arith.constant 0 : i32
    %dma_wait3A_111 = tpu.memref_slice %arg8[%dma_wait3A_108, %dma_wait3A_109, %dma_wait3A_110] : memref<3x32x768xf32, #tpu.memory_space<vmem>> -> memref<1x32x768xf32, #tpu.memory_space<vmem>>
    %dma_wait3A_112 = tpu.memref_squeeze %dma_wait3A_111 : memref<1x32x768xf32, #tpu.memory_space<vmem>> -> memref<32x768xf32, #tpu.memory_space<vmem>>
    %dma_wait3A_113 = arith.constant 0 : i32
    %dma_wait3A_114 = arith.constant 0 : i32
    %dma_wait3A_115 = tpu.memref_slice %arg5[%dma_wait3A_113, %dma_wait3A_114] : memref<8192x768xf32, #tpu.memory_space<hbm>> -> memref<32x768xf32, #tpu.memory_space<hbm>>
    %dma_wait3A_116 = arith.constant 0 : i32
    %dma_wait3A_117 = arith.constant 0 : i32
    %dma_wait3A_118 = tpu.memref_slice %arg5[%dma_wait3A_116, %dma_wait3A_117] : memref<8192x768xf32, #tpu.memory_space<hbm>> -> memref<32x768xf32, #tpu.memory_space<hbm>>
    %dma_wait3A_119 = arith.constant 0 : i32
    %dma_wait3A_120 = arith.constant 0 : i32
    %dma_wait3A_121 = tpu.memref_slice %arg8[%dma_wait3A_108, %dma_wait3A_119, %dma_wait3A_120] : memref<3x32x768xf32, #tpu.memory_space<vmem>> -> memref<1x32x768xf32, #tpu.memory_space<vmem>>
    %dma_wait3A_122 = tpu.memref_squeeze %dma_wait3A_121 : memref<1x32x768xf32, #tpu.memory_space<vmem>> -> memref<32x768xf32, #tpu.memory_space<vmem>>
    tpu.wait_dma2 semaphore(%arg10 : memref<!tpu.dma_semaphore, #tpu.memory_space<semaphore_mem>>) src(%dma_wait3A_122 : memref<32x768xf32, #tpu.memory_space<vmem>>) dst(%dma_wait3A_118 : memref<32x768xf32, #tpu.memory_space<hbm>>)
    return
  }
}

</mosaic_0001>

<sc_bundles>
// kernel: kernel.3.cloned.1.call-start
scs
__scs_entry_jumppad:
0x0: {  	(pc) =	sbr.rel $0x88, $3  }
0x1: {  	(tag) =	ssettag $0x0;
	lr =	simm.s32 $0x1  }
0x2: {  	[smem:$0x3F9F] =	sst lr;
	_ =	strace $0xD0000000  }
0x3: {  	_ = 	snop  }
0x4: {  	_ = 	snop  }
0x5: {  	_ = 	snop  }
0x6: {  	_ = 	snop  }
0x7: {  	_ = 	snop  }
__scs_overlays_trampoline_lowered:
0x8: {  	[smem:$0x3FAE] =	sst s0  }
0x9: {  	[smem:$0x3FAF] =	sst s1  }
0xa: {  	[smem:$0x3FB0] =	sst s2  }
0xb: {  	[smem:$0x3FB1] =	sst s3  }
0xc: {  	[smem:$0x3FB2] =	sst s4  }
0xd: {  	[smem:$0x3FB3] =	sst s5  }
0xe: {  	[smem:$0x3FB4] =	sst s6  }
0xf: {  	[smem:$0x3FB5] =	sst s7  }
0x10: {  	[smem:$0x3FB6] =	sst s8  }
0x11: {  	[smem:$0x3FB7] =	sst s9;
	s0 =	simm.s32 @!p0 $0x0  }
0x12: {  	s1 =	sld [smem:$0x3F9D];
	s0 =	simm.s32 @p0 $0x1  }
0x13: {  	[smem:$0x3FB8] =	sst s0;
	s0 =	simm.s32 @!p1 $0x0  }
0x14: {  	s2 =	sld [smem:$0x3F9C];
	s0 =	simm.s32 @p1 $0x1  }
0x15: {  	[smem:$0x3FB9] =	sst s0;
	s0 =	simm.s32 @!p2 $0x0  }
0x16: {  	s3 =	sld [smem:$0x3FDB];
	s0 =	simm.s32 @p2 $0x1  }
0x17: {  	s4 =	simm.s32 $0x1BF5;
	[smem:$0x3FBB] =	sst s0  }
0x18: {  	s0 =	sld [smem:$0x3F9E];
	_ =	swait.ge [sflag:s4], $0x0  }
0x19: {  	s7 =	sld [smem:$0x3F9F]  }
0x1a: {  	s8 =	sadd.s32 $0xFFFFE003, lr  }
0x1b: {  	s9 =	sadd.s32 $0xFFFFFEF7, lr;
	s5 =	simm.s32 $0xFFFFFFFF;
	p2 =	slt.u32 s8, $0xFFFFF086  }
0x1c: {  	p1 =	slt.u32 s9, $0xF7A;
	s5 =	simm.s32 @!p2 $0x0  }
0x1d: {  	s5 =	simm.s32 @p1 $0x1;
	p0 =	seq.s32 s7, s2  }
0x1e: {  	s7 =	smul.u32 @!p0 $0xF7A, s2;
	p2 =	seq.s32 @!p0 s5, $0x0  }
0x1f: {  	s9 =	smul.u32 $0xF7A, s1;
	s8 =	simm.s32 @!p0 $0x1BF5;
	p2 =	por !p2, p0  }
0x20: {  	[sflag:s8] =	ssyncset.s32 @!p0 $0xFFFFF086;
	s6 =	sadd.s32 @!p0 s3, s7;
	s7 =	simm.s32 @!p0 $0x108  }
0x21: {  	s3 =	sadd.s32 s3, s9;
	s6 =	sadd.s32 @!p0 $0x88, s6;
	s7 =	simm.s32 @p2 $0x1082  }
0x22: {  	[simem:s7], [sflag:s8] =	dma.local @!p0 [hbm:s6], $0xF7A  }
0x23: {  	s9 =	sor.u32 $0xD0000000, s2;
	s6 =	simm.s32 $0x108;
	_ =	swait.ge @!p0 [sflag:s8], $0x0  }
0x24: {  	s3 =	sadd.s32 $0x88, s3;
	s6 =	simm.s32 @!p1 $0x1082;
	[sflag:s4] =	ssyncset.s32 $0xFFFFF086  }
0x25: {  	[simem:s6], [sflag:s4] =	dma.local [hbm:s3], $0xF7A  }
0x26: {  	[smem:$0x3F9F] =	sst s1;
	(tag) =	ssettag s2;
	_ =	strace s9  }
0x27: {  	s1 =	sld [smem:$0x3FAF]  }
0x28: {  	s2 =	sld [smem:$0x3FB0]  }
0x29: {  	s4 =	sld [smem:$0x3FB2]  }
0x2a: {  	p0 =	seq.s32 s5, $0x0;
	s5 =	sld [smem:$0x3FB3]  }
0x2b: {  	s6 =	sld [smem:$0x3FB4]  }
0x2c: {  	s7 =	sld [smem:$0x3FB5]  }
0x2d: {  	s3 =	simm.s32 $0x108;
	s8 =	sld [smem:$0x3FB6]  }
0x2e: {  	s3 =	simm.s32 @!p0 $0x1082;
	s9 =	sld [smem:$0x3FB7]  }
0x2f: {  	lr =	sadd.s32 s0, s3;
	s0 =	sld [smem:$0x3FAE]  }
0x30: {  	s3 =	sld [smem:$0x3FB1]  }
0x31: {  	[smem:$0x3FBA] =	sst s10  }
0x32: {  	s10 =	sld [smem:$0x3FB8];
	_ =	sdelay $0x3  }
0x33: {  	p0 =	seq.s32 s10, $0x1;
	s10 =	sld [smem:$0x3FBA];
	_ =	sdelay $0x3  }
0x34: {  	[smem:$0x3FBA] =	sst s10  }
0x35: {  	s10 =	sld [smem:$0x3FB9];
	_ =	sdelay $0x3  }
0x36: {  	p1 =	seq.s32 s10, $0x1;
	s10 =	sld [smem:$0x3FBA];
	_ =	sdelay $0x3  }
0x37: {  	[smem:$0x3FBA] =	sst s10  }
0x38: {  	s10 =	sld [smem:$0x3FBB]  }
0x39: {  	_ = 	snop;
	(pc) =	sbr.ind lr, $3  }
0x3a: {  	_ = 	snop  }
0x3b: {  	_ = 	snop  }
0x3c: {  	p2 =	seq.s32 s10, $0x1;
	s10 =	sld [smem:$0x3FBA]  }
0x3d: {  	_ =	shalt  }
0x3e: {  	_ =	shalt  }
0x3f: {  	_ =	shalt  }
0x40: {  	_ =	shalt  }
0x41: {  	_ =	shalt  }
0x42: {  	_ =	shalt  }
0x43: {  	_ =	shalt  }
0x44: {  	_ =	shalt  }
0x45: {  	_ =	shalt  }
0x46: {  	_ =	shalt  }
0x47: {  	_ =	shalt  }
0x48: {  	_ =	shalt  }
0x49: {  	_ =	shalt  }
0x4a: {  	_ =	shalt  }
0x4b: {  	_ =	shalt  }
0x4c: {  	_ =	shalt  }
0x4d: {  	_ =	shalt  }
0x4e: {  	_ =	shalt  }
0x4f: {  	_ =	shalt  }
0x50: {  	_ =	shalt  }
0x51: {  	_ =	shalt  }
0x52: {  	_ =	shalt  }
0x53: {  	_ =	shalt  }
0x54: {  	_ =	shalt  }
0x55: {  	_ =	shalt  }
0x56: {  	_ =	shalt  }
0x57: {  	_ =	shalt  }
0x58: {  	_ =	shalt  }
0x59: {  	_ =	shalt  }
0x5a: {  	_ =	shalt  }
0x5b: {  	_ =	shalt  }
0x5c: {  	_ =	shalt  }
0x5d: {  	_ =	shalt  }
0x5e: {  	_ =	shalt  }
0x5f: {  	_ =	shalt  }
0x60: {  	_ =	shalt  }
0x61: {  	_ =	shalt  }
0x62: {  	_ =	shalt  }
0x63: {  	_ =	shalt  }
0x64: {  	_ =	shalt  }
0x65: {  	_ =	shalt  }
0x66: {  	_ =	shalt  }
0x67: {  	_ =	shalt  }
0x68: {  	_ =	shalt  }
0x69: {  	_ =	shalt  }
0x6a: {  	_ =	shalt  }
0x6b: {  	_ =	shalt  }
0x6c: {  	_ =	shalt  }
0x6d: {  	_ =	shalt  }
0x6e: {  	_ =	shalt  }
0x6f: {  	_ =	shalt  }
0x70: {  	_ =	shalt  }
0x71: {  	_ =	shalt  }
0x72: {  	_ =	shalt  }
0x73: {  	_ =	shalt  }
0x74: {  	_ =	shalt  }
0x75: {  	_ =	shalt  }
0x76: {  	_ =	shalt  }
0x77: {  	_ =	shalt  }
0x78: {  	_ =	shalt  }
0x79: {  	_ =	shalt  }
0x7a: {  	_ =	shalt  }
0x7b: {  	_ =	shalt  }
0x7c: {  	_ =	shalt  }
0x7d: {  	_ =	shalt  }
0x7e: {  	_ =	shalt  }
0x7f: {  	_ =	shalt  }
0x80: {  	_ =	shalt  }
0x81: {  	_ =	shalt  }
0x82: {  	_ =	shalt  }
0x83: {  	_ =	shalt  }
0x84: {  	_ =	shalt  }
0x85: {  	_ =	shalt  }
0x86: {  	_ =	shalt  }
0x87: {  	_ =	shalt  }
.Lfunc_end0:
.L_simem_size_0:
called_computation_lowered:
.L_overlay_start_0:
0x88: {  	s2 =	sld [smem:$0x3FD9]  }
0x89: {  	s3 =	sld [smem:$0x3FFE];
	_ =	sdelay $0x1  }
0x8a: {  	s1 =	srdreg.scid  }
0x8b: {  	s0 =	sand.u32 $0x1, s1  }
0x8c: {  	s17 =	sshll.u32 s0, $0xA;
	s2 =	sadd.s32 s3, s2  }
0x8d: {  	s2 =	sadd.s32 s2, s17  }
0x8e: {  	[smem:$0x3FC6] =	sst s2  }
0x8f: {  	_ = 	snop  }
0x90: {  	s2 =	sld [smem:$0x3FC8]  }
0x91: {  	s18 =	sld [smem:$0x3FD0];
	(tm) =	ssettm $0x1  }
0x92: {  	s4 =	sld [smem:$0x3FFB];
	_ =	sdelay $0x3  }
0x93: {  	_ =	strace s4  }
0x94: {  	s4 =	sld [smem:$0x3FFC];
	_ =	sdelay $0x3  }
0x95: {  	_ =	strace s4  }
0x96: {  	s4 =	sld [smem:$0x3FFD];
	_ =	sdelay $0x3  }
0x97: {  	_ =	strace s4  }
0x98: {  	_ =	strace $0x8FFFFFFF  }
0x99: {  	s19 =	sld [smem:$0x3FDB];
	_ =	sdelay $0x1  }
0x9a: {  	s5 =	simm.s32 $_scs_section_size  }
0x9b: {  	s6 =	simm.s32 $_size__tile_overlayer_lowered;
	s7 =	simm.s32 $_tile_overlayer_lowered  }
0x9c: {  	s22 =	simm.s32 $0x1BFF;
	s21 =	sshll.u32 s7, $0x1;
	s4 =	sadd.s32 s5, s19  }
0x9d: {  	s8 =	simm.s32 $0x0;
	s20 =	sshll.u32 s6, $0x1;
	s6 =	sadd.s32 s21, s4  }
0x9e: {  	[timem:s8], [sflag:s22] =	dma.local [hbm:s6], s20  }
0x9f: {  	_ =	swait.ge [sflag:s22], s20  }
0xa0: {  	s5 =	ssub.s32 $0x0, s20;
	[sflag:s22] =	ssyncset.done $0x0  }
0xa1: {  	[sflag:s22] =	ssyncadd.s32 s5;
	_ =	sdelay $0x1  }
0xa2: {  	s23 =	simm.s32 $0x1B8B  }
0xa3: {  	_ =	swait.ge [sflag:s23], $0x1  }
0xa4: {  	[sflag:s23] =	ssyncset.done $0x0  }
0xa5: {  	s25 =	simm.s32 $0x1B8E;
	s24 =	sld [smem:$0x3FFE];
	[sflag:s23] =	ssyncadd.s32 $0xFFFFFFFF  }
0xa6: {  	s26 =	simm.s32 $execute0_lowered;
	[smem:$0x3FD2] =	sst s25  }
0xa7: {  	s6 =	sshll.u32 s26, $0x1;
	_ =	strace $0x80000046;
	[dreg:$0x1] =	wrdreg $0xFFFFFFFF  }
0xa8: {  	s28 =	simm.s32 $_size_execute0_lowered;
	s4 =	sadd.s32 s4, s6;
	[dreg:$0x0] =	wrdreg $0x0  }
0xa9: {  	s6 =	sshll.u32 s28, $0x1;
	[dreg:$0x2] =	wrdreg s4  }
0xaa: {  	[dreg:$0x3] =	wrdreg s6  }
0xab: {  	[dreg:$0x4] =	wrdreg $0xC0  }
0xac: {  	_ =	task [dreg:s8], $0x5FFFF  }
0xad: {  	[dreg:$0x1] =	wrdreg $0xFFFFFFFF  }
0xae: {  	[dreg:$0x0] =	wrdreg $0x60  }
0xaf: {  	[dreg:$0x2] =	wrdreg s24  }
0xb0: {  	[dreg:$0x3] =	wrdreg s2  }
0xb1: {  	[dreg:$0x4] =	wrdreg s18  }
0xb2: {  	[dreg:$0x5] =	wrdreg $0x9  }
0xb3: {  	_ =	task.clear_ibuf [dreg:s8], $0x6FFFF;
	_ =	strace $0x90000046  }
0xb4: {  	s29 =	simm.s32 $0x9;
	_ =	strace $0x80000048  }
0xb5: {  	_ =	swait.ge [sflag:s29], $0x1  }
0xb6: {  	[sflag:s29] =	ssyncadd.s32 $0xFFFFFFFF  }
0xb7: {  	_ =	strace $0x90000048  }
0xb8: {  	_ =	sfence  }
0xb9: {  	s30 =	sld [smem:$0x0];
	_ =	sdelay $0x2  }
0xba: {  	s31 =	sshll.u32 s1, $0xD;
	s1 =	sshrl.u32 s1, $0x2  }
0xbb: {  	s3 =	sand.u32 $0x4000, s31;
	s1 =	sadd.s32 s1, s30  }
0xbc: {  	s0 =	sor.u32 s3, s0;
	s1 =	sshll.u32 s1, $0x11  }
0xbd: {  	s0 =	sor.u32 s1, s0  }
0xbe: {  	s0 =	sadd.s32 $0x8F2B, s0  }
0xbf: {  	[sflag:s0] =	ssyncadd.remote.s32 $0x1  }
0xc0: {  	_ =	sfence.sel $0xFFFF  }
0xc1: {  	[dreg:$0x0] =	wrdreg $0xFFFFFFFF;
	(pc) =	sbr.abs _section_cstart, $3  }
0xc2: {  	[dreg:$0x1] =	wrdreg $0xFFFFFFFF  }
0xc3: {  	_ =	task.clear_ibuf [dreg:s8], $0x2FFFF;
	_ =	strace $0x9FFFFFFF  }
0xc4: {  	(tm) =	ssettm $0x7FFFFFFF  }
0xc5: {  	_ =	shalt  }
tec
execute0_lowered:
.L_overlay_start_1:
0x0: {  	(tag) =	ssettag $0x1  }
0x1: {  	s0 =	rddreg [dreg:$0x0]  }
0x2: {  	s16 =	rddreg [dreg:$0x1]  }
0x3: {  	s5 =	rddreg [dreg:$0x2]  }
0x4: {  	s1 =	srdreg.scid;
	s2 =	stileid.u32;
	s28 =	simm.s32 $0x0  }
0x5: {  	s1 =	sand.u32 $0x1, s1;
	s2 =	sshll.u32 s2, $0x1;
	[smem:$0x7FF] =	sst s28  }
0x6: {  	s30 =	sadd.s32 $0x100, s16;
	s31 =	sadd.s32 $0x200, s16;
	s2 =	sor.u32 s1, s2  }
0x7: {  	_ =	strace $0x80000047;
	[smem:$0x7FC] =	sst s30;
	s29 =	sshll.u32 s2, $0x3  }
0x8: {  	[smem:$0x7FD] =	sst s31;
	s3 =	sadd.s32 s29, s0  }
0x9: {  	[smem:$0x7FB] =	sst s29;
	s21 =	sadd.s32 $0x400, s3  }
0xa: {  	s1 =	ssub.s32 $0x2, s1;
	s22 =	sadd.s32 $0x500, s3;
	[smem:$0x7F4] =	sst s21  }
0xb: {  	s2 =	smul.u32 $0x1800, s2;
	s23 =	sadd.s32 $0x600, s3;
	[smem:$0x7F6] =	sst s22  }
0xc: {  	s4 =	sshrl.u32 s1, $0x1;
	s24 =	sadd.s32 $0x700, s3;
	[smem:$0x7F7] =	sst s23  }
0xd: {  	s1 =	ssub.s32 s1, s4;
	s25 =	sadd.s32 s5, s2;
	[smem:$0x7F8] =	sst s24  }
0xe: {  	v2 =	vlaneseq.u32;
	s0 =	sadd.s32 s2, s0;
	s26 =	smax.u32 s1, $0x1;
	[smem:$0x7F9] =	sst s25  }
0xf: {  	vm0 =	vmmov $0xffff;
	v1 =	vshrl.u32 v2, $0x3;
	s0 =	sadd.s32 $0x800, s0;
	[smem:$0x7FA] =	sst s26  }
0x10: {  	v0 =	vand.u32 $0x7, v2;
	v2 =	vor.u32 $0x8, v2;
	v1 =	vmul.u32 $0x8, v1;
	s2 =	simm.s32 $0x0;
	[smem:$0x7F5] =	sst s0  }
.LBB2_1:
0x11: {  	s0 =	sld [smem:$0x7F4];
	_ =	sdelay $0x1  }
0x12: {  	s8 =	sld [smem:$0x7F5]  }
0x13: {  	[tilespmem:s28], [sflag:$0x3] =	stream.linear.gather [hbm4b:s0+s28], $0x40, $0x38;
	[tilespmem:$0x1E200] =	vst v63  }
0x14: {  	[smem:$0x7F3] =	sst s2;
	s1 =	simm.s32 $0x200;
	s9 =	simm.s32 $0x3  }
0x15: {  	[tilespmem:s1], [sflag:$0x4] =	stream.linear.gather [hbm4b:s8+s28], $0xC000, $0x38;
	[tilespmem:$0x1E200] =	vst v63  }
0x16: {  	_ =	swait.ge [sflag:s9], $0x40  }
0x17: {  	[sflag:s9] =	ssyncset.done $0x0  }
0x18: {  	[sflag:s9] =	ssyncadd.s32 $0xFFFFFFC0  }
0x19: {  	v3 =	vld [tilespmem:$0x0];
	_ =	sdelay $0x4  }
0x1a: {  	v4 =	vshrl.u32 v3, $0x3  }
0x1b: {  	v4 =	vmul.u32 $0x30, v4  }
0x1c: {  	v3 =	vand.u32 $0x7, v3  }
0x1d: {  	v3 =	vor.u32 v3, v4  }
0x1e: {  	v4 =	vperm.xlane v3, v0;
	_ =	sdelay $0x1  }
0x1f: {  	v4 =	vadd.s32 v1, v4;
	_ =	sdelay $0x3  }
0x20: {  	s10 =	simm.s32 $0xC200;
	v3 =	vperm.xlane v3, v2  }
0x21: {  	[tilespmem:s10], [sflag:$0x1] =	stream.indirect_vreg.gather [hbm4b:s16+s28], $0x80, v4, vm0, $0xb8;
	[tilespmem:$0x1E200] =	vst v63  }
0x22: {  	s11 =	simm.s32 $0xCA00;
	v3 =	vadd.s32 v1, v3  }
0x23: {  	[tilespmem:s11], [sflag:$0x1] =	stream.indirect_vreg.gather [hbm4b:s30+s28], $0x80, v4, vm0, $0xb8;
	[tilespmem:$0x1E200] =	vst v63  }
0x24: {  	s12 =	simm.s32 $0xD200  }
0x25: {  	[tilespmem:s12], [sflag:$0x1] =	stream.indirect_vreg.gather [hbm4b:s31+s28], $0x80, v4, vm0, $0xb8;
	[tilespmem:$0x1E200] =	vst v63  }
0x26: {  	s13 =	simm.s32 $0xDA00  }
0x27: {  	[tilespmem:s13], [sflag:$0x1] =	stream.indirect_vreg.gather [hbm4b:s16+s28], $0x80, v3, vm0, $0xb8;
	[tilespmem:$0x1E200] =	vst v63  }
0x28: {  	s14 =	simm.s32 $0xE200  }
0x29: {  	[tilespmem:s14], [sflag:$0x1] =	stream.indirect_vreg.gather [hbm4b:s30+s28], $0x80, v3, vm0, $0xb8;
	[tilespmem:$0x1E200] =	vst v63  }
0x2a: {  	s15 =	simm.s32 $0xEA00  }
0x2b: {  	[tilespmem:s15], [sflag:$0x1] =	stream.indirect_vreg.gather [hbm4b:s31+s28], $0x80, v3, vm0, $0xb8;
	[tilespmem:$0x1E200] =	vst v63  }
0x2c: {  	v3 =	vld [tilespmem:$0x10];
	_ =	sdelay $0x4  }
0x2d: {  	v4 =	vshrl.u32 v3, $0x3  }
0x2e: {  	v4 =	vmul.u32 $0x30, v4  }
0x2f: {  	v3 =	vand.u32 $0x7, v3  }
0x30: {  	v3 =	vor.u32 v3, v4  }
0x31: {  	v4 =	vperm.xlane v3, v0;
	_ =	sdelay $0x1  }
0x32: {  	v4 =	vadd.s32 v1, v4;
	_ =	sdelay $0x3  }
0x33: {  	s17 =	simm.s32 $0xF200;
	v3 =	vperm.xlane v3, v2  }
0x34: {  	[tilespmem:s17], [sflag:$0x1] =	stream.indirect_vreg.gather [hbm4b:s16+s28], $0x80, v4, vm0, $0xb8;
	[tilespmem:$0x1E200] =	vst v63  }
0x35: {  	s18 =	simm.s32 $0xFA00;
	v3 =	vadd.s32 v1, v3  }
0x36: {  	[tilespmem:s18], [sflag:$0x1] =	stream.indirect_vreg.gather [hbm4b:s30+s28], $0x80, v4, vm0, $0xb8;
	[tilespmem:$0x1E200] =	vst v63  }
0x37: {  	s19 =	simm.s32 $0x10200  }
0x38: {  	[tilespmem:s19], [sflag:$0x1] =	stream.indirect_vreg.gather [hbm4b:s31+s28], $0x80, v4, vm0, $0xb8;
	[tilespmem:$0x1E200] =	vst v63  }
0x39: {  	s20 =	simm.s32 $0x10A00  }
0x3a: {  	[tilespmem:s20], [sflag:$0x1] =	stream.indirect_vreg.gather [hbm4b:s16+s28], $0x80, v3, vm0, $0xb8;
	[tilespmem:$0x1E200] =	vst v63  }
0x3b: {  	s21 =	simm.s32 $0x11200  }
0x3c: {  	[tilespmem:s21], [sflag:$0x1] =	stream.indirect_vreg.gather [hbm4b:s30+s28], $0x80, v3, vm0, $0xb8;
	[tilespmem:$0x1E200] =	vst v63  }
0x3d: {  	s22 =	simm.s32 $0x11A00  }
0x3e: {  	[tilespmem:s22], [sflag:$0x1] =	stream.indirect_vreg.gather [hbm4b:s31+s28], $0x80, v3, vm0, $0xb8;
	[tilespmem:$0x1E200] =	vst v63  }
0x3f: {  	v3 =	vld [tilespmem:$0x20];
	_ =	sdelay $0x4  }
0x40: {  	v4 =	vshrl.u32 v3, $0x3  }
0x41: {  	v4 =	vmul.u32 $0x30, v4  }
0x42: {  	v3 =	vand.u32 $0x7, v3  }
0x43: {  	v3 =	vor.u32 v3, v4  }
0x44: {  	v4 =	vperm.xlane v3, v0;
	_ =	sdelay $0x1  }
0x45: {  	v4 =	vadd.s32 v1, v4;
	_ =	sdelay $0x3  }
0x46: {  	s23 =	simm.s32 $0x12200;
	v3 =	vperm.xlane v3, v2  }
0x47: {  	[tilespmem:s23], [sflag:$0x1] =	stream.indirect_vreg.gather [hbm4b:s16+s28], $0x80, v4, vm0, $0xb8;
	[tilespmem:$0x1E200] =	vst v63  }
0x48: {  	s24 =	simm.s32 $0x12A00;
	v3 =	vadd.s32 v1, v3  }
0x49: {  	[tilespmem:s24], [sflag:$0x1] =	stream.indirect_vreg.gather [hbm4b:s30+s28], $0x80, v4, vm0, $0xb8;
	[tilespmem:$0x1E200] =	vst v63  }
0x4a: {  	s25 =	simm.s32 $0x13200  }
0x4b: {  	[tilespmem:s25], [sflag:$0x1] =	stream.indirect_vreg.gather [hbm4b:s31+s28], $0x80, v4, vm0, $0xb8;
	[tilespmem:$0x1E200] =	vst v63  }
0x4c: {  	s26 =	simm.s32 $0x13A00  }
0x4d: {  	[tilespmem:s26], [sflag:$0x1] =	stream.indirect_vreg.gather [hbm4b:s16+s28], $0x80, v3, vm0, $0xb8;
	[tilespmem:$0x1E200] =	vst v63  }
0x4e: {  	s29 =	simm.s32 $0x14200  }
0x4f: {  	[tilespmem:s29], [sflag:$0x1] =	stream.indirect_vreg.gather [hbm4b:s30+s28], $0x80, v3, vm0, $0xb8;
	[tilespmem:$0x1E200] =	vst v63  }
0x50: {  	s1 =	simm.s32 $0x14A00  }
0x51: {  	[tilespmem:s1], [sflag:$0x1] =	stream.indirect_vreg.gather [hbm4b:s31+s28], $0x80, v3, vm0, $0xb8;
	[tilespmem:$0x1E200] =	vst v63  }
0x52: {  	v3 =	vld [tilespmem:$0x30];
	_ =	sdelay $0x4  }
0x53: {  	v4 =	vshrl.u32 v3, $0x3  }
0x54: {  	v4 =	vmul.u32 $0x30, v4  }
0x55: {  	v3 =	vand.u32 $0x7, v3  }
0x56: {  	v3 =	vor.u32 v3, v4  }
0x57: {  	v4 =	vperm.xlane v3, v0;
	_ =	sdelay $0x1  }
0x58: {  	v4 =	vadd.s32 v1, v4;
	_ =	sdelay $0x3  }
0x59: {  	s2 =	simm.s32 $0x15200;
	v3 =	vperm.xlane v3, v2  }
0x5a: {  	[tilespmem:s2], [sflag:$0x1] =	stream.indirect_vreg.gather [hbm4b:s16+s28], $0x80, v4, vm0, $0xb8;
	[tilespmem:$0x1E200] =	vst v63  }
0x5b: {  	s3 =	simm.s32 $0x15A00;
	v3 =	vadd.s32 v1, v3  }
0x5c: {  	[tilespmem:s3], [sflag:$0x1] =	stream.indirect_vreg.gather [hbm4b:s30+s28], $0x80, v4, vm0, $0xb8;
	[tilespmem:$0x1E200] =	vst v63  }
0x5d: {  	s4 =	simm.s32 $0x16200  }
0x5e: {  	[tilespmem:s4], [sflag:$0x1] =	stream.indirect_vreg.gather [hbm4b:s31+s28], $0x80, v4, vm0, $0xb8;
	[tilespmem:$0x1E200] =	vst v63  }
0x5f: {  	s5 =	simm.s32 $0x16A00  }
0x60: {  	[tilespmem:s5], [sflag:$0x1] =	stream.indirect_vreg.gather [hbm4b:s16+s28], $0x80, v3, vm0, $0xb8;
	[tilespmem:$0x1E200] =	vst v63  }
0x61: {  	s6 =	simm.s32 $0x17200  }
0x62: {  	[tilespmem:s6], [sflag:$0x1] =	stream.indirect_vreg.gather [hbm4b:s30+s28], $0x80, v3, vm0, $0xb8;
	[tilespmem:$0x1E200] =	vst v63  }
0x63: {  	s7 =	simm.s32 $0x17A00;
	s8 =	sld [smem:$0x7F6]  }
0x64: {  	[tilespmem:s7], [sflag:$0x1] =	stream.indirect_vreg.gather [hbm4b:s31+s28], $0x80, v3, vm0, $0xb8;
	[tilespmem:$0x1E200] =	vst v63  }
0x65: {  	s9 =	simm.s32 $0x80;
	s10 =	simm.s32 $0x5  }
0x66: {  	[tilespmem:s9], [sflag:$0x5] =	stream.linear.gather [hbm4b:s8+s28], $0x40, $0x38;
	[tilespmem:$0x1E200] =	vst v63  }
0x67: {  	_ =	swait.ge [sflag:s10], $0x40  }
0x68: {  	s11 =	sld [smem:$0x7F7]  }
0x69: {  	[sflag:s10] =	ssyncset.done $0x0  }
0x6a: {  	s12 =	simm.s32 $0x100;
	[sflag:s10] =	ssyncadd.s32 $0xFFFFFFC0  }
0x6b: {  	[tilespmem:s12], [sflag:$0x5] =	stream.linear.gather [hbm4b:s11+s28], $0x40, $0x38;
	[tilespmem:$0x1E200] =	vst v63  }
0x6c: {  	_ =	swait.ge [sflag:s10], $0x40  }
0x6d: {  	s13 =	sld [smem:$0x7F8]  }
0x6e: {  	[sflag:s10] =	ssyncset.done $0x0  }
0x6f: {  	s14 =	simm.s32 $0x180;
	[sflag:s10] =	ssyncadd.s32 $0xFFFFFFC0  }
0x70: {  	[tilespmem:s14], [sflag:$0x5] =	stream.linear.gather [hbm4b:s13+s28], $0x40, $0x38;
	[tilespmem:$0x1E200] =	vst v63  }
0x71: {  	_ =	swait.ge [sflag:s10], $0x40  }
0x72: {  	[sflag:s10] =	ssyncset.done $0x0  }
0x73: {  	s15 =	simm.s32 $0x4;
	[sflag:s10] =	ssyncadd.s32 $0xFFFFFFC0  }
0x74: {  	_ =	swait.ge [sflag:s15], $0xC000  }
0x75: {  	[sflag:s15] =	ssyncset.done $0x0  }
0x76: {  	s16 =	simm.s32 $0x1;
	[sflag:s15] =	ssyncadd.s32 $0xFFFF4000  }
0x77: {  	_ =	swait.ge [sflag:s16], $0x6000  }
0x78: {  	[sflag:s16] =	ssyncset.done $0x0  }
0x79: {  	s17 =	simm.s32 $0x0;
	s1 =	simm.s32 $0x800;
	[sflag:s16] =	ssyncadd.s32 $0xFFFFA000  }
0x7a: {  	s0 =	smul.u32 $0x6000, s17;
	v3 =	vld [tilespmem:s1+$0x300]  }
0x7b: {  	v4 =	vld [tilespmem:s1+$0xFFFFFA00]  }
0x7c: {  	s18 =	simm.s32 $0x180;
	s11 =	sshra.s32 s0, $0x2;
	v5 =	vld [tilespmem:s1+$0xFFFFFD00]  }
0x7d: {  	s3 =	sadd.s32 $0xC200, s11;
	s15 =	sand.u32 $0x380, s18  }
0x7e: {  	s19 =	simm.s32 $0x80;
	s7 =	sand.u32 $0x200, s28;
	s4 =	sadd.s32 s15, s3;
	v6 =	vld [tilespmem:s1+$0x0]  }
0x7f: {  	s6 =	sand.u32 $0x280, s19;
	s2 =	sadd.s32 s7, s3;
	[tilespmem:s4+$0x0] =	vst.add.f32.msk $0xffff, v3  }
0x80: {  	s0 =	sadd.s32 s6, s3;
	[tilespmem:s2+$0x0] =	vst.add.f32.msk $0xffff, v4  }
0x81: {  	[tilespmem:s0+$0x0] =	vst.add.f32.msk $0xffff, v5  }
0x82: {  	s5 =	simm.s32 $0x100;
	v3 =	vld [tilespmem:s1+$0x310]  }
0x83: {  	s10 =	sand.u32 $0x300, s5;
	v4 =	vld [tilespmem:s1+$0xFFFFFA10]  }
0x84: {  	s3 =	sadd.s32 s10, s3;
	v5 =	vld [tilespmem:s1+$0xFFFFFD10]  }
0x85: {  	[tilespmem:s3+$0x0] =	vst.add.f32.msk $0xffff, v6  }
0x86: {  	s8 =	sor.u32 $0x10, s4;
	v6 =	vld [tilespmem:s1+$0x10]  }
0x87: {  	s20 =	sor.u32 $0x10, s2;
	[tilespmem:s8+$0x0] =	vst.add.f32.msk $0xffff, v3  }
0x88: {  	s22 =	sor.u32 $0x10, s0;
	[tilespmem:s20+$0x0] =	vst.add.f32.msk $0xffff, v4  }
0x89: {  	[tilespmem:s22+$0x0] =	vst.add.f32.msk $0xffff, v5  }
0x8a: {  	v3 =	vld [tilespmem:s1+$0x320]  }
0x8b: {  	v4 =	vld [tilespmem:s1+$0xFFFFFA20]  }
0x8c: {  	s23 =	sor.u32 $0x10, s3;
	v5 =	vld [tilespmem:s1+$0xFFFFFD20]  }
0x8d: {  	[tilespmem:s23+$0x0] =	vst.add.f32.msk $0xffff, v6  }
0x8e: {  	s21 =	sor.u32 $0x20, s4;
	v6 =	vld [tilespmem:s1+$0x20]  }
0x8f: {  	s25 =	sor.u32 $0x20, s2;
	[tilespmem:s21+$0x0] =	vst.add.f32.msk $0xffff, v3  }
0x90: {  	s26 =	sor.u32 $0x20, s0;
	[tilespmem:s25+$0x0] =	vst.add.f32.msk $0xffff, v4  }
0x91: {  	[tilespmem:s26+$0x0] =	vst.add.f32.msk $0xffff, v5  }
0x92: {  	v3 =	vld [tilespmem:s1+$0x330]  }
0x93: {  	v4 =	vld [tilespmem:s1+$0xFFFFFA30]  }
0x94: {  	s29 =	sor.u32 $0x20, s3;
	v5 =	vld [tilespmem:s1+$0xFFFFFD30]  }
0x95: {  	[tilespmem:s29+$0x0] =	vst.add.f32.msk $0xffff, v6  }
0x96: {  	s24 =	sor.u32 $0x30, s4;
	v6 =	vld [tilespmem:s1+$0x30]  }
0x97: {  	s30 =	sor.u32 $0x30, s2;
	[tilespmem:s24+$0x0] =	vst.add.f32.msk $0xffff, v3  }
0x98: {  	s8 =	sor.u32 $0x30, s0;
	[tilespmem:s30+$0x0] =	vst.add.f32.msk $0xffff, v4  }
0x99: {  	[tilespmem:s8+$0x0] =	vst.add.f32.msk $0xffff, v5  }
0x9a: {  	v3 =	vld [tilespmem:s1+$0x340]  }
0x9b: {  	v4 =	vld [tilespmem:s1+$0xFFFFFA40]  }
0x9c: {  	s9 =	sor.u32 $0x30, s3;
	v5 =	vld [tilespmem:s1+$0xFFFFFD40]  }
0x9d: {  	[tilespmem:s9+$0x0] =	vst.add.f32.msk $0xffff, v6  }
0x9e: {  	s28 =	sor.u32 $0x40, s4;
	v6 =	vld [tilespmem:s1+$0x40]  }
0x9f: {  	s13 =	sor.u32 $0x40, s2;
	[tilespmem:s28+$0x0] =	vst.add.f32.msk $0xffff, v3  }
0xa0: {  	s14 =	sor.u32 $0x40, s0;
	[tilespmem:s13+$0x0] =	vst.add.f32.msk $0xffff, v4  }
0xa1: {  	[tilespmem:s14+$0x0] =	vst.add.f32.msk $0xffff, v5  }
0xa2: {  	v3 =	vld [tilespmem:s1+$0x350]  }
0xa3: {  	v4 =	vld [tilespmem:s1+$0xFFFFFA50]  }
0xa4: {  	s17 =	sor.u32 $0x40, s3;
	v5 =	vld [tilespmem:s1+$0xFFFFFD50]  }
0xa5: {  	[tilespmem:s17+$0x0] =	vst.add.f32.msk $0xffff, v6  }
0xa6: {  	s31 =	sor.u32 $0x50, s4;
	v6 =	vld [tilespmem:s1+$0x50]  }
0xa7: {  	s18 =	sor.u32 $0x50, s2;
	[tilespmem:s31+$0x0] =	vst.add.f32.msk $0xffff, v3  }
0xa8: {  	s19 =	sor.u32 $0x50, s0;
	[tilespmem:s18+$0x0] =	vst.add.f32.msk $0xffff, v4  }
0xa9: {  	[tilespmem:s19+$0x0] =	vst.add.f32.msk $0xffff, v5  }
0xaa: {  	v3 =	vld [tilespmem:s1+$0x360]  }
0xab: {  	v4 =	vld [tilespmem:s1+$0xFFFFFA60]  }
0xac: {  	s20 =	sor.u32 $0x50, s3;
	v5 =	vld [tilespmem:s1+$0xFFFFFD60]  }
0xad: {  	[tilespmem:s20+$0x0] =	vst.add.f32.msk $0xffff, v6  }
0xae: {  	s12 =	sor.u32 $0x60, s4;
	v6 =	vld [tilespmem:s1+$0x60]  }
0xaf: {  	s21 =	sor.u32 $0x60, s2;
	[tilespmem:s12+$0x0] =	vst.add.f32.msk $0xffff, v3  }
0xb0: {  	s22 =	sor.u32 $0x60, s0;
	[tilespmem:s21+$0x0] =	vst.add.f32.msk $0xffff, v4  }
0xb1: {  	[tilespmem:s22+$0x0] =	vst.add.f32.msk $0xffff, v5  }
0xb2: {  	v3 =	vld [tilespmem:s1+$0x370]  }
0xb3: {  	v4 =	vld [tilespmem:s1+$0xFFFFFA70]  }
0xb4: {  	s23 =	sor.u32 $0x60, s3;
	v5 =	vld [tilespmem:s1+$0xFFFFFD70]  }
0xb5: {  	[tilespmem:s23+$0x0] =	vst.add.f32.msk $0xffff, v6  }
0xb6: {  	s16 =	sor.u32 $0x70, s4;
	v6 =	vld [tilespmem:s1+$0x70]  }
0xb7: {  	s24 =	sor.u32 $0x70, s2;
	[tilespmem:s16+$0x0] =	vst.add.f32.msk $0xffff, v3  }
0xb8: {  	s25 =	sor.u32 $0x70, s0;
	[tilespmem:s24+$0x0] =	vst.add.f32.msk $0xffff, v4  }
0xb9: {  	[tilespmem:s25+$0x0] =	vst.add.f32.msk $0xffff, v5  }
0xba: {  	v3 =	vld [tilespmem:s1+$0x380]  }
0xbb: {  	v4 =	vld [tilespmem:s1+$0xFFFFFA80]  }
0xbc: {  	s26 =	sor.u32 $0x70, s3;
	v5 =	vld [tilespmem:s1+$0xFFFFFD80]  }
0xbd: {  	[tilespmem:s26+$0x0] =	vst.add.f32.msk $0xffff, v6  }
0xbe: {  	v6 =	vld [tilespmem:s1+$0x80]  }
0xbf: {  	[tilespmem:s4+$0x400] =	vst.add.f32.msk $0xffff, v3  }
0xc0: {  	[tilespmem:s2+$0x400] =	vst.add.f32.msk $0xffff, v4  }
0xc1: {  	[tilespmem:s0+$0x400] =	vst.add.f32.msk $0xffff, v5  }
0xc2: {  	v3 =	vld [tilespmem:s1+$0x390]  }
0xc3: {  	v4 =	vld [tilespmem:s1+$0xFFFFFA90]  }
0xc4: {  	v5 =	vld [tilespmem:s1+$0xFFFFFD90]  }
0xc5: {  	[tilespmem:s3+$0x400] =	vst.add.f32.msk $0xffff, v6  }
0xc6: {  	v6 =	vld [tilespmem:s1+$0x90]  }
0xc7: {  	[tilespmem:s4+$0x410] =	vst.add.f32.msk $0xffff, v3  }
0xc8: {  	[tilespmem:s2+$0x410] =	vst.add.f32.msk $0xffff, v4  }
0xc9: {  	[tilespmem:s0+$0x410] =	vst.add.f32.msk $0xffff, v5  }
0xca: {  	v3 =	vld [tilespmem:s1+$0x3A0]  }
0xcb: {  	v4 =	vld [tilespmem:s1+$0xFFFFFAA0]  }
0xcc: {  	v5 =	vld [tilespmem:s1+$0xFFFFFDA0]  }
0xcd: {  	[tilespmem:s3+$0x410] =	vst.add.f32.msk $0xffff, v6  }
0xce: {  	v6 =	vld [tilespmem:s1+$0xA0]  }
0xcf: {  	[tilespmem:s4+$0x420] =	vst.add.f32.msk $0xffff, v3  }
0xd0: {  	[tilespmem:s2+$0x420] =	vst.add.f32.msk $0xffff, v4  }
0xd1: {  	[tilespmem:s0+$0x420] =	vst.add.f32.msk $0xffff, v5  }
0xd2: {  	v3 =	vld [tilespmem:s1+$0x3B0]  }
0xd3: {  	v4 =	vld [tilespmem:s1+$0xFFFFFAB0]  }
0xd4: {  	v5 =	vld [tilespmem:s1+$0xFFFFFDB0]  }
0xd5: {  	[tilespmem:s3+$0x420] =	vst.add.f32.msk $0xffff, v6  }
0xd6: {  	v6 =	vld [tilespmem:s1+$0xB0]  }
0xd7: {  	[tilespmem:s4+$0x430] =	vst.add.f32.msk $0xffff, v3  }
0xd8: {  	[tilespmem:s2+$0x430] =	vst.add.f32.msk $0xffff, v4  }
0xd9: {  	[tilespmem:s0+$0x430] =	vst.add.f32.msk $0xffff, v5  }
0xda: {  	v3 =	vld [tilespmem:s1+$0x3C0]  }
0xdb: {  	v4 =	vld [tilespmem:s1+$0xFFFFFAC0]  }
0xdc: {  	v5 =	vld [tilespmem:s1+$0xFFFFFDC0]  }
0xdd: {  	[tilespmem:s3+$0x430] =	vst.add.f32.msk $0xffff, v6  }
0xde: {  	v6 =	vld [tilespmem:s1+$0xC0]  }
0xdf: {  	[tilespmem:s4+$0x440] =	vst.add.f32.msk $0xffff, v3  }
0xe0: {  	[tilespmem:s2+$0x440] =	vst.add.f32.msk $0xffff, v4  }
0xe1: {  	[tilespmem:s0+$0x440] =	vst.add.f32.msk $0xffff, v5  }
0xe2: {  	v3 =	vld [tilespmem:s1+$0x3D0]  }
0xe3: {  	v4 =	vld [tilespmem:s1+$0xFFFFFAD0]  }
0xe4: {  	[tilespmem:s3+$0x440] =	vst.add.f32.msk $0xffff, v6  }
0xe5: {  	v5 =	vld [tilespmem:s1+$0xFFFFFDD0]  }
0xe6: {  	v6 =	vld [tilespmem:s1+$0xD0]  }
0xe7: {  	[tilespmem:s4+$0x450] =	vst.add.f32.msk $0xffff, v3  }
0xe8: {  	[tilespmem:s2+$0x450] =	vst.add.f32.msk $0xffff, v4  }
0xe9: {  	v3 =	vld [tilespmem:s1+$0x3E0]  }
0xea: {  	[tilespmem:s0+$0x450] =	vst.add.f32.msk $0xffff, v5  }
0xeb: {  	[tilespmem:s3+$0x450] =	vst.add.f32.msk $0xffff, v6  }
0xec: {  	v4 =	vld [tilespmem:s1+$0xFFFFFAE0]  }
0xed: {  	v5 =	vld [tilespmem:s1+$0xFFFFFDE0]  }
0xee: {  	[tilespmem:s4+$0x460] =	vst.add.f32.msk $0xffff, v3  }
0xef: {  	v3 =	vld [tilespmem:s1+$0x3F0]  }
0xf0: {  	v6 =	vld [tilespmem:s1+$0xE0]  }
0xf1: {  	[tilespmem:s2+$0x460] =	vst.add.f32.msk $0xffff, v4  }
0xf2: {  	[tilespmem:s0+$0x460] =	vst.add.f32.msk $0xffff, v5  }
0xf3: {  	v4 =	vld [tilespmem:s1+$0xFFFFFAF0]  }
0xf4: {  	[tilespmem:s4+$0x470] =	vst.add.f32.msk $0xffff, v3  }
0xf5: {  	v3 =	vld [tilespmem:s1+$0x400]  }
0xf6: {  	[tilespmem:s3+$0x460] =	vst.add.f32.msk $0xffff, v6  }
0xf7: {  	v5 =	vld [tilespmem:s1+$0xFFFFFDF0]  }
0xf8: {  	s28 =	sadd.s32 $0xCA00, s11;
	v6 =	vld [tilespmem:s1+$0xF0]  }
0xf9: {  	s29 =	sadd.s32 s15, s28;
	[tilespmem:s2+$0x470] =	vst.add.f32.msk $0xffff, v4  }
0xfa: {  	[tilespmem:s29+$0x0] =	vst.add.f32.msk $0xffff, v3  }
0xfb: {  	v3 =	vld [tilespmem:s1+$0x410]  }
0xfc: {  	[tilespmem:s0+$0x470] =	vst.add.f32.msk $0xffff, v5  }
0xfd: {  	[tilespmem:s3+$0x470] =	vst.add.f32.msk $0xffff, v6  }
0xfe: {  	v4 =	vld [tilespmem:s1+$0xFFFFFB00]  }
0xff: {  	s30 =	sor.u32 $0x10, s29;
	v5 =	vld [tilespmem:s1+$0xFFFFFE00]  }
0x100: {  	[tilespmem:s30+$0x0] =	vst.add.f32.msk $0xffff, v3  }
0x101: {  	v3 =	vld [tilespmem:s1+$0x420]  }
0x102: {  	s4 =	sadd.s32 s7, s28;
	v6 =	vld [tilespmem:s1+$0x100]  }
0x103: {  	s3 =	sadd.s32 s6, s28;
	[tilespmem:s4+$0x0] =	vst.add.f32.msk $0xffff, v4  }
0x104: {  	[tilespmem:s3+$0x0] =	vst.add.f32.msk $0xffff, v5  }
0x105: {  	s31 =	sor.u32 $0x20, s29;
	v4 =	vld [tilespmem:s1+$0xFFFFFB10]  }
0x106: {  	[tilespmem:s31+$0x0] =	vst.add.f32.msk $0xffff, v3  }
0x107: {  	s5 =	sadd.s32 s10, s28;
	v3 =	vld [tilespmem:s1+$0x430]  }
0x108: {  	[tilespmem:s5+$0x0] =	vst.add.f32.msk $0xffff, v6  }
0x109: {  	s19 =	sor.u32 $0x10, s4;
	v5 =	vld [tilespmem:s1+$0xFFFFFE10]  }
0x10a: {  	[tilespmem:s19+$0x0] =	vst.add.f32.msk $0xffff, v4  }
0x10b: {  	s9 =	sor.u32 $0x30, s29;
	v4 =	vld [tilespmem:s1+$0xFFFFFB20]  }
0x10c: {  	[tilespmem:s9+$0x0] =	vst.add.f32.msk $0xffff, v3  }
0x10d: {  	s21 =	sor.u32 $0x10, s3;
	v3 =	vld [tilespmem:s1+$0x440]  }
0x10e: {  	[tilespmem:s21+$0x0] =	vst.add.f32.msk $0xffff, v5  }
0x10f: {  	v5 =	vld [tilespmem:s1+$0xFFFFFE20]  }
0x110: {  	s23 =	sor.u32 $0x20, s4;
	v6 =	vld [tilespmem:s1+$0x110]  }
0x111: {  	s12 =	sor.u32 $0x40, s29;
	[tilespmem:s23+$0x0] =	vst.add.f32.msk $0xffff, v4  }
0x112: {  	[tilespmem:s12+$0x0] =	vst.add.f32.msk $0xffff, v3  }
0x113: {  	s24 =	sor.u32 $0x20, s3;
	v3 =	vld [tilespmem:s1+$0x450]  }
0x114: {  	[tilespmem:s24+$0x0] =	vst.add.f32.msk $0xffff, v5  }
0x115: {  	v4 =	vld [tilespmem:s1+$0xFFFFFB30];
	s9 =	sor.u32 $0x10, s5  }
0x116: {  	[tilespmem:s9+$0x0] =	vst.add.f32.msk $0xffff, v6  }
0x117: {  	s13 =	sor.u32 $0x50, s29;
	v6 =	vld [tilespmem:s1+$0x120]  }
0x118: {  	[tilespmem:s13+$0x0] =	vst.add.f32.msk $0xffff, v3  }
0x119: {  	v3 =	vld [tilespmem:s1+$0x460]  }
0x11a: {  	s28 =	sor.u32 $0x30, s4;
	v5 =	vld [tilespmem:s1+$0xFFFFFE30]  }
0x11b: {  	s26 =	sor.u32 $0x20, s5;
	[tilespmem:s28+$0x0] =	vst.add.f32.msk $0xffff, v4  }
0x11c: {  	[tilespmem:s26+$0x0] =	vst.add.f32.msk $0xffff, v6  }
0x11d: {  	s14 =	sor.u32 $0x60, s29;
	v6 =	vld [tilespmem:s1+$0x130]  }
0x11e: {  	[tilespmem:s14+$0x0] =	vst.add.f32.msk $0xffff, v3  }
0x11f: {  	s30 =	sor.u32 $0x30, s3;
	v3 =	vld [tilespmem:s1+$0x470]  }
0x120: {  	[tilespmem:s30+$0x0] =	vst.add.f32.msk $0xffff, v5  }
0x121: {  	v4 =	vld [tilespmem:s1+$0xFFFFFB40]  }
0x122: {  	s31 =	sor.u32 $0x30, s5;
	v5 =	vld [tilespmem:s1+$0xFFFFFE40]  }
0x123: {  	s16 =	sor.u32 $0x70, s29;
	[tilespmem:s31+$0x0] =	vst.add.f32.msk $0xffff, v6  }
0x124: {  	[tilespmem:s16+$0x0] =	vst.add.f32.msk $0xffff, v3  }
0x125: {  	s13 =	sor.u32 $0x40, s4;
	v3 =	vld [tilespmem:s1+$0x480]  }
0x126: {  	[tilespmem:s13+$0x0] =	vst.add.f32.msk $0xffff, v4  }
0x127: {  	v6 =	vld [tilespmem:s1+$0x140];
	s14 =	sor.u32 $0x40, s3  }
0x128: {  	s0 =	sadd.s32 $0xCE00, s11;
	[tilespmem:s14+$0x0] =	vst.add.f32.msk $0xffff, v5  }
0x129: {  	s17 =	sadd.s32 s15, s0;
	v5 =	vld [tilespmem:s1+$0xFFFFFE50]  }
0x12a: {  	[tilespmem:s17+$0x0] =	vst.add.f32.msk $0xffff, v3  }
0x12b: {  	v3 =	vld [tilespmem:s1+$0x490]  }
0x12c: {  	v4 =	vld [tilespmem:s1+$0xFFFFFB50];
	s16 =	sor.u32 $0x40, s5  }
0x12d: {  	s19 =	sor.u32 $0x50, s3;
	[tilespmem:s16+$0x0] =	vst.add.f32.msk $0xffff, v6  }
0x12e: {  	[tilespmem:s19+$0x0] =	vst.add.f32.msk $0xffff, v5  }
0x12f: {  	s18 =	sor.u32 $0x10, s17;
	v5 =	vld [tilespmem:s1+$0xFFFFFE60]  }
0x130: {  	s20 =	sor.u32 $0x20, s17;
	[tilespmem:s18+$0x0] =	vst.add.f32.msk $0xffff, v3  }
0x131: {  	s22 =	sor.u32 $0x30, s17;
	s25 =	sor.u32 $0x40, s17;
	s2 =	sor.u32 $0x70, s17;
	v3 =	vld [tilespmem:s1+$0x4A0]  }
0x132: {  	s29 =	sor.u32 $0x50, s17;
	s12 =	sor.u32 $0x60, s17;
	v6 =	vld [tilespmem:s1+$0x150];
	s17 =	sor.u32 $0x50, s4  }
0x133: {  	s23 =	sor.u32 $0x60, s3;
	[tilespmem:s17+$0x0] =	vst.add.f32.msk $0xffff, v4  }
0x134: {  	[tilespmem:s23+$0x0] =	vst.add.f32.msk $0xffff, v5  }
0x135: {  	v5 =	vld [tilespmem:s1+$0xFFFFFE70]  }
0x136: {  	[tilespmem:s20+$0x0] =	vst.add.f32.msk $0xffff, v3  }
0x137: {  	v3 =	vld [tilespmem:s1+$0x4B0]  }
0x138: {  	v4 =	vld [tilespmem:s1+$0xFFFFFB60];
	s20 =	sor.u32 $0x50, s5  }
0x139: {  	[tilespmem:s20+$0x0] =	vst.add.f32.msk $0xffff, v6  }
0x13a: {  	s3 =	sor.u32 $0x70, s3;
	v6 =	vld [tilespmem:s1+$0x160]  }
0x13b: {  	[tilespmem:s3+$0x0] =	vst.add.f32.msk $0xffff, v5  }
0x13c: {  	[tilespmem:s22+$0x0] =	vst.add.f32.msk $0xffff, v3  }
0x13d: {  	s22 =	sor.u32 $0x60, s4;
	v3 =	vld [tilespmem:s1+$0x4C0]  }
0x13e: {  	s24 =	sor.u32 $0x60, s5;
	[tilespmem:s22+$0x0] =	vst.add.f32.msk $0xffff, v4  }
0x13f: {  	[tilespmem:s24+$0x0] =	vst.add.f32.msk $0xffff, v6  }
0x140: {  	v4 =	vld [tilespmem:s1+$0xFFFFFB70]  }
0x141: {  	v6 =	vld [tilespmem:s1+$0x170]  }
0x142: {  	v5 =	vld [tilespmem:s1+$0xFFFFFE80]  }
0x143: {  	[tilespmem:s25+$0x0] =	vst.add.f32.msk $0xffff, v3  }
0x144: {  	s4 =	sor.u32 $0x70, s4;
	v3 =	vld [tilespmem:s1+$0x4D0]  }
0x145: {  	s28 =	sor.u32 $0x70, s5;
	[tilespmem:s4+$0x0] =	vst.add.f32.msk $0xffff, v4  }
0x146: {  	[tilespmem:s28+$0x0] =	vst.add.f32.msk $0xffff, v6  }
0x147: {  	v4 =	vld [tilespmem:s1+$0xFFFFFB80]  }
0x148: {  	s4 =	sadd.s32 s6, s0;
	v6 =	vld [tilespmem:s1+$0x180]  }
0x149: {  	[tilespmem:s4+$0x0] =	vst.add.f32.msk $0xffff, v5  }
0x14a: {  	v5 =	vld [tilespmem:s1+$0xFFFFFE90]  }
0x14b: {  	[tilespmem:s29+$0x0] =	vst.add.f32.msk $0xffff, v3  }
0x14c: {  	s8 =	sadd.s32 s7, s0;
	v3 =	vld [tilespmem:s1+$0x4E0]  }
0x14d: {  	[tilespmem:s8+$0x0] =	vst.add.f32.msk $0xffff, v4  }
0x14e: {  	s5 =	sadd.s32 s10, s0;
	v4 =	vld [tilespmem:s1+$0xFFFFFB90]  }
0x14f: {  	[tilespmem:s5+$0x0] =	vst.add.f32.msk $0xffff, v6  }
0x150: {  	v6 =	vld [tilespmem:s1+$0x190]  }
0x151: {  	[tilespmem:s12+$0x0] =	vst.add.f32.msk $0xffff, v3  }
0x152: {  	s31 =	sor.u32 $0x10, s8;
	v3 =	vld [tilespmem:s1+$0x4F0]  }
0x153: {  	s12 =	sor.u32 $0x10, s4;
	[tilespmem:s31+$0x0] =	vst.add.f32.msk $0xffff, v4  }
0x154: {  	s13 =	sor.u32 $0x10, s5;
	[tilespmem:s12+$0x0] =	vst.add.f32.msk $0xffff, v5  }
0x155: {  	[tilespmem:s13+$0x0] =	vst.add.f32.msk $0xffff, v6  }
0x156: {  	v4 =	vld [tilespmem:s1+$0xFFFFFBA0]  }
0x157: {  	v5 =	vld [tilespmem:s1+$0xFFFFFEA0]  }
0x158: {  	v6 =	vld [tilespmem:s1+$0x1A0]  }
0x159: {  	[tilespmem:s2+$0x0] =	vst.add.f32.msk $0xffff, v3  }
0x15a: {  	s16 =	sor.u32 $0x20, s8;
	v3 =	vld [tilespmem:s1+$0x500]  }
0x15b: {  	s17 =	sor.u32 $0x20, s4;
	[tilespmem:s16+$0x0] =	vst.add.f32.msk $0xffff, v4  }
0x15c: {  	s2 =	sadd.s32 $0xD200, s11;
	[tilespmem:s17+$0x0] =	vst.add.f32.msk $0xffff, v5  }
0x15d: {  	s18 =	sadd.s32 s15, s2;
	v4 =	vld [tilespmem:s1+$0xFFFFFBB0]  }
0x15e: {  	s21 =	sor.u32 $0x10, s18;
	s25 =	sor.u32 $0x20, s18;
	v5 =	vld [tilespmem:s1+$0xFFFFFEB0]  }
0x15f: {  	s26 =	sor.u32 $0x30, s18;
	s29 =	sor.u32 $0x40, s18;
	s30 =	sor.u32 $0x50, s18;
	[tilespmem:s18+$0x0] =	vst.add.f32.msk $0xffff, v3  }
0x160: {  	s3 =	sor.u32 $0x60, s18;
	s14 =	sor.u32 $0x70, s18;
	s18 =	sor.u32 $0x20, s5;
	v3 =	vld [tilespmem:s1+$0x510]  }
0x161: {  	s19 =	sor.u32 $0x30, s8;
	[tilespmem:s18+$0x0] =	vst.add.f32.msk $0xffff, v6  }
0x162: {  	s20 =	sor.u32 $0x30, s4;
	[tilespmem:s19+$0x0] =	vst.add.f32.msk $0xffff, v4  }
0x163: {  	[tilespmem:s20+$0x0] =	vst.add.f32.msk $0xffff, v5  }
0x164: {  	v6 =	vld [tilespmem:s1+$0x1B0]  }
0x165: {  	v4 =	vld [tilespmem:s1+$0xFFFFFBC0]  }
0x166: {  	[tilespmem:s21+$0x0] =	vst.add.f32.msk $0xffff, v3  }
0x167: {  	v3 =	vld [tilespmem:s1+$0x520]  }
0x168: {  	v5 =	vld [tilespmem:s1+$0xFFFFFEC0];
	s21 =	sor.u32 $0x30, s5  }
0x169: {  	s22 =	sor.u32 $0x40, s8;
	[tilespmem:s21+$0x0] =	vst.add.f32.msk $0xffff, v6  }
0x16a: {  	[tilespmem:s22+$0x0] =	vst.add.f32.msk $0xffff, v4  }
0x16b: {  	v6 =	vld [tilespmem:s1+$0x1C0]  }
0x16c: {  	[tilespmem:s25+$0x0] =	vst.add.f32.msk $0xffff, v3  }
0x16d: {  	s23 =	sor.u32 $0x40, s4;
	v3 =	vld [tilespmem:s1+$0x530]  }
0x16e: {  	[tilespmem:s23+$0x0] =	vst.add.f32.msk $0xffff, v5  }
0x16f: {  	s24 =	sor.u32 $0x40, s5;
	v4 =	vld [tilespmem:s1+$0xFFFFFBD0]  }
0x170: {  	[tilespmem:s24+$0x0] =	vst.add.f32.msk $0xffff, v6  }
0x171: {  	v6 =	vld [tilespmem:s1+$0x1D0]  }
0x172: {  	[tilespmem:s26+$0x0] =	vst.add.f32.msk $0xffff, v3  }
0x173: {  	v3 =	vld [tilespmem:s1+$0x540]  }
0x174: {  	v5 =	vld [tilespmem:s1+$0xFFFFFED0];
	s25 =	sor.u32 $0x50, s8  }
0x175: {  	s28 =	sor.u32 $0x50, s5;
	[tilespmem:s25+$0x0] =	vst.add.f32.msk $0xffff, v4  }
0x176: {  	[tilespmem:s28+$0x0] =	vst.add.f32.msk $0xffff, v6  }
0x177: {  	v6 =	vld [tilespmem:s1+$0x1E0]  }
0x178: {  	[tilespmem:s29+$0x0] =	vst.add.f32.msk $0xffff, v3  }
0x179: {  	s26 =	sor.u32 $0x50, s4;
	v3 =	vld [tilespmem:s1+$0x550]  }
0x17a: {  	[tilespmem:s26+$0x0] =	vst.add.f32.msk $0xffff, v5  }
0x17b: {  	v5 =	vld [tilespmem:s1+$0xFFFFFEE0]  }
0x17c: {  	s31 =	sor.u32 $0x60, s5;
	v4 =	vld [tilespmem:s1+$0xFFFFFBE0]  }
0x17d: {  	[tilespmem:s31+$0x0] =	vst.add.f32.msk $0xffff, v6  }
0x17e: {  	[tilespmem:s30+$0x0] =	vst.add.f32.msk $0xffff, v3  }
0x17f: {  	s30 =	sor.u32 $0x60, s4;
	v3 =	vld [tilespmem:s1+$0x560]  }
0x180: {  	[tilespmem:s30+$0x0] =	vst.add.f32.msk $0xffff, v5  }
0x181: {  	s29 =	sor.u32 $0x60, s8;
	v5 =	vld [tilespmem:s1+$0x1F0]  }
0x182: {  	[tilespmem:s29+$0x0] =	vst.add.f32.msk $0xffff, v4  }
0x183: {  	v4 =	vld [tilespmem:s1+$0xFFFFFEF0]  }
0x184: {  	[tilespmem:s3+$0x0] =	vst.add.f32.msk $0xffff, v3  }
0x185: {  	s5 =	sor.u32 $0x70, s5;
	v3 =	vld [tilespmem:s1+$0x570]  }
0x186: {  	[tilespmem:s5+$0x0] =	vst.add.f32.msk $0xffff, v5  }
0x187: {  	s4 =	sor.u32 $0x70, s4;
	v5 =	vld [tilespmem:s1+$0x200]  }
0x188: {  	[tilespmem:s4+$0x0] =	vst.add.f32.msk $0xffff, v4  }
0x189: {  	v4 =	vld [tilespmem:s1+$0xFFFFFF00]  }
0x18a: {  	[tilespmem:s14+$0x0] =	vst.add.f32.msk $0xffff, v3  }
0x18b: {  	s5 =	sadd.s32 s6, s2;
	s4 =	sadd.s32 s7, s2;
	s2 =	sadd.s32 s10, s2;
	v3 =	vld [tilespmem:s1+$0x580]  }
0x18c: {  	[tilespmem:s2+$0x0] =	vst.add.f32.msk $0xffff, v5  }
0x18d: {  	v5 =	vld [tilespmem:s1+$0x210]  }
0x18e: {  	s3 =	sadd.s32 $0xD600, s11;
	[tilespmem:s5+$0x0] =	vst.add.f32.msk $0xffff, v4  }
0x18f: {  	s0 =	sadd.s32 s15, s3;
	v4 =	vld [tilespmem:s1+$0xFFFFFF10]  }
0x190: {  	[tilespmem:s0+$0x0] =	vst.add.f32.msk $0xffff, v3  }
0x191: {  	s14 =	sor.u32 $0x10, s2;
	v3 =	vld [tilespmem:s1+$0xFFFFFBF0]  }
0x192: {  	[tilespmem:s14+$0x0] =	vst.add.f32.msk $0xffff, v5  }
0x193: {  	s13 =	sor.u32 $0x10, s5;
	v6 =	vld [tilespmem:s1+$0x590]  }
0x194: {  	[tilespmem:s13+$0x0] =	vst.add.f32.msk $0xffff, v4  }
0x195: {  	v5 =	vld [tilespmem:s1+$0x220]  }
0x196: {  	s8 =	sor.u32 $0x70, s8;
	v4 =	vld [tilespmem:s1+$0xFFFFFF20]  }
0x197: {  	[tilespmem:s8+$0x0] =	vst.add.f32.msk $0xffff, v3  }
0x198: {  	s11 =	sor.u32 $0x10, s0;
	v3 =	vld [tilespmem:s1+$0xFFFFFC00]  }
0x199: {  	s18 =	sor.u32 $0x20, s2;
	[tilespmem:s11+$0x0] =	vst.add.f32.msk $0xffff, v6  }
0x19a: {  	[tilespmem:s18+$0x0] =	vst.add.f32.msk $0xffff, v5  }
0x19b: {  	s17 =	sor.u32 $0x20, s5;
	v6 =	vld [tilespmem:s1+$0x5A0]  }
0x19c: {  	[tilespmem:s17+$0x0] =	vst.add.f32.msk $0xffff, v4  }
0x19d: {  	v5 =	vld [tilespmem:s1+$0x230]  }
0x19e: {  	[tilespmem:s4+$0x0] =	vst.add.f32.msk $0xffff, v3  }
0x19f: {  	v3 =	vld [tilespmem:s1+$0xFFFFFC10]  }
0x1a0: {  	s15 =	sor.u32 $0x20, s0;
	v4 =	vld [tilespmem:s1+$0xFFFFFF30]  }
0x1a1: {  	s21 =	sor.u32 $0x30, s2;
	[tilespmem:s15+$0x0] =	vst.add.f32.msk $0xffff, v6  }
0x1a2: {  	[tilespmem:s21+$0x0] =	vst.add.f32.msk $0xffff, v5  }
0x1a3: {  	s12 =	sor.u32 $0x10, s4;
	v6 =	vld [tilespmem:s1+$0x5B0]  }
0x1a4: {  	[tilespmem:s12+$0x0] =	vst.add.f32.msk $0xffff, v3  }
0x1a5: {  	s20 =	sor.u32 $0x30, s5;
	v3 =	vld [tilespmem:s1+$0xFFFFFC20]  }
0x1a6: {  	[tilespmem:s20+$0x0] =	vst.add.f32.msk $0xffff, v4  }
0x1a7: {  	v5 =	vld [tilespmem:s1+$0x240]  }
0x1a8: {  	s22 =	sor.u32 $0x30, s0;
	v4 =	vld [tilespmem:s1+$0xFFFFFF40]  }
0x1a9: {  	s16 =	sor.u32 $0x20, s4;
	[tilespmem:s22+$0x0] =	vst.add.f32.msk $0xffff, v6  }
0x1aa: {  	[tilespmem:s16+$0x0] =	vst.add.f32.msk $0xffff, v3  }
0x1ab: {  	s25 =	sor.u32 $0x40, s2;
	v3 =	vld [tilespmem:s1+$0xFFFFFC30]  }
0x1ac: {  	s24 =	sor.u32 $0x40, s5;
	[tilespmem:s25+$0x0] =	vst.add.f32.msk $0xffff, v5  }
0x1ad: {  	[tilespmem:s24+$0x0] =	vst.add.f32.msk $0xffff, v4  }
0x1ae: {  	v5 =	vld [tilespmem:s1+$0x250]  }
0x1af: {  	s19 =	sor.u32 $0x30, s4;
	v6 =	vld [tilespmem:s1+$0x5C0]  }
0x1b0: {  	[tilespmem:s19+$0x0] =	vst.add.f32.msk $0xffff, v3  }
0x1b1: {  	v3 =	vld [tilespmem:s1+$0xFFFFFC40]  }
0x1b2: {  	s29 =	sor.u32 $0x50, s2;
	v4 =	vld [tilespmem:s1+$0xFFFFFF50]  }
0x1b3: {  	s30 =	sor.u32 $0x40, s0;
	[tilespmem:s29+$0x0] =	vst.add.f32.msk $0xffff, v5  }
0x1b4: {  	[tilespmem:s30+$0x0] =	vst.add.f32.msk $0xffff, v6  }
0x1b5: {  	s23 =	sor.u32 $0x40, s4;
	v5 =	vld [tilespmem:s1+$0x260]  }
0x1b6: {  	[tilespmem:s23+$0x0] =	vst.add.f32.msk $0xffff, v3  }
0x1b7: {  	s28 =	sor.u32 $0x50, s5;
	v3 =	vld [tilespmem:s1+$0xFFFFFC50]  }
0x1b8: {  	[tilespmem:s28+$0x0] =	vst.add.f32.msk $0xffff, v4  }
0x1b9: {  	v6 =	vld [tilespmem:s1+$0x5D0]  }
0x1ba: {  	s12 =	sor.u32 $0x60, s2;
	v4 =	vld [tilespmem:s1+$0xFFFFFF60]  }
0x1bb: {  	s26 =	sor.u32 $0x50, s4;
	[tilespmem:s12+$0x0] =	vst.add.f32.msk $0xffff, v5  }
0x1bc: {  	[tilespmem:s26+$0x0] =	vst.add.f32.msk $0xffff, v3  }
0x1bd: {  	s14 =	sor.u32 $0x50, s0;
	v3 =	vld [tilespmem:s1+$0xFFFFFC60]  }
0x1be: {  	s11 =	sor.u32 $0x60, s5;
	[tilespmem:s14+$0x0] =	vst.add.f32.msk $0xffff, v6  }
0x1bf: {  	[tilespmem:s11+$0x0] =	vst.add.f32.msk $0xffff, v4  }
0x1c0: {  	v5 =	vld [tilespmem:s1+$0x270]  }
0x1c1: {  	s31 =	sor.u32 $0x60, s4;
	v6 =	vld [tilespmem:s1+$0x5E0]  }
0x1c2: {  	[tilespmem:s31+$0x0] =	vst.add.f32.msk $0xffff, v3  }
0x1c3: {  	v3 =	vld [tilespmem:s1+$0xFFFFFC70]  }
0x1c4: {  	s2 =	sor.u32 $0x70, s2;
	v4 =	vld [tilespmem:s1+$0xFFFFFF70]  }
0x1c5: {  	s21 =	sor.u32 $0x60, s0;
	[tilespmem:s2+$0x0] =	vst.add.f32.msk $0xffff, v5  }
0x1c6: {  	[tilespmem:s21+$0x0] =	vst.add.f32.msk $0xffff, v6  }
0x1c7: {  	s4 =	sor.u32 $0x70, s4;
	v5 =	vld [tilespmem:s1+$0x280]  }
0x1c8: {  	[tilespmem:s4+$0x0] =	vst.add.f32.msk $0xffff, v3  }
0x1c9: {  	s13 =	sor.u32 $0x70, s5;
	v3 =	vld [tilespmem:s1+$0xFFFFFC80]  }
0x1ca: {  	[tilespmem:s13+$0x0] =	vst.add.f32.msk $0xffff, v4  }
0x1cb: {  	s15 =	sadd.s32 s7, s3;
	s16 =	sadd.s32 s6, s3;
	s3 =	sadd.s32 s10, s3;
	v4 =	vld [tilespmem:s1+$0xFFFFFF80]  }
0x1cc: {  	[tilespmem:s3+$0x0] =	vst.add.f32.msk $0xffff, v5  }
0x1cd: {  	v5 =	vld [tilespmem:s1+$0x290]  }
0x1ce: {  	[tilespmem:s15+$0x0] =	vst.add.f32.msk $0xffff, v3  }
0x1cf: {  	v3 =	vld [tilespmem:s1+$0xFFFFFC90]  }
0x1d0: {  	[tilespmem:s16+$0x0] =	vst.add.f32.msk $0xffff, v4  }
0x1d1: {  	s20 =	sor.u32 $0x10, s3;
	v4 =	vld [tilespmem:s1+$0xFFFFFF90]  }
0x1d2: {  	[tilespmem:s20+$0x0] =	vst.add.f32.msk $0xffff, v5  }
0x1d3: {  	s18 =	sor.u32 $0x10, s15;
	v5 =	vld [tilespmem:s1+$0x2A0]  }
0x1d4: {  	[tilespmem:s18+$0x0] =	vst.add.f32.msk $0xffff, v3  }
0x1d5: {  	s19 =	sor.u32 $0x10, s16;
	v3 =	vld [tilespmem:s1+$0xFFFFFCA0]  }
0x1d6: {  	[tilespmem:s19+$0x0] =	vst.add.f32.msk $0xffff, v4  }
0x1d7: {  	s24 =	sor.u32 $0x20, s3;
	v4 =	vld [tilespmem:s1+$0xFFFFFFA0]  }
0x1d8: {  	[tilespmem:s24+$0x0] =	vst.add.f32.msk $0xffff, v5  }
0x1d9: {  	s22 =	sor.u32 $0x20, s15;
	v5 =	vld [tilespmem:s1+$0x2B0]  }
0x1da: {  	[tilespmem:s22+$0x0] =	vst.add.f32.msk $0xffff, v3  }
0x1db: {  	s23 =	sor.u32 $0x20, s16;
	v3 =	vld [tilespmem:s1+$0xFFFFFCB0]  }
0x1dc: {  	[tilespmem:s23+$0x0] =	vst.add.f32.msk $0xffff, v4  }
0x1dd: {  	v4 =	vld [tilespmem:s1+$0xFFFFFFB0]  }
0x1de: {  	s28 =	sor.u32 $0x30, s3;
	v6 =	vld [tilespmem:s1+$0x5F0]  }
0x1df: {  	s25 =	sor.u32 $0x30, s15;
	[tilespmem:s28+$0x0] =	vst.add.f32.msk $0xffff, v5  }
0x1e0: {  	[tilespmem:s25+$0x0] =	vst.add.f32.msk $0xffff, v3  }
0x1e1: {  	s26 =	sor.u32 $0x30, s16;
	v3 =	vld [tilespmem:s1+$0xFFFFFCC0]  }
0x1e2: {  	[tilespmem:s26+$0x0] =	vst.add.f32.msk $0xffff, v4  }
0x1e3: {  	v7 =	vld [tilespmem:s1+$0x2C0]  }
0x1e4: {  	s0 =	sor.u32 $0x70, s0;
	v4 =	vld [tilespmem:s1+$0xFFFFFFC0]  }
0x1e5: {  	s29 =	sor.u32 $0x40, s15;
	[tilespmem:s0+$0x0] =	vst.add.f32.msk $0xffff, v6  }
0x1e6: {  	s7 =	simm.s32 $0x0;
	s9 =	sor.u32 $0x60, s15;
	[tilespmem:s29+$0x0] =	vst.add.f32.msk $0xffff, v3  }
0x1e7: {  	s8 =	sor.u32 $0x70, s15;
	s10 =	simm.s32 $0x0;
	s31 =	sor.u32 $0x40, s3;
	v5 =	vld [tilespmem:s1+$0xFFFFFCD0]  }
0x1e8: {  	s6 =	sor.u32 $0x50, s15;
	s30 =	sor.u32 $0x40, s16;
	s17 =	sor.u32 $0x60, s3;
	[tilespmem:s31+$0x0] =	vst.add.f32.msk $0xffff, v7  }
0x1e9: {  	s12 =	simm.s32 $0x800;
	s11 =	sor.u32 $0x50, s16;
	s2 =	sor.u32 $0x70, s3;
	[tilespmem:s30+$0x0] =	vst.add.f32.msk $0xffff, v4  }
0x1ea: {  	s0 =	sor.u32 $0x70, s16;
	s15 =	sor.u32 $0x60, s16;
	v4 =	vld [tilespmem:s1+$0xFFFFFFD0];
	s25 =	sor.u32 $0x50, s3  }
.LBB2_2:
0x1eb: {  	s10 =	sadd.s32 $0x4, s10;
	v3 =	vld [tilespmem:s1+$0x2D0]  }
0x1ec: {  	s1 =	sadd.s32 $0xC00, s1;
	s5 =	sshrl.u32 s10, $0x3;
	[tilespmem:s6+$0x0] =	vst.add.f32.msk $0xffff, v5  }
0x1ed: {  	[dreg:$0x6] =	wrdreg s0;
	s0 =	smul.u32 $0x6000, s5;
	v5 =	vld [tilespmem:s1+$0x300]  }
0x1ee: {  	[dreg:$0x8] =	wrdreg s17;
	s7 =	sadd.s32 $0x200, s7  }
0x1ef: {  	[dreg:$0x7] =	wrdreg s8;
	v7 =	vld [tilespmem:s1+$0xFFFFFD00];
	s8 =	sadd.s32 $0x180, s7;
	s3 =	sshra.s32 s0, $0x2  }
0x1f0: {  	s17 =	sand.u32 $0x380, s8;
	[tilespmem:s11+$0x0] =	vst.add.f32.msk $0xffff, v4;
	[smem:$0x7D7] =	sst s3;
	s3 =	sadd.s32 $0xC200, s3  }
0x1f1: {  	v6 =	vld [tilespmem:s1+$0xFFFFFA00];
	s0 =	sadd.s32 s17, s3  }
0x1f2: {  	[tilespmem:s0+$0x0] =	vst.add.f32.msk $0xffff, v5  }
0x1f3: {  	v4 =	vld [tilespmem:s1+$0x310]  }
0x1f4: {  	s11 =	sand.u32 $0x200, s7  }
0x1f5: {  	s14 =	sadd.s32 s11, s3  }
0x1f6: {  	[tilespmem:s14+$0x0] =	vst.add.f32.msk $0xffff, v6  }
0x1f7: {  	[dreg:$0xa] =	wrdreg s9;
	s9 =	sor.u32 $0x10, s0;
	v5 =	vld [tilespmem:s1+$0xFFFFFA10]  }
0x1f8: {  	s6 =	sadd.s32 $0x80, s7;
	[tilespmem:s9+$0x0] =	vst.add.f32.msk $0xffff, v4  }
0x1f9: {  	[dreg:$0x4] =	wrdreg s10;
	p0 =	slt.u32 s10, $0x1C;
	s10 =	sand.u32 $0x280, s6;
	v4 =	vld [tilespmem:s1+$0x320]  }
0x1fa: {  	v8 =	vld [tilespmem:s1+$0x0];
	s13 =	sadd.s32 s10, s3  }
0x1fb: {  	[tilespmem:s13+$0x0] =	vst.add.f32.msk $0xffff, v7  }
0x1fc: {  	s29 =	sor.u32 $0x10, s14;
	v6 =	vld [tilespmem:s1+$0xFFFFFD10]  }
0x1fd: {  	s4 =	sadd.s32 $0x100, s7;
	[tilespmem:s29+$0x0] =	vst.add.f32.msk $0xffff, v5;
	s29 =	sor.u32 $0x20, s0  }
0x1fe: {  	s6 =	sand.u32 $0x300, s4;
	[tilespmem:s29+$0x0] =	vst.add.f32.msk $0xffff, v4  }
0x1ff: {  	[dreg:$0xb] =	wrdreg s12;
	s12 =	sadd.s32 s6, s3;
	v4 =	vld [tilespmem:s1+$0x330]  }
0x200: {  	[tilespmem:s12+$0x0] =	vst.add.f32.msk $0xffff, v8  }
0x201: {  	[dreg:$0xc] =	wrdreg s25;
	s25 =	sor.u32 $0x10, s13;
	v7 =	vld [tilespmem:s1+$0x10]  }
0x202: {  	[tilespmem:s25+$0x0] =	vst.add.f32.msk $0xffff, v6  }
0x203: {  	v6 =	vld [tilespmem:s1+$0xFFFFFD20];
	s29 =	sor.u32 $0x30, s0  }
0x204: {  	[tilespmem:s29+$0x0] =	vst.add.f32.msk $0xffff, v4  }
0x205: {  	s26 =	sor.u32 $0x10, s12;
	v4 =	vld [tilespmem:s1+$0x340]  }
0x206: {  	[tilespmem:s26+$0x0] =	vst.add.f32.msk $0xffff, v7  }
0x207: {  	v7 =	vld [tilespmem:s1+$0x20]  }
0x208: {  	s31 =	sor.u32 $0x20, s13;
	v5 =	vld [tilespmem:s1+$0xFFFFFA20]  }
0x209: {  	[tilespmem:s31+$0x0] =	vst.add.f32.msk $0xffff, v6;
	s31 =	sor.u32 $0x40, s0  }
0x20a: {  	[tilespmem:s31+$0x0] =	vst.add.f32.msk $0xffff, v4  }
0x20b: {  	s28 =	sor.u32 $0x20, s12;
	v4 =	vld [tilespmem:s1+$0x350]  }
0x20c: {  	[tilespmem:s28+$0x0] =	vst.add.f32.msk $0xffff, v7  }
0x20d: {  	s30 =	sor.u32 $0x20, s14;
	v7 =	vld [tilespmem:s1+$0x30]  }
0x20e: {  	[tilespmem:s30+$0x0] =	vst.add.f32.msk $0xffff, v5  }
0x20f: {  	s25 =	sor.u32 $0x50, s0;
	v6 =	vld [tilespmem:s1+$0xFFFFFD30]  }
0x210: {  	[tilespmem:s25+$0x0] =	vst.add.f32.msk $0xffff, v4  }
0x211: {  	v4 =	vld [tilespmem:s1+$0x360]  }
0x212: {  	s23 =	sor.u32 $0x30, s12;
	v5 =	vld [tilespmem:s1+$0xFFFFFA30]  }
0x213: {  	[tilespmem:s23+$0x0] =	vst.add.f32.msk $0xffff, v7  }
0x214: {  	s22 =	sor.u32 $0x30, s13;
	v7 =	vld [tilespmem:s1+$0x40]  }
0x215: {  	s26 =	sor.u32 $0x60, s0;
	[tilespmem:s22+$0x0] =	vst.add.f32.msk $0xffff, v6  }
0x216: {  	[tilespmem:s26+$0x0] =	vst.add.f32.msk $0xffff, v4  }
0x217: {  	s24 =	sor.u32 $0x30, s14;
	v4 =	vld [tilespmem:s1+$0x370]  }
0x218: {  	[tilespmem:s24+$0x0] =	vst.add.f32.msk $0xffff, v5  }
0x219: {  	v6 =	vld [tilespmem:s1+$0xFFFFFD40]  }
0x21a: {  	s21 =	sor.u32 $0x40, s12;
	v5 =	vld [tilespmem:s1+$0xFFFFFA40]  }
0x21b: {  	s28 =	sor.u32 $0x70, s0;
	[tilespmem:s21+$0x0] =	vst.add.f32.msk $0xffff, v7  }
0x21c: {  	[tilespmem:s28+$0x0] =	vst.add.f32.msk $0xffff, v4  }
0x21d: {  	v4 =	vld [tilespmem:s1+$0x380]  }
0x21e: {  	s19 =	sor.u32 $0x40, s13;
	v7 =	vld [tilespmem:s1+$0x50]  }
0x21f: {  	s20 =	sor.u32 $0x40, s14;
	[tilespmem:s19+$0x0] =	vst.add.f32.msk $0xffff, v6  }
0x220: {  	[tilespmem:s20+$0x0] =	vst.add.f32.msk $0xffff, v5  }
0x221: {  	v6 =	vld [tilespmem:s1+$0xFFFFFD50]  }
0x222: {  	[tilespmem:s0+$0x400] =	vst.add.f32.msk $0xffff, v4  }
0x223: {  	v4 =	vld [tilespmem:s1+$0x390]  }
0x224: {  	s16 =	sor.u32 $0x50, s12;
	v5 =	vld [tilespmem:s1+$0xFFFFFA50]  }
0x225: {  	[tilespmem:s16+$0x0] =	vst.add.f32.msk $0xffff, v7  }
0x226: {  	s18 =	sor.u32 $0x50, s13;
	v7 =	vld [tilespmem:s1+$0x60]  }
0x227: {  	[tilespmem:s18+$0x0] =	vst.add.f32.msk $0xffff, v6  }
0x228: {  	[tilespmem:s0+$0x410] =	vst.add.f32.msk $0xffff, v4  }
0x229: {  	[dreg:$0x9] =	wrdreg s15;
	s15 =	sor.u32 $0x50, s14;
	v4 =	vld [tilespmem:s1+$0x3A0]  }
0x22a: {  	[tilespmem:s15+$0x0] =	vst.add.f32.msk $0xffff, v5  }
0x22b: {  	v6 =	vld [tilespmem:s1+$0xFFFFFD60]  }
0x22c: {  	s8 =	sor.u32 $0x60, s12;
	v5 =	vld [tilespmem:s1+$0xFFFFFA60]  }
0x22d: {  	[tilespmem:s8+$0x0] =	vst.add.f32.msk $0xffff, v7  }
0x22e: {  	[tilespmem:s0+$0x420] =	vst.add.f32.msk $0xffff, v4  }
0x22f: {  	v4 =	vld [tilespmem:s1+$0x3B0]  }
0x230: {  	s9 =	sor.u32 $0x60, s13;
	v7 =	vld [tilespmem:s1+$0x70]  }
0x231: {  	s5 =	sor.u32 $0x60, s14;
	[tilespmem:s9+$0x0] =	vst.add.f32.msk $0xffff, v6  }
0x232: {  	[tilespmem:s5+$0x0] =	vst.add.f32.msk $0xffff, v5  }
0x233: {  	v6 =	vld [tilespmem:s1+$0xFFFFFD70]  }
0x234: {  	[tilespmem:s0+$0x430] =	vst.add.f32.msk $0xffff, v4  }
0x235: {  	v4 =	vld [tilespmem:s1+$0x3C0]  }
0x236: {  	[dreg:$0x5] =	wrdreg s2;
	s2 =	sor.u32 $0x70, s12;
	v5 =	vld [tilespmem:s1+$0xFFFFFA70]  }
0x237: {  	[tilespmem:s2+$0x0] =	vst.add.f32.msk $0xffff, v7  }
0x238: {  	s3 =	sor.u32 $0x70, s13;
	v7 =	vld [tilespmem:s1+$0x80]  }
0x239: {  	[tilespmem:s3+$0x0] =	vst.add.f32.msk $0xffff, v6  }
0x23a: {  	[tilespmem:s0+$0x440] =	vst.add.f32.msk $0xffff, v4  }
0x23b: {  	s4 =	sor.u32 $0x70, s14;
	v4 =	vld [tilespmem:s1+$0x3D0]  }
0x23c: {  	[tilespmem:s4+$0x0] =	vst.add.f32.msk $0xffff, v5  }
0x23d: {  	v6 =	vld [tilespmem:s1+$0xFFFFFD80]  }
0x23e: {  	v5 =	vld [tilespmem:s1+$0xFFFFFA80]  }
0x23f: {  	[tilespmem:s12+$0x400] =	vst.add.f32.msk $0xffff, v7  }
0x240: {  	[tilespmem:s0+$0x450] =	vst.add.f32.msk $0xffff, v4  }
0x241: {  	v4 =	vld [tilespmem:s1+$0x3E0]  }
0x242: {  	v7 =	vld [tilespmem:s1+$0x90]  }
0x243: {  	[tilespmem:s13+$0x400] =	vst.add.f32.msk $0xffff, v6  }
0x244: {  	[tilespmem:s14+$0x400] =	vst.add.f32.msk $0xffff, v5  }
0x245: {  	v6 =	vld [tilespmem:s1+$0xFFFFFD90]  }
0x246: {  	[tilespmem:s0+$0x460] =	vst.add.f32.msk $0xffff, v4  }
0x247: {  	v4 =	vld [tilespmem:s1+$0x3F0]  }
0x248: {  	v5 =	vld [tilespmem:s1+$0xFFFFFA90]  }
0x249: {  	[tilespmem:s12+$0x410] =	vst.add.f32.msk $0xffff, v7  }
0x24a: {  	v7 =	vld [tilespmem:s1+$0xA0]  }
0x24b: {  	[tilespmem:s13+$0x410] =	vst.add.f32.msk $0xffff, v6  }
0x24c: {  	[tilespmem:s0+$0x470] =	vst.add.f32.msk $0xffff, v4  }
0x24d: {  	s15 =	sld [smem:$0x7D7];
	v4 =	vld [tilespmem:s1+$0x400]  }
0x24e: {  	[tilespmem:s14+$0x410] =	vst.add.f32.msk $0xffff, v5  }
0x24f: {  	v6 =	vld [tilespmem:s1+$0xFFFFFDA0]  }
0x250: {  	s29 =	sadd.s32 $0xCA00, s15;
	v5 =	vld [tilespmem:s1+$0xFFFFFAA0]  }
0x251: {  	s16 =	sadd.s32 s17, s29;
	[tilespmem:s12+$0x420] =	vst.add.f32.msk $0xffff, v7  }
0x252: {  	[tilespmem:s16+$0x0] =	vst.add.f32.msk $0xffff, v4  }
0x253: {  	v4 =	vld [tilespmem:s1+$0x410]  }
0x254: {  	v7 =	vld [tilespmem:s1+$0xB0]  }
0x255: {  	[tilespmem:s13+$0x420] =	vst.add.f32.msk $0xffff, v6  }
0x256: {  	[tilespmem:s14+$0x420] =	vst.add.f32.msk $0xffff, v5  }
0x257: {  	s9 =	sor.u32 $0x10, s16;
	v6 =	vld [tilespmem:s1+$0xFFFFFDB0]  }
0x258: {  	[tilespmem:s9+$0x0] =	vst.add.f32.msk $0xffff, v4  }
0x259: {  	v4 =	vld [tilespmem:s1+$0x420]  }
0x25a: {  	v5 =	vld [tilespmem:s1+$0xFFFFFAB0]  }
0x25b: {  	s25 =	sadd.s32 s11, s29;
	[tilespmem:s12+$0x430] =	vst.add.f32.msk $0xffff, v7  }
0x25c: {  	s19 =	sor.u32 $0x60, s25;
	v7 =	vld [tilespmem:s1+$0xC0]  }
0x25d: {  	[smem:$0x7DB] =	sst s19;
	s19 =	sor.u32 $0x20, s16;
	[tilespmem:s13+$0x430] =	vst.add.f32.msk $0xffff, v6  }
0x25e: {  	[tilespmem:s19+$0x0] =	vst.add.f32.msk $0xffff, v4  }
0x25f: {  	v4 =	vld [tilespmem:s1+$0x430]  }
0x260: {  	s3 =	sadd.s32 s6, s29;
	[tilespmem:s14+$0x430] =	vst.add.f32.msk $0xffff, v5  }
0x261: {  	s26 =	sor.u32 $0x50, s3;
	v6 =	vld [tilespmem:s1+$0xFFFFFDC0]  }
0x262: {  	[smem:$0x7DA] =	sst s26;
	s26 =	sor.u32 $0x60, s3;
	v5 =	vld [tilespmem:s1+$0xFFFFFAC0]  }
0x263: {  	[smem:$0x7DD] =	sst s26;
	s26 =	sor.u32 $0x30, s16;
	[tilespmem:s12+$0x440] =	vst.add.f32.msk $0xffff, v7  }
0x264: {  	[tilespmem:s26+$0x0] =	vst.add.f32.msk $0xffff, v4  }
0x265: {  	v4 =	vld [tilespmem:s1+$0x440]  }
0x266: {  	v7 =	vld [tilespmem:s1+$0xD0]  }
0x267: {  	s28 =	sor.u32 $0x70, s25;
	[tilespmem:s13+$0x440] =	vst.add.f32.msk $0xffff, v6;
	s0 =	sadd.s32 s10, s29  }
0x268: {  	[smem:$0x7DE] =	sst s28;
	[tilespmem:s14+$0x440] =	vst.add.f32.msk $0xffff, v5;
	s28 =	sor.u32 $0x70, s0  }
0x269: {  	v6 =	vld [tilespmem:s1+$0xFFFFFDD0];
	[smem:$0x7DF] =	sst s28;
	s28 =	sor.u32 $0x40, s16  }
0x26a: {  	[tilespmem:s28+$0x0] =	vst.add.f32.msk $0xffff, v4  }
0x26b: {  	v4 =	vld [tilespmem:s1+$0x450]  }
0x26c: {  	s30 =	sor.u32 $0x50, s25;
	v5 =	vld [tilespmem:s1+$0xFFFFFAD0]  }
0x26d: {  	[smem:$0x7D8] =	sst s30;
	[tilespmem:s12+$0x450] =	vst.add.f32.msk $0xffff, v7;
	s30 =	sor.u32 $0x60, s0  }
0x26e: {  	v7 =	vld [tilespmem:s1+$0xE0];
	[smem:$0x7DC] =	sst s30;
	s30 =	sor.u32 $0x70, s3  }
0x26f: {  	[tilespmem:s13+$0x450] =	vst.add.f32.msk $0xffff, v6;
	[smem:$0x7E0] =	sst s30;
	s30 =	sor.u32 $0x50, s16  }
0x270: {  	[tilespmem:s30+$0x0] =	vst.add.f32.msk $0xffff, v4  }
0x271: {  	v4 =	vld [tilespmem:s1+$0x460]  }
0x272: {  	[tilespmem:s14+$0x450] =	vst.add.f32.msk $0xffff, v5  }
0x273: {  	v6 =	vld [tilespmem:s1+$0xFFFFFDE0]  }
0x274: {  	v5 =	vld [tilespmem:s1+$0xFFFFFAE0]  }
0x275: {  	[tilespmem:s12+$0x460] =	vst.add.f32.msk $0xffff, v7;
	s19 =	sor.u32 $0x60, s16  }
0x276: {  	[tilespmem:s19+$0x0] =	vst.add.f32.msk $0xffff, v4  }
0x277: {  	v4 =	vld [tilespmem:s1+$0x470]  }
0x278: {  	v7 =	vld [tilespmem:s1+$0xF0]  }
0x279: {  	[tilespmem:s13+$0x460] =	vst.add.f32.msk $0xffff, v6  }
0x27a: {  	[tilespmem:s14+$0x460] =	vst.add.f32.msk $0xffff, v5  }
0x27b: {  	v6 =	vld [tilespmem:s1+$0xFFFFFDF0];
	s26 =	sor.u32 $0x70, s16  }
0x27c: {  	[tilespmem:s26+$0x0] =	vst.add.f32.msk $0xffff, v4  }
0x27d: {  	v4 =	vld [tilespmem:s1+$0x480]  }
0x27e: {  	v5 =	vld [tilespmem:s1+$0xFFFFFAF0]  }
0x27f: {  	[tilespmem:s12+$0x470] =	vst.add.f32.msk $0xffff, v7  }
0x280: {  	[tilespmem:s13+$0x470] =	vst.add.f32.msk $0xffff, v6;
	s28 =	sadd.s32 $0xCE00, s15  }
0x281: {  	v6 =	vld [tilespmem:s1+$0xFFFFFE00];
	s9 =	sadd.s32 s17, s28  }
0x282: {  	[tilespmem:s9+$0x0] =	vst.add.f32.msk $0xffff, v4  }
0x283: {  	v4 =	vld [tilespmem:s1+$0x490]  }
0x284: {  	v7 =	vld [tilespmem:s1+$0x100]  }
0x285: {  	[tilespmem:s14+$0x470] =	vst.add.f32.msk $0xffff, v5  }
0x286: {  	s4 =	sor.u32 $0x10, s0;
	s22 =	sor.u32 $0x20, s0;
	s21 =	sor.u32 $0x30, s0;
	v5 =	vld [tilespmem:s1+$0xFFFFFB00]  }
0x287: {  	s29 =	sor.u32 $0x40, s0;
	s18 =	sor.u32 $0x50, s0;
	[tilespmem:s0+$0x0] =	vst.add.f32.msk $0xffff, v6;
	s0 =	sor.u32 $0x10, s9  }
0x288: {  	s5 =	sor.u32 $0x10, s3;
	[tilespmem:s0+$0x0] =	vst.add.f32.msk $0xffff, v4  }
0x289: {  	s23 =	sor.u32 $0x20, s3;
	s31 =	sor.u32 $0x30, s3;
	s26 =	sadd.s32 s6, s28;
	v4 =	vld [tilespmem:s1+$0x4A0]  }
0x28a: {  	[smem:$0x7D9] =	sst s18;
	s18 =	sor.u32 $0x40, s3;
	[tilespmem:s3+$0x0] =	vst.add.f32.msk $0xffff, v7;
	s3 =	sor.u32 $0x40, s26  }
0x28b: {  	[tilespmem:s25+$0x0] =	vst.add.f32.msk $0xffff, v5;
	s19 =	sadd.s32 s10, s28;
	[smem:$0x7E7] =	sst s3;
	s3 =	sor.u32 $0x50, s26  }
0x28c: {  	v6 =	vld [tilespmem:s1+$0xFFFFFE10];
	[dreg:$0x1a] =	wrdreg s3;
	s3 =	sor.u32 $0x70, s19  }
0x28d: {  	v5 =	vld [tilespmem:s1+$0xFFFFFB10];
	[dreg:$0xe] =	wrdreg s3;
	s3 =	sor.u32 $0x20, s9  }
0x28e: {  	[tilespmem:s3+$0x0] =	vst.add.f32.msk $0xffff, v4  }
0x28f: {  	v4 =	vld [tilespmem:s1+$0x4B0]  }
0x290: {  	v7 =	vld [tilespmem:s1+$0x110]  }
0x291: {  	s20 =	sor.u32 $0x10, s25;
	[tilespmem:s4+$0x0] =	vst.add.f32.msk $0xffff, v6  }
0x292: {  	[tilespmem:s20+$0x0] =	vst.add.f32.msk $0xffff, v5  }
0x293: {  	v6 =	vld [tilespmem:s1+$0xFFFFFE20];
	s20 =	sor.u32 $0x30, s9  }
0x294: {  	[tilespmem:s20+$0x0] =	vst.add.f32.msk $0xffff, v4  }
0x295: {  	v4 =	vld [tilespmem:s1+$0x4C0]  }
0x296: {  	[tilespmem:s5+$0x0] =	vst.add.f32.msk $0xffff, v7  }
0x297: {  	v7 =	vld [tilespmem:s1+$0x120]  }
0x298: {  	v5 =	vld [tilespmem:s1+$0xFFFFFB20];
	s16 =	sadd.s32 s11, s28  }
0x299: {  	[tilespmem:s22+$0x0] =	vst.add.f32.msk $0xffff, v6;
	s22 =	sor.u32 $0x40, s9;
	s28 =	sor.u32 $0x30, s16  }
0x29a: {  	[smem:$0x7E2] =	sst s28;
	s28 =	sor.u32 $0x30, s19;
	[tilespmem:s22+$0x0] =	vst.add.f32.msk $0xffff, v4  }
0x29b: {  	[smem:$0x7E3] =	sst s28;
	s28 =	sor.u32 $0x40, s16;
	v4 =	vld [tilespmem:s1+$0x4D0]  }
0x29c: {  	[tilespmem:s23+$0x0] =	vst.add.f32.msk $0xffff, v7;
	[smem:$0x7E5] =	sst s28;
	s28 =	sor.u32 $0x40, s19  }
0x29d: {  	s8 =	sor.u32 $0x20, s25;
	v7 =	vld [tilespmem:s1+$0x130];
	[smem:$0x7E6] =	sst s28;
	s28 =	sor.u32 $0x30, s26  }
0x29e: {  	[tilespmem:s8+$0x0] =	vst.add.f32.msk $0xffff, v5;
	[smem:$0x7E4] =	sst s28;
	s28 =	sor.u32 $0x50, s16  }
0x29f: {  	v5 =	vld [tilespmem:s1+$0xFFFFFB30];
	s23 =	sor.u32 $0x50, s9;
	[dreg:$0x1c] =	wrdreg s28;
	s28 =	sor.u32 $0x50, s19  }
0x2a0: {  	[dreg:$0x17] =	wrdreg s28;
	s28 =	sor.u32 $0x60, s16;
	[tilespmem:s23+$0x0] =	vst.add.f32.msk $0xffff, v4  }
0x2a1: {  	[dreg:$0x13] =	wrdreg s28;
	s28 =	sor.u32 $0x70, s16;
	v4 =	vld [tilespmem:s1+$0x4E0]  }
0x2a2: {  	v6 =	vld [tilespmem:s1+$0xFFFFFE30];
	[dreg:$0xf] =	wrdreg s28;
	s28 =	sor.u32 $0x60, s19  }
0x2a3: {  	s2 =	sor.u32 $0x30, s25;
	[tilespmem:s31+$0x0] =	vst.add.f32.msk $0xffff, v7;
	[dreg:$0x15] =	wrdreg s28;
	s28 =	sor.u32 $0x60, s26  }
0x2a4: {  	[tilespmem:s2+$0x0] =	vst.add.f32.msk $0xffff, v5;
	[dreg:$0x14] =	wrdreg s28;
	s28 =	sor.u32 $0x70, s26  }
0x2a5: {  	v5 =	vld [tilespmem:s1+$0xFFFFFB40];
	[dreg:$0xd] =	wrdreg s28;
	s28 =	sor.u32 $0x60, s9  }
0x2a6: {  	[tilespmem:s28+$0x0] =	vst.add.f32.msk $0xffff, v4  }
0x2a7: {  	v4 =	vld [tilespmem:s1+$0x4F0]  }
0x2a8: {  	[tilespmem:s21+$0x0] =	vst.add.f32.msk $0xffff, v6  }
0x2a9: {  	s24 =	sor.u32 $0x40, s25;
	v6 =	vld [tilespmem:s1+$0xFFFFFE40]  }
0x2aa: {  	[tilespmem:s24+$0x0] =	vst.add.f32.msk $0xffff, v5  }
0x2ab: {  	v5 =	vld [tilespmem:s1+$0xFFFFFB50];
	s31 =	sor.u32 $0x70, s9  }
0x2ac: {  	[tilespmem:s31+$0x0] =	vst.add.f32.msk $0xffff, v4  }
0x2ad: {  	s2 =	sld [smem:$0x7D8];
	v4 =	vld [tilespmem:s1+$0x500]  }
0x2ae: {  	v7 =	vld [tilespmem:s1+$0x140];
	s3 =	sadd.s32 $0xD200, s15  }
0x2af: {  	[tilespmem:s29+$0x0] =	vst.add.f32.msk $0xffff, v6;
	s0 =	sadd.s32 s10, s3  }
0x2b0: {  	[tilespmem:s2+$0x0] =	vst.add.f32.msk $0xffff, v5;
	s2 =	sadd.s32 s17, s3;
	s5 =	sor.u32 $0x20, s0  }
0x2b1: {  	v6 =	vld [tilespmem:s1+$0xFFFFFE50];
	s21 =	sadd.s32 s6, s3;
	s29 =	sor.u32 $0x40, s0;
	[smem:$0x7E9] =	sst s5  }
0x2b2: {  	[dreg:$0x1f] =	wrdreg s29;
	s5 =	sor.u32 $0x30, s21;
	[tilespmem:s2+$0x0] =	vst.add.f32.msk $0xffff, v4  }
0x2b3: {  	[smem:$0x7ED] =	sst s5;
	s31 =	sadd.s32 s11, s3;
	v4 =	vld [tilespmem:s1+$0x510]  }
0x2b4: {  	[tilespmem:s18+$0x0] =	vst.add.f32.msk $0xffff, v7;
	s20 =	sld [smem:$0x7D9];
	s4 =	sor.u32 $0x20, s31  }
0x2b5: {  	v7 =	vld [tilespmem:s1+$0x150];
	s24 =	sor.u32 $0x40, s31;
	[smem:$0x7E8] =	sst s4  }
0x2b6: {  	v5 =	vld [tilespmem:s1+$0xFFFFFB60];
	[smem:$0x7EE] =	sst s24  }
0x2b7: {  	s29 =	sor.u32 $0x10, s2;
	[tilespmem:s20+$0x0] =	vst.add.f32.msk $0xffff, v6;
	s4 =	sld [smem:$0x7DA];
	s24 =	sor.u32 $0x50, s21  }
0x2b8: {  	[dreg:$0x1d] =	wrdreg s24;
	[tilespmem:s29+$0x0] =	vst.add.f32.msk $0xffff, v4  }
0x2b9: {  	s20 =	sor.u32 $0x50, s0;
	s24 =	sld [smem:$0x7DB];
	v4 =	vld [tilespmem:s1+$0x520]  }
0x2ba: {  	[dreg:$0x1b] =	wrdreg s20;
	s8 =	sor.u32 $0x30, s31;
	[tilespmem:s4+$0x0] =	vst.add.f32.msk $0xffff, v7  }
0x2bb: {  	s5 =	sor.u32 $0x70, s31;
	[smem:$0x7EB] =	sst s8;
	v7 =	vld [tilespmem:s1+$0x160]  }
0x2bc: {  	s8 =	sor.u32 $0x50, s31;
	[dreg:$0x12] =	wrdreg s5;
	[tilespmem:s24+$0x0] =	vst.add.f32.msk $0xffff, v5  }
0x2bd: {  	s5 =	sor.u32 $0x20, s2;
	[dreg:$0x1e] =	wrdreg s8;
	v5 =	vld [tilespmem:s1+$0xFFFFFB70]  }
0x2be: {  	s8 =	sor.u32 $0x60, s0;
	s4 =	sld [smem:$0x7DD];
	[tilespmem:s5+$0x0] =	vst.add.f32.msk $0xffff, v4  }
0x2bf: {  	[dreg:$0x18] =	wrdreg s8;
	v4 =	vld [tilespmem:s1+$0x530]  }
0x2c0: {  	v6 =	vld [tilespmem:s1+$0xFFFFFE60];
	s20 =	sor.u32 $0x60, s21;
	s8 =	sld [smem:$0x7DE]  }
0x2c1: {  	[dreg:$0x16] =	wrdreg s20;
	s23 =	sor.u32 $0x20, s21;
	[tilespmem:s4+$0x0] =	vst.add.f32.msk $0xffff, v7  }
0x2c2: {  	[smem:$0x7EA] =	sst s23;
	s23 =	sor.u32 $0x60, s31;
	v7 =	vld [tilespmem:s1+$0x170]  }
0x2c3: {  	s20 =	sor.u32 $0x30, s2;
	[dreg:$0x19] =	wrdreg s23;
	[tilespmem:s8+$0x0] =	vst.add.f32.msk $0xffff, v5  }
0x2c4: {  	s23 =	sor.u32 $0x70, s21;
	s29 =	sld [smem:$0x7DC];
	[tilespmem:s20+$0x0] =	vst.add.f32.msk $0xffff, v4  }
0x2c5: {  	[dreg:$0x10] =	wrdreg s23;
	v4 =	vld [tilespmem:s1+$0x540]  }
0x2c6: {  	s23 =	sld [smem:$0x7E0];
	v5 =	vld [tilespmem:s1+$0xFFFFFB80]  }
0x2c7: {  	[tilespmem:s29+$0x0] =	vst.add.f32.msk $0xffff, v6  }
0x2c8: {  	s22 =	sor.u32 $0x30, s0;
	v6 =	vld [tilespmem:s1+$0xFFFFFE70]  }
0x2c9: {  	[smem:$0x7EC] =	sst s22;
	s22 =	sor.u32 $0x40, s21;
	s24 =	sor.u32 $0x40, s2;
	[tilespmem:s23+$0x0] =	vst.add.f32.msk $0xffff, v7  }
0x2ca: {  	[smem:$0x7EF] =	sst s22;
	s22 =	sor.u32 $0x70, s0;
	[tilespmem:s24+$0x0] =	vst.add.f32.msk $0xffff, v4  }
0x2cb: {  	[dreg:$0x11] =	wrdreg s22;
	v4 =	vld [tilespmem:s1+$0x550]  }
0x2cc: {  	s22 =	sld [smem:$0x7DF];
	v7 =	vld [tilespmem:s1+$0x180]  }
0x2cd: {  	[tilespmem:s16+$0x0] =	vst.add.f32.msk $0xffff, v5  }
0x2ce: {  	v5 =	vld [tilespmem:s1+$0xFFFFFB90]  }
0x2cf: {  	s29 =	sor.u32 $0x50, s2;
	[tilespmem:s22+$0x0] =	vst.add.f32.msk $0xffff, v6  }
0x2d0: {  	[tilespmem:s29+$0x0] =	vst.add.f32.msk $0xffff, v4  }
0x2d1: {  	v4 =	vld [tilespmem:s1+$0x560]  }
0x2d2: {  	v6 =	vld [tilespmem:s1+$0xFFFFFE80]  }
0x2d3: {  	[tilespmem:s26+$0x0] =	vst.add.f32.msk $0xffff, v7  }
0x2d4: {  	s12 =	sor.u32 $0x10, s16;
	v7 =	vld [tilespmem:s1+$0x190]  }
0x2d5: {  	s3 =	sor.u32 $0x60, s2;
	[tilespmem:s12+$0x0] =	vst.add.f32.msk $0xffff, v5  }
0x2d6: {  	[tilespmem:s3+$0x0] =	vst.add.f32.msk $0xffff, v4  }
0x2d7: {  	v4 =	vld [tilespmem:s1+$0x570]  }
0x2d8: {  	s30 =	sor.u32 $0x20, s19;
	[tilespmem:s19+$0x0] =	vst.add.f32.msk $0xffff, v6  }
0x2d9: {  	[smem:$0x7E1] =	sst s30;
	s30 =	sor.u32 $0x10, s26;
	v6 =	vld [tilespmem:s1+$0xFFFFFE90]  }
0x2da: {  	[tilespmem:s30+$0x0] =	vst.add.f32.msk $0xffff, v7  }
0x2db: {  	s2 =	sor.u32 $0x70, s2;
	v7 =	vld [tilespmem:s1+$0x1A0]  }
0x2dc: {  	[tilespmem:s2+$0x0] =	vst.add.f32.msk $0xffff, v4  }
0x2dd: {  	v4 =	vld [tilespmem:s1+$0x580]  }
0x2de: {  	s13 =	sor.u32 $0x10, s19;
	v5 =	vld [tilespmem:s1+$0xFFFFFBA0]  }
0x2df: {  	[tilespmem:s13+$0x0] =	vst.add.f32.msk $0xffff, v6  }
0x2e0: {  	s25 =	sor.u32 $0x20, s26;
	s8 =	sadd.s32 $0xD600, s15;
	v6 =	vld [tilespmem:s1+$0xFFFFFEA0]  }
0x2e1: {  	[tilespmem:s25+$0x0] =	vst.add.f32.msk $0xffff, v7;
	s25 =	sadd.s32 s17, s8  }
0x2e2: {  	s5 =	sld [smem:$0x7E1];
	[tilespmem:s25+$0x0] =	vst.add.f32.msk $0xffff, v4  }
0x2e3: {  	s14 =	sor.u32 $0x20, s16;
	v4 =	vld [tilespmem:s1+$0x590]  }
0x2e4: {  	[tilespmem:s14+$0x0] =	vst.add.f32.msk $0xffff, v5  }
0x2e5: {  	[tilespmem:s5+$0x0] =	vst.add.f32.msk $0xffff, v6  }
0x2e6: {  	v6 =	vld [tilespmem:s1+$0xFFFFFEB0]  }
0x2e7: {  	v5 =	vld [tilespmem:s1+$0xFFFFFBB0];
	s17 =	sor.u32 $0x10, s25  }
0x2e8: {  	[tilespmem:s17+$0x0] =	vst.add.f32.msk $0xffff, v4;
	s17 =	sld [smem:$0x7E3]  }
0x2e9: {  	s14 =	sld [smem:$0x7E2];
	v7 =	vld [tilespmem:s1+$0x1B0]  }
0x2ea: {  	v4 =	vld [tilespmem:s1+$0x5A0]  }
0x2eb: {  	[tilespmem:s17+$0x0] =	vst.add.f32.msk $0xffff, v6;
	s17 =	sld [smem:$0x7E4]  }
0x2ec: {  	[tilespmem:s14+$0x0] =	vst.add.f32.msk $0xffff, v5  }
0x2ed: {  	v5 =	vld [tilespmem:s1+$0xFFFFFBC0]  }
0x2ee: {  	[tilespmem:s17+$0x0] =	vst.add.f32.msk $0xffff, v7;
	s17 =	sor.u32 $0x20, s25  }
0x2ef: {  	[tilespmem:s17+$0x0] =	vst.add.f32.msk $0xffff, v4;
	s17 =	sld [smem:$0x7E5]  }
0x2f0: {  	v6 =	vld [tilespmem:s1+$0xFFFFFEC0];
	_ =	sdelay $0x1  }
0x2f1: {  	[tilespmem:s17+$0x0] =	vst.add.f32.msk $0xffff, v5;
	s17 =	sld [smem:$0x7E6]  }
0x2f2: {  	v7 =	vld [tilespmem:s1+$0x1C0]  }
0x2f3: {  	v4 =	vld [tilespmem:s1+$0x5B0]  }
0x2f4: {  	[tilespmem:s17+$0x0] =	vst.add.f32.msk $0xffff, v6;
	s17 =	sld [smem:$0x7E7];
	_ =	sdelay $0x1  }
0x2f5: {  	v5 =	vld [tilespmem:s1+$0xFFFFFBD0]  }
0x2f6: {  	[tilespmem:s17+$0x0] =	vst.add.f32.msk $0xffff, v7;
	s17 =	sor.u32 $0x30, s25  }
0x2f7: {  	[tilespmem:s17+$0x0] =	vst.add.f32.msk $0xffff, v4  }
0x2f8: {  	v4 =	vld [tilespmem:s1+$0x5C0]  }
0x2f9: {  	v6 =	vld [tilespmem:s1+$0xFFFFFED0]  }
0x2fa: {  	v7 =	vld [tilespmem:s1+$0x1D0];
	s17 =	rddreg [dreg:$0x1c]  }
0x2fb: {  	[tilespmem:s17+$0x0] =	vst.add.f32.msk $0xffff, v5  }
0x2fc: {  	s17 =	sor.u32 $0x40, s25;
	v5 =	vld [tilespmem:s1+$0xFFFFFBE0]  }
0x2fd: {  	[tilespmem:s17+$0x0] =	vst.add.f32.msk $0xffff, v4  }
0x2fe: {  	s17 =	rddreg [dreg:$0x17];
	v4 =	vld [tilespmem:s1+$0x5D0]  }
0x2ff: {  	[tilespmem:s17+$0x0] =	vst.add.f32.msk $0xffff, v6;
	s17 =	rddreg [dreg:$0x1a]  }
0x300: {  	[tilespmem:s17+$0x0] =	vst.add.f32.msk $0xffff, v7  }
0x301: {  	v6 =	vld [tilespmem:s1+$0xFFFFFEE0]  }
0x302: {  	s17 =	sor.u32 $0x50, s25;
	v7 =	vld [tilespmem:s1+$0x1E0]  }
0x303: {  	[tilespmem:s17+$0x0] =	vst.add.f32.msk $0xffff, v4  }
0x304: {  	s17 =	rddreg [dreg:$0x13];
	v4 =	vld [tilespmem:s1+$0x5E0]  }
0x305: {  	[tilespmem:s17+$0x0] =	vst.add.f32.msk $0xffff, v5;
	s17 =	rddreg [dreg:$0x15]  }
0x306: {  	[tilespmem:s17+$0x0] =	vst.add.f32.msk $0xffff, v6  }
0x307: {  	s17 =	rddreg [dreg:$0x14];
	v5 =	vld [tilespmem:s1+$0xFFFFFBF0]  }
0x308: {  	[tilespmem:s17+$0x0] =	vst.add.f32.msk $0xffff, v7;
	s17 =	sor.u32 $0x60, s25  }
0x309: {  	[tilespmem:s17+$0x0] =	vst.add.f32.msk $0xffff, v4  }
0x30a: {  	v4 =	vld [tilespmem:s1+$0x5F0]  }
0x30b: {  	v6 =	vld [tilespmem:s1+$0xFFFFFEF0]  }
0x30c: {  	v7 =	vld [tilespmem:s1+$0x1F0];
	s17 =	rddreg [dreg:$0xf]  }
0x30d: {  	[tilespmem:s17+$0x0] =	vst.add.f32.msk $0xffff, v5  }
0x30e: {  	s25 =	sor.u32 $0x70, s25;
	v5 =	vld [tilespmem:s1+$0xFFFFFC00]  }
0x30f: {  	[tilespmem:s25+$0x0] =	vst.add.f32.msk $0xffff, v4;
	s25 =	rddreg [dreg:$0xe]  }
0x310: {  	[tilespmem:s25+$0x0] =	vst.add.f32.msk $0xffff, v6;
	s25 =	rddreg [dreg:$0xd]  }
0x311: {  	[tilespmem:s25+$0x0] =	vst.add.f32.msk $0xffff, v7  }
0x312: {  	v4 =	vld [tilespmem:s1+$0xFFFFFF00]  }
0x313: {  	v6 =	vld [tilespmem:s1+$0x200]  }
0x314: {  	[tilespmem:s31+$0x0] =	vst.add.f32.msk $0xffff, v5  }
0x315: {  	s9 =	sor.u32 $0x10, s31;
	s31 =	rddreg [dreg:$0xc];
	v5 =	vld [tilespmem:s1+$0xFFFFFC10]  }
0x316: {  	[tilespmem:s31+$0x0] =	vst.add.f32.msk $0xffff, v3  }
0x317: {  	[tilespmem:s0+$0x0] =	vst.add.f32.msk $0xffff, v4  }
0x318: {  	[tilespmem:s21+$0x0] =	vst.add.f32.msk $0xffff, v6  }
0x319: {  	v3 =	vld [tilespmem:s1+$0xFFFFFF10]  }
0x31a: {  	v4 =	vld [tilespmem:s1+$0x210]  }
0x31b: {  	[tilespmem:s9+$0x0] =	vst.add.f32.msk $0xffff, v5  }
0x31c: {  	s28 =	sor.u32 $0x10, s0;
	s0 =	rddreg [dreg:$0xb];
	v5 =	vld [tilespmem:s1+$0xFFFFFC20]  }
0x31d: {  	v6 =	vld [tilespmem:s0+$0xFFFFFCE0]  }
0x31e: {  	s18 =	sor.u32 $0x10, s21;
	[tilespmem:s28+$0x0] =	vst.add.f32.msk $0xffff, v3  }
0x31f: {  	[tilespmem:s18+$0x0] =	vst.add.f32.msk $0xffff, v4  }
0x320: {  	v3 =	vld [tilespmem:s1+$0xFFFFFF20];
	s18 =	sld [smem:$0x7E8]  }
0x321: {  	v4 =	vld [tilespmem:s1+$0x220]  }
0x322: {  	s21 =	sld [smem:$0x7E9];
	v7 =	vld [tilespmem:s0+$0xFFFFFFE0]  }
0x323: {  	s28 =	sld [smem:$0x7EA];
	[tilespmem:s18+$0x0] =	vst.add.f32.msk $0xffff, v5  }
0x324: {  	v5 =	vld [tilespmem:s1+$0xFFFFFC30]  }
0x325: {  	[tilespmem:s21+$0x0] =	vst.add.f32.msk $0xffff, v3  }
0x326: {  	s29 =	sadd.s32 s6, s8;
	[tilespmem:s28+$0x0] =	vst.add.f32.msk $0xffff, v4  }
0x327: {  	s15 =	sor.u32 $0x40, s29;
	s31 =	sld [smem:$0x7EB];
	v3 =	vld [tilespmem:s1+$0xFFFFFF30]  }
0x328: {  	[smem:$0x7F2] =	sst s15;
	s15 =	sor.u32 $0x50, s29;
	v4 =	vld [tilespmem:s1+$0x230]  }
0x329: {  	s25 =	smov.u32 s15;
	s15 =	sld [smem:$0x7EC];
	v8 =	vld [tilespmem:s0+$0x2E0]  }
0x32a: {  	s17 =	sld [smem:$0x7ED];
	[tilespmem:s31+$0x0] =	vst.add.f32.msk $0xffff, v5  }
0x32b: {  	v5 =	vld [tilespmem:s1+$0xFFFFFC40]  }
0x32c: {  	[tilespmem:s15+$0x0] =	vst.add.f32.msk $0xffff, v3  }
0x32d: {  	s18 =	sld [smem:$0x7EE];
	[tilespmem:s17+$0x0] =	vst.add.f32.msk $0xffff, v4  }
0x32e: {  	v3 =	vld [tilespmem:s1+$0xFFFFFF40]  }
0x32f: {  	v4 =	vld [tilespmem:s1+$0x240]  }
0x330: {  	s21 =	rddreg [dreg:$0xa];
	[tilespmem:s18+$0x0] =	vst.add.f32.msk $0xffff, v5  }
0x331: {  	s31 =	sld [smem:$0x7EF];
	v5 =	vld [tilespmem:s1+$0xFFFFFC50]  }
0x332: {  	s28 =	rddreg [dreg:$0x1f];
	[tilespmem:s21+$0x0] =	vst.add.f32.msk $0xffff, v6  }
0x333: {  	[tilespmem:s28+$0x0] =	vst.add.f32.msk $0xffff, v3  }
0x334: {  	[tilespmem:s31+$0x0] =	vst.add.f32.msk $0xffff, v4  }
0x335: {  	v3 =	vld [tilespmem:s1+$0xFFFFFF50]  }
0x336: {  	s17 =	rddreg [dreg:$0x9];
	v4 =	vld [tilespmem:s1+$0x250]  }
0x337: {  	s15 =	rddreg [dreg:$0x1e];
	[tilespmem:s17+$0x0] =	vst.add.f32.msk $0xffff, v7  }
0x338: {  	s30 =	sadd.s32 s10, s8;
	[tilespmem:s15+$0x0] =	vst.add.f32.msk $0xffff, v5  }
0x339: {  	s20 =	sor.u32 $0x60, s30;
	s18 =	rddreg [dreg:$0x1b];
	v5 =	vld [tilespmem:s1+$0xFFFFFC60]  }
0x33a: {  	s15 =	smov.u32 s20;
	s20 =	rddreg [dreg:$0x1d];
	[tilespmem:s18+$0x0] =	vst.add.f32.msk $0xffff, v3  }
0x33b: {  	[tilespmem:s20+$0x0] =	vst.add.f32.msk $0xffff, v4  }
0x33c: {  	v3 =	vld [tilespmem:s1+$0xFFFFFF60]  }
0x33d: {  	s28 =	rddreg [dreg:$0x8];
	v4 =	vld [tilespmem:s1+$0x260]  }
0x33e: {  	s12 =	sor.u32 $0x40, s30;
	s21 =	rddreg [dreg:$0x19];
	[tilespmem:s28+$0x0] =	vst.add.f32.msk $0xffff, v8  }
0x33f: {  	[smem:$0x7F1] =	sst s12;
	[tilespmem:s21+$0x0] =	vst.add.f32.msk $0xffff, v5  }
0x340: {  	s12 =	sor.u32 $0x60, s29;
	s31 =	rddreg [dreg:$0x18];
	v5 =	vld [tilespmem:s1+$0xFFFFFC70]  }
0x341: {  	s17 =	smov.u32 s12;
	s12 =	rddreg [dreg:$0x16];
	[tilespmem:s31+$0x0] =	vst.add.f32.msk $0xffff, v3  }
0x342: {  	[tilespmem:s12+$0x0] =	vst.add.f32.msk $0xffff, v4  }
0x343: {  	v3 =	vld [tilespmem:s1+$0xFFFFFF70]  }
0x344: {  	s18 =	rddreg [dreg:$0x12];
	v4 =	vld [tilespmem:s1+$0x270]  }
0x345: {  	[tilespmem:s18+$0x0] =	vst.add.f32.msk $0xffff, v5  }
0x346: {  	v5 =	vld [tilespmem:s1+$0xFFFFFC80]  }
0x347: {  	s20 =	rddreg [dreg:$0x11];
	v6 =	vld [tilespmem:s0+$0xFFFFFCF0]  }
0x348: {  	s21 =	rddreg [dreg:$0x10];
	[tilespmem:s20+$0x0] =	vst.add.f32.msk $0xffff, v3  }
0x349: {  	[tilespmem:s21+$0x0] =	vst.add.f32.msk $0xffff, v4  }
0x34a: {  	v3 =	vld [tilespmem:s1+$0xFFFFFF80]  }
0x34b: {  	v4 =	vld [tilespmem:s1+$0x280]  }
0x34c: {  	s24 =	sadd.s32 s11, s8;
	v7 =	vld [tilespmem:s0+$0xFFFFFFF0]  }
0x34d: {  	[tilespmem:s24+$0x0] =	vst.add.f32.msk $0xffff, v5  }
0x34e: {  	v5 =	vld [tilespmem:s1+$0xFFFFFC90]  }
0x34f: {  	[tilespmem:s30+$0x0] =	vst.add.f32.msk $0xffff, v3  }
0x350: {  	[tilespmem:s29+$0x0] =	vst.add.f32.msk $0xffff, v4  }
0x351: {  	v3 =	vld [tilespmem:s1+$0xFFFFFF90]  }
0x352: {  	v4 =	vld [tilespmem:s1+$0x290]  }
0x353: {  	s23 =	sor.u32 $0x10, s24;
	v8 =	vld [tilespmem:s0+$0x2F0]  }
0x354: {  	[tilespmem:s23+$0x0] =	vst.add.f32.msk $0xffff, v5  }
0x355: {  	s3 =	sor.u32 $0x10, s30;
	v5 =	vld [tilespmem:s1+$0xFFFFFCA0]  }
0x356: {  	s5 =	sor.u32 $0x10, s29;
	[tilespmem:s3+$0x0] =	vst.add.f32.msk $0xffff, v3  }
0x357: {  	[tilespmem:s5+$0x0] =	vst.add.f32.msk $0xffff, v4  }
0x358: {  	v3 =	vld [tilespmem:s1+$0xFFFFFFA0]  }
0x359: {  	s8 =	sor.u32 $0x20, s24;
	v4 =	vld [tilespmem:s1+$0x2A0]  }
0x35a: {  	[tilespmem:s8+$0x0] =	vst.add.f32.msk $0xffff, v5  }
0x35b: {  	s23 =	rddreg [dreg:$0x7];
	v5 =	vld [tilespmem:s1+$0xFFFFFCB0]  }
0x35c: {  	s13 =	sor.u32 $0x20, s30;
	[tilespmem:s23+$0x0] =	vst.add.f32.msk $0xffff, v6  }
0x35d: {  	s22 =	sor.u32 $0x20, s29;
	[tilespmem:s13+$0x0] =	vst.add.f32.msk $0xffff, v3  }
0x35e: {  	[tilespmem:s22+$0x0] =	vst.add.f32.msk $0xffff, v4  }
0x35f: {  	s16 =	sor.u32 $0x30, s24;
	s11 =	sor.u32 $0x40, s24;
	s4 =	sor.u32 $0x70, s24;
	v3 =	vld [tilespmem:s1+$0xFFFFFFB0]  }
0x360: {  	s6 =	sor.u32 $0x50, s24;
	s2 =	sor.u32 $0x60, s24;
	s24 =	rddreg [dreg:$0x6];
	v4 =	vld [tilespmem:s1+$0x2B0]  }
0x361: {  	[tilespmem:s24+$0x0] =	vst.add.f32.msk $0xffff, v7  }
0x362: {  	[tilespmem:s16+$0x0] =	vst.add.f32.msk $0xffff, v5  }
0x363: {  	s26 =	sor.u32 $0x30, s30;
	v5 =	vld [tilespmem:s1+$0xFFFFFCC0]  }
0x364: {  	s19 =	sor.u32 $0x30, s29;
	[tilespmem:s26+$0x0] =	vst.add.f32.msk $0xffff, v3  }
0x365: {  	[smem:$0x7F0] =	sst s11;
	[tilespmem:s19+$0x0] =	vst.add.f32.msk $0xffff, v4  }
0x366: {  	s28 =	sld [smem:$0x7F0];
	v3 =	vld [tilespmem:s1+$0xFFFFFFC0]  }
0x367: {  	s10 =	sor.u32 $0x70, s29;
	s29 =	rddreg [dreg:$0x5];
	v4 =	vld [tilespmem:s1+$0x2C0]  }
0x368: {  	s11 =	sor.u32 $0x50, s30;
	s14 =	sor.u32 $0x70, s30;
	s30 =	sld [smem:$0x7F1];
	[tilespmem:s29+$0x0] =	vst.add.f32.msk $0xffff, v8  }
.Ltmp0:
0x369: {  	s31 =	sld [smem:$0x7F2];
	[tilespmem:s28+$0x0] =	vst.add.f32.msk $0xffff, v5;
	(pc) =	sbr.rel @p0 .LBB2_2-.Ltmp0, $4  }
0x36a: {  	v5 =	vld [tilespmem:s1+$0xFFFFFCD0]  }
0x36b: {  	[tilespmem:s30+$0x0] =	vst.add.f32.msk $0xffff, v3  }
0x36c: {  	s9 =	smov.u32 s2;
	s2 =	smov.u32 s10;
	s10 =	rddreg [dreg:$0x4];
	[tilespmem:s31+$0x0] =	vst.add.f32.msk $0xffff, v4  }
0x36d: {  	s12 =	smov.u32 s1;
	s0 =	smov.u32 s14;
	s8 =	smov.u32 s4;
	v4 =	vld [tilespmem:s1+$0xFFFFFFD0]  }
0x36e: {  	v3 =	vld [tilespmem:s1+$0x2D0];
	_ =	sdelay $0x2  }
0x36f: {  	[tilespmem:s6+$0x0] =	vst.add.f32.msk $0xffff, v5  }
0x370: {  	[tilespmem:s11+$0x0] =	vst.add.f32.msk $0xffff, v4  }
0x371: {  	[tilespmem:s25+$0x0] =	vst.add.f32.msk $0xffff, v3  }
0x372: {  	v3 =	vld [tilespmem:s12+$0xFFFFFCE0]  }
0x373: {  	v4 =	vld [tilespmem:s12+$0xFFFFFFE0]  }
0x374: {  	v61 =	vld [tilespmem:s12+$0x2E0];
	_ =	sdelay $0x2  }
0x375: {  	[tilespmem:s9+$0x0] =	vst.add.f32.msk $0xffff, v3  }
0x376: {  	[tilespmem:s15+$0x0] =	vst.add.f32.msk $0xffff, v4  }
0x377: {  	[tilespmem:s17+$0x0] =	vst.add.f32.msk $0xffff, v61  }
0x378: {  	v3 =	vld [tilespmem:s12+$0xFFFFFCF0]  }
0x379: {  	v4 =	vld [tilespmem:s12+$0xFFFFFFF0]  }
0x37a: {  	v5 =	vld [tilespmem:s12+$0x2F0];
	_ =	sdelay $0x2  }
0x37b: {  	[tilespmem:s8+$0x0] =	vst.add.f32.msk $0xffff, v3  }
0x37c: {  	[tilespmem:s0+$0x0] =	vst.add.f32.msk $0xffff, v4  }
0x37d: {  	[tilespmem:s2+$0x0] =	vst.add.f32.msk $0xffff, v5  }
0x37e: {  	s0 =	sld [smem:$0x7F9];
	_ =	sdelay $0x1  }
0x37f: {  	s28 =	simm.s32 $0x0;
	s13 =	simm.s32 $0xC200  }
0x380: {  	[hbm4b:s0+s28] =	stream.linear.scatter [tilespmem:s13], [sflag:$0x2], $0x6000, $0x38;
	[tilespmem:$0x1E200] =	vst v63  }
0x381: {  	v3 =	vld [tilespmem:$0x80];
	_ =	sdelay $0x4  }
0x382: {  	v62 =	vshrl.u32 v3, $0x3  }
0x383: {  	v4 =	vmul.u32 $0x30, v62  }
0x384: {  	v3 =	vand.u32 $0x7, v3  }
0x385: {  	v3 =	vor.u32 v3, v4  }
0x386: {  	v4 =	vperm.xlane v3, v0;
	_ =	sdelay $0x1  }
0x387: {  	v4 =	vadd.s32 v1, v4;
	_ =	sdelay $0x2  }
0x388: {  	s16 =	rddreg [dreg:$0x1]  }
0x389: {  	s14 =	simm.s32 $0x18200;
	s30 =	sld [smem:$0x7FC];
	v3 =	vperm.xlane v3, v2  }
0x38a: {  	[tilespmem:s14], [sflag:$0x1] =	stream.indirect_vreg.gather [hbm4b:s16+s28], $0x80, v4, vm0, $0xb8;
	[tilespmem:$0x1E200] =	vst v63  }
0x38b: {  	s15 =	simm.s32 $0x18A00;
	s31 =	sld [smem:$0x7FD];
	v3 =	vadd.s32 v1, v3  }
0x38c: {  	[tilespmem:s15], [sflag:$0x1] =	stream.indirect_vreg.gather [hbm4b:s30+s28], $0x80, v4, vm0, $0xb8;
	[tilespmem:$0x1E200] =	vst v63  }
0x38d: {  	s17 =	simm.s32 $0x19200  }
0x38e: {  	[tilespmem:s17], [sflag:$0x1] =	stream.indirect_vreg.gather [hbm4b:s31+s28], $0x80, v4, vm0, $0xb8;
	[tilespmem:$0x1E200] =	vst v63  }
0x38f: {  	s18 =	simm.s32 $0x19A00  }
0x390: {  	[tilespmem:s18], [sflag:$0x1] =	stream.indirect_vreg.gather [hbm4b:s16+s28], $0x80, v3, vm0, $0xb8;
	[tilespmem:$0x1E200] =	vst v63  }
0x391: {  	s19 =	simm.s32 $0x1A200  }
0x392: {  	[tilespmem:s19], [sflag:$0x1] =	stream.indirect_vreg.gather [hbm4b:s30+s28], $0x80, v3, vm0, $0xb8;
	[tilespmem:$0x1E200] =	vst v63  }
0x393: {  	s20 =	simm.s32 $0x1AA00  }
0x394: {  	[tilespmem:s20], [sflag:$0x1] =	stream.indirect_vreg.gather [hbm4b:s31+s28], $0x80, v3, vm0, $0xb8;
	[tilespmem:$0x1E200] =	vst v63  }
0x395: {  	v3 =	vld [tilespmem:$0x90];
	_ =	sdelay $0x4  }
0x396: {  	v63 =	vshrl.u32 v3, $0x3  }
0x397: {  	v4 =	vmul.u32 $0x30, v63  }
0x398: {  	v3 =	vand.u32 $0x7, v3  }
0x399: {  	v3 =	vor.u32 v3, v4  }
0x39a: {  	v4 =	vperm.xlane v3, v0;
	_ =	sdelay $0x1  }
0x39b: {  	v4 =	vadd.s32 v1, v4;
	_ =	sdelay $0x3  }
0x39c: {  	s21 =	simm.s32 $0x1B200;
	v3 =	vperm.xlane v3, v2  }
0x39d: {  	[tilespmem:s21], [sflag:$0x1] =	stream.indirect_vreg.gather [hbm4b:s16+s28], $0x80, v4, vm0, $0xb8;
	[tilespmem:$0x1E200] =	vst v63  }
0x39e: {  	s22 =	simm.s32 $0x1BA00;
	v3 =	vadd.s32 v1, v3  }
0x39f: {  	[tilespmem:s22], [sflag:$0x1] =	stream.indirect_vreg.gather [hbm4b:s30+s28], $0x80, v4, vm0, $0xb8;
	[tilespmem:$0x1E200] =	vst v63  }
0x3a0: {  	s23 =	simm.s32 $0x1C200  }
0x3a1: {  	[tilespmem:s23], [sflag:$0x1] =	stream.indirect_vreg.gather [hbm4b:s31+s28], $0x80, v4, vm0, $0xb8;
	[tilespmem:$0x1E200] =	vst v63  }
0x3a2: {  	s24 =	simm.s32 $0x1CA00  }
0x3a3: {  	[tilespmem:s24], [sflag:$0x1] =	stream.indirect_vreg.gather [hbm4b:s16+s28], $0x80, v3, vm0, $0xb8;
	[tilespmem:$0x1E200] =	vst v63  }
0x3a4: {  	s25 =	simm.s32 $0x1D200  }
0x3a5: {  	[tilespmem:s25], [sflag:$0x1] =	stream.indirect_vreg.gather [hbm4b:s30+s28], $0x80, v3, vm0, $0xb8;
	[tilespmem:$0x1E200] =	vst v63  }
0x3a6: {  	s26 =	simm.s32 $0x1DA00;
	s29 =	sld [smem:$0x7FB]  }
0x3a7: {  	[tilespmem:s26], [sflag:$0x1] =	stream.indirect_vreg.gather [hbm4b:s31+s28], $0x80, v3, vm0, $0xb8;
	[tilespmem:$0x1E200] =	vst v63  }
0x3a8: {  	s1 =	simm.s32 $0x1;
	p0 =	por $0x1, $0x1;
	s26 =	rddreg [dreg:$0x2]  }
.LBB2_4:
0x3a9: {  	s2 =	smul.u32 $0xAB, s1  }
0x3aa: {  	s0 =	simm.s32 $0x1  }
0x3ab: {  	s0 =	simm.s32 @!p0 $0x0;
	s2 =	sshrl.u32 s2, $0x9  }
0x3ac: {  	s3 =	simm.s32 $0x1;
	s0 =	smul.u32 $0x18000, s0;
	s2 =	sand.u32 $0x7F, s2  }
0x3ad: {  	_ =	swait.ge [sflag:s3], $0x6000;
	s2 =	smul.u32 $0x3, s2  }
0x3ae: {  	s19 =	simm.s32 $0x0;
	[sflag:s3] =	ssyncset.done $0x0  }
0x3af: {  	[sflag:s3] =	ssyncadd.s32 $0xFFFFA000;
	s0 =	sshrl.u32 s0, $0x2;
	s17 =	ssub.s32 s1, s2  }
0x3b0: {  	s18 =	sor.u32 $0x800, s0;
	s2 =	smul.u32 $0x6000, s19;
	s0 =	sand.u32 $0xFF, s17  }
0x3b1: {  	v3 =	vld [tilespmem:s18+$0x300];
	s15 =	smul.u32 $0x6000, s0  }
0x3b2: {  	v4 =	vld [tilespmem:s18+$0xFFFFFA00];
	s20 =	sshra.s32 s2, $0x2  }
0x3b3: {  	s21 =	simm.s32 $0x180;
	v5 =	vld [tilespmem:s18+$0xFFFFFD00];
	s0 =	sadd.s32 s15, s20  }
0x3b4: {  	s19 =	simm.s32 $0x0;
	s2 =	sand.u32 $0x380, s21;
	s4 =	sadd.s32 $0xC200, s0  }
0x3b5: {  	s22 =	simm.s32 $0x80;
	v6 =	vld [tilespmem:s18+$0x0];
	s7 =	sand.u32 $0x200, s19;
	s8 =	sadd.s32 s2, s4  }
0x3b6: {  	s6 =	sand.u32 $0x280, s22;
	s5 =	sadd.s32 s7, s4;
	[tilespmem:s8+$0x0] =	vst.add.f32.msk $0xffff, v3  }
0x3b7: {  	s3 =	sadd.s32 s6, s4;
	[tilespmem:s5+$0x0] =	vst.add.f32.msk $0xffff, v4  }
0x3b8: {  	[tilespmem:s3+$0x0] =	vst.add.f32.msk $0xffff, v5  }
0x3b9: {  	s9 =	simm.s32 $0x100;
	v3 =	vld [tilespmem:s18+$0x310]  }
0x3ba: {  	s10 =	sand.u32 $0x300, s9;
	v4 =	vld [tilespmem:s18+$0xFFFFFA10]  }
0x3bb: {  	s4 =	sadd.s32 s10, s4;
	v5 =	vld [tilespmem:s18+$0xFFFFFD10]  }
0x3bc: {  	[tilespmem:s4+$0x0] =	vst.add.f32.msk $0xffff, v6  }
0x3bd: {  	v6 =	vld [tilespmem:s18+$0x10]  }
0x3be: {  	[tilespmem:s8+$0x10] =	vst.add.f32.msk $0xffff, v3  }
0x3bf: {  	[tilespmem:s5+$0x10] =	vst.add.f32.msk $0xffff, v4  }
0x3c0: {  	[tilespmem:s3+$0x10] =	vst.add.f32.msk $0xffff, v5  }
0x3c1: {  	v3 =	vld [tilespmem:s18+$0x320]  }
0x3c2: {  	v4 =	vld [tilespmem:s18+$0xFFFFFA20]  }
0x3c3: {  	v5 =	vld [tilespmem:s18+$0xFFFFFD20]  }
0x3c4: {  	[tilespmem:s4+$0x10] =	vst.add.f32.msk $0xffff, v6  }
0x3c5: {  	v6 =	vld [tilespmem:s18+$0x20]  }
0x3c6: {  	[tilespmem:s8+$0x20] =	vst.add.f32.msk $0xffff, v3  }
0x3c7: {  	[tilespmem:s5+$0x20] =	vst.add.f32.msk $0xffff, v4  }
0x3c8: {  	[tilespmem:s3+$0x20] =	vst.add.f32.msk $0xffff, v5  }
0x3c9: {  	v3 =	vld [tilespmem:s18+$0x330]  }
0x3ca: {  	v4 =	vld [tilespmem:s18+$0xFFFFFA30]  }
0x3cb: {  	v5 =	vld [tilespmem:s18+$0xFFFFFD30]  }
0x3cc: {  	[tilespmem:s4+$0x20] =	vst.add.f32.msk $0xffff, v6  }
0x3cd: {  	v6 =	vld [tilespmem:s18+$0x30]  }
0x3ce: {  	[tilespmem:s8+$0x30] =	vst.add.f32.msk $0xffff, v3  }
0x3cf: {  	[tilespmem:s5+$0x30] =	vst.add.f32.msk $0xffff, v4  }
0x3d0: {  	[tilespmem:s3+$0x30] =	vst.add.f32.msk $0xffff, v5  }
0x3d1: {  	v3 =	vld [tilespmem:s18+$0x340]  }
0x3d2: {  	v4 =	vld [tilespmem:s18+$0xFFFFFA40]  }
0x3d3: {  	v5 =	vld [tilespmem:s18+$0xFFFFFD40]  }
0x3d4: {  	[tilespmem:s4+$0x30] =	vst.add.f32.msk $0xffff, v6  }
0x3d5: {  	v6 =	vld [tilespmem:s18+$0x40]  }
0x3d6: {  	[tilespmem:s8+$0x40] =	vst.add.f32.msk $0xffff, v3  }
0x3d7: {  	[tilespmem:s5+$0x40] =	vst.add.f32.msk $0xffff, v4  }
0x3d8: {  	[tilespmem:s3+$0x40] =	vst.add.f32.msk $0xffff, v5  }
0x3d9: {  	v3 =	vld [tilespmem:s18+$0x350]  }
0x3da: {  	v4 =	vld [tilespmem:s18+$0xFFFFFA50]  }
0x3db: {  	v5 =	vld [tilespmem:s18+$0xFFFFFD50]  }
0x3dc: {  	[tilespmem:s4+$0x40] =	vst.add.f32.msk $0xffff, v6  }
0x3dd: {  	v6 =	vld [tilespmem:s18+$0x50]  }
0x3de: {  	[tilespmem:s8+$0x50] =	vst.add.f32.msk $0xffff, v3  }
0x3df: {  	[tilespmem:s5+$0x50] =	vst.add.f32.msk $0xffff, v4  }
0x3e0: {  	[tilespmem:s3+$0x50] =	vst.add.f32.msk $0xffff, v5  }
0x3e1: {  	v3 =	vld [tilespmem:s18+$0x360]  }
0x3e2: {  	v4 =	vld [tilespmem:s18+$0xFFFFFA60]  }
0x3e3: {  	v5 =	vld [tilespmem:s18+$0xFFFFFD60]  }
0x3e4: {  	[tilespmem:s4+$0x50] =	vst.add.f32.msk $0xffff, v6  }
0x3e5: {  	v6 =	vld [tilespmem:s18+$0x60]  }
0x3e6: {  	[tilespmem:s8+$0x60] =	vst.add.f32.msk $0xffff, v3  }
0x3e7: {  	[tilespmem:s5+$0x60] =	vst.add.f32.msk $0xffff, v4  }
0x3e8: {  	[tilespmem:s3+$0x60] =	vst.add.f32.msk $0xffff, v5  }
0x3e9: {  	v3 =	vld [tilespmem:s18+$0x370]  }
0x3ea: {  	v4 =	vld [tilespmem:s18+$0xFFFFFA70]  }
0x3eb: {  	v5 =	vld [tilespmem:s18+$0xFFFFFD70]  }
0x3ec: {  	[tilespmem:s4+$0x60] =	vst.add.f32.msk $0xffff, v6  }
0x3ed: {  	v6 =	vld [tilespmem:s18+$0x70]  }
0x3ee: {  	[tilespmem:s8+$0x70] =	vst.add.f32.msk $0xffff, v3  }
0x3ef: {  	[tilespmem:s5+$0x70] =	vst.add.f32.msk $0xffff, v4  }
0x3f0: {  	[tilespmem:s3+$0x70] =	vst.add.f32.msk $0xffff, v5  }
0x3f1: {  	v3 =	vld [tilespmem:s18+$0x380]  }
0x3f2: {  	v4 =	vld [tilespmem:s18+$0xFFFFFA80]  }
0x3f3: {  	v5 =	vld [tilespmem:s18+$0xFFFFFD80]  }
0x3f4: {  	[tilespmem:s4+$0x70] =	vst.add.f32.msk $0xffff, v6  }
0x3f5: {  	v6 =	vld [tilespmem:s18+$0x80]  }
0x3f6: {  	[tilespmem:s8+$0x400] =	vst.add.f32.msk $0xffff, v3  }
0x3f7: {  	[tilespmem:s5+$0x400] =	vst.add.f32.msk $0xffff, v4  }
0x3f8: {  	[tilespmem:s3+$0x400] =	vst.add.f32.msk $0xffff, v5  }
0x3f9: {  	v3 =	vld [tilespmem:s18+$0x390]  }
0x3fa: {  	v4 =	vld [tilespmem:s18+$0xFFFFFA90]  }
0x3fb: {  	v5 =	vld [tilespmem:s18+$0xFFFFFD90]  }
0x3fc: {  	[tilespmem:s4+$0x400] =	vst.add.f32.msk $0xffff, v6  }
0x3fd: {  	v6 =	vld [tilespmem:s18+$0x90]  }
0x3fe: {  	[tilespmem:s8+$0x410] =	vst.add.f32.msk $0xffff, v3  }
0x3ff: {  	[tilespmem:s5+$0x410] =	vst.add.f32.msk $0xffff, v4  }
0x400: {  	[tilespmem:s3+$0x410] =	vst.add.f32.msk $0xffff, v5  }
0x401: {  	v3 =	vld [tilespmem:s18+$0x3A0]  }
0x402: {  	v4 =	vld [tilespmem:s18+$0xFFFFFAA0]  }
0x403: {  	v5 =	vld [tilespmem:s18+$0xFFFFFDA0]  }
0x404: {  	[tilespmem:s4+$0x410] =	vst.add.f32.msk $0xffff, v6  }
0x405: {  	v6 =	vld [tilespmem:s18+$0xA0]  }
0x406: {  	[tilespmem:s8+$0x420] =	vst.add.f32.msk $0xffff, v3  }
0x407: {  	[tilespmem:s5+$0x420] =	vst.add.f32.msk $0xffff, v4  }
0x408: {  	[tilespmem:s3+$0x420] =	vst.add.f32.msk $0xffff, v5  }
0x409: {  	v3 =	vld [tilespmem:s18+$0x3B0]  }
0x40a: {  	v4 =	vld [tilespmem:s18+$0xFFFFFAB0]  }
0x40b: {  	v5 =	vld [tilespmem:s18+$0xFFFFFDB0]  }
0x40c: {  	[tilespmem:s4+$0x420] =	vst.add.f32.msk $0xffff, v6  }
0x40d: {  	v6 =	vld [tilespmem:s18+$0xB0]  }
0x40e: {  	[tilespmem:s8+$0x430] =	vst.add.f32.msk $0xffff, v3  }
0x40f: {  	[tilespmem:s5+$0x430] =	vst.add.f32.msk $0xffff, v4  }
0x410: {  	[tilespmem:s3+$0x430] =	vst.add.f32.msk $0xffff, v5  }
0x411: {  	v3 =	vld [tilespmem:s18+$0x3C0]  }
0x412: {  	v4 =	vld [tilespmem:s18+$0xFFFFFAC0]  }
0x413: {  	v5 =	vld [tilespmem:s18+$0xFFFFFDC0]  }
0x414: {  	[tilespmem:s4+$0x430] =	vst.add.f32.msk $0xffff, v6  }
0x415: {  	v6 =	vld [tilespmem:s18+$0xC0]  }
0x416: {  	[tilespmem:s8+$0x440] =	vst.add.f32.msk $0xffff, v3  }
0x417: {  	[tilespmem:s5+$0x440] =	vst.add.f32.msk $0xffff, v4  }
0x418: {  	[tilespmem:s3+$0x440] =	vst.add.f32.msk $0xffff, v5  }
0x419: {  	v3 =	vld [tilespmem:s18+$0x3D0]  }
0x41a: {  	v4 =	vld [tilespmem:s18+$0xFFFFFAD0]  }
0x41b: {  	v5 =	vld [tilespmem:s18+$0xFFFFFDD0]  }
0x41c: {  	[tilespmem:s4+$0x440] =	vst.add.f32.msk $0xffff, v6  }
0x41d: {  	v6 =	vld [tilespmem:s18+$0xD0]  }
0x41e: {  	[tilespmem:s8+$0x450] =	vst.add.f32.msk $0xffff, v3  }
0x41f: {  	[tilespmem:s5+$0x450] =	vst.add.f32.msk $0xffff, v4  }
0x420: {  	[tilespmem:s3+$0x450] =	vst.add.f32.msk $0xffff, v5  }
0x421: {  	v3 =	vld [tilespmem:s18+$0x3E0]  }
0x422: {  	v4 =	vld [tilespmem:s18+$0xFFFFFAE0]  }
0x423: {  	v5 =	vld [tilespmem:s18+$0xFFFFFDE0]  }
0x424: {  	[tilespmem:s4+$0x450] =	vst.add.f32.msk $0xffff, v6  }
0x425: {  	v6 =	vld [tilespmem:s18+$0xE0]  }
0x426: {  	[tilespmem:s8+$0x460] =	vst.add.f32.msk $0xffff, v3  }
0x427: {  	[tilespmem:s5+$0x460] =	vst.add.f32.msk $0xffff, v4  }
0x428: {  	[tilespmem:s3+$0x460] =	vst.add.f32.msk $0xffff, v5  }
0x429: {  	v3 =	vld [tilespmem:s18+$0x3F0]  }
0x42a: {  	v4 =	vld [tilespmem:s18+$0xFFFFFAF0]  }
0x42b: {  	v5 =	vld [tilespmem:s18+$0xFFFFFDF0]  }
0x42c: {  	[tilespmem:s4+$0x460] =	vst.add.f32.msk $0xffff, v6  }
0x42d: {  	v6 =	vld [tilespmem:s18+$0xF0]  }
0x42e: {  	[tilespmem:s8+$0x470] =	vst.add.f32.msk $0xffff, v3  }
0x42f: {  	[tilespmem:s5+$0x470] =	vst.add.f32.msk $0xffff, v4  }
0x430: {  	[tilespmem:s3+$0x470] =	vst.add.f32.msk $0xffff, v5  }
0x431: {  	v3 =	vld [tilespmem:s18+$0x400]  }
0x432: {  	v4 =	vld [tilespmem:s18+$0xFFFFFB00]  }
0x433: {  	v5 =	vld [tilespmem:s18+$0xFFFFFE00]  }
0x434: {  	s23 =	sadd.s32 $0xCA00, s0;
	[tilespmem:s4+$0x470] =	vst.add.f32.msk $0xffff, v6  }
0x435: {  	s24 =	sadd.s32 s2, s23;
	v6 =	vld [tilespmem:s18+$0x100]  }
0x436: {  	s13 =	sadd.s32 s7, s23;
	[tilespmem:s24+$0x0] =	vst.add.f32.msk $0xffff, v3  }
0x437: {  	s14 =	sadd.s32 s6, s23;
	[tilespmem:s13+$0x0] =	vst.add.f32.msk $0xffff, v4  }
0x438: {  	[tilespmem:s14+$0x0] =	vst.add.f32.msk $0xffff, v5  }
0x439: {  	v3 =	vld [tilespmem:s18+$0x410]  }
0x43a: {  	s8 =	sadd.s32 s10, s23;
	v4 =	vld [tilespmem:s18+$0xFFFFFB10]  }
0x43b: {  	[tilespmem:s8+$0x0] =	vst.add.f32.msk $0xffff, v6  }
0x43c: {  	v5 =	vld [tilespmem:s18+$0xFFFFFE10]  }
0x43d: {  	v6 =	vld [tilespmem:s18+$0x110]  }
0x43e: {  	[tilespmem:s24+$0x10] =	vst.add.f32.msk $0xffff, v3  }
0x43f: {  	[tilespmem:s13+$0x10] =	vst.add.f32.msk $0xffff, v4  }
0x440: {  	v3 =	vld [tilespmem:s18+$0x420]  }
0x441: {  	[tilespmem:s14+$0x10] =	vst.add.f32.msk $0xffff, v5  }
0x442: {  	[tilespmem:s8+$0x10] =	vst.add.f32.msk $0xffff, v6  }
0x443: {  	v4 =	vld [tilespmem:s18+$0xFFFFFB20]  }
0x444: {  	v5 =	vld [tilespmem:s18+$0xFFFFFE20]  }
0x445: {  	[tilespmem:s24+$0x20] =	vst.add.f32.msk $0xffff, v3  }
0x446: {  	v3 =	vld [tilespmem:s18+$0x430]  }
0x447: {  	v6 =	vld [tilespmem:s18+$0x120]  }
0x448: {  	[tilespmem:s13+$0x20] =	vst.add.f32.msk $0xffff, v4  }
0x449: {  	[tilespmem:s14+$0x20] =	vst.add.f32.msk $0xffff, v5  }
0x44a: {  	v4 =	vld [tilespmem:s18+$0xFFFFFB30]  }
0x44b: {  	[tilespmem:s24+$0x30] =	vst.add.f32.msk $0xffff, v3  }
0x44c: {  	v3 =	vld [tilespmem:s18+$0x440]  }
0x44d: {  	[tilespmem:s8+$0x20] =	vst.add.f32.msk $0xffff, v6  }
0x44e: {  	v5 =	vld [tilespmem:s18+$0xFFFFFE30]  }
0x44f: {  	v6 =	vld [tilespmem:s18+$0x130]  }
0x450: {  	[tilespmem:s13+$0x30] =	vst.add.f32.msk $0xffff, v4  }
0x451: {  	[tilespmem:s24+$0x40] =	vst.add.f32.msk $0xffff, v3  }
0x452: {  	v3 =	vld [tilespmem:s18+$0x450]  }
0x453: {  	[tilespmem:s14+$0x30] =	vst.add.f32.msk $0xffff, v5  }
0x454: {  	[tilespmem:s8+$0x30] =	vst.add.f32.msk $0xffff, v6  }
0x455: {  	v4 =	vld [tilespmem:s18+$0xFFFFFB40]  }
0x456: {  	v5 =	vld [tilespmem:s18+$0xFFFFFE40]  }
0x457: {  	[tilespmem:s24+$0x50] =	vst.add.f32.msk $0xffff, v3  }
0x458: {  	v3 =	vld [tilespmem:s18+$0x460]  }
0x459: {  	v6 =	vld [tilespmem:s18+$0x140]  }
0x45a: {  	[tilespmem:s13+$0x40] =	vst.add.f32.msk $0xffff, v4  }
0x45b: {  	[tilespmem:s14+$0x40] =	vst.add.f32.msk $0xffff, v5  }
0x45c: {  	v4 =	vld [tilespmem:s18+$0xFFFFFB50]  }
0x45d: {  	[tilespmem:s24+$0x60] =	vst.add.f32.msk $0xffff, v3  }
0x45e: {  	v3 =	vld [tilespmem:s18+$0x470]  }
0x45f: {  	[tilespmem:s8+$0x40] =	vst.add.f32.msk $0xffff, v6  }
0x460: {  	v5 =	vld [tilespmem:s18+$0xFFFFFE50]  }
0x461: {  	v6 =	vld [tilespmem:s18+$0x150]  }
0x462: {  	[tilespmem:s13+$0x50] =	vst.add.f32.msk $0xffff, v4  }
0x463: {  	[tilespmem:s24+$0x70] =	vst.add.f32.msk $0xffff, v3  }
0x464: {  	v3 =	vld [tilespmem:s18+$0x480]  }
0x465: {  	[tilespmem:s14+$0x50] =	vst.add.f32.msk $0xffff, v5  }
0x466: {  	[tilespmem:s8+$0x50] =	vst.add.f32.msk $0xffff, v6  }
0x467: {  	s25 =	sadd.s32 $0xCE00, s0;
	v4 =	vld [tilespmem:s18+$0xFFFFFB60]  }
0x468: {  	s12 =	sadd.s32 s2, s25;
	v5 =	vld [tilespmem:s18+$0xFFFFFE60]  }
0x469: {  	[tilespmem:s12+$0x0] =	vst.add.f32.msk $0xffff, v3  }
0x46a: {  	v3 =	vld [tilespmem:s18+$0x490]  }
0x46b: {  	v6 =	vld [tilespmem:s18+$0x160]  }
0x46c: {  	[tilespmem:s13+$0x60] =	vst.add.f32.msk $0xffff, v4  }
0x46d: {  	[tilespmem:s14+$0x60] =	vst.add.f32.msk $0xffff, v5  }
0x46e: {  	v4 =	vld [tilespmem:s18+$0xFFFFFB70]  }
0x46f: {  	[tilespmem:s12+$0x10] =	vst.add.f32.msk $0xffff, v3  }
0x470: {  	v3 =	vld [tilespmem:s18+$0x4A0]  }
0x471: {  	[tilespmem:s8+$0x60] =	vst.add.f32.msk $0xffff, v6  }
0x472: {  	v5 =	vld [tilespmem:s18+$0xFFFFFE70]  }
0x473: {  	v6 =	vld [tilespmem:s18+$0x170]  }
0x474: {  	[tilespmem:s13+$0x70] =	vst.add.f32.msk $0xffff, v4  }
0x475: {  	[tilespmem:s12+$0x20] =	vst.add.f32.msk $0xffff, v3  }
0x476: {  	v3 =	vld [tilespmem:s18+$0x4B0]  }
0x477: {  	[tilespmem:s14+$0x70] =	vst.add.f32.msk $0xffff, v5  }
0x478: {  	[tilespmem:s8+$0x70] =	vst.add.f32.msk $0xffff, v6  }
0x479: {  	v4 =	vld [tilespmem:s18+$0xFFFFFB80]  }
0x47a: {  	v5 =	vld [tilespmem:s18+$0xFFFFFE80]  }
0x47b: {  	[tilespmem:s12+$0x30] =	vst.add.f32.msk $0xffff, v3  }
0x47c: {  	v3 =	vld [tilespmem:s18+$0x4C0]  }
0x47d: {  	s20 =	sadd.s32 s7, s25;
	v6 =	vld [tilespmem:s18+$0x180]  }
0x47e: {  	s21 =	sadd.s32 s6, s25;
	[tilespmem:s20+$0x0] =	vst.add.f32.msk $0xffff, v4  }
0x47f: {  	[tilespmem:s21+$0x0] =	vst.add.f32.msk $0xffff, v5  }
0x480: {  	v4 =	vld [tilespmem:s18+$0xFFFFFB90]  }
0x481: {  	[tilespmem:s12+$0x40] =	vst.add.f32.msk $0xffff, v3  }
0x482: {  	s22 =	sadd.s32 s10, s25;
	v3 =	vld [tilespmem:s18+$0x4D0]  }
0x483: {  	[tilespmem:s22+$0x0] =	vst.add.f32.msk $0xffff, v6  }
0x484: {  	v5 =	vld [tilespmem:s18+$0xFFFFFE90]  }
0x485: {  	v6 =	vld [tilespmem:s18+$0x190]  }
0x486: {  	[tilespmem:s20+$0x10] =	vst.add.f32.msk $0xffff, v4  }
0x487: {  	[tilespmem:s12+$0x50] =	vst.add.f32.msk $0xffff, v3  }
0x488: {  	v3 =	vld [tilespmem:s18+$0x4E0]  }
0x489: {  	[tilespmem:s21+$0x10] =	vst.add.f32.msk $0xffff, v5  }
0x48a: {  	[tilespmem:s22+$0x10] =	vst.add.f32.msk $0xffff, v6  }
0x48b: {  	v4 =	vld [tilespmem:s18+$0xFFFFFBA0]  }
0x48c: {  	v5 =	vld [tilespmem:s18+$0xFFFFFEA0]  }
0x48d: {  	[tilespmem:s12+$0x60] =	vst.add.f32.msk $0xffff, v3  }
0x48e: {  	v3 =	vld [tilespmem:s18+$0x4F0]  }
0x48f: {  	v6 =	vld [tilespmem:s18+$0x1A0]  }
0x490: {  	[tilespmem:s20+$0x20] =	vst.add.f32.msk $0xffff, v4  }
0x491: {  	[tilespmem:s21+$0x20] =	vst.add.f32.msk $0xffff, v5  }
0x492: {  	v4 =	vld [tilespmem:s18+$0xFFFFFBB0]  }
0x493: {  	[tilespmem:s12+$0x70] =	vst.add.f32.msk $0xffff, v3  }
0x494: {  	v3 =	vld [tilespmem:s18+$0x500]  }
0x495: {  	[tilespmem:s22+$0x20] =	vst.add.f32.msk $0xffff, v6  }
0x496: {  	v5 =	vld [tilespmem:s18+$0xFFFFFEB0]  }
0x497: {  	s17 =	sadd.s32 $0xD200, s0;
	v6 =	vld [tilespmem:s18+$0x1B0]  }
0x498: {  	s11 =	sadd.s32 s2, s17;
	[tilespmem:s20+$0x30] =	vst.add.f32.msk $0xffff, v4  }
0x499: {  	[tilespmem:s11+$0x0] =	vst.add.f32.msk $0xffff, v3  }
0x49a: {  	v3 =	vld [tilespmem:s18+$0x510]  }
0x49b: {  	[tilespmem:s21+$0x30] =	vst.add.f32.msk $0xffff, v5  }
0x49c: {  	[tilespmem:s22+$0x30] =	vst.add.f32.msk $0xffff, v6  }
0x49d: {  	v4 =	vld [tilespmem:s18+$0xFFFFFBC0]  }
0x49e: {  	v5 =	vld [tilespmem:s18+$0xFFFFFEC0]  }
0x49f: {  	[tilespmem:s11+$0x10] =	vst.add.f32.msk $0xffff, v3  }
0x4a0: {  	v3 =	vld [tilespmem:s18+$0x520]  }
0x4a1: {  	v6 =	vld [tilespmem:s18+$0x1C0]  }
0x4a2: {  	[tilespmem:s20+$0x40] =	vst.add.f32.msk $0xffff, v4  }
0x4a3: {  	[tilespmem:s21+$0x40] =	vst.add.f32.msk $0xffff, v5  }
0x4a4: {  	v4 =	vld [tilespmem:s18+$0xFFFFFBD0]  }
0x4a5: {  	[tilespmem:s11+$0x20] =	vst.add.f32.msk $0xffff, v3  }
0x4a6: {  	v3 =	vld [tilespmem:s18+$0x530]  }
0x4a7: {  	[tilespmem:s22+$0x40] =	vst.add.f32.msk $0xffff, v6  }
0x4a8: {  	v5 =	vld [tilespmem:s18+$0xFFFFFED0]  }
0x4a9: {  	v6 =	vld [tilespmem:s18+$0x1D0]  }
0x4aa: {  	[tilespmem:s20+$0x50] =	vst.add.f32.msk $0xffff, v4  }
0x4ab: {  	[tilespmem:s11+$0x30] =	vst.add.f32.msk $0xffff, v3  }
0x4ac: {  	v3 =	vld [tilespmem:s18+$0x540]  }
0x4ad: {  	[tilespmem:s21+$0x50] =	vst.add.f32.msk $0xffff, v5  }
0x4ae: {  	[tilespmem:s22+$0x50] =	vst.add.f32.msk $0xffff, v6  }
0x4af: {  	v4 =	vld [tilespmem:s18+$0xFFFFFBE0]  }
0x4b0: {  	v5 =	vld [tilespmem:s18+$0xFFFFFEE0]  }
0x4b1: {  	[tilespmem:s11+$0x40] =	vst.add.f32.msk $0xffff, v3  }
0x4b2: {  	v3 =	vld [tilespmem:s18+$0x550]  }
0x4b3: {  	v6 =	vld [tilespmem:s18+$0x1E0]  }
0x4b4: {  	[tilespmem:s20+$0x60] =	vst.add.f32.msk $0xffff, v4  }
0x4b5: {  	[tilespmem:s21+$0x60] =	vst.add.f32.msk $0xffff, v5  }
0x4b6: {  	v4 =	vld [tilespmem:s18+$0xFFFFFEF0]  }
0x4b7: {  	[tilespmem:s11+$0x50] =	vst.add.f32.msk $0xffff, v3  }
0x4b8: {  	v3 =	vld [tilespmem:s18+$0x560]  }
0x4b9: {  	[tilespmem:s22+$0x60] =	vst.add.f32.msk $0xffff, v6  }
0x4ba: {  	v5 =	vld [tilespmem:s18+$0x1F0]  }
0x4bb: {  	[tilespmem:s21+$0x70] =	vst.add.f32.msk $0xffff, v4  }
0x4bc: {  	v4 =	vld [tilespmem:s18+$0xFFFFFF00]  }
0x4bd: {  	[tilespmem:s11+$0x60] =	vst.add.f32.msk $0xffff, v3  }
0x4be: {  	v3 =	vld [tilespmem:s18+$0x570]  }
0x4bf: {  	[tilespmem:s22+$0x70] =	vst.add.f32.msk $0xffff, v5  }
0x4c0: {  	s25 =	sadd.s32 s6, s17;
	v5 =	vld [tilespmem:s18+$0x200]  }
0x4c1: {  	[tilespmem:s25+$0x0] =	vst.add.f32.msk $0xffff, v4  }
0x4c2: {  	v4 =	vld [tilespmem:s18+$0xFFFFFF10]  }
0x4c3: {  	[tilespmem:s11+$0x70] =	vst.add.f32.msk $0xffff, v3  }
0x4c4: {  	s3 =	sadd.s32 s10, s17;
	v3 =	vld [tilespmem:s18+$0x580]  }
0x4c5: {  	[tilespmem:s3+$0x0] =	vst.add.f32.msk $0xffff, v5  }
0x4c6: {  	v5 =	vld [tilespmem:s18+$0x210]  }
0x4c7: {  	s23 =	sadd.s32 $0xD600, s0;
	[tilespmem:s25+$0x10] =	vst.add.f32.msk $0xffff, v4  }
0x4c8: {  	s0 =	sadd.s32 s2, s23;
	v4 =	vld [tilespmem:s18+$0xFFFFFF20]  }
0x4c9: {  	[tilespmem:s0+$0x0] =	vst.add.f32.msk $0xffff, v3  }
0x4ca: {  	v3 =	vld [tilespmem:s18+$0xFFFFFBF0]  }
0x4cb: {  	[tilespmem:s3+$0x10] =	vst.add.f32.msk $0xffff, v5  }
0x4cc: {  	v5 =	vld [tilespmem:s18+$0x220]  }
0x4cd: {  	[tilespmem:s25+$0x20] =	vst.add.f32.msk $0xffff, v4  }
0x4ce: {  	v4 =	vld [tilespmem:s18+$0xFFFFFF30]  }
0x4cf: {  	[tilespmem:s20+$0x70] =	vst.add.f32.msk $0xffff, v3  }
0x4d0: {  	v3 =	vld [tilespmem:s18+$0xFFFFFC00]  }
0x4d1: {  	[tilespmem:s3+$0x20] =	vst.add.f32.msk $0xffff, v5  }
0x4d2: {  	v5 =	vld [tilespmem:s18+$0x230]  }
0x4d3: {  	[tilespmem:s25+$0x30] =	vst.add.f32.msk $0xffff, v4  }
0x4d4: {  	s24 =	sadd.s32 s7, s17;
	v4 =	vld [tilespmem:s18+$0xFFFFFF40]  }
0x4d5: {  	[tilespmem:s24+$0x0] =	vst.add.f32.msk $0xffff, v3  }
0x4d6: {  	v3 =	vld [tilespmem:s18+$0xFFFFFC10]  }
0x4d7: {  	[tilespmem:s3+$0x30] =	vst.add.f32.msk $0xffff, v5  }
0x4d8: {  	v5 =	vld [tilespmem:s18+$0x240]  }
0x4d9: {  	[tilespmem:s25+$0x40] =	vst.add.f32.msk $0xffff, v4  }
0x4da: {  	v4 =	vld [tilespmem:s18+$0xFFFFFF50]  }
0x4db: {  	[tilespmem:s24+$0x10] =	vst.add.f32.msk $0xffff, v3  }
0x4dc: {  	v3 =	vld [tilespmem:s18+$0xFFFFFC20]  }
0x4dd: {  	[tilespmem:s3+$0x40] =	vst.add.f32.msk $0xffff, v5  }
0x4de: {  	v5 =	vld [tilespmem:s18+$0x250]  }
0x4df: {  	[tilespmem:s25+$0x50] =	vst.add.f32.msk $0xffff, v4  }
0x4e0: {  	v4 =	vld [tilespmem:s18+$0xFFFFFF60]  }
0x4e1: {  	[tilespmem:s24+$0x20] =	vst.add.f32.msk $0xffff, v3  }
0x4e2: {  	v3 =	vld [tilespmem:s18+$0xFFFFFC30]  }
0x4e3: {  	[tilespmem:s3+$0x50] =	vst.add.f32.msk $0xffff, v5  }
0x4e4: {  	v5 =	vld [tilespmem:s18+$0x260]  }
0x4e5: {  	[tilespmem:s25+$0x60] =	vst.add.f32.msk $0xffff, v4  }
0x4e6: {  	v4 =	vld [tilespmem:s18+$0xFFFFFF70]  }
0x4e7: {  	[tilespmem:s24+$0x30] =	vst.add.f32.msk $0xffff, v3  }
0x4e8: {  	v3 =	vld [tilespmem:s18+$0xFFFFFC40]  }
0x4e9: {  	[tilespmem:s3+$0x60] =	vst.add.f32.msk $0xffff, v5  }
0x4ea: {  	v5 =	vld [tilespmem:s18+$0x270]  }
0x4eb: {  	[tilespmem:s25+$0x70] =	vst.add.f32.msk $0xffff, v4  }
0x4ec: {  	v4 =	vld [tilespmem:s18+$0xFFFFFF80]  }
0x4ed: {  	[tilespmem:s24+$0x40] =	vst.add.f32.msk $0xffff, v3  }
0x4ee: {  	v3 =	vld [tilespmem:s18+$0xFFFFFC50]  }
0x4ef: {  	[tilespmem:s3+$0x70] =	vst.add.f32.msk $0xffff, v5  }
0x4f0: {  	s21 =	sadd.s32 s6, s23;
	v5 =	vld [tilespmem:s18+$0x280]  }
0x4f1: {  	[tilespmem:s21+$0x0] =	vst.add.f32.msk $0xffff, v4  }
0x4f2: {  	v6 =	vld [tilespmem:s18+$0x590]  }
0x4f3: {  	[tilespmem:s24+$0x50] =	vst.add.f32.msk $0xffff, v3  }
0x4f4: {  	s22 =	sadd.s32 s10, s23;
	v3 =	vld [tilespmem:s18+$0xFFFFFC60]  }
0x4f5: {  	[tilespmem:s22+$0x0] =	vst.add.f32.msk $0xffff, v5  }
0x4f6: {  	v4 =	vld [tilespmem:s18+$0xFFFFFF90]  }
0x4f7: {  	v5 =	vld [tilespmem:s18+$0x290]  }
0x4f8: {  	[tilespmem:s0+$0x10] =	vst.add.f32.msk $0xffff, v6  }
0x4f9: {  	[tilespmem:s24+$0x60] =	vst.add.f32.msk $0xffff, v3  }
0x4fa: {  	v3 =	vld [tilespmem:s18+$0xFFFFFC70]  }
0x4fb: {  	[tilespmem:s21+$0x10] =	vst.add.f32.msk $0xffff, v4  }
0x4fc: {  	[tilespmem:s22+$0x10] =	vst.add.f32.msk $0xffff, v5  }
0x4fd: {  	v6 =	vld [tilespmem:s18+$0x5A0]  }
0x4fe: {  	v4 =	vld [tilespmem:s18+$0xFFFFFFA0]  }
0x4ff: {  	[tilespmem:s24+$0x70] =	vst.add.f32.msk $0xffff, v3  }
0x500: {  	v3 =	vld [tilespmem:s18+$0xFFFFFC80]  }
0x501: {  	v5 =	vld [tilespmem:s18+$0x2A0]  }
0x502: {  	[tilespmem:s0+$0x20] =	vst.add.f32.msk $0xffff, v6  }
0x503: {  	v6 =	vld [tilespmem:s18+$0x5B0]  }
0x504: {  	s20 =	sadd.s32 s7, s23;
	[tilespmem:s21+$0x20] =	vst.add.f32.msk $0xffff, v4  }
0x505: {  	[tilespmem:s20+$0x0] =	vst.add.f32.msk $0xffff, v3  }
0x506: {  	v3 =	vld [tilespmem:s18+$0xFFFFFC90]  }
0x507: {  	[tilespmem:s22+$0x20] =	vst.add.f32.msk $0xffff, v5  }
0x508: {  	[tilespmem:s0+$0x30] =	vst.add.f32.msk $0xffff, v6  }
0x509: {  	v6 =	vld [tilespmem:s18+$0x5C0]  }
0x50a: {  	v4 =	vld [tilespmem:s18+$0xFFFFFFB0]  }
0x50b: {  	[tilespmem:s20+$0x10] =	vst.add.f32.msk $0xffff, v3  }
0x50c: {  	v3 =	vld [tilespmem:s18+$0xFFFFFCA0]  }
0x50d: {  	v5 =	vld [tilespmem:s18+$0x2B0]  }
0x50e: {  	[tilespmem:s0+$0x40] =	vst.add.f32.msk $0xffff, v6  }
0x50f: {  	v6 =	vld [tilespmem:s18+$0x5D0]  }
0x510: {  	[tilespmem:s21+$0x30] =	vst.add.f32.msk $0xffff, v4  }
0x511: {  	[tilespmem:s20+$0x20] =	vst.add.f32.msk $0xffff, v3  }
0x512: {  	v3 =	vld [tilespmem:s18+$0xFFFFFCB0]  }
0x513: {  	[tilespmem:s22+$0x30] =	vst.add.f32.msk $0xffff, v5  }
0x514: {  	[tilespmem:s0+$0x50] =	vst.add.f32.msk $0xffff, v6  }
0x515: {  	v6 =	vld [tilespmem:s18+$0x5E0]  }
0x516: {  	v5 =	vld [tilespmem:s18+$0xFFFFFFC0]  }
0x517: {  	[tilespmem:s20+$0x30] =	vst.add.f32.msk $0xffff, v3  }
0x518: {  	v3 =	vld [tilespmem:s18+$0xFFFFFCC0]  }
0x519: {  	v7 =	vld [tilespmem:s18+$0x2C0]  }
0x51a: {  	[tilespmem:s0+$0x60] =	vst.add.f32.msk $0xffff, v6  }
0x51b: {  	v6 =	vld [tilespmem:s18+$0x5F0]  }
0x51c: {  	[tilespmem:s21+$0x40] =	vst.add.f32.msk $0xffff, v5  }
0x51d: {  	[tilespmem:s20+$0x40] =	vst.add.f32.msk $0xffff, v3  }
0x51e: {  	v4 =	vld [tilespmem:s18+$0xFFFFFCD0]  }
0x51f: {  	[tilespmem:s22+$0x40] =	vst.add.f32.msk $0xffff, v7  }
0x520: {  	s25 =	simm.s32 $0x0;
	s23 =	sand.u32 $0x1, s1;
	[tilespmem:s0+$0x70] =	vst.add.f32.msk $0xffff, v6;
	s24 =	smov.u32 s18  }
.LBB2_5:
0x521: {  	s25 =	sadd.s32 $0x4, s25;
	v5 =	vld [tilespmem:s18+$0xFFFFFFD0]  }
0x522: {  	s0 =	sshrl.u32 s25, $0x3;
	p1 =	slt.u32 s25, $0x1C;
	v3 =	vld [tilespmem:s18+$0x2D0]  }
0x523: {  	s18 =	sadd.s32 $0xC00, s18;
	s0 =	smul.u32 $0x6000, s0;
	[tilespmem:s20+$0x50] =	vst.add.f32.msk $0xffff, v4  }
0x524: {  	v4 =	vld [tilespmem:s18+$0x300]  }
0x525: {  	s19 =	sadd.s32 $0x200, s19;
	v6 =	vld [tilespmem:s18+$0xFFFFFA00];
	s0 =	sshra.s32 s0, $0x2  }
0x526: {  	s2 =	sadd.s32 $0x180, s19;
	s6 =	sadd.s32 s15, s0;
	v7 =	vld [tilespmem:s18+$0xFFFFFD00];
	s0 =	sadd.s32 $0x80, s19  }
0x527: {  	s4 =	sadd.s32 $0x100, s19;
	s7 =	sand.u32 $0x380, s2;
	s3 =	sadd.s32 $0xC200, s6;
	v8 =	vld [tilespmem:s18+$0x0]  }
0x528: {  	s10 =	sand.u32 $0x300, s4;
	s11 =	sand.u32 $0x280, s0;
	s4 =	sadd.s32 s7, s3;
	[tilespmem:s21+$0x50] =	vst.add.f32.msk $0xffff, v5  }
0x529: {  	s17 =	sand.u32 $0x200, s19;
	s2 =	sadd.s32 s11, s3;
	s0 =	sadd.s32 s10, s3;
	[tilespmem:s4+$0x0] =	vst.add.f32.msk $0xffff, v4  }
0x52a: {  	s3 =	sadd.s32 s17, s3;
	v4 =	vld [tilespmem:s18+$0x310]  }
0x52b: {  	[tilespmem:s3+$0x0] =	vst.add.f32.msk $0xffff, v6  }
0x52c: {  	[tilespmem:s2+$0x0] =	vst.add.f32.msk $0xffff, v7  }
0x52d: {  	[tilespmem:s0+$0x0] =	vst.add.f32.msk $0xffff, v8  }
0x52e: {  	v5 =	vld [tilespmem:s18+$0xFFFFFA10]  }
0x52f: {  	[tilespmem:s4+$0x10] =	vst.add.f32.msk $0xffff, v4  }
0x530: {  	v4 =	vld [tilespmem:s18+$0x320]  }
0x531: {  	v6 =	vld [tilespmem:s18+$0xFFFFFD10]  }
0x532: {  	v7 =	vld [tilespmem:s18+$0x10]  }
0x533: {  	[tilespmem:s3+$0x10] =	vst.add.f32.msk $0xffff, v5  }
0x534: {  	v5 =	vld [tilespmem:s18+$0xFFFFFA20]  }
0x535: {  	[tilespmem:s4+$0x20] =	vst.add.f32.msk $0xffff, v4  }
0x536: {  	v4 =	vld [tilespmem:s18+$0x330]  }
0x537: {  	[tilespmem:s2+$0x10] =	vst.add.f32.msk $0xffff, v6  }
0x538: {  	[tilespmem:s0+$0x10] =	vst.add.f32.msk $0xffff, v7  }
0x539: {  	v6 =	vld [tilespmem:s18+$0xFFFFFD20]  }
0x53a: {  	v7 =	vld [tilespmem:s18+$0x20]  }
0x53b: {  	[tilespmem:s4+$0x30] =	vst.add.f32.msk $0xffff, v4  }
0x53c: {  	v4 =	vld [tilespmem:s18+$0x340]  }
0x53d: {  	[tilespmem:s3+$0x20] =	vst.add.f32.msk $0xffff, v5  }
0x53e: {  	[tilespmem:s2+$0x20] =	vst.add.f32.msk $0xffff, v6  }
0x53f: {  	[tilespmem:s0+$0x20] =	vst.add.f32.msk $0xffff, v7  }
0x540: {  	v5 =	vld [tilespmem:s18+$0xFFFFFA30]  }
0x541: {  	[tilespmem:s4+$0x40] =	vst.add.f32.msk $0xffff, v4  }
0x542: {  	v4 =	vld [tilespmem:s18+$0x350]  }
0x543: {  	v6 =	vld [tilespmem:s18+$0xFFFFFD30]  }
0x544: {  	v7 =	vld [tilespmem:s18+$0x30]  }
0x545: {  	[tilespmem:s3+$0x30] =	vst.add.f32.msk $0xffff, v5  }
0x546: {  	v5 =	vld [tilespmem:s18+$0xFFFFFA40]  }
0x547: {  	[tilespmem:s4+$0x50] =	vst.add.f32.msk $0xffff, v4  }
0x548: {  	v4 =	vld [tilespmem:s18+$0x360]  }
0x549: {  	[tilespmem:s2+$0x30] =	vst.add.f32.msk $0xffff, v6  }
0x54a: {  	[tilespmem:s0+$0x30] =	vst.add.f32.msk $0xffff, v7  }
0x54b: {  	v6 =	vld [tilespmem:s18+$0xFFFFFD40]  }
0x54c: {  	v7 =	vld [tilespmem:s18+$0x40]  }
0x54d: {  	[tilespmem:s4+$0x60] =	vst.add.f32.msk $0xffff, v4  }
0x54e: {  	v4 =	vld [tilespmem:s18+$0x370]  }
0x54f: {  	[tilespmem:s3+$0x40] =	vst.add.f32.msk $0xffff, v5  }
0x550: {  	[tilespmem:s2+$0x40] =	vst.add.f32.msk $0xffff, v6  }
0x551: {  	[tilespmem:s0+$0x40] =	vst.add.f32.msk $0xffff, v7  }
0x552: {  	v5 =	vld [tilespmem:s18+$0xFFFFFA50]  }
0x553: {  	[tilespmem:s4+$0x70] =	vst.add.f32.msk $0xffff, v4  }
0x554: {  	v4 =	vld [tilespmem:s18+$0x380]  }
0x555: {  	v6 =	vld [tilespmem:s18+$0xFFFFFD50]  }
0x556: {  	v7 =	vld [tilespmem:s18+$0x50]  }
0x557: {  	[tilespmem:s3+$0x50] =	vst.add.f32.msk $0xffff, v5  }
0x558: {  	v5 =	vld [tilespmem:s18+$0xFFFFFA60]  }
0x559: {  	[tilespmem:s4+$0x400] =	vst.add.f32.msk $0xffff, v4  }
0x55a: {  	v4 =	vld [tilespmem:s18+$0x390]  }
0x55b: {  	[tilespmem:s2+$0x50] =	vst.add.f32.msk $0xffff, v6  }
0x55c: {  	[tilespmem:s0+$0x50] =	vst.add.f32.msk $0xffff, v7  }
0x55d: {  	v6 =	vld [tilespmem:s18+$0xFFFFFD60]  }
0x55e: {  	v7 =	vld [tilespmem:s18+$0x60]  }
0x55f: {  	[tilespmem:s4+$0x410] =	vst.add.f32.msk $0xffff, v4  }
0x560: {  	v4 =	vld [tilespmem:s18+$0x3A0]  }
0x561: {  	[tilespmem:s3+$0x60] =	vst.add.f32.msk $0xffff, v5  }
0x562: {  	[tilespmem:s2+$0x60] =	vst.add.f32.msk $0xffff, v6  }
0x563: {  	[tilespmem:s0+$0x60] =	vst.add.f32.msk $0xffff, v7  }
0x564: {  	v5 =	vld [tilespmem:s18+$0xFFFFFA70]  }
0x565: {  	[tilespmem:s4+$0x420] =	vst.add.f32.msk $0xffff, v4  }
0x566: {  	v4 =	vld [tilespmem:s18+$0x3B0]  }
0x567: {  	v6 =	vld [tilespmem:s18+$0xFFFFFD70]  }
0x568: {  	v7 =	vld [tilespmem:s18+$0x70]  }
0x569: {  	[tilespmem:s3+$0x70] =	vst.add.f32.msk $0xffff, v5  }
0x56a: {  	v5 =	vld [tilespmem:s18+$0xFFFFFA80]  }
0x56b: {  	[tilespmem:s4+$0x430] =	vst.add.f32.msk $0xffff, v4  }
0x56c: {  	v4 =	vld [tilespmem:s18+$0x3C0]  }
0x56d: {  	[tilespmem:s2+$0x70] =	vst.add.f32.msk $0xffff, v6  }
0x56e: {  	[tilespmem:s0+$0x70] =	vst.add.f32.msk $0xffff, v7  }
0x56f: {  	v6 =	vld [tilespmem:s18+$0xFFFFFD80]  }
0x570: {  	v7 =	vld [tilespmem:s18+$0x80]  }
0x571: {  	[tilespmem:s4+$0x440] =	vst.add.f32.msk $0xffff, v4  }
0x572: {  	v4 =	vld [tilespmem:s18+$0x3D0]  }
0x573: {  	[tilespmem:s3+$0x400] =	vst.add.f32.msk $0xffff, v5  }
0x574: {  	[tilespmem:s2+$0x400] =	vst.add.f32.msk $0xffff, v6  }
0x575: {  	[tilespmem:s0+$0x400] =	vst.add.f32.msk $0xffff, v7  }
0x576: {  	v5 =	vld [tilespmem:s18+$0xFFFFFA90]  }
0x577: {  	[tilespmem:s4+$0x450] =	vst.add.f32.msk $0xffff, v4  }
0x578: {  	v4 =	vld [tilespmem:s18+$0x3E0]  }
0x579: {  	v6 =	vld [tilespmem:s18+$0xFFFFFD90]  }
0x57a: {  	v7 =	vld [tilespmem:s18+$0x90]  }
0x57b: {  	[tilespmem:s3+$0x410] =	vst.add.f32.msk $0xffff, v5  }
0x57c: {  	v5 =	vld [tilespmem:s18+$0xFFFFFAA0]  }
0x57d: {  	[tilespmem:s4+$0x460] =	vst.add.f32.msk $0xffff, v4  }
0x57e: {  	v4 =	vld [tilespmem:s18+$0x3F0]  }
0x57f: {  	[tilespmem:s2+$0x410] =	vst.add.f32.msk $0xffff, v6  }
0x580: {  	[tilespmem:s0+$0x410] =	vst.add.f32.msk $0xffff, v7  }
0x581: {  	v6 =	vld [tilespmem:s18+$0xFFFFFDA0]  }
0x582: {  	v7 =	vld [tilespmem:s18+$0xA0]  }
0x583: {  	[tilespmem:s4+$0x470] =	vst.add.f32.msk $0xffff, v4  }
0x584: {  	v4 =	vld [tilespmem:s18+$0x400]  }
0x585: {  	[tilespmem:s3+$0x420] =	vst.add.f32.msk $0xffff, v5  }
0x586: {  	[tilespmem:s2+$0x420] =	vst.add.f32.msk $0xffff, v6  }
0x587: {  	s5 =	sadd.s32 $0xCA00, s6;
	[tilespmem:s0+$0x420] =	vst.add.f32.msk $0xffff, v7  }
0x588: {  	s13 =	sadd.s32 s17, s5;
	s9 =	sadd.s32 s11, s5;
	s4 =	sadd.s32 s7, s5;
	v5 =	vld [tilespmem:s18+$0xFFFFFAB0]  }
0x589: {  	s12 =	sadd.s32 s10, s5;
	[tilespmem:s4+$0x0] =	vst.add.f32.msk $0xffff, v4  }
0x58a: {  	v4 =	vld [tilespmem:s18+$0x410]  }
0x58b: {  	v6 =	vld [tilespmem:s18+$0xFFFFFDB0]  }
0x58c: {  	v7 =	vld [tilespmem:s18+$0xB0]  }
0x58d: {  	[tilespmem:s3+$0x430] =	vst.add.f32.msk $0xffff, v5  }
0x58e: {  	v5 =	vld [tilespmem:s18+$0xFFFFFAC0]  }
0x58f: {  	[tilespmem:s4+$0x10] =	vst.add.f32.msk $0xffff, v4  }
0x590: {  	v4 =	vld [tilespmem:s18+$0x420]  }
0x591: {  	[tilespmem:s2+$0x430] =	vst.add.f32.msk $0xffff, v6  }
0x592: {  	[tilespmem:s0+$0x430] =	vst.add.f32.msk $0xffff, v7  }
0x593: {  	v6 =	vld [tilespmem:s18+$0xFFFFFDC0]  }
0x594: {  	v7 =	vld [tilespmem:s18+$0xC0]  }
0x595: {  	[tilespmem:s4+$0x20] =	vst.add.f32.msk $0xffff, v4  }
0x596: {  	v4 =	vld [tilespmem:s18+$0x430]  }
0x597: {  	[tilespmem:s3+$0x440] =	vst.add.f32.msk $0xffff, v5  }
0x598: {  	[tilespmem:s2+$0x440] =	vst.add.f32.msk $0xffff, v6  }
0x599: {  	[tilespmem:s0+$0x440] =	vst.add.f32.msk $0xffff, v7  }
0x59a: {  	v5 =	vld [tilespmem:s18+$0xFFFFFAD0]  }
0x59b: {  	[tilespmem:s4+$0x30] =	vst.add.f32.msk $0xffff, v4  }
0x59c: {  	v4 =	vld [tilespmem:s18+$0x440]  }
0x59d: {  	v6 =	vld [tilespmem:s18+$0xFFFFFDD0]  }
0x59e: {  	v7 =	vld [tilespmem:s18+$0xD0]  }
0x59f: {  	[tilespmem:s3+$0x450] =	vst.add.f32.msk $0xffff, v5  }
0x5a0: {  	v5 =	vld [tilespmem:s18+$0xFFFFFAE0]  }
0x5a1: {  	[tilespmem:s4+$0x40] =	vst.add.f32.msk $0xffff, v4  }
0x5a2: {  	v4 =	vld [tilespmem:s18+$0x450]  }
0x5a3: {  	[tilespmem:s2+$0x450] =	vst.add.f32.msk $0xffff, v6  }
0x5a4: {  	[tilespmem:s0+$0x450] =	vst.add.f32.msk $0xffff, v7  }
0x5a5: {  	v6 =	vld [tilespmem:s18+$0xFFFFFDE0]  }
0x5a6: {  	v7 =	vld [tilespmem:s18+$0xE0]  }
0x5a7: {  	[tilespmem:s4+$0x50] =	vst.add.f32.msk $0xffff, v4  }
0x5a8: {  	v4 =	vld [tilespmem:s18+$0x460]  }
0x5a9: {  	[tilespmem:s3+$0x460] =	vst.add.f32.msk $0xffff, v5  }
0x5aa: {  	[tilespmem:s2+$0x460] =	vst.add.f32.msk $0xffff, v6  }
0x5ab: {  	[tilespmem:s0+$0x460] =	vst.add.f32.msk $0xffff, v7  }
0x5ac: {  	v5 =	vld [tilespmem:s18+$0xFFFFFAF0]  }
0x5ad: {  	[tilespmem:s4+$0x60] =	vst.add.f32.msk $0xffff, v4  }
0x5ae: {  	v4 =	vld [tilespmem:s18+$0x470]  }
0x5af: {  	v6 =	vld [tilespmem:s18+$0xFFFFFDF0]  }
0x5b0: {  	v7 =	vld [tilespmem:s18+$0xF0]  }
0x5b1: {  	[tilespmem:s3+$0x470] =	vst.add.f32.msk $0xffff, v5  }
0x5b2: {  	v5 =	vld [tilespmem:s18+$0xFFFFFB00]  }
0x5b3: {  	[tilespmem:s4+$0x70] =	vst.add.f32.msk $0xffff, v4  }
0x5b4: {  	v4 =	vld [tilespmem:s18+$0x480]  }
0x5b5: {  	[tilespmem:s2+$0x470] =	vst.add.f32.msk $0xffff, v6  }
0x5b6: {  	[tilespmem:s0+$0x470] =	vst.add.f32.msk $0xffff, v7  }
0x5b7: {  	s2 =	sadd.s32 $0xCE00, s6;
	v6 =	vld [tilespmem:s18+$0xFFFFFE00]  }
0x5b8: {  	s8 =	sadd.s32 s17, s2;
	s4 =	sadd.s32 s11, s2;
	s0 =	sadd.s32 s7, s2;
	v7 =	vld [tilespmem:s18+$0x100]  }
0x5b9: {  	s5 =	sadd.s32 s10, s2;
	[tilespmem:s0+$0x0] =	vst.add.f32.msk $0xffff, v4  }
0x5ba: {  	v4 =	vld [tilespmem:s18+$0x490]  }
0x5bb: {  	[tilespmem:s13+$0x0] =	vst.add.f32.msk $0xffff, v5  }
0x5bc: {  	[tilespmem:s9+$0x0] =	vst.add.f32.msk $0xffff, v6  }
0x5bd: {  	[tilespmem:s12+$0x0] =	vst.add.f32.msk $0xffff, v7  }
0x5be: {  	v5 =	vld [tilespmem:s18+$0xFFFFFB10]  }
0x5bf: {  	[tilespmem:s0+$0x10] =	vst.add.f32.msk $0xffff, v4  }
0x5c0: {  	v4 =	vld [tilespmem:s18+$0x4A0]  }
0x5c1: {  	v6 =	vld [tilespmem:s18+$0xFFFFFE10]  }
0x5c2: {  	v7 =	vld [tilespmem:s18+$0x110]  }
0x5c3: {  	[tilespmem:s13+$0x10] =	vst.add.f32.msk $0xffff, v5  }
0x5c4: {  	v5 =	vld [tilespmem:s18+$0xFFFFFB20]  }
0x5c5: {  	[tilespmem:s0+$0x20] =	vst.add.f32.msk $0xffff, v4  }
0x5c6: {  	v4 =	vld [tilespmem:s18+$0x4B0]  }
0x5c7: {  	[tilespmem:s9+$0x10] =	vst.add.f32.msk $0xffff, v6  }
0x5c8: {  	[tilespmem:s12+$0x10] =	vst.add.f32.msk $0xffff, v7  }
0x5c9: {  	v6 =	vld [tilespmem:s18+$0xFFFFFE20]  }
0x5ca: {  	v7 =	vld [tilespmem:s18+$0x120]  }
0x5cb: {  	[tilespmem:s0+$0x30] =	vst.add.f32.msk $0xffff, v4  }
0x5cc: {  	v4 =	vld [tilespmem:s18+$0x4C0]  }
0x5cd: {  	[tilespmem:s13+$0x20] =	vst.add.f32.msk $0xffff, v5  }
0x5ce: {  	[tilespmem:s9+$0x20] =	vst.add.f32.msk $0xffff, v6  }
0x5cf: {  	[tilespmem:s12+$0x20] =	vst.add.f32.msk $0xffff, v7  }
0x5d0: {  	v5 =	vld [tilespmem:s18+$0xFFFFFB30]  }
0x5d1: {  	[tilespmem:s0+$0x40] =	vst.add.f32.msk $0xffff, v4  }
0x5d2: {  	v4 =	vld [tilespmem:s18+$0x4D0]  }
0x5d3: {  	v6 =	vld [tilespmem:s18+$0xFFFFFE30]  }
0x5d4: {  	v7 =	vld [tilespmem:s18+$0x130]  }
0x5d5: {  	[tilespmem:s13+$0x30] =	vst.add.f32.msk $0xffff, v5  }
0x5d6: {  	v5 =	vld [tilespmem:s18+$0xFFFFFB40]  }
0x5d7: {  	[tilespmem:s0+$0x50] =	vst.add.f32.msk $0xffff, v4  }
0x5d8: {  	v4 =	vld [tilespmem:s18+$0x4E0]  }
0x5d9: {  	[tilespmem:s9+$0x30] =	vst.add.f32.msk $0xffff, v6  }
0x5da: {  	[tilespmem:s12+$0x30] =	vst.add.f32.msk $0xffff, v7  }
0x5db: {  	v6 =	vld [tilespmem:s18+$0xFFFFFE40]  }
0x5dc: {  	v7 =	vld [tilespmem:s18+$0x140]  }
0x5dd: {  	[tilespmem:s0+$0x60] =	vst.add.f32.msk $0xffff, v4  }
0x5de: {  	v4 =	vld [tilespmem:s18+$0x4F0]  }
0x5df: {  	[tilespmem:s13+$0x40] =	vst.add.f32.msk $0xffff, v5  }
0x5e0: {  	[tilespmem:s9+$0x40] =	vst.add.f32.msk $0xffff, v6  }
0x5e1: {  	[tilespmem:s12+$0x40] =	vst.add.f32.msk $0xffff, v7  }
0x5e2: {  	v5 =	vld [tilespmem:s18+$0xFFFFFB50]  }
0x5e3: {  	[tilespmem:s0+$0x70] =	vst.add.f32.msk $0xffff, v4  }
0x5e4: {  	v4 =	vld [tilespmem:s18+$0x500]  }
0x5e5: {  	v6 =	vld [tilespmem:s18+$0xFFFFFE50]  }
0x5e6: {  	v7 =	vld [tilespmem:s18+$0x150]  }
0x5e7: {  	s2 =	sadd.s32 $0xD200, s6;
	[tilespmem:s13+$0x50] =	vst.add.f32.msk $0xffff, v5  }
0x5e8: {  	s3 =	sadd.s32 s17, s2;
	s14 =	sadd.s32 s7, s2;
	s0 =	sadd.s32 s11, s2;
	v5 =	vld [tilespmem:s18+$0xFFFFFB60]  }
0x5e9: {  	s2 =	sadd.s32 s10, s2;
	[tilespmem:s14+$0x0] =	vst.add.f32.msk $0xffff, v4  }
0x5ea: {  	v4 =	vld [tilespmem:s18+$0x510]  }
0x5eb: {  	[tilespmem:s9+$0x50] =	vst.add.f32.msk $0xffff, v6  }
0x5ec: {  	[tilespmem:s12+$0x50] =	vst.add.f32.msk $0xffff, v7  }
0x5ed: {  	v6 =	vld [tilespmem:s18+$0xFFFFFE60]  }
0x5ee: {  	v7 =	vld [tilespmem:s18+$0x160]  }
0x5ef: {  	[tilespmem:s14+$0x10] =	vst.add.f32.msk $0xffff, v4  }
0x5f0: {  	v4 =	vld [tilespmem:s18+$0x520]  }
0x5f1: {  	[tilespmem:s13+$0x60] =	vst.add.f32.msk $0xffff, v5  }
0x5f2: {  	[tilespmem:s9+$0x60] =	vst.add.f32.msk $0xffff, v6  }
0x5f3: {  	[tilespmem:s12+$0x60] =	vst.add.f32.msk $0xffff, v7  }
0x5f4: {  	v5 =	vld [tilespmem:s18+$0xFFFFFB70]  }
0x5f5: {  	[tilespmem:s14+$0x20] =	vst.add.f32.msk $0xffff, v4  }
0x5f6: {  	v4 =	vld [tilespmem:s18+$0x530]  }
0x5f7: {  	v6 =	vld [tilespmem:s18+$0xFFFFFE70]  }
0x5f8: {  	v7 =	vld [tilespmem:s18+$0x170]  }
0x5f9: {  	[tilespmem:s13+$0x70] =	vst.add.f32.msk $0xffff, v5  }
0x5fa: {  	v5 =	vld [tilespmem:s18+$0xFFFFFB80]  }
0x5fb: {  	[tilespmem:s14+$0x30] =	vst.add.f32.msk $0xffff, v4  }
0x5fc: {  	v4 =	vld [tilespmem:s18+$0x540]  }
0x5fd: {  	[tilespmem:s9+$0x70] =	vst.add.f32.msk $0xffff, v6  }
0x5fe: {  	[tilespmem:s12+$0x70] =	vst.add.f32.msk $0xffff, v7  }
0x5ff: {  	v6 =	vld [tilespmem:s18+$0xFFFFFE80]  }
0x600: {  	v7 =	vld [tilespmem:s18+$0x180]  }
0x601: {  	[tilespmem:s14+$0x40] =	vst.add.f32.msk $0xffff, v4  }
0x602: {  	v4 =	vld [tilespmem:s18+$0x550]  }
0x603: {  	[tilespmem:s8+$0x0] =	vst.add.f32.msk $0xffff, v5  }
0x604: {  	[tilespmem:s4+$0x0] =	vst.add.f32.msk $0xffff, v6  }
0x605: {  	[tilespmem:s5+$0x0] =	vst.add.f32.msk $0xffff, v7  }
0x606: {  	v5 =	vld [tilespmem:s18+$0xFFFFFB90]  }
0x607: {  	[tilespmem:s14+$0x50] =	vst.add.f32.msk $0xffff, v4  }
0x608: {  	v4 =	vld [tilespmem:s18+$0x560]  }
0x609: {  	v6 =	vld [tilespmem:s18+$0xFFFFFE90]  }
0x60a: {  	v7 =	vld [tilespmem:s18+$0x190]  }
0x60b: {  	[tilespmem:s8+$0x10] =	vst.add.f32.msk $0xffff, v5  }
0x60c: {  	v5 =	vld [tilespmem:s18+$0xFFFFFBA0]  }
0x60d: {  	[tilespmem:s14+$0x60] =	vst.add.f32.msk $0xffff, v4  }
0x60e: {  	v4 =	vld [tilespmem:s18+$0x570]  }
0x60f: {  	[tilespmem:s4+$0x10] =	vst.add.f32.msk $0xffff, v6  }
0x610: {  	[tilespmem:s5+$0x10] =	vst.add.f32.msk $0xffff, v7  }
0x611: {  	v6 =	vld [tilespmem:s18+$0xFFFFFEA0]  }
0x612: {  	v7 =	vld [tilespmem:s18+$0x1A0]  }
0x613: {  	[tilespmem:s14+$0x70] =	vst.add.f32.msk $0xffff, v4  }
0x614: {  	v4 =	vld [tilespmem:s18+$0x580]  }
0x615: {  	[tilespmem:s8+$0x20] =	vst.add.f32.msk $0xffff, v5  }
0x616: {  	[tilespmem:s4+$0x20] =	vst.add.f32.msk $0xffff, v6  }
0x617: {  	s6 =	sadd.s32 $0xD600, s6;
	[tilespmem:s5+$0x20] =	vst.add.f32.msk $0xffff, v7  }
0x618: {  	s7 =	sadd.s32 s7, s6;
	s9 =	sadd.s32 s11, s6;
	s12 =	sadd.s32 s17, s6;
	v5 =	vld [tilespmem:s18+$0xFFFFFBB0]  }
0x619: {  	s6 =	sadd.s32 s10, s6;
	[tilespmem:s7+$0x0] =	vst.add.f32.msk $0xffff, v4  }
0x61a: {  	v4 =	vld [tilespmem:s18+$0x590]  }
0x61b: {  	v6 =	vld [tilespmem:s18+$0xFFFFFEB0]  }
0x61c: {  	v7 =	vld [tilespmem:s18+$0x1B0]  }
0x61d: {  	[tilespmem:s8+$0x30] =	vst.add.f32.msk $0xffff, v5  }
0x61e: {  	v5 =	vld [tilespmem:s18+$0xFFFFFBC0]  }
0x61f: {  	[tilespmem:s7+$0x10] =	vst.add.f32.msk $0xffff, v4  }
0x620: {  	v4 =	vld [tilespmem:s18+$0x5A0]  }
0x621: {  	[tilespmem:s4+$0x30] =	vst.add.f32.msk $0xffff, v6  }
0x622: {  	[tilespmem:s5+$0x30] =	vst.add.f32.msk $0xffff, v7  }
0x623: {  	v6 =	vld [tilespmem:s18+$0xFFFFFEC0]  }
0x624: {  	v7 =	vld [tilespmem:s18+$0x1C0]  }
0x625: {  	[tilespmem:s7+$0x20] =	vst.add.f32.msk $0xffff, v4  }
0x626: {  	v4 =	vld [tilespmem:s18+$0x5B0]  }
0x627: {  	[tilespmem:s8+$0x40] =	vst.add.f32.msk $0xffff, v5  }
0x628: {  	[tilespmem:s4+$0x40] =	vst.add.f32.msk $0xffff, v6  }
0x629: {  	[tilespmem:s5+$0x40] =	vst.add.f32.msk $0xffff, v7  }
0x62a: {  	v5 =	vld [tilespmem:s18+$0xFFFFFBD0]  }
0x62b: {  	[tilespmem:s7+$0x30] =	vst.add.f32.msk $0xffff, v4  }
0x62c: {  	v4 =	vld [tilespmem:s18+$0x5C0]  }
0x62d: {  	v6 =	vld [tilespmem:s18+$0xFFFFFED0]  }
0x62e: {  	v7 =	vld [tilespmem:s18+$0x1D0]  }
0x62f: {  	[tilespmem:s8+$0x50] =	vst.add.f32.msk $0xffff, v5  }
0x630: {  	v5 =	vld [tilespmem:s18+$0xFFFFFBE0]  }
0x631: {  	[tilespmem:s7+$0x40] =	vst.add.f32.msk $0xffff, v4  }
0x632: {  	v4 =	vld [tilespmem:s18+$0x5D0]  }
0x633: {  	[tilespmem:s4+$0x50] =	vst.add.f32.msk $0xffff, v6  }
0x634: {  	[tilespmem:s5+$0x50] =	vst.add.f32.msk $0xffff, v7  }
0x635: {  	v6 =	vld [tilespmem:s18+$0xFFFFFEE0]  }
0x636: {  	v7 =	vld [tilespmem:s18+$0x1E0]  }
0x637: {  	[tilespmem:s7+$0x50] =	vst.add.f32.msk $0xffff, v4  }
0x638: {  	v4 =	vld [tilespmem:s18+$0x5E0]  }
0x639: {  	[tilespmem:s8+$0x60] =	vst.add.f32.msk $0xffff, v5  }
0x63a: {  	[tilespmem:s4+$0x60] =	vst.add.f32.msk $0xffff, v6  }
0x63b: {  	[tilespmem:s5+$0x60] =	vst.add.f32.msk $0xffff, v7  }
0x63c: {  	v5 =	vld [tilespmem:s18+$0xFFFFFBF0]  }
0x63d: {  	[tilespmem:s7+$0x60] =	vst.add.f32.msk $0xffff, v4  }
0x63e: {  	v4 =	vld [tilespmem:s18+$0x5F0]  }
0x63f: {  	v6 =	vld [tilespmem:s18+$0xFFFFFEF0]  }
0x640: {  	v7 =	vld [tilespmem:s18+$0x1F0]  }
0x641: {  	[tilespmem:s8+$0x70] =	vst.add.f32.msk $0xffff, v5  }
0x642: {  	v5 =	vld [tilespmem:s18+$0xFFFFFC00]  }
0x643: {  	[tilespmem:s7+$0x70] =	vst.add.f32.msk $0xffff, v4  }
0x644: {  	[tilespmem:s4+$0x70] =	vst.add.f32.msk $0xffff, v6  }
0x645: {  	[tilespmem:s5+$0x70] =	vst.add.f32.msk $0xffff, v7  }
0x646: {  	v4 =	vld [tilespmem:s18+$0xFFFFFF00]  }
0x647: {  	v6 =	vld [tilespmem:s18+$0x200]  }
0x648: {  	[tilespmem:s3+$0x0] =	vst.add.f32.msk $0xffff, v5  }
0x649: {  	v5 =	vld [tilespmem:s18+$0xFFFFFC10]  }
0x64a: {  	[tilespmem:s22+$0x50] =	vst.add.f32.msk $0xffff, v3  }
0x64b: {  	[tilespmem:s0+$0x0] =	vst.add.f32.msk $0xffff, v4  }
0x64c: {  	[tilespmem:s2+$0x0] =	vst.add.f32.msk $0xffff, v6  }
0x64d: {  	v3 =	vld [tilespmem:s18+$0xFFFFFF10]  }
0x64e: {  	v4 =	vld [tilespmem:s18+$0x210]  }
0x64f: {  	[tilespmem:s3+$0x10] =	vst.add.f32.msk $0xffff, v5  }
0x650: {  	v5 =	vld [tilespmem:s18+$0xFFFFFC20]  }
0x651: {  	v6 =	vld [tilespmem:s24+$0xFFFFFCE0]  }
0x652: {  	[tilespmem:s0+$0x10] =	vst.add.f32.msk $0xffff, v3  }
0x653: {  	[tilespmem:s2+$0x10] =	vst.add.f32.msk $0xffff, v4  }
0x654: {  	v3 =	vld [tilespmem:s18+$0xFFFFFF20]  }
0x655: {  	v4 =	vld [tilespmem:s18+$0x220]  }
0x656: {  	[tilespmem:s3+$0x20] =	vst.add.f32.msk $0xffff, v5  }
0x657: {  	v5 =	vld [tilespmem:s18+$0xFFFFFC30]  }
0x658: {  	v7 =	vld [tilespmem:s24+$0xFFFFFFE0]  }
0x659: {  	[tilespmem:s0+$0x20] =	vst.add.f32.msk $0xffff, v3  }
0x65a: {  	[tilespmem:s2+$0x20] =	vst.add.f32.msk $0xffff, v4  }
0x65b: {  	v3 =	vld [tilespmem:s18+$0xFFFFFF30]  }
0x65c: {  	v4 =	vld [tilespmem:s18+$0x230]  }
0x65d: {  	[tilespmem:s3+$0x30] =	vst.add.f32.msk $0xffff, v5  }
0x65e: {  	v5 =	vld [tilespmem:s18+$0xFFFFFC40]  }
0x65f: {  	v8 =	vld [tilespmem:s24+$0x2E0]  }
0x660: {  	[tilespmem:s0+$0x30] =	vst.add.f32.msk $0xffff, v3  }
0x661: {  	[tilespmem:s2+$0x30] =	vst.add.f32.msk $0xffff, v4  }
0x662: {  	v3 =	vld [tilespmem:s18+$0xFFFFFF40]  }
0x663: {  	v4 =	vld [tilespmem:s18+$0x240]  }
0x664: {  	[tilespmem:s3+$0x40] =	vst.add.f32.msk $0xffff, v5  }
0x665: {  	v5 =	vld [tilespmem:s18+$0xFFFFFC50]  }
0x666: {  	[tilespmem:s20+$0x60] =	vst.add.f32.msk $0xffff, v6  }
0x667: {  	[tilespmem:s0+$0x40] =	vst.add.f32.msk $0xffff, v3  }
0x668: {  	[tilespmem:s2+$0x40] =	vst.add.f32.msk $0xffff, v4  }
0x669: {  	v3 =	vld [tilespmem:s18+$0xFFFFFF50]  }
0x66a: {  	v4 =	vld [tilespmem:s18+$0x250]  }
0x66b: {  	[tilespmem:s3+$0x50] =	vst.add.f32.msk $0xffff, v5  }
0x66c: {  	v5 =	vld [tilespmem:s18+$0xFFFFFC60]  }
0x66d: {  	[tilespmem:s21+$0x60] =	vst.add.f32.msk $0xffff, v7  }
0x66e: {  	[tilespmem:s0+$0x50] =	vst.add.f32.msk $0xffff, v3  }
0x66f: {  	[tilespmem:s2+$0x50] =	vst.add.f32.msk $0xffff, v4  }
0x670: {  	v3 =	vld [tilespmem:s18+$0xFFFFFF60]  }
0x671: {  	v4 =	vld [tilespmem:s18+$0x260]  }
0x672: {  	[tilespmem:s3+$0x60] =	vst.add.f32.msk $0xffff, v5  }
0x673: {  	v5 =	vld [tilespmem:s18+$0xFFFFFC70]  }
0x674: {  	[tilespmem:s22+$0x60] =	vst.add.f32.msk $0xffff, v8  }
0x675: {  	[tilespmem:s0+$0x60] =	vst.add.f32.msk $0xffff, v3  }
0x676: {  	[tilespmem:s2+$0x60] =	vst.add.f32.msk $0xffff, v4  }
0x677: {  	v3 =	vld [tilespmem:s18+$0xFFFFFF70]  }
0x678: {  	v4 =	vld [tilespmem:s18+$0x270]  }
0x679: {  	[tilespmem:s3+$0x70] =	vst.add.f32.msk $0xffff, v5  }
0x67a: {  	v5 =	vld [tilespmem:s18+$0xFFFFFC80]  }
0x67b: {  	v6 =	vld [tilespmem:s24+$0xFFFFFCF0]  }
0x67c: {  	[tilespmem:s0+$0x70] =	vst.add.f32.msk $0xffff, v3  }
0x67d: {  	[tilespmem:s2+$0x70] =	vst.add.f32.msk $0xffff, v4  }
0x67e: {  	v3 =	vld [tilespmem:s18+$0xFFFFFF80]  }
0x67f: {  	v4 =	vld [tilespmem:s18+$0x280]  }
0x680: {  	[tilespmem:s12+$0x0] =	vst.add.f32.msk $0xffff, v5  }
0x681: {  	v5 =	vld [tilespmem:s18+$0xFFFFFC90]  }
0x682: {  	v7 =	vld [tilespmem:s24+$0xFFFFFFF0]  }
0x683: {  	[tilespmem:s9+$0x0] =	vst.add.f32.msk $0xffff, v3  }
0x684: {  	[tilespmem:s6+$0x0] =	vst.add.f32.msk $0xffff, v4  }
0x685: {  	v3 =	vld [tilespmem:s18+$0xFFFFFF90]  }
0x686: {  	v4 =	vld [tilespmem:s18+$0x290]  }
0x687: {  	[tilespmem:s12+$0x10] =	vst.add.f32.msk $0xffff, v5  }
0x688: {  	v5 =	vld [tilespmem:s18+$0xFFFFFCA0]  }
0x689: {  	v8 =	vld [tilespmem:s24+$0x2F0];
	s24 =	smov.u32 s18  }
0x68a: {  	[tilespmem:s9+$0x10] =	vst.add.f32.msk $0xffff, v3  }
0x68b: {  	[tilespmem:s6+$0x10] =	vst.add.f32.msk $0xffff, v4  }
0x68c: {  	v3 =	vld [tilespmem:s18+$0xFFFFFFA0]  }
0x68d: {  	v4 =	vld [tilespmem:s18+$0x2A0]  }
0x68e: {  	[tilespmem:s12+$0x20] =	vst.add.f32.msk $0xffff, v5  }
0x68f: {  	v5 =	vld [tilespmem:s18+$0xFFFFFCB0]  }
0x690: {  	[tilespmem:s20+$0x70] =	vst.add.f32.msk $0xffff, v6;
	s20 =	smov.u32 s12  }
0x691: {  	[tilespmem:s9+$0x20] =	vst.add.f32.msk $0xffff, v3  }
0x692: {  	[tilespmem:s6+$0x20] =	vst.add.f32.msk $0xffff, v4  }
0x693: {  	v3 =	vld [tilespmem:s18+$0xFFFFFFB0]  }
0x694: {  	v4 =	vld [tilespmem:s18+$0x2B0]  }
0x695: {  	[tilespmem:s20+$0x30] =	vst.add.f32.msk $0xffff, v5  }
0x696: {  	v5 =	vld [tilespmem:s18+$0xFFFFFCC0]  }
0x697: {  	[tilespmem:s21+$0x70] =	vst.add.f32.msk $0xffff, v7;
	s21 =	smov.u32 s9  }
0x698: {  	[tilespmem:s21+$0x30] =	vst.add.f32.msk $0xffff, v3  }
0x699: {  	[tilespmem:s6+$0x30] =	vst.add.f32.msk $0xffff, v4  }
0x69a: {  	v3 =	vld [tilespmem:s18+$0xFFFFFFC0]  }
0x69b: {  	v6 =	vld [tilespmem:s18+$0x2C0]  }
.Ltmp1:
0x69c: {  	[tilespmem:s20+$0x40] =	vst.add.f32.msk $0xffff, v5;
	(pc) =	sbr.rel @p1 .LBB2_5-.Ltmp1, $4  }
0x69d: {  	v4 =	vld [tilespmem:s18+$0xFFFFFCD0]  }
0x69e: {  	[tilespmem:s22+$0x70] =	vst.add.f32.msk $0xffff, v8;
	s22 =	smov.u32 s6  }
0x69f: {  	[tilespmem:s21+$0x40] =	vst.add.f32.msk $0xffff, v3  }
0x6a0: {  	[tilespmem:s22+$0x40] =	vst.add.f32.msk $0xffff, v6  }
0x6a1: {  	v3 =	vld [tilespmem:s18+$0xFFFFFFD0]  }
0x6a2: {  	v5 =	vld [tilespmem:s18+$0x2D0];
	_ =	sdelay $0x2  }
0x6a3: {  	[tilespmem:s20+$0x50] =	vst.add.f32.msk $0xffff, v4  }
0x6a4: {  	[tilespmem:s21+$0x50] =	vst.add.f32.msk $0xffff, v3  }
0x6a5: {  	[tilespmem:s22+$0x50] =	vst.add.f32.msk $0xffff, v5  }
0x6a6: {  	v3 =	vld [tilespmem:s24+$0xFFFFFCE0]  }
0x6a7: {  	v63 =	vld [tilespmem:s24+$0xFFFFFFE0]  }
0x6a8: {  	v5 =	vld [tilespmem:s24+$0x2E0];
	_ =	sdelay $0x2  }
0x6a9: {  	[tilespmem:s20+$0x60] =	vst.add.f32.msk $0xffff, v3  }
0x6aa: {  	[tilespmem:s21+$0x60] =	vst.add.f32.msk $0xffff, v63  }
0x6ab: {  	[tilespmem:s22+$0x60] =	vst.add.f32.msk $0xffff, v5  }
0x6ac: {  	v3 =	vld [tilespmem:s24+$0xFFFFFCF0]  }
0x6ad: {  	s0 =	sshll.u32 s1, $0x7;
	v4 =	vld [tilespmem:s24+$0xFFFFFFF0]  }
0x6ae: {  	s2 =	sshll.u32 s23, $0x2;
	s0 =	sand.u32 $0x300, s0;
	v5 =	vld [tilespmem:s24+$0x2F0]  }
0x6af: {  	s0 =	sor.u32 s2, s0  }
0x6b0: {  	s0 =	sor.u32 s29, s0  }
0x6b1: {  	s0 =	smul.u32 $0x300, s0;
	[tilespmem:s20+$0x70] =	vst.add.f32.msk $0xffff, v3  }
0x6b2: {  	[tilespmem:s21+$0x70] =	vst.add.f32.msk $0xffff, v4  }
0x6b3: {  	s25 =	sadd.s32 $0xC200, s15;
	p1 =	sgt.u32 s1, $0x5;
	s0 =	sadd.s32 s26, s0;
	[tilespmem:s22+$0x70] =	vst.add.f32.msk $0xffff, v5  }
0x6b4: {  	[hbm4b:s0+s28] =	stream.linear.scatter [tilespmem:s25], [sflag:$0x2], $0x6000, $0x38;
	[tilespmem:$0x1E200] =	vst v63  }
0x6b5: {  	s4 =	simm.s32 $0x2;
	s0 =	sadd.s32 @!p1 $0x2, s1  }
0x6b6: {  	s2 =	sshll.u32 @!p1 s1, $0x5;
	_ =	swait.ge [sflag:s4], $0x6000;
	s3 =	sshll.u32 @!p1 s0, $0x6  }
0x6b7: {  	s2 =	sand.u32 @!p1 $0x20, s2;
	[sflag:s4] =	ssyncset.done $0x0;
	s3 =	sand.u32 @!p1 $0x380, s3  }
0x6b8: {  	[sflag:s4] =	ssyncadd.s32 $0xFFFFA000;
	s2 =	sor.u32 @!p1 s2, s3  }
0x6b9: {  	v3 =	vld @!p1 [tilespmem:s2+$0x0];
	_ =	sdelay $0x3  }
0x6ba: {  	s3 =	smul.u32 @!p1 $0xAB, s0  }
0x6bb: {  	v4 =	vshrl.u32 @!p1 v3, $0x3  }
0x6bc: {  	s3 =	sshrl.u32 @!p1 s3, $0x9;
	v4 =	vmul.u32 @!p1 $0x30, v4  }
0x6bd: {  	v5 =	vlaneseq.u32 @!p1;
	s3 =	sand.u32 @!p1 $0x7F, s3;
	v3 =	vand.u32 @!p1 $0x7, v3  }
0x6be: {  	v6 =	vshrl.u32 @!p1 v5, $0x3;
	s3 =	smul.u32 @!p1 $0x3, s3;
	v3 =	vor.u32 @!p1 v3, v4;
	v4 =	vand.u32 @!p1 $0x7, v5  }
0x6bf: {  	v6 =	vmul.u32 @!p1 $0x8, v6;
	v7 =	vperm.xlane @!p1 v3, v4  }
0x6c0: {  	s0 =	ssub.s32 @!p1 s0, s3  }
0x6c1: {  	s0 =	sand.u32 @!p1 $0xFF, s0;
	v7 =	vadd.s32 @!p1 v6, v7  }
0x6c2: {  	s0 =	smul.u32 @!p1 $0x18000, s0;
	_ =	sdelay $0x1  }
0x6c3: {  	v5 =	vor.u32 @!p1 $0x8, v5;
	s0 =	sshrl.u32 @!p1 s0, $0x2  }
0x6c4: {  	vm1 =	vmmov @!p1 $0xffff;
	s4 =	simm.s32 @!p1 $0x0;
	v3 =	vperm.xlane @!p1 v3, v5;
	s3 =	sadd.s32 @!p1 $0xC200, s0  }
0x6c5: {  	[tilespmem:s3], [sflag:$0x1] =	stream.indirect_vreg.gather @!p1 [hbm4b:s16+s4], $0x80, v7, vm1, $0xb8;
	[tilespmem:$0x1E200] =	vst v63  }
0x6c6: {  	v3 =	vadd.s32 @!p1 v6, v3;
	s3 =	sadd.s32 @!p1 $0xCA00, s0  }
0x6c7: {  	[tilespmem:s3], [sflag:$0x1] =	stream.indirect_vreg.gather @!p1 [hbm4b:s30+s4], $0x80, v7, vm1, $0xb8;
	[tilespmem:$0x1E200] =	vst v63  }
0x6c8: {  	s3 =	sadd.s32 @!p1 $0xD200, s0  }
0x6c9: {  	[tilespmem:s3], [sflag:$0x1] =	stream.indirect_vreg.gather @!p1 [hbm4b:s31+s4], $0x80, v7, vm1, $0xb8;
	[tilespmem:$0x1E200] =	vst v63  }
0x6ca: {  	s3 =	sadd.s32 @!p1 $0xDA00, s0  }
0x6cb: {  	[tilespmem:s3], [sflag:$0x1] =	stream.indirect_vreg.gather @!p1 [hbm4b:s16+s4], $0x80, v3, vm1, $0xb8;
	[tilespmem:$0x1E200] =	vst v63  }
0x6cc: {  	s3 =	sadd.s32 @!p1 $0xE200, s0  }
0x6cd: {  	[tilespmem:s3], [sflag:$0x1] =	stream.indirect_vreg.gather @!p1 [hbm4b:s30+s4], $0x80, v3, vm1, $0xb8;
	[tilespmem:$0x1E200] =	vst v63  }
0x6ce: {  	s3 =	sadd.s32 @!p1 $0xEA00, s0  }
0x6cf: {  	[tilespmem:s3], [sflag:$0x1] =	stream.indirect_vreg.gather @!p1 [hbm4b:s31+s4], $0x80, v3, vm1, $0xb8;
	[tilespmem:$0x1E200] =	vst v63  }
0x6d0: {  	v3 =	vld @!p1 [tilespmem:s2+$0x10];
	_ =	sdelay $0x4  }
0x6d1: {  	v7 =	vshrl.u32 @!p1 v3, $0x3  }
0x6d2: {  	v7 =	vmul.u32 @!p1 $0x30, v7  }
0x6d3: {  	v3 =	vand.u32 @!p1 $0x7, v3  }
0x6d4: {  	v3 =	vor.u32 @!p1 v3, v7  }
0x6d5: {  	v4 =	vperm.xlane @!p1 v3, v4;
	_ =	sdelay $0x1  }
0x6d6: {  	v4 =	vadd.s32 @!p1 v6, v4;
	_ =	sdelay $0x3  }
0x6d7: {  	s2 =	sadd.s32 @!p1 $0xF200, s0;
	v3 =	vperm.xlane @!p1 v3, v5  }
0x6d8: {  	[tilespmem:s2], [sflag:$0x1] =	stream.indirect_vreg.gather @!p1 [hbm4b:s16+s4], $0x80, v4, vm1, $0xb8;
	[tilespmem:$0x1E200] =	vst v63  }
0x6d9: {  	v3 =	vadd.s32 @!p1 v6, v3;
	s2 =	sadd.s32 @!p1 $0xFA00, s0  }
0x6da: {  	[tilespmem:s2], [sflag:$0x1] =	stream.indirect_vreg.gather @!p1 [hbm4b:s30+s4], $0x80, v4, vm1, $0xb8;
	[tilespmem:$0x1E200] =	vst v63  }
0x6db: {  	s2 =	sadd.s32 @!p1 $0x10200, s0  }
0x6dc: {  	[tilespmem:s2], [sflag:$0x1] =	stream.indirect_vreg.gather @!p1 [hbm4b:s31+s4], $0x80, v4, vm1, $0xb8;
	[tilespmem:$0x1E200] =	vst v63  }
0x6dd: {  	s2 =	sadd.s32 @!p1 $0x10A00, s0  }
0x6de: {  	[tilespmem:s2], [sflag:$0x1] =	stream.indirect_vreg.gather @!p1 [hbm4b:s16+s4], $0x80, v3, vm1, $0xb8;
	[tilespmem:$0x1E200] =	vst v63  }
0x6df: {  	s2 =	sadd.s32 @!p1 $0x11200, s0  }
0x6e0: {  	[tilespmem:s2], [sflag:$0x1] =	stream.indirect_vreg.gather @!p1 [hbm4b:s30+s4], $0x80, v3, vm1, $0xb8;
	[tilespmem:$0x1E200] =	vst v63  }
0x6e1: {  	s1 =	sadd.s32 $0x1, s1;
	s0 =	sadd.s32 @!p1 $0x11A00, s0  }
0x6e2: {  	[tilespmem:s0], [sflag:$0x1] =	stream.indirect_vreg.gather @!p1 [hbm4b:s31+s4], $0x80, v3, vm1, $0xb8;
	[tilespmem:$0x1E200] =	vst v63  }
0x6e3: {  	p1 =	sne.s32 s1, $0x8  }
.Ltmp2:
0x6e4: {  	_ = 	snop;
	(pc) =	sbr.rel @p1 .LBB2_4-.Ltmp2, $2  }
0x6e5: {  	_ =	sdelay $0x2  }
0x6e6: {  	p0 =	por !p0, !p0  }
0x6e7: {  	s1 =	simm.s32 $0x2  }
0x6e8: {  	_ =	swait.ge [sflag:s1], $0x6000  }
0x6e9: {  	s2 =	sld [smem:$0x7F3]  }
0x6ea: {  	s0 =	sld [smem:$0x7FA];
	_ =	sdelay $0x1  }
0x6eb: {  	s2 =	sadd.s32 $0x1, s2  }
0x6ec: {  	p0 =	sne.s32 s2, s0  }
.Ltmp3:
0x6ed: {  	_ = 	snop;
	(pc) =	sbr.rel @p0 .LBB2_1-.Ltmp3, $3  }
0x6ee: {  	_ =	sdelay $0x1  }
0x6ef: {  	[sflag:s1] =	ssyncset.done $0x0  }
0x6f0: {  	[sflag:s1] =	ssyncadd.s32 $0xFFFFA000  }
0x6f1: {  	_ =	sfence.sel $0x180000  }
0x6f2: {  	[bflag:$0x0] =	sbarrier.arrive $0xFFFF  }
0x6f3: {  	_ =	strace $0x90000047  }
0x6f4: {  	s0 =	stileid.u32;
	[bflag:$0x2] =	sbarrier.arrive $0xFFFF  }
0x6f5: {  	p0 =	sne.s32 s0, $0x0;
	s0 =	rddreg [dreg:$0x3]  }
0x6f6: {  	s0 =	sadd.s32 @!p0 $0x100000, s0  }
0x6f7: {  	[sflag:s0] =	ssyncadd.tile.s32 @!p0 $0x1;
	_ =	shalt  }
.Lfunc_end2:
_tile_overlayer_lowered:
.L_overlay_start_2:
0x6f8: {  	(tag) =	ssettag $0x2  }
0x6f9: {  	s0 =	rddreg [dreg:$0x0];
	s2 =	stileid.u32  }
0x6fa: {  	s1 =	rddreg [dreg:$0x1];
	p0 =	sne.s32 s2, $0x0  }
0x6fb: {  	s3 =	rddreg [dreg:$0x2];
	[bflag:$0x3] =	sbarrier.arrive $0xFFFF;
	s2 =	simm.s32 @!p0 $0x1C05  }
0x6fc: {  	[timem:s3], [sflag:s2] =	dma.local @!p0 [hbm:s0], s1  }
0x6fd: {  	s0 =	simm.s32 @!p0 $0x5  }
0x6fe: {  	_ =	swait.ge @!p0 [sflag:s0], s1  }
0x6ff: {  	s1 =	ssub.s32 @!p0 $0x0, s1;
	[sflag:s0] =	ssyncset.done @!p0 $0x0  }
0x700: {  	[sflag:s0] =	ssyncadd.s32 @!p0 s1  }
0x701: {  	[bflag:$0x3] =	sbarrier.arrive $0xFFFF  }
0x702: {  	_ =	shalt  }

</sc_bundles>
